<compile_context>
chip_gen: v7x
topology: tpu7x:2x2x1
jax: 0.10.2.dev20260603
libtpu: 0.0.44.dev20260713+nightly
codegen_flags: <defaults>
</compile_context>

<pallas_src>
import jax
import jax.numpy as jnp
from jax import lax
from jax.experimental import pallas as pl
from jax.experimental.pallas import tpu as pltpu
from jax.experimental.pallas import tpu_sc as plsc

NUM_EMBEDDINGS = 100000
EMBED = 64
BATCH = 4096
FIELDS = 100

NC = 2
NS = 16
NW = NC * NS

E_PER_W = EMBED // NW
FBLOCKS = 2
FB_FIELDS = FIELDS // FBLOCKS


def _gather_body(idx_hbm, wT_hbm, out_hbm, idx_sh, tbl_v, idx_v, out_v, tsem, isem, osem):
    c = lax.axis_index("c")
    s = lax.axis_index("s")
    wid = s * NC + c

    def wait_idx(b):
        pltpu.make_async_copy(
            idx_sh.at[pl.ds(0, BATCH)], idx_v.at[b], isem.at[b]
        ).wait()

    def wait_out(b):
        pltpu.make_async_copy(
            out_v.at[b], out_hbm.at[0, 0, :, 0, :], osem.at[b]
        ).wait()

    for t in range(E_PER_W):
        e = wid * E_PER_W + t
        er = e // 8
        r = e % 8
        pltpu.async_copy(wT_hbm.at[e], tbl_v, tsem)
        pltpu.make_async_copy(wT_hbm.at[0], tbl_v, tsem).wait()

        for fb in range(FBLOCKS):
            f_base = fb * FB_FIELDS
            plsc.subcore_barrier()

            @pl.when(s == 0)
            def _():
                pltpu.sync_copy(
                    idx_hbm.at[pl.ds(f_base * BATCH, FB_FIELDS * BATCH)], idx_sh
                )

            plsc.subcore_barrier()

            for b in range(2):
                pltpu.async_copy(
                    idx_sh.at[pl.ds(b * BATCH, BATCH)], idx_v.at[b], isem.at[b]
                )

            @pl.loop(0, FB_FIELDS, step=2)
            def _f(f0):
                for b in range(2):
                    fl = f0 + b
                    iv = idx_v.at[b]
                    ov = out_v.at[b]
                    wait_idx(b)

                    @pl.when(f0 + b >= 2)
                    def _():
                        wait_out(b)

                    @plsc.parallel_loop(0, 32, unroll=4)
                    def _i(jj):
                        for k in range(8):
                            ov[jj, pl.ds(k * 16, 16)] = plsc.load_gather(
                                tbl_v, [iv[pl.ds(jj * 128 + k * 16, 16)]]
                            )

                    pltpu.async_copy(
                        ov, out_hbm.at[f_base + fl, er, :, r, :], osem.at[b]
                    )

                    @pl.when(f0 + b + 2 < FB_FIELDS)
                    def _():
                        pltpu.async_copy(
                            idx_sh.at[pl.ds((fl + 2) * BATCH, BATCH)],
                            idx_v.at[b],
                            isem.at[b],
                        )

            for b in range(2):
                wait_out(b)


@jax.jit
def _gather_sc(idxT, wT):
    mesh = plsc.VectorSubcoreMesh(core_axis_name="c", subcore_axis_name="s")
    fn = pl.kernel(
        _gather_body,
        out_type=jax.ShapeDtypeStruct((FIELDS, 8, 32, 8, 128), jnp.float32),
        mesh=mesh,
        scratch_types=[
            pltpu.VMEM_SHARED((FB_FIELDS * BATCH,), jnp.int32),
            pltpu.VMEM((NUM_EMBEDDINGS,), jnp.float32),
            pltpu.VMEM((2, BATCH), jnp.int32),
            pltpu.VMEM((2, 32, 128), jnp.float32),
            pltpu.SemaphoreType.DMA,
            pltpu.SemaphoreType.DMA((2,)),
            pltpu.SemaphoreType.DMA((2,)),
        ],
        compiler_params=pltpu.CompilerParams(
            use_tc_tiling_on_sc=False, needs_layout_passes=False
        ),
    )
    return fn(idxT, wT)


def kernel(x, indices, weight):
    idxT = indices.astype(jnp.int32).T.reshape(-1)
    wT = weight.T
    out = _gather_sc(idxT, wT)
    return out.transpose(2, 4, 0, 1, 3).reshape(BATCH, FIELDS, EMBED)

# --- scband reference (transcript-rebuilt; emitter-appended) ---
"""Pipeline reference for scband-gather-weights-8589934908 (READ-ONLY COPY).

The authoritative reference and input builder live on the scoring server;
editing this copy changes nothing except your own understanding.
"""

import jax, jax.numpy as jnp
import numpy as np

NUM_EMBEDDINGS = 100000
EMBED_DIM = 64
BATCH = 4096
FIELDS = 100


def setup_inputs(seed: int = 0) -> dict:
    key = jax.random.key(seed)
    k_x, k_idx, k_w = jax.random.split(key, 3)
    x = jax.random.normal(k_x, (BATCH, FIELDS), dtype=jnp.float32)
    indices = jax.random.randint(k_idx, (BATCH, FIELDS), 0, NUM_EMBEDDINGS, dtype=jnp.int64)
    weight = jax.random.normal(k_w, (NUM_EMBEDDINGS, EMBED_DIM), dtype=jnp.float32)
    return {"x": x, "indices": indices, "weight": weight}


def reference(x, indices, weight):
    # GatherWeights.forward: materialize the learnable weight table, then
    # gather per-connection weights using the (init-time) index map.
    # x is accepted to match the torch forward signature but is not used
    # for the gather itself (indices are fixed at construction time).
    w = weight  # self.weight() -> materialized parameter tensor
    gathered = jnp.take(w, indices, axis=0)  # self.gather_weights(w)
    return gathered

if __name__ == "__main__":
    import jax
    _d = setup_inputs()
    print(jax.jit(kernel)(*tuple(_d.values())))

</pallas_src>

<mosaic_0001>
#map = affine_map<(d0, d1) -> (0)>
#map1 = affine_map<(d0, d1) -> (0, 0)>
#map2 = affine_map<(d0, d1) -> (0, 0, 0, 0, 0)>
module attributes {stable_mosaic.version = 14 : i64} {
  func.func @_gather_body(%arg0: i32, %arg1: i32, %arg2: memref<409600xi32, #tpu.memory_space<hbm>>, %arg3: memref<64x100000xf32, #tpu.memory_space<hbm>>, %arg4: memref<100x8x32x8x128xf32, #tpu.memory_space<hbm>>, %arg5: memref<204800xi32, #tpu.memory_space<vmem_shared>>, %arg6: memref<100000xf32, #tpu.memory_space<vmem>>, %arg7: memref<2x4096xi32, #tpu.memory_space<vmem>>, %arg8: memref<2x32x128xf32, #tpu.memory_space<vmem>>, %arg9: memref<!tpu.dma_semaphore, #tpu.memory_space<semaphore_mem>>, %arg10: memref<2x!tpu.dma_semaphore, #tpu.memory_space<semaphore_mem>>, %arg11: memref<2x!tpu.dma_semaphore, #tpu.memory_space<semaphore_mem>>) attributes {dimension_semantics = [#tpu.dimension_semantics<core_parallel>, #tpu.dimension_semantics<subcore_parallel>], iteration_bounds = array<i64: 2, 16>, scalar_prefetch = 0 : i64, scratch_operands = 7 : i64, tpu.core_type = #tpu.core_type<sc_vector_subcore>, window_params = [{transform_indices = #map}, {transform_indices = #map1}, {transform_indices = #map2}]} {
    %mul3A = arith.constant 2 : i32
    %mul3A_0 = arith.muli %arg1, %mul3A : i32
    %add3A = arith.addi %mul3A_0, %arg0 : i32
    %mul3A_1 = arith.constant 2 : i32
    %mul3A_2 = arith.muli %add3A, %mul3A_1 : i32
    %add3A_3 = arith.constant 0 : i32
    %add3A_4 = arith.addi %mul3A_2, %add3A_3 : i32
    %jit3A = arith.constant 8 : i32
    %div3A = arith.divsi %add3A_4, %jit3A : i32
    %sign3A = arith.constant 0 : i32
    %sign3A_5 = arith.cmpi sgt, %add3A_4, %sign3A : i32
    %sign3A_6 = arith.extui %sign3A_5 : i1 to i32
    %sign3A_7 = arith.constant 0 : i32
    %sign3A_8 = arith.cmpi slt, %add3A_4, %sign3A_7 : i32
    %sign3A_9 = arith.extui %sign3A_8 : i1 to i32
    %sign3A_10 = arith.subi %sign3A_6, %sign3A_9 : i32
    %sign3A_11 = arith.constant 0 : i32
    %sign3A_12 = arith.cmpi sgt, %jit3A, %sign3A_11 : i32
    %sign3A_13 = arith.extui %sign3A_12 : i1 to i32
    %sign3A_14 = arith.constant 0 : i32
    %sign3A_15 = arith.cmpi slt, %jit3A, %sign3A_14 : i32
    %sign3A_16 = arith.extui %sign3A_15 : i1 to i32
    %sign3A_17 = arith.subi %sign3A_13, %sign3A_16 : i32
    %ne3A = arith.cmpi ne, %sign3A_10, %sign3A_17 : i32
    %rem3A = arith.remsi %add3A_4, %jit3A : i32
    %ne3A_18 = arith.constant 0 : i32
    %ne3A_19 = arith.cmpi ne, %rem3A, %ne3A_18 : i32
    %and3A = arith.andi %ne3A, %ne3A_19 : i1
    %sub3A = arith.constant 1 : i32
    %sub3A_20 = arith.subi %div3A, %sub3A : i32
    %select_n3A = arith.select %and3A, %sub3A_20, %div3A : i32
    %jit3A_21 = arith.constant 8 : i32
    %eq3A = arith.constant 0 : i32
    %eq3A_22 = arith.cmpi eq, %jit3A_21, %eq3A : i32
    %jit3A_23 = arith.constant 1 : i32
    %select_n3A_24 = arith.select %eq3A_22, %jit3A_23, %jit3A_21 : i32
    %rem3A_25 = arith.remsi %add3A_4, %select_n3A_24 : i32
    %ne3A_26 = arith.constant 0 : i32
    %ne3A_27 = arith.cmpi ne, %rem3A_25, %ne3A_26 : i32
    %lt3A = arith.constant 0 : i32
    %lt3A_28 = arith.cmpi slt, %rem3A_25, %lt3A : i32
    %lt3A_29 = arith.constant 0 : i32
    %lt3A_30 = arith.cmpi slt, %select_n3A_24, %lt3A_29 : i32
    %ne3A_31 = arith.xori %lt3A_28, %lt3A_30 : i1
    %and3A_32 = arith.andi %ne3A_31, %ne3A_27 : i1
    %add3A_33 = arith.addi %rem3A_25, %select_n3A_24 : i32
    %select_n3A_34 = arith.select %and3A_32, %add3A_33, %rem3A_25 : i32
    %dma_start3A = arith.constant 0 : i32
    %dma_start3A_35 = tpu.memref_slice %arg3[%add3A_4, %dma_start3A] : memref<64x100000xf32, #tpu.memory_space<hbm>> -> memref<1x100000xf32, #tpu.memory_space<hbm>>
    %dma_start3A_36 = tpu.memref_squeeze %dma_start3A_35 : memref<1x100000xf32, #tpu.memory_space<hbm>> -> memref<100000xf32, #tpu.memory_space<hbm>>
    %dma_start3A_37 = arith.constant 0 : i32
    %dma_start3A_38 = tpu.memref_slice %arg3[%add3A_4, %dma_start3A_37] : memref<64x100000xf32, #tpu.memory_space<hbm>> -> memref<1x100000xf32, #tpu.memory_space<hbm>>
    %dma_start3A_39 = tpu.memref_squeeze %dma_start3A_38 : memref<1x100000xf32, #tpu.memory_space<hbm>> -> memref<100000xf32, #tpu.memory_space<hbm>>
    tpu.enqueue_dma source(%dma_start3A_39 : memref<100000xf32, #tpu.memory_space<hbm>>) target(%arg6 : memref<100000xf32, #tpu.memory_space<vmem>>) target_semaphore(%arg9 : memref<!tpu.dma_semaphore, #tpu.memory_space<semaphore_mem>>)
    %dma_wait3A = arith.constant 0 : i32
    %dma_wait3A_40 = arith.constant 0 : i32
    %dma_wait3A_41 = tpu.memref_slice %arg3[%dma_wait3A, %dma_wait3A_40] : memref<64x100000xf32, #tpu.memory_space<hbm>> -> memref<1x100000xf32, #tpu.memory_space<hbm>>
    %dma_wait3A_42 = tpu.memref_squeeze %dma_wait3A_41 : memref<1x100000xf32, #tpu.memory_space<hbm>> -> memref<100000xf32, #tpu.memory_space<hbm>>
    %dma_wait3A_43 = arith.constant 0 : i32
    %dma_wait3A_44 = tpu.memref_slice %arg3[%dma_wait3A, %dma_wait3A_43] : memref<64x100000xf32, #tpu.memory_space<hbm>> -> memref<1x100000xf32, #tpu.memory_space<hbm>>
    %dma_wait3A_45 = tpu.memref_squeeze %dma_wait3A_44 : memref<1x100000xf32, #tpu.memory_space<hbm>> -> memref<100000xf32, #tpu.memory_space<hbm>>
    tpu.wait_dma2 semaphore(%arg9 : memref<!tpu.dma_semaphore, #tpu.memory_space<semaphore_mem>>) src(%dma_wait3A_45 : memref<100000xf32, #tpu.memory_space<hbm>>) dst(%arg6 : memref<100000xf32, #tpu.memory_space<vmem>>)
    %barrier3A = arith.constant 0 : index
    tpu.barrier barrier_id(%barrier3A)
    %eq3A_46 = arith.constant 0 : i32
    %eq3A_47 = arith.cmpi eq, %arg1, %eq3A_46 : i32
    %convert_element_type3A = arith.extui %eq3A_47 : i1 to i32
    %cond3A = arith.constant 0 : i32
    %cond3A_48 = arith.cmpi ne, %convert_element_type3A, %cond3A : i32
    scf.if %cond3A_48 {
      "tpu.region"() ({
        %run_scoped3A = tpu.sem_alloc : memref<!tpu.dma_semaphore, #tpu.memory_space<semaphore_mem>>
        %dma_start3A_443 = arith.constant 0 : i32
        %dma_start3A_444 = tpu.memref_slice %arg2[%dma_start3A_443] : memref<409600xi32, #tpu.memory_space<hbm>> -> memref<204800xi32, #tpu.memory_space<hbm>>
        tpu.enqueue_dma source(%dma_start3A_444 : memref<204800xi32, #tpu.memory_space<hbm>>) target(%arg5 : memref<204800xi32, #tpu.memory_space<vmem_shared>>) target_semaphore(%run_scoped3A : memref<!tpu.dma_semaphore, #tpu.memory_space<semaphore_mem>>)
        %dma_wait3A_445 = arith.constant 0 : i32
        %dma_wait3A_446 = tpu.memref_slice %arg2[%dma_wait3A_445] : memref<409600xi32, #tpu.memory_space<hbm>> -> memref<204800xi32, #tpu.memory_space<hbm>>
        tpu.wait_dma2 semaphore(%run_scoped3A : memref<!tpu.dma_semaphore, #tpu.memory_space<semaphore_mem>>) src(%dma_wait3A_446 : memref<204800xi32, #tpu.memory_space<hbm>>) dst(%arg5 : memref<204800xi32, #tpu.memory_space<vmem_shared>>)
        tpu.yield
      }) : () -> ()
    } else {
    }
    %barrier3A_49 = arith.constant 0 : index
    tpu.barrier barrier_id(%barrier3A_49)
    %dma_start3A_50 = arith.constant 0 : i32
    %dma_start3A_51 = arith.constant 0 : i32
    %dma_start3A_52 = arith.constant 0 : i32
    %dma_start3A_53 = tpu.memref_slice %arg7[%dma_start3A_50, %dma_start3A_52] : memref<2x4096xi32, #tpu.memory_space<vmem>> -> memref<1x4096xi32, #tpu.memory_space<vmem>>
    %dma_start3A_54 = tpu.memref_squeeze %dma_start3A_53 : memref<1x4096xi32, #tpu.memory_space<vmem>> -> memref<4096xi32, #tpu.memory_space<vmem>>
    %dma_start3A_55 = arith.constant 0 : i32
    %dma_start3A_56 = tpu.memref_slice %arg5[%dma_start3A_55] : memref<204800xi32, #tpu.memory_space<vmem_shared>> -> memref<4096xi32, #tpu.memory_space<vmem_shared>>
    %dma_start3A_57 = tpu.memref_slice %arg10[%dma_start3A_51] : memref<2x!tpu.dma_semaphore, #tpu.memory_space<semaphore_mem>> -> memref<1x!tpu.dma_semaphore, #tpu.memory_space<semaphore_mem>>
    %dma_start3A_58 = tpu.memref_squeeze %dma_start3A_57 : memref<1x!tpu.dma_semaphore, #tpu.memory_space<semaphore_mem>> -> memref<!tpu.dma_semaphore, #tpu.memory_space<semaphore_mem>>
    %dma_start3A_59 = arith.constant 0 : i32
    %dma_start3A_60 = tpu.memref_slice %arg7[%dma_start3A_50, %dma_start3A_59] : memref<2x4096xi32, #tpu.memory_space<vmem>> -> memref<1x4096xi32, #tpu.memory_space<vmem>>
    %dma_start3A_61 = tpu.memref_squeeze %dma_start3A_60 : memref<1x4096xi32, #tpu.memory_space<vmem>> -> memref<4096xi32, #tpu.memory_space<vmem>>
    %dma_start3A_62 = arith.constant 0 : i32
    %dma_start3A_63 = tpu.memref_slice %arg5[%dma_start3A_62] : memref<204800xi32, #tpu.memory_space<vmem_shared>> -> memref<4096xi32, #tpu.memory_space<vmem_shared>>
    tpu.enqueue_dma source(%dma_start3A_63 : memref<4096xi32, #tpu.memory_space<vmem_shared>>) target(%dma_start3A_61 : memref<4096xi32, #tpu.memory_space<vmem>>) target_semaphore(%dma_start3A_58 : memref<!tpu.dma_semaphore, #tpu.memory_space<semaphore_mem>>)
    %dma_start3A_64 = arith.constant 1 : i32
    %dma_start3A_65 = arith.constant 1 : i32
    %dma_start3A_66 = arith.constant 0 : i32
    %dma_start3A_67 = tpu.memref_slice %arg7[%dma_start3A_64, %dma_start3A_66] : memref<2x4096xi32, #tpu.memory_space<vmem>> -> memref<1x4096xi32, #tpu.memory_space<vmem>>
    %dma_start3A_68 = tpu.memref_squeeze %dma_start3A_67 : memref<1x4096xi32, #tpu.memory_space<vmem>> -> memref<4096xi32, #tpu.memory_space<vmem>>
    %dma_start3A_69 = arith.constant 4096 : i32
    %dma_start3A_70 = tpu.memref_slice %arg5[%dma_start3A_69] : memref<204800xi32, #tpu.memory_space<vmem_shared>> -> memref<4096xi32, #tpu.memory_space<vmem_shared>>
    %dma_start3A_71 = tpu.memref_slice %arg10[%dma_start3A_65] : memref<2x!tpu.dma_semaphore, #tpu.memory_space<semaphore_mem>> -> memref<1x!tpu.dma_semaphore, #tpu.memory_space<semaphore_mem>>
    %dma_start3A_72 = tpu.memref_squeeze %dma_start3A_71 : memref<1x!tpu.dma_semaphore, #tpu.memory_space<semaphore_mem>> -> memref<!tpu.dma_semaphore, #tpu.memory_space<semaphore_mem>>
    %dma_start3A_73 = arith.constant 0 : i32
    %dma_start3A_74 = tpu.memref_slice %arg7[%dma_start3A_64, %dma_start3A_73] : memref<2x4096xi32, #tpu.memory_space<vmem>> -> memref<1x4096xi32, #tpu.memory_space<vmem>>
    %dma_start3A_75 = tpu.memref_squeeze %dma_start3A_74 : memref<1x4096xi32, #tpu.memory_space<vmem>> -> memref<4096xi32, #tpu.memory_space<vmem>>
    %dma_start3A_76 = arith.constant 4096 : i32
    %dma_start3A_77 = tpu.memref_slice %arg5[%dma_start3A_76] : memref<204800xi32, #tpu.memory_space<vmem_shared>> -> memref<4096xi32, #tpu.memory_space<vmem_shared>>
    tpu.enqueue_dma source(%dma_start3A_77 : memref<4096xi32, #tpu.memory_space<vmem_shared>>) target(%dma_start3A_75 : memref<4096xi32, #tpu.memory_space<vmem>>) target_semaphore(%dma_start3A_72 : memref<!tpu.dma_semaphore, #tpu.memory_space<semaphore_mem>>)
    %scan3A = arith.constant 0 : i32
    %scan3A_78 = arith.constant 25 : i32
    %scan3A_79 = arith.addi %scan3A, %scan3A_78 : i32
    %scan3A_80 = arith.constant 1 : i32
    scf.for %scan3A_443 = %scan3A to %scan3A_79 step %scan3A_80  : i32 {
      %mul3A_444 = arith.constant 2 : i32
      %mul3A_445 = arith.muli %scan3A_443, %mul3A_444 : i32
      %add3A_446 = arith.constant 0 : i32
      %add3A_447 = arith.addi %add3A_446, %mul3A_445 : i32
      %add3A_448 = arith.constant 0 : i32
      %add3A_449 = arith.addi %add3A_447, %add3A_448 : i32
      %dma_wait3A_450 = arith.constant 0 : i32
      %dma_wait3A_451 = arith.constant 0 : i32
      %dma_wait3A_452 = arith.constant 0 : i32
      %dma_wait3A_453 = tpu.memref_slice %arg7[%dma_wait3A_450, %dma_wait3A_452] : memref<2x4096xi32, #tpu.memory_space<vmem>> -> memref<1x4096xi32, #tpu.memory_space<vmem>>
      %dma_wait3A_454 = tpu.memref_squeeze %dma_wait3A_453 : memref<1x4096xi32, #tpu.memory_space<vmem>> -> memref<4096xi32, #tpu.memory_space<vmem>>
      %dma_wait3A_455 = arith.constant 0 : i32
      %dma_wait3A_456 = tpu.memref_slice %arg5[%dma_wait3A_455] : memref<204800xi32, #tpu.memory_space<vmem_shared>> -> memref<4096xi32, #tpu.memory_space<vmem_shared>>
      %dma_wait3A_457 = tpu.memref_slice %arg10[%dma_wait3A_451] : memref<2x!tpu.dma_semaphore, #tpu.memory_space<semaphore_mem>> -> memref<1x!tpu.dma_semaphore, #tpu.memory_space<semaphore_mem>>
      %dma_wait3A_458 = tpu.memref_squeeze %dma_wait3A_457 : memref<1x!tpu.dma_semaphore, #tpu.memory_space<semaphore_mem>> -> memref<!tpu.dma_semaphore, #tpu.memory_space<semaphore_mem>>
      %dma_wait3A_459 = arith.constant 0 : i32
      %dma_wait3A_460 = tpu.memref_slice %arg7[%dma_wait3A_450, %dma_wait3A_459] : memref<2x4096xi32, #tpu.memory_space<vmem>> -> memref<1x4096xi32, #tpu.memory_space<vmem>>
      %dma_wait3A_461 = tpu.memref_squeeze %dma_wait3A_460 : memref<1x4096xi32, #tpu.memory_space<vmem>> -> memref<4096xi32, #tpu.memory_space<vmem>>
      %dma_wait3A_462 = arith.constant 0 : i32
      %dma_wait3A_463 = tpu.memref_slice %arg5[%dma_wait3A_462] : memref<204800xi32, #tpu.memory_space<vmem_shared>> -> memref<4096xi32, #tpu.memory_space<vmem_shared>>
      tpu.wait_dma2 semaphore(%dma_wait3A_458 : memref<!tpu.dma_semaphore, #tpu.memory_space<semaphore_mem>>) src(%dma_wait3A_463 : memref<4096xi32, #tpu.memory_space<vmem_shared>>) dst(%dma_wait3A_461 : memref<4096xi32, #tpu.memory_space<vmem>>)
      %add3A_464 = arith.constant 0 : i32
      %add3A_465 = arith.addi %add3A_447, %add3A_464 : i32
      %ge3A = arith.constant 2 : i32
      %ge3A_466 = arith.cmpi sge, %add3A_465, %ge3A : i32
      %convert_element_type3A_467 = arith.extui %ge3A_466 : i1 to i32
      %cond3A_468 = arith.constant 0 : i32
      %cond3A_469 = arith.cmpi ne, %convert_element_type3A_467, %cond3A_468 : i32
      scf.if %cond3A_469 {
        %dma_wait3A_564 = arith.constant 0 : i32
        %dma_wait3A_565 = arith.constant 0 : i32
        %dma_wait3A_566 = arith.constant 0 : i32
        %dma_wait3A_567 = arith.constant 0 : i32
        %dma_wait3A_568 = arith.constant 0 : i32
        %dma_wait3A_569 = arith.constant 0 : i32
        %dma_wait3A_570 = arith.constant 0 : i32
        %dma_wait3A_571 = tpu.memref_slice %arg8[%dma_wait3A_564, %dma_wait3A_569, %dma_wait3A_570] : memref<2x32x128xf32, #tpu.memory_space<vmem>> -> memref<1x32x128xf32, #tpu.memory_space<vmem>>
        %dma_wait3A_572 = tpu.memref_squeeze %dma_wait3A_571 : memref<1x32x128xf32, #tpu.memory_space<vmem>> -> memref<32x128xf32, #tpu.memory_space<vmem>>
        %dma_wait3A_573 = arith.constant 0 : i32
        %dma_wait3A_574 = arith.constant 0 : i32
        %dma_wait3A_575 = tpu.memref_slice %arg4[%dma_wait3A_565, %dma_wait3A_566, %dma_wait3A_573, %dma_wait3A_567, %dma_wait3A_574] : memref<100x8x32x8x128xf32, #tpu.memory_space<hbm>> -> memref<1x1x32x1x128xf32, #tpu.memory_space<hbm>>
        %dma_wait3A_576 = tpu.memref_squeeze %dma_wait3A_575 : memref<1x1x32x1x128xf32, #tpu.memory_space<hbm>> -> memref<32x128xf32, #tpu.memory_space<hbm>>
        %dma_wait3A_577 = tpu.memref_slice %arg11[%dma_wait3A_568] : memref<2x!tpu.dma_semaphore, #tpu.memory_space<semaphore_mem>> -> memref<1x!tpu.dma_semaphore, #tpu.memory_space<semaphore_mem>>
        %dma_wait3A_578 = tpu.memref_squeeze %dma_wait3A_577 : memref<1x!tpu.dma_semaphore, #tpu.memory_space<semaphore_mem>> -> memref<!tpu.dma_semaphore, #tpu.memory_space<semaphore_mem>>
        %dma_wait3A_579 = arith.constant 0 : i32
        %dma_wait3A_580 = arith.constant 0 : i32
        %dma_wait3A_581 = tpu.memref_slice %arg4[%dma_wait3A_565, %dma_wait3A_566, %dma_wait3A_579, %dma_wait3A_567, %dma_wait3A_580] : memref<100x8x32x8x128xf32, #tpu.memory_space<hbm>> -> memref<1x1x32x1x128xf32, #tpu.memory_space<hbm>>
        %dma_wait3A_582 = tpu.memref_squeeze %dma_wait3A_581 : memref<1x1x32x1x128xf32, #tpu.memory_space<hbm>> -> memref<32x128xf32, #tpu.memory_space<hbm>>
        %dma_wait3A_583 = arith.constant 0 : i32
        %dma_wait3A_584 = arith.constant 0 : i32
        %dma_wait3A_585 = tpu.memref_slice %arg8[%dma_wait3A_564, %dma_wait3A_583, %dma_wait3A_584] : memref<2x32x128xf32, #tpu.memory_space<vmem>> -> memref<1x32x128xf32, #tpu.memory_space<vmem>>
        %dma_wait3A_586 = tpu.memref_squeeze %dma_wait3A_585 : memref<1x32x128xf32, #tpu.memory_space<vmem>> -> memref<32x128xf32, #tpu.memory_space<vmem>>
        tpu.wait_dma2 semaphore(%dma_wait3A_578 : memref<!tpu.dma_semaphore, #tpu.memory_space<semaphore_mem>>) src(%dma_wait3A_586 : memref<32x128xf32, #tpu.memory_space<vmem>>) dst(%dma_wait3A_582 : memref<32x128xf32, #tpu.memory_space<hbm>>)
      } else {
      }
      %parallel_loop3A = arith.constant 0 : i32
      %parallel_loop3A_470 = arith.constant 32 : i32
      %parallel_loop3A_471 = arith.constant 1 : i32
      %parallel_loop3A_472 = arith.constant 0 : i32
      %parallel_loop3A_473 = arith.constant 0 : i32
      scf.for %parallel_loop3A_564 = %parallel_loop3A to %parallel_loop3A_470 step %parallel_loop3A_471  : i32 {
        %parallel_loop3A_565 = arith.constant 128 : i32
        %parallel_loop3A_566 = arith.muli %parallel_loop3A_564, %parallel_loop3A_565 : i32
        %parallel_loop3A_567 = arith.constant 0 : i32
        %parallel_loop3A_568 = arith.addi %parallel_loop3A_566, %parallel_loop3A_567 : i32
        %parallel_loop3A_569 = arith.constant 0 : i32
        %parallel_loop3A_570 = tpu.memref_slice %arg7[%parallel_loop3A_472, %parallel_loop3A_569] : memref<2x4096xi32, #tpu.memory_space<vmem>> -> memref<1x4096xi32, #tpu.memory_space<vmem>>
        %parallel_loop3A_571 = tpu.memref_squeeze %parallel_loop3A_570 : memref<1x4096xi32, #tpu.memory_space<vmem>> -> memref<4096xi32, #tpu.memory_space<vmem>>
        %parallel_loop3A_572 = arith.index_cast %parallel_loop3A_568 : i32 to index
        %parallel_loop3A_573 = tpu.vector_load %parallel_loop3A_571[%parallel_loop3A_572] {strides = array<i32>} : memref<4096xi32, #tpu.memory_space<vmem>>, vector<16xi32>,
        %parallel_loop3A_574 = tpu.vector_load_idx %arg6[%parallel_loop3A_573] : memref<100000xf32, #tpu.memory_space<vmem>>[vector<16xi32>], vector<16xf32>,
        %parallel_loop3A_575 = arith.constant 0 : i32
        %parallel_loop3A_576 = arith.constant 0 : i32
        %parallel_loop3A_577 = tpu.memref_slice %arg8[%parallel_loop3A_473, %parallel_loop3A_575, %parallel_loop3A_576] : memref<2x32x128xf32, #tpu.memory_space<vmem>> -> memref<1x32x128xf32, #tpu.memory_space<vmem>>
        %parallel_loop3A_578 = tpu.memref_squeeze %parallel_loop3A_577 : memref<1x32x128xf32, #tpu.memory_space<vmem>> -> memref<32x128xf32, #tpu.memory_space<vmem>>
        %parallel_loop3A_579 = arith.index_cast %parallel_loop3A_564 : i32 to index
        %parallel_loop3A_580 = arith.constant 0 : index
        %parallel_loop3A_581 = tpu.vector_load %parallel_loop3A_578[%parallel_loop3A_579, %parallel_loop3A_580] {strides = array<i32>} : memref<32x128xf32, #tpu.memory_space<vmem>>, vector<16xf32>,
        tpu.vector_store %parallel_loop3A_578[%parallel_loop3A_579, %parallel_loop3A_580], %parallel_loop3A_574 {strides = array<i32>} : memref<32x128xf32, #tpu.memory_space<vmem>>, vector<16xf32>,
        %parallel_loop3A_582 = arith.constant 128 : i32
        %parallel_loop3A_583 = arith.muli %parallel_loop3A_564, %parallel_loop3A_582 : i32
        %parallel_loop3A_584 = arith.constant 16 : i32
        %parallel_loop3A_585 = arith.addi %parallel_loop3A_583, %parallel_loop3A_584 : i32
        %parallel_loop3A_586 = arith.constant 0 : i32
        %parallel_loop3A_587 = tpu.memref_slice %arg7[%parallel_loop3A_472, %parallel_loop3A_586] : memref<2x4096xi32, #tpu.memory_space<vmem>> -> memref<1x4096xi32, #tpu.memory_space<vmem>>
        %parallel_loop3A_588 = tpu.memref_squeeze %parallel_loop3A_587 : memref<1x4096xi32, #tpu.memory_space<vmem>> -> memref<4096xi32, #tpu.memory_space<vmem>>
        %parallel_loop3A_589 = arith.index_cast %parallel_loop3A_585 : i32 to index
        %parallel_loop3A_590 = tpu.vector_load %parallel_loop3A_588[%parallel_loop3A_589] {strides = array<i32>} : memref<4096xi32, #tpu.memory_space<vmem>>, vector<16xi32>,
        %parallel_loop3A_591 = tpu.vector_load_idx %arg6[%parallel_loop3A_590] : memref<100000xf32, #tpu.memory_space<vmem>>[vector<16xi32>], vector<16xf32>,
        %parallel_loop3A_592 = arith.constant 0 : i32
        %parallel_loop3A_593 = arith.constant 0 : i32
        %parallel_loop3A_594 = tpu.memref_slice %arg8[%parallel_loop3A_473, %parallel_loop3A_592, %parallel_loop3A_593] : memref<2x32x128xf32, #tpu.memory_space<vmem>> -> memref<1x32x128xf32, #tpu.memory_space<vmem>>
        %parallel_loop3A_595 = tpu.memref_squeeze %parallel_loop3A_594 : memref<1x32x128xf32, #tpu.memory_space<vmem>> -> memref<32x128xf32, #tpu.memory_space<vmem>>
        %parallel_loop3A_596 = arith.index_cast %parallel_loop3A_564 : i32 to index
        %parallel_loop3A_597 = arith.constant 16 : index
        %parallel_loop3A_598 = tpu.vector_load %parallel_loop3A_595[%parallel_loop3A_596, %parallel_loop3A_597] {strides = array<i32>} : memref<32x128xf32, #tpu.memory_space<vmem>>, vector<16xf32>,
        tpu.vector_store %parallel_loop3A_595[%parallel_loop3A_596, %parallel_loop3A_597], %parallel_loop3A_591 {strides = array<i32>} : memref<32x128xf32, #tpu.memory_space<vmem>>, vector<16xf32>,
        %parallel_loop3A_599 = arith.constant 128 : i32
        %parallel_loop3A_600 = arith.muli %parallel_loop3A_564, %parallel_loop3A_599 : i32
        %parallel_loop3A_601 = arith.constant 32 : i32
        %parallel_loop3A_602 = arith.addi %parallel_loop3A_600, %parallel_loop3A_601 : i32
        %parallel_loop3A_603 = arith.constant 0 : i32
        %parallel_loop3A_604 = tpu.memref_slice %arg7[%parallel_loop3A_472, %parallel_loop3A_603] : memref<2x4096xi32, #tpu.memory_space<vmem>> -> memref<1x4096xi32, #tpu.memory_space<vmem>>
        %parallel_loop3A_605 = tpu.memref_squeeze %parallel_loop3A_604 : memref<1x4096xi32, #tpu.memory_space<vmem>> -> memref<4096xi32, #tpu.memory_space<vmem>>
        %parallel_loop3A_606 = arith.index_cast %parallel_loop3A_602 : i32 to index
        %parallel_loop3A_607 = tpu.vector_load %parallel_loop3A_605[%parallel_loop3A_606] {strides = array<i32>} : memref<4096xi32, #tpu.memory_space<vmem>>, vector<16xi32>,
        %parallel_loop3A_608 = tpu.vector_load_idx %arg6[%parallel_loop3A_607] : memref<100000xf32, #tpu.memory_space<vmem>>[vector<16xi32>], vector<16xf32>,
        %parallel_loop3A_609 = arith.constant 0 : i32
        %parallel_loop3A_610 = arith.constant 0 : i32
        %parallel_loop3A_611 = tpu.memref_slice %arg8[%parallel_loop3A_473, %parallel_loop3A_609, %parallel_loop3A_610] : memref<2x32x128xf32, #tpu.memory_space<vmem>> -> memref<1x32x128xf32, #tpu.memory_space<vmem>>
        %parallel_loop3A_612 = tpu.memref_squeeze %parallel_loop3A_611 : memref<1x32x128xf32, #tpu.memory_space<vmem>> -> memref<32x128xf32, #tpu.memory_space<vmem>>
        %parallel_loop3A_613 = arith.index_cast %parallel_loop3A_564 : i32 to index
        %parallel_loop3A_614 = arith.constant 32 : index
        %parallel_loop3A_615 = tpu.vector_load %parallel_loop3A_612[%parallel_loop3A_613, %parallel_loop3A_614] {strides = array<i32>} : memref<32x128xf32, #tpu.memory_space<vmem>>, vector<16xf32>,
        tpu.vector_store %parallel_loop3A_612[%parallel_loop3A_613, %parallel_loop3A_614], %parallel_loop3A_608 {strides = array<i32>} : memref<32x128xf32, #tpu.memory_space<vmem>>, vector<16xf32>,
        %parallel_loop3A_616 = arith.constant 128 : i32
        %parallel_loop3A_617 = arith.muli %parallel_loop3A_564, %parallel_loop3A_616 : i32
        %parallel_loop3A_618 = arith.constant 48 : i32
        %parallel_loop3A_619 = arith.addi %parallel_loop3A_617, %parallel_loop3A_618 : i32
        %parallel_loop3A_620 = arith.constant 0 : i32
        %parallel_loop3A_621 = tpu.memref_slice %arg7[%parallel_loop3A_472, %parallel_loop3A_620] : memref<2x4096xi32, #tpu.memory_space<vmem>> -> memref<1x4096xi32, #tpu.memory_space<vmem>>
        %parallel_loop3A_622 = tpu.memref_squeeze %parallel_loop3A_621 : memref<1x4096xi32, #tpu.memory_space<vmem>> -> memref<4096xi32, #tpu.memory_space<vmem>>
        %parallel_loop3A_623 = arith.index_cast %parallel_loop3A_619 : i32 to index
        %parallel_loop3A_624 = tpu.vector_load %parallel_loop3A_622[%parallel_loop3A_623] {strides = array<i32>} : memref<4096xi32, #tpu.memory_space<vmem>>, vector<16xi32>,
        %parallel_loop3A_625 = tpu.vector_load_idx %arg6[%parallel_loop3A_624] : memref<100000xf32, #tpu.memory_space<vmem>>[vector<16xi32>], vector<16xf32>,
        %parallel_loop3A_626 = arith.constant 0 : i32
        %parallel_loop3A_627 = arith.constant 0 : i32
        %parallel_loop3A_628 = tpu.memref_slice %arg8[%parallel_loop3A_473, %parallel_loop3A_626, %parallel_loop3A_627] : memref<2x32x128xf32, #tpu.memory_space<vmem>> -> memref<1x32x128xf32, #tpu.memory_space<vmem>>
        %parallel_loop3A_629 = tpu.memref_squeeze %parallel_loop3A_628 : memref<1x32x128xf32, #tpu.memory_space<vmem>> -> memref<32x128xf32, #tpu.memory_space<vmem>>
        %parallel_loop3A_630 = arith.index_cast %parallel_loop3A_564 : i32 to index
        %parallel_loop3A_631 = arith.constant 48 : index
        %parallel_loop3A_632 = tpu.vector_load %parallel_loop3A_629[%parallel_loop3A_630, %parallel_loop3A_631] {strides = array<i32>} : memref<32x128xf32, #tpu.memory_space<vmem>>, vector<16xf32>,
        tpu.vector_store %parallel_loop3A_629[%parallel_loop3A_630, %parallel_loop3A_631], %parallel_loop3A_625 {strides = array<i32>} : memref<32x128xf32, #tpu.memory_space<vmem>>, vector<16xf32>,
        %parallel_loop3A_633 = arith.constant 128 : i32
        %parallel_loop3A_634 = arith.muli %parallel_loop3A_564, %parallel_loop3A_633 : i32
        %parallel_loop3A_635 = arith.constant 64 : i32
        %parallel_loop3A_636 = arith.addi %parallel_loop3A_634, %parallel_loop3A_635 : i32
        %parallel_loop3A_637 = arith.constant 0 : i32
        %parallel_loop3A_638 = tpu.memref_slice %arg7[%parallel_loop3A_472, %parallel_loop3A_637] : memref<2x4096xi32, #tpu.memory_space<vmem>> -> memref<1x4096xi32, #tpu.memory_space<vmem>>
        %parallel_loop3A_639 = tpu.memref_squeeze %parallel_loop3A_638 : memref<1x4096xi32, #tpu.memory_space<vmem>> -> memref<4096xi32, #tpu.memory_space<vmem>>
        %parallel_loop3A_640 = arith.index_cast %parallel_loop3A_636 : i32 to index
        %parallel_loop3A_641 = tpu.vector_load %parallel_loop3A_639[%parallel_loop3A_640] {strides = array<i32>} : memref<4096xi32, #tpu.memory_space<vmem>>, vector<16xi32>,
        %parallel_loop3A_642 = tpu.vector_load_idx %arg6[%parallel_loop3A_641] : memref<100000xf32, #tpu.memory_space<vmem>>[vector<16xi32>], vector<16xf32>,
        %parallel_loop3A_643 = arith.constant 0 : i32
        %parallel_loop3A_644 = arith.constant 0 : i32
        %parallel_loop3A_645 = tpu.memref_slice %arg8[%parallel_loop3A_473, %parallel_loop3A_643, %parallel_loop3A_644] : memref<2x32x128xf32, #tpu.memory_space<vmem>> -> memref<1x32x128xf32, #tpu.memory_space<vmem>>
        %parallel_loop3A_646 = tpu.memref_squeeze %parallel_loop3A_645 : memref<1x32x128xf32, #tpu.memory_space<vmem>> -> memref<32x128xf32, #tpu.memory_space<vmem>>
        %parallel_loop3A_647 = arith.index_cast %parallel_loop3A_564 : i32 to index
        %parallel_loop3A_648 = arith.constant 64 : index
        %parallel_loop3A_649 = tpu.vector_load %parallel_loop3A_646[%parallel_loop3A_647, %parallel_loop3A_648] {strides = array<i32>} : memref<32x128xf32, #tpu.memory_space<vmem>>, vector<16xf32>,
        tpu.vector_store %parallel_loop3A_646[%parallel_loop3A_647, %parallel_loop3A_648], %parallel_loop3A_642 {strides = array<i32>} : memref<32x128xf32, #tpu.memory_space<vmem>>, vector<16xf32>,
        %parallel_loop3A_650 = arith.constant 128 : i32
        %parallel_loop3A_651 = arith.muli %parallel_loop3A_564, %parallel_loop3A_650 : i32
        %parallel_loop3A_652 = arith.constant 80 : i32
        %parallel_loop3A_653 = arith.addi %parallel_loop3A_651, %parallel_loop3A_652 : i32
        %parallel_loop3A_654 = arith.constant 0 : i32
        %parallel_loop3A_655 = tpu.memref_slice %arg7[%parallel_loop3A_472, %parallel_loop3A_654] : memref<2x4096xi32, #tpu.memory_space<vmem>> -> memref<1x4096xi32, #tpu.memory_space<vmem>>
        %parallel_loop3A_656 = tpu.memref_squeeze %parallel_loop3A_655 : memref<1x4096xi32, #tpu.memory_space<vmem>> -> memref<4096xi32, #tpu.memory_space<vmem>>
        %parallel_loop3A_657 = arith.index_cast %parallel_loop3A_653 : i32 to index
        %parallel_loop3A_658 = tpu.vector_load %parallel_loop3A_656[%parallel_loop3A_657] {strides = array<i32>} : memref<4096xi32, #tpu.memory_space<vmem>>, vector<16xi32>,
        %parallel_loop3A_659 = tpu.vector_load_idx %arg6[%parallel_loop3A_658] : memref<100000xf32, #tpu.memory_space<vmem>>[vector<16xi32>], vector<16xf32>,
        %parallel_loop3A_660 = arith.constant 0 : i32
        %parallel_loop3A_661 = arith.constant 0 : i32
        %parallel_loop3A_662 = tpu.memref_slice %arg8[%parallel_loop3A_473, %parallel_loop3A_660, %parallel_loop3A_661] : memref<2x32x128xf32, #tpu.memory_space<vmem>> -> memref<1x32x128xf32, #tpu.memory_space<vmem>>
        %parallel_loop3A_663 = tpu.memref_squeeze %parallel_loop3A_662 : memref<1x32x128xf32, #tpu.memory_space<vmem>> -> memref<32x128xf32, #tpu.memory_space<vmem>>
        %parallel_loop3A_664 = arith.index_cast %parallel_loop3A_564 : i32 to index
        %parallel_loop3A_665 = arith.constant 80 : index
        %parallel_loop3A_666 = tpu.vector_load %parallel_loop3A_663[%parallel_loop3A_664, %parallel_loop3A_665] {strides = array<i32>} : memref<32x128xf32, #tpu.memory_space<vmem>>, vector<16xf32>,
        tpu.vector_store %parallel_loop3A_663[%parallel_loop3A_664, %parallel_loop3A_665], %parallel_loop3A_659 {strides = array<i32>} : memref<32x128xf32, #tpu.memory_space<vmem>>, vector<16xf32>,
        %parallel_loop3A_667 = arith.constant 128 : i32
        %parallel_loop3A_668 = arith.muli %parallel_loop3A_564, %parallel_loop3A_667 : i32
        %parallel_loop3A_669 = arith.constant 96 : i32
        %parallel_loop3A_670 = arith.addi %parallel_loop3A_668, %parallel_loop3A_669 : i32
        %parallel_loop3A_671 = arith.constant 0 : i32
        %parallel_loop3A_672 = tpu.memref_slice %arg7[%parallel_loop3A_472, %parallel_loop3A_671] : memref<2x4096xi32, #tpu.memory_space<vmem>> -> memref<1x4096xi32, #tpu.memory_space<vmem>>
        %parallel_loop3A_673 = tpu.memref_squeeze %parallel_loop3A_672 : memref<1x4096xi32, #tpu.memory_space<vmem>> -> memref<4096xi32, #tpu.memory_space<vmem>>
        %parallel_loop3A_674 = arith.index_cast %parallel_loop3A_670 : i32 to index
        %parallel_loop3A_675 = tpu.vector_load %parallel_loop3A_673[%parallel_loop3A_674] {strides = array<i32>} : memref<4096xi32, #tpu.memory_space<vmem>>, vector<16xi32>,
        %parallel_loop3A_676 = tpu.vector_load_idx %arg6[%parallel_loop3A_675] : memref<100000xf32, #tpu.memory_space<vmem>>[vector<16xi32>], vector<16xf32>,
        %parallel_loop3A_677 = arith.constant 0 : i32
        %parallel_loop3A_678 = arith.constant 0 : i32
        %parallel_loop3A_679 = tpu.memref_slice %arg8[%parallel_loop3A_473, %parallel_loop3A_677, %parallel_loop3A_678] : memref<2x32x128xf32, #tpu.memory_space<vmem>> -> memref<1x32x128xf32, #tpu.memory_space<vmem>>
        %parallel_loop3A_680 = tpu.memref_squeeze %parallel_loop3A_679 : memref<1x32x128xf32, #tpu.memory_space<vmem>> -> memref<32x128xf32, #tpu.memory_space<vmem>>
        %parallel_loop3A_681 = arith.index_cast %parallel_loop3A_564 : i32 to index
        %parallel_loop3A_682 = arith.constant 96 : index
        %parallel_loop3A_683 = tpu.vector_load %parallel_loop3A_680[%parallel_loop3A_681, %parallel_loop3A_682] {strides = array<i32>} : memref<32x128xf32, #tpu.memory_space<vmem>>, vector<16xf32>,
        tpu.vector_store %parallel_loop3A_680[%parallel_loop3A_681, %parallel_loop3A_682], %parallel_loop3A_676 {strides = array<i32>} : memref<32x128xf32, #tpu.memory_space<vmem>>, vector<16xf32>,
        %parallel_loop3A_684 = arith.constant 128 : i32
        %parallel_loop3A_685 = arith.muli %parallel_loop3A_564, %parallel_loop3A_684 : i32
        %parallel_loop3A_686 = arith.constant 112 : i32
        %parallel_loop3A_687 = arith.addi %parallel_loop3A_685, %parallel_loop3A_686 : i32
        %parallel_loop3A_688 = arith.constant 0 : i32
        %parallel_loop3A_689 = tpu.memref_slice %arg7[%parallel_loop3A_472, %parallel_loop3A_688] : memref<2x4096xi32, #tpu.memory_space<vmem>> -> memref<1x4096xi32, #tpu.memory_space<vmem>>
        %parallel_loop3A_690 = tpu.memref_squeeze %parallel_loop3A_689 : memref<1x4096xi32, #tpu.memory_space<vmem>> -> memref<4096xi32, #tpu.memory_space<vmem>>
        %parallel_loop3A_691 = arith.index_cast %parallel_loop3A_687 : i32 to index
        %parallel_loop3A_692 = tpu.vector_load %parallel_loop3A_690[%parallel_loop3A_691] {strides = array<i32>} : memref<4096xi32, #tpu.memory_space<vmem>>, vector<16xi32>,
        %parallel_loop3A_693 = tpu.vector_load_idx %arg6[%parallel_loop3A_692] : memref<100000xf32, #tpu.memory_space<vmem>>[vector<16xi32>], vector<16xf32>,
        %parallel_loop3A_694 = arith.constant 0 : i32
        %parallel_loop3A_695 = arith.constant 0 : i32
        %parallel_loop3A_696 = tpu.memref_slice %arg8[%parallel_loop3A_473, %parallel_loop3A_694, %parallel_loop3A_695] : memref<2x32x128xf32, #tpu.memory_space<vmem>> -> memref<1x32x128xf32, #tpu.memory_space<vmem>>
        %parallel_loop3A_697 = tpu.memref_squeeze %parallel_loop3A_696 : memref<1x32x128xf32, #tpu.memory_space<vmem>> -> memref<32x128xf32, #tpu.memory_space<vmem>>
        %parallel_loop3A_698 = arith.index_cast %parallel_loop3A_564 : i32 to index
        %parallel_loop3A_699 = arith.constant 112 : index
        %parallel_loop3A_700 = tpu.vector_load %parallel_loop3A_697[%parallel_loop3A_698, %parallel_loop3A_699] {strides = array<i32>} : memref<32x128xf32, #tpu.memory_space<vmem>>, vector<16xf32>,
        tpu.vector_store %parallel_loop3A_697[%parallel_loop3A_698, %parallel_loop3A_699], %parallel_loop3A_693 {strides = array<i32>} : memref<32x128xf32, #tpu.memory_space<vmem>>, vector<16xf32>,
      } {sc.loop_unroll_factor = 4 : i64, sc.parallel_access}
      %add3A_474 = arith.constant 0 : i32
      %add3A_475 = arith.addi %add3A_474, %add3A_449 : i32
      %dma_start3A_476 = arith.constant 0 : i32
      %dma_start3A_477 = arith.constant 0 : i32
      %dma_start3A_478 = arith.constant 0 : i32
      %dma_start3A_479 = arith.constant 0 : i32
      %dma_start3A_480 = tpu.memref_slice %arg8[%dma_start3A_476, %dma_start3A_478, %dma_start3A_479] : memref<2x32x128xf32, #tpu.memory_space<vmem>> -> memref<1x32x128xf32, #tpu.memory_space<vmem>>
      %dma_start3A_481 = tpu.memref_squeeze %dma_start3A_480 : memref<1x32x128xf32, #tpu.memory_space<vmem>> -> memref<32x128xf32, #tpu.memory_space<vmem>>
      %dma_start3A_482 = arith.constant 0 : i32
      %dma_start3A_483 = arith.constant 0 : i32
      %dma_start3A_484 = tpu.memref_slice %arg4[%add3A_475, %select_n3A, %dma_start3A_482, %select_n3A_34, %dma_start3A_483] : memref<100x8x32x8x128xf32, #tpu.memory_space<hbm>> -> memref<1x1x32x1x128xf32, #tpu.memory_space<hbm>>
      %dma_start3A_485 = tpu.memref_squeeze %dma_start3A_484 : memref<1x1x32x1x128xf32, #tpu.memory_space<hbm>> -> memref<32x128xf32, #tpu.memory_space<hbm>>
      %dma_start3A_486 = tpu.memref_slice %arg11[%dma_start3A_477] : memref<2x!tpu.dma_semaphore, #tpu.memory_space<semaphore_mem>> -> memref<1x!tpu.dma_semaphore, #tpu.memory_space<semaphore_mem>>
      %dma_start3A_487 = tpu.memref_squeeze %dma_start3A_486 : memref<1x!tpu.dma_semaphore, #tpu.memory_space<semaphore_mem>> -> memref<!tpu.dma_semaphore, #tpu.memory_space<semaphore_mem>>
      %dma_start3A_488 = arith.constant 0 : i32
      %dma_start3A_489 = arith.constant 0 : i32
      %dma_start3A_490 = tpu.memref_slice %arg4[%add3A_475, %select_n3A, %dma_start3A_488, %select_n3A_34, %dma_start3A_489] : memref<100x8x32x8x128xf32, #tpu.memory_space<hbm>> -> memref<1x1x32x1x128xf32, #tpu.memory_space<hbm>>
      %dma_start3A_491 = tpu.memref_squeeze %dma_start3A_490 : memref<1x1x32x1x128xf32, #tpu.memory_space<hbm>> -> memref<32x128xf32, #tpu.memory_space<hbm>>
      %dma_start3A_492 = arith.constant 0 : i32
      %dma_start3A_493 = arith.constant 0 : i32
      %dma_start3A_494 = tpu.memref_slice %arg8[%dma_start3A_476, %dma_start3A_492, %dma_start3A_493] : memref<2x32x128xf32, #tpu.memory_space<vmem>> -> memref<1x32x128xf32, #tpu.memory_space<vmem>>
      %dma_start3A_495 = tpu.memref_squeeze %dma_start3A_494 : memref<1x32x128xf32, #tpu.memory_space<vmem>> -> memref<32x128xf32, #tpu.memory_space<vmem>>
      tpu.enqueue_dma source(%dma_start3A_495 : memref<32x128xf32, #tpu.memory_space<vmem>>) target(%dma_start3A_491 : memref<32x128xf32, #tpu.memory_space<hbm>>) target_semaphore(%dma_start3A_487 : memref<!tpu.dma_semaphore, #tpu.memory_space<semaphore_mem>>)
      %add3A_496 = arith.constant 0 : i32
      %add3A_497 = arith.addi %add3A_447, %add3A_496 : i32
      %add3A_498 = arith.constant 2 : i32
      %add3A_499 = arith.addi %add3A_497, %add3A_498 : i32
      %lt3A_500 = arith.constant 50 : i32
      %lt3A_501 = arith.cmpi slt, %add3A_499, %lt3A_500 : i32
      %convert_element_type3A_502 = arith.extui %lt3A_501 : i1 to i32
      %cond3A_503 = arith.constant 0 : i32
      %cond3A_504 = arith.cmpi ne, %convert_element_type3A_502, %cond3A_503 : i32
      scf.if %cond3A_504 {
        %add3A_564 = arith.constant 2 : i32
        %add3A_565 = arith.addi %add3A_449, %add3A_564 : i32
        %mul3A_566 = arith.constant 4096 : i32
        %mul3A_567 = arith.muli %add3A_565, %mul3A_566 : i32
        %dma_start3A_568 = arith.constant 0 : i32
        %dma_start3A_569 = arith.constant 0 : i32
        %dma_start3A_570 = arith.constant 0 : i32
        %dma_start3A_571 = tpu.memref_slice %arg7[%dma_start3A_568, %dma_start3A_570] : memref<2x4096xi32, #tpu.memory_space<vmem>> -> memref<1x4096xi32, #tpu.memory_space<vmem>>
        %dma_start3A_572 = tpu.memref_squeeze %dma_start3A_571 : memref<1x4096xi32, #tpu.memory_space<vmem>> -> memref<4096xi32, #tpu.memory_space<vmem>>
        %dma_start3A_573 = tpu.memref_slice %arg5[%mul3A_567] : memref<204800xi32, #tpu.memory_space<vmem_shared>> -> memref<4096xi32, #tpu.memory_space<vmem_shared>>
        %dma_start3A_574 = tpu.memref_slice %arg10[%dma_start3A_569] : memref<2x!tpu.dma_semaphore, #tpu.memory_space<semaphore_mem>> -> memref<1x!tpu.dma_semaphore, #tpu.memory_space<semaphore_mem>>
        %dma_start3A_575 = tpu.memref_squeeze %dma_start3A_574 : memref<1x!tpu.dma_semaphore, #tpu.memory_space<semaphore_mem>> -> memref<!tpu.dma_semaphore, #tpu.memory_space<semaphore_mem>>
        %dma_start3A_576 = arith.constant 0 : i32
        %dma_start3A_577 = tpu.memref_slice %arg7[%dma_start3A_568, %dma_start3A_576] : memref<2x4096xi32, #tpu.memory_space<vmem>> -> memref<1x4096xi32, #tpu.memory_space<vmem>>
        %dma_start3A_578 = tpu.memref_squeeze %dma_start3A_577 : memref<1x4096xi32, #tpu.memory_space<vmem>> -> memref<4096xi32, #tpu.memory_space<vmem>>
        %dma_start3A_579 = tpu.memref_slice %arg5[%mul3A_567] : memref<204800xi32, #tpu.memory_space<vmem_shared>> -> memref<4096xi32, #tpu.memory_space<vmem_shared>>
        tpu.enqueue_dma source(%dma_start3A_579 : memref<4096xi32, #tpu.memory_space<vmem_shared>>) target(%dma_start3A_578 : memref<4096xi32, #tpu.memory_space<vmem>>) target_semaphore(%dma_start3A_575 : memref<!tpu.dma_semaphore, #tpu.memory_space<semaphore_mem>>)
      } else {
      }
      %add3A_505 = arith.constant 1 : i32
      %add3A_506 = arith.addi %add3A_447, %add3A_505 : i32
      %dma_wait3A_507 = arith.constant 1 : i32
      %dma_wait3A_508 = arith.constant 1 : i32
      %dma_wait3A_509 = arith.constant 0 : i32
      %dma_wait3A_510 = tpu.memref_slice %arg7[%dma_wait3A_507, %dma_wait3A_509] : memref<2x4096xi32, #tpu.memory_space<vmem>> -> memref<1x4096xi32, #tpu.memory_space<vmem>>
      %dma_wait3A_511 = tpu.memref_squeeze %dma_wait3A_510 : memref<1x4096xi32, #tpu.memory_space<vmem>> -> memref<4096xi32, #tpu.memory_space<vmem>>
      %dma_wait3A_512 = arith.constant 0 : i32
      %dma_wait3A_513 = tpu.memref_slice %arg5[%dma_wait3A_512] : memref<204800xi32, #tpu.memory_space<vmem_shared>> -> memref<4096xi32, #tpu.memory_space<vmem_shared>>
      %dma_wait3A_514 = tpu.memref_slice %arg10[%dma_wait3A_508] : memref<2x!tpu.dma_semaphore, #tpu.memory_space<semaphore_mem>> -> memref<1x!tpu.dma_semaphore, #tpu.memory_space<semaphore_mem>>
      %dma_wait3A_515 = tpu.memref_squeeze %dma_wait3A_514 : memref<1x!tpu.dma_semaphore, #tpu.memory_space<semaphore_mem>> -> memref<!tpu.dma_semaphore, #tpu.memory_space<semaphore_mem>>
      %dma_wait3A_516 = arith.constant 0 : i32
      %dma_wait3A_517 = tpu.memref_slice %arg7[%dma_wait3A_507, %dma_wait3A_516] : memref<2x4096xi32, #tpu.memory_space<vmem>> -> memref<1x4096xi32, #tpu.memory_space<vmem>>
      %dma_wait3A_518 = tpu.memref_squeeze %dma_wait3A_517 : memref<1x4096xi32, #tpu.memory_space<vmem>> -> memref<4096xi32, #tpu.memory_space<vmem>>
      %dma_wait3A_519 = arith.constant 0 : i32
      %dma_wait3A_520 = tpu.memref_slice %arg5[%dma_wait3A_519] : memref<204800xi32, #tpu.memory_space<vmem_shared>> -> memref<4096xi32, #tpu.memory_space<vmem_shared>>
      tpu.wait_dma2 semaphore(%dma_wait3A_515 : memref<!tpu.dma_semaphore, #tpu.memory_space<semaphore_mem>>) src(%dma_wait3A_520 : memref<4096xi32, #tpu.memory_space<vmem_shared>>) dst(%dma_wait3A_518 : memref<4096xi32, #tpu.memory_space<vmem>>)
      %add3A_521 = arith.constant 1 : i32
      %add3A_522 = arith.addi %add3A_447, %add3A_521 : i32
      %ge3A_523 = arith.constant 2 : i32
      %ge3A_524 = arith.cmpi sge, %add3A_522, %ge3A_523 : i32
      %convert_element_type3A_525 = arith.extui %ge3A_524 : i1 to i32
      %cond3A_526 = arith.constant 0 : i32
      %cond3A_527 = arith.cmpi ne, %convert_element_type3A_525, %cond3A_526 : i32
      scf.if %cond3A_527 {
        %dma_wait3A_564 = arith.constant 1 : i32
        %dma_wait3A_565 = arith.constant 0 : i32
        %dma_wait3A_566 = arith.constant 0 : i32
        %dma_wait3A_567 = arith.constant 0 : i32
        %dma_wait3A_568 = arith.constant 1 : i32
        %dma_wait3A_569 = arith.constant 0 : i32
        %dma_wait3A_570 = arith.constant 0 : i32
        %dma_wait3A_571 = tpu.memref_slice %arg8[%dma_wait3A_564, %dma_wait3A_569, %dma_wait3A_570] : memref<2x32x128xf32, #tpu.memory_space<vmem>> -> memref<1x32x128xf32, #tpu.memory_space<vmem>>
        %dma_wait3A_572 = tpu.memref_squeeze %dma_wait3A_571 : memref<1x32x128xf32, #tpu.memory_space<vmem>> -> memref<32x128xf32, #tpu.memory_space<vmem>>
        %dma_wait3A_573 = arith.constant 0 : i32
        %dma_wait3A_574 = arith.constant 0 : i32
        %dma_wait3A_575 = tpu.memref_slice %arg4[%dma_wait3A_565, %dma_wait3A_566, %dma_wait3A_573, %dma_wait3A_567, %dma_wait3A_574] : memref<100x8x32x8x128xf32, #tpu.memory_space<hbm>> -> memref<1x1x32x1x128xf32, #tpu.memory_space<hbm>>
        %dma_wait3A_576 = tpu.memref_squeeze %dma_wait3A_575 : memref<1x1x32x1x128xf32, #tpu.memory_space<hbm>> -> memref<32x128xf32, #tpu.memory_space<hbm>>
        %dma_wait3A_577 = tpu.memref_slice %arg11[%dma_wait3A_568] : memref<2x!tpu.dma_semaphore, #tpu.memory_space<semaphore_mem>> -> memref<1x!tpu.dma_semaphore, #tpu.memory_space<semaphore_mem>>
        %dma_wait3A_578 = tpu.memref_squeeze %dma_wait3A_577 : memref<1x!tpu.dma_semaphore, #tpu.memory_space<semaphore_mem>> -> memref<!tpu.dma_semaphore, #tpu.memory_space<semaphore_mem>>
        %dma_wait3A_579 = arith.constant 0 : i32
        %dma_wait3A_580 = arith.constant 0 : i32
        %dma_wait3A_581 = tpu.memref_slice %arg4[%dma_wait3A_565, %dma_wait3A_566, %dma_wait3A_579, %dma_wait3A_567, %dma_wait3A_580] : memref<100x8x32x8x128xf32, #tpu.memory_space<hbm>> -> memref<1x1x32x1x128xf32, #tpu.memory_space<hbm>>
        %dma_wait3A_582 = tpu.memref_squeeze %dma_wait3A_581 : memref<1x1x32x1x128xf32, #tpu.memory_space<hbm>> -> memref<32x128xf32, #tpu.memory_space<hbm>>
        %dma_wait3A_583 = arith.constant 0 : i32
        %dma_wait3A_584 = arith.constant 0 : i32
        %dma_wait3A_585 = tpu.memref_slice %arg8[%dma_wait3A_564, %dma_wait3A_583, %dma_wait3A_584] : memref<2x32x128xf32, #tpu.memory_space<vmem>> -> memref<1x32x128xf32, #tpu.memory_space<vmem>>
        %dma_wait3A_586 = tpu.memref_squeeze %dma_wait3A_585 : memref<1x32x128xf32, #tpu.memory_space<vmem>> -> memref<32x128xf32, #tpu.memory_space<vmem>>
        tpu.wait_dma2 semaphore(%dma_wait3A_578 : memref<!tpu.dma_semaphore, #tpu.memory_space<semaphore_mem>>) src(%dma_wait3A_586 : memref<32x128xf32, #tpu.memory_space<vmem>>) dst(%dma_wait3A_582 : memref<32x128xf32, #tpu.memory_space<hbm>>)
      } else {
      }
      %parallel_loop3A_528 = arith.constant 0 : i32
      %parallel_loop3A_529 = arith.constant 32 : i32
      %parallel_loop3A_530 = arith.constant 1 : i32
      %parallel_loop3A_531 = arith.constant 1 : i32
      %parallel_loop3A_532 = arith.constant 1 : i32
      scf.for %parallel_loop3A_564 = %parallel_loop3A_528 to %parallel_loop3A_529 step %parallel_loop3A_530  : i32 {
        %parallel_loop3A_565 = arith.constant 128 : i32
        %parallel_loop3A_566 = arith.muli %parallel_loop3A_564, %parallel_loop3A_565 : i32
        %parallel_loop3A_567 = arith.constant 0 : i32
        %parallel_loop3A_568 = arith.addi %parallel_loop3A_566, %parallel_loop3A_567 : i32
        %parallel_loop3A_569 = arith.constant 0 : i32
        %parallel_loop3A_570 = tpu.memref_slice %arg7[%parallel_loop3A_531, %parallel_loop3A_569] : memref<2x4096xi32, #tpu.memory_space<vmem>> -> memref<1x4096xi32, #tpu.memory_space<vmem>>
        %parallel_loop3A_571 = tpu.memref_squeeze %parallel_loop3A_570 : memref<1x4096xi32, #tpu.memory_space<vmem>> -> memref<4096xi32, #tpu.memory_space<vmem>>
        %parallel_loop3A_572 = arith.index_cast %parallel_loop3A_568 : i32 to index
        %parallel_loop3A_573 = tpu.vector_load %parallel_loop3A_571[%parallel_loop3A_572] {strides = array<i32>} : memref<4096xi32, #tpu.memory_space<vmem>>, vector<16xi32>,
        %parallel_loop3A_574 = tpu.vector_load_idx %arg6[%parallel_loop3A_573] : memref<100000xf32, #tpu.memory_space<vmem>>[vector<16xi32>], vector<16xf32>,
        %parallel_loop3A_575 = arith.constant 0 : i32
        %parallel_loop3A_576 = arith.constant 0 : i32
        %parallel_loop3A_577 = tpu.memref_slice %arg8[%parallel_loop3A_532, %parallel_loop3A_575, %parallel_loop3A_576] : memref<2x32x128xf32, #tpu.memory_space<vmem>> -> memref<1x32x128xf32, #tpu.memory_space<vmem>>
        %parallel_loop3A_578 = tpu.memref_squeeze %parallel_loop3A_577 : memref<1x32x128xf32, #tpu.memory_space<vmem>> -> memref<32x128xf32, #tpu.memory_space<vmem>>
        %parallel_loop3A_579 = arith.index_cast %parallel_loop3A_564 : i32 to index
        %parallel_loop3A_580 = arith.constant 0 : index
        %parallel_loop3A_581 = tpu.vector_load %parallel_loop3A_578[%parallel_loop3A_579, %parallel_loop3A_580] {strides = array<i32>} : memref<32x128xf32, #tpu.memory_space<vmem>>, vector<16xf32>,
        tpu.vector_store %parallel_loop3A_578[%parallel_loop3A_579, %parallel_loop3A_580], %parallel_loop3A_574 {strides = array<i32>} : memref<32x128xf32, #tpu.memory_space<vmem>>, vector<16xf32>,
        %parallel_loop3A_582 = arith.constant 128 : i32
        %parallel_loop3A_583 = arith.muli %parallel_loop3A_564, %parallel_loop3A_582 : i32
        %parallel_loop3A_584 = arith.constant 16 : i32
        %parallel_loop3A_585 = arith.addi %parallel_loop3A_583, %parallel_loop3A_584 : i32
        %parallel_loop3A_586 = arith.constant 0 : i32
        %parallel_loop3A_587 = tpu.memref_slice %arg7[%parallel_loop3A_531, %parallel_loop3A_586] : memref<2x4096xi32, #tpu.memory_space<vmem>> -> memref<1x4096xi32, #tpu.memory_space<vmem>>
        %parallel_loop3A_588 = tpu.memref_squeeze %parallel_loop3A_587 : memref<1x4096xi32, #tpu.memory_space<vmem>> -> memref<4096xi32, #tpu.memory_space<vmem>>
        %parallel_loop3A_589 = arith.index_cast %parallel_loop3A_585 : i32 to index
        %parallel_loop3A_590 = tpu.vector_load %parallel_loop3A_588[%parallel_loop3A_589] {strides = array<i32>} : memref<4096xi32, #tpu.memory_space<vmem>>, vector<16xi32>,
        %parallel_loop3A_591 = tpu.vector_load_idx %arg6[%parallel_loop3A_590] : memref<100000xf32, #tpu.memory_space<vmem>>[vector<16xi32>], vector<16xf32>,
        %parallel_loop3A_592 = arith.constant 0 : i32
        %parallel_loop3A_593 = arith.constant 0 : i32
        %parallel_loop3A_594 = tpu.memref_slice %arg8[%parallel_loop3A_532, %parallel_loop3A_592, %parallel_loop3A_593] : memref<2x32x128xf32, #tpu.memory_space<vmem>> -> memref<1x32x128xf32, #tpu.memory_space<vmem>>
        %parallel_loop3A_595 = tpu.memref_squeeze %parallel_loop3A_594 : memref<1x32x128xf32, #tpu.memory_space<vmem>> -> memref<32x128xf32, #tpu.memory_space<vmem>>
        %parallel_loop3A_596 = arith.index_cast %parallel_loop3A_564 : i32 to index
        %parallel_loop3A_597 = arith.constant 16 : index
        %parallel_loop3A_598 = tpu.vector_load %parallel_loop3A_595[%parallel_loop3A_596, %parallel_loop3A_597] {strides = array<i32>} : memref<32x128xf32, #tpu.memory_space<vmem>>, vector<16xf32>,
        tpu.vector_store %parallel_loop3A_595[%parallel_loop3A_596, %parallel_loop3A_597], %parallel_loop3A_591 {strides = array<i32>} : memref<32x128xf32, #tpu.memory_space<vmem>>, vector<16xf32>,
        %parallel_loop3A_599 = arith.constant 128 : i32
        %parallel_loop3A_600 = arith.muli %parallel_loop3A_564, %parallel_loop3A_599 : i32
        %parallel_loop3A_601 = arith.constant 32 : i32
        %parallel_loop3A_602 = arith.addi %parallel_loop3A_600, %parallel_loop3A_601 : i32
        %parallel_loop3A_603 = arith.constant 0 : i32
        %parallel_loop3A_604 = tpu.memref_slice %arg7[%parallel_loop3A_531, %parallel_loop3A_603] : memref<2x4096xi32, #tpu.memory_space<vmem>> -> memref<1x4096xi32, #tpu.memory_space<vmem>>
        %parallel_loop3A_605 = tpu.memref_squeeze %parallel_loop3A_604 : memref<1x4096xi32, #tpu.memory_space<vmem>> -> memref<4096xi32, #tpu.memory_space<vmem>>
        %parallel_loop3A_606 = arith.index_cast %parallel_loop3A_602 : i32 to index
        %parallel_loop3A_607 = tpu.vector_load %parallel_loop3A_605[%parallel_loop3A_606] {strides = array<i32>} : memref<4096xi32, #tpu.memory_space<vmem>>, vector<16xi32>,
        %parallel_loop3A_608 = tpu.vector_load_idx %arg6[%parallel_loop3A_607] : memref<100000xf32, #tpu.memory_space<vmem>>[vector<16xi32>], vector<16xf32>,
        %parallel_loop3A_609 = arith.constant 0 : i32
        %parallel_loop3A_610 = arith.constant 0 : i32
        %parallel_loop3A_611 = tpu.memref_slice %arg8[%parallel_loop3A_532, %parallel_loop3A_609, %parallel_loop3A_610] : memref<2x32x128xf32, #tpu.memory_space<vmem>> -> memref<1x32x128xf32, #tpu.memory_space<vmem>>
        %parallel_loop3A_612 = tpu.memref_squeeze %parallel_loop3A_611 : memref<1x32x128xf32, #tpu.memory_space<vmem>> -> memref<32x128xf32, #tpu.memory_space<vmem>>
        %parallel_loop3A_613 = arith.index_cast %parallel_loop3A_564 : i32 to index
        %parallel_loop3A_614 = arith.constant 32 : index
        %parallel_loop3A_615 = tpu.vector_load %parallel_loop3A_612[%parallel_loop3A_613, %parallel_loop3A_614] {strides = array<i32>} : memref<32x128xf32, #tpu.memory_space<vmem>>, vector<16xf32>,
        tpu.vector_store %parallel_loop3A_612[%parallel_loop3A_613, %parallel_loop3A_614], %parallel_loop3A_608 {strides = array<i32>} : memref<32x128xf32, #tpu.memory_space<vmem>>, vector<16xf32>,
        %parallel_loop3A_616 = arith.constant 128 : i32
        %parallel_loop3A_617 = arith.muli %parallel_loop3A_564, %parallel_loop3A_616 : i32
        %parallel_loop3A_618 = arith.constant 48 : i32
        %parallel_loop3A_619 = arith.addi %parallel_loop3A_617, %parallel_loop3A_618 : i32
        %parallel_loop3A_620 = arith.constant 0 : i32
        %parallel_loop3A_621 = tpu.memref_slice %arg7[%parallel_loop3A_531, %parallel_loop3A_620] : memref<2x4096xi32, #tpu.memory_space<vmem>> -> memref<1x4096xi32, #tpu.memory_space<vmem>>
        %parallel_loop3A_622 = tpu.memref_squeeze %parallel_loop3A_621 : memref<1x4096xi32, #tpu.memory_space<vmem>> -> memref<4096xi32, #tpu.memory_space<vmem>>
        %parallel_loop3A_623 = arith.index_cast %parallel_loop3A_619 : i32 to index
        %parallel_loop3A_624 = tpu.vector_load %parallel_loop3A_622[%parallel_loop3A_623] {strides = array<i32>} : memref<4096xi32, #tpu.memory_space<vmem>>, vector<16xi32>,
        %parallel_loop3A_625 = tpu.vector_load_idx %arg6[%parallel_loop3A_624] : memref<100000xf32, #tpu.memory_space<vmem>>[vector<16xi32>], vector<16xf32>,
        %parallel_loop3A_626 = arith.constant 0 : i32
        %parallel_loop3A_627 = arith.constant 0 : i32
        %parallel_loop3A_628 = tpu.memref_slice %arg8[%parallel_loop3A_532, %parallel_loop3A_626, %parallel_loop3A_627] : memref<2x32x128xf32, #tpu.memory_space<vmem>> -> memref<1x32x128xf32, #tpu.memory_space<vmem>>
        %parallel_loop3A_629 = tpu.memref_squeeze %parallel_loop3A_628 : memref<1x32x128xf32, #tpu.memory_space<vmem>> -> memref<32x128xf32, #tpu.memory_space<vmem>>
        %parallel_loop3A_630 = arith.index_cast %parallel_loop3A_564 : i32 to index
        %parallel_loop3A_631 = arith.constant 48 : index
        %parallel_loop3A_632 = tpu.vector_load %parallel_loop3A_629[%parallel_loop3A_630, %parallel_loop3A_631] {strides = array<i32>} : memref<32x128xf32, #tpu.memory_space<vmem>>, vector<16xf32>,
        tpu.vector_store %parallel_loop3A_629[%parallel_loop3A_630, %parallel_loop3A_631], %parallel_loop3A_625 {strides = array<i32>} : memref<32x128xf32, #tpu.memory_space<vmem>>, vector<16xf32>,
        %parallel_loop3A_633 = arith.constant 128 : i32
        %parallel_loop3A_634 = arith.muli %parallel_loop3A_564, %parallel_loop3A_633 : i32
        %parallel_loop3A_635 = arith.constant 64 : i32
        %parallel_loop3A_636 = arith.addi %parallel_loop3A_634, %parallel_loop3A_635 : i32
        %parallel_loop3A_637 = arith.constant 0 : i32
        %parallel_loop3A_638 = tpu.memref_slice %arg7[%parallel_loop3A_531, %parallel_loop3A_637] : memref<2x4096xi32, #tpu.memory_space<vmem>> -> memref<1x4096xi32, #tpu.memory_space<vmem>>
        %parallel_loop3A_639 = tpu.memref_squeeze %parallel_loop3A_638 : memref<1x4096xi32, #tpu.memory_space<vmem>> -> memref<4096xi32, #tpu.memory_space<vmem>>
        %parallel_loop3A_640 = arith.index_cast %parallel_loop3A_636 : i32 to index
        %parallel_loop3A_641 = tpu.vector_load %parallel_loop3A_639[%parallel_loop3A_640] {strides = array<i32>} : memref<4096xi32, #tpu.memory_space<vmem>>, vector<16xi32>,
        %parallel_loop3A_642 = tpu.vector_load_idx %arg6[%parallel_loop3A_641] : memref<100000xf32, #tpu.memory_space<vmem>>[vector<16xi32>], vector<16xf32>,
        %parallel_loop3A_643 = arith.constant 0 : i32
        %parallel_loop3A_644 = arith.constant 0 : i32
        %parallel_loop3A_645 = tpu.memref_slice %arg8[%parallel_loop3A_532, %parallel_loop3A_643, %parallel_loop3A_644] : memref<2x32x128xf32, #tpu.memory_space<vmem>> -> memref<1x32x128xf32, #tpu.memory_space<vmem>>
        %parallel_loop3A_646 = tpu.memref_squeeze %parallel_loop3A_645 : memref<1x32x128xf32, #tpu.memory_space<vmem>> -> memref<32x128xf32, #tpu.memory_space<vmem>>
        %parallel_loop3A_647 = arith.index_cast %parallel_loop3A_564 : i32 to index
        %parallel_loop3A_648 = arith.constant 64 : index
        %parallel_loop3A_649 = tpu.vector_load %parallel_loop3A_646[%parallel_loop3A_647, %parallel_loop3A_648] {strides = array<i32>} : memref<32x128xf32, #tpu.memory_space<vmem>>, vector<16xf32>,
        tpu.vector_store %parallel_loop3A_646[%parallel_loop3A_647, %parallel_loop3A_648], %parallel_loop3A_642 {strides = array<i32>} : memref<32x128xf32, #tpu.memory_space<vmem>>, vector<16xf32>,
        %parallel_loop3A_650 = arith.constant 128 : i32
        %parallel_loop3A_651 = arith.muli %parallel_loop3A_564, %parallel_loop3A_650 : i32
        %parallel_loop3A_652 = arith.constant 80 : i32
        %parallel_loop3A_653 = arith.addi %parallel_loop3A_651, %parallel_loop3A_652 : i32
        %parallel_loop3A_654 = arith.constant 0 : i32
        %parallel_loop3A_655 = tpu.memref_slice %arg7[%parallel_loop3A_531, %parallel_loop3A_654] : memref<2x4096xi32, #tpu.memory_space<vmem>> -> memref<1x4096xi32, #tpu.memory_space<vmem>>
        %parallel_loop3A_656 = tpu.memref_squeeze %parallel_loop3A_655 : memref<1x4096xi32, #tpu.memory_space<vmem>> -> memref<4096xi32, #tpu.memory_space<vmem>>
        %parallel_loop3A_657 = arith.index_cast %parallel_loop3A_653 : i32 to index
        %parallel_loop3A_658 = tpu.vector_load %parallel_loop3A_656[%parallel_loop3A_657] {strides = array<i32>} : memref<4096xi32, #tpu.memory_space<vmem>>, vector<16xi32>,
        %parallel_loop3A_659 = tpu.vector_load_idx %arg6[%parallel_loop3A_658] : memref<100000xf32, #tpu.memory_space<vmem>>[vector<16xi32>], vector<16xf32>,
        %parallel_loop3A_660 = arith.constant 0 : i32
        %parallel_loop3A_661 = arith.constant 0 : i32
        %parallel_loop3A_662 = tpu.memref_slice %arg8[%parallel_loop3A_532, %parallel_loop3A_660, %parallel_loop3A_661] : memref<2x32x128xf32, #tpu.memory_space<vmem>> -> memref<1x32x128xf32, #tpu.memory_space<vmem>>
        %parallel_loop3A_663 = tpu.memref_squeeze %parallel_loop3A_662 : memref<1x32x128xf32, #tpu.memory_space<vmem>> -> memref<32x128xf32, #tpu.memory_space<vmem>>
        %parallel_loop3A_664 = arith.index_cast %parallel_loop3A_564 : i32 to index
        %parallel_loop3A_665 = arith.constant 80 : index
        %parallel_loop3A_666 = tpu.vector_load %parallel_loop3A_663[%parallel_loop3A_664, %parallel_loop3A_665] {strides = array<i32>} : memref<32x128xf32, #tpu.memory_space<vmem>>, vector<16xf32>,
        tpu.vector_store %parallel_loop3A_663[%parallel_loop3A_664, %parallel_loop3A_665], %parallel_loop3A_659 {strides = array<i32>} : memref<32x128xf32, #tpu.memory_space<vmem>>, vector<16xf32>,
        %parallel_loop3A_667 = arith.constant 128 : i32
        %parallel_loop3A_668 = arith.muli %parallel_loop3A_564, %parallel_loop3A_667 : i32
        %parallel_loop3A_669 = arith.constant 96 : i32
        %parallel_loop3A_670 = arith.addi %parallel_loop3A_668, %parallel_loop3A_669 : i32
        %parallel_loop3A_671 = arith.constant 0 : i32
        %parallel_loop3A_672 = tpu.memref_slice %arg7[%parallel_loop3A_531, %parallel_loop3A_671] : memref<2x4096xi32, #tpu.memory_space<vmem>> -> memref<1x4096xi32, #tpu.memory_space<vmem>>
        %parallel_loop3A_673 = tpu.memref_squeeze %parallel_loop3A_672 : memref<1x4096xi32, #tpu.memory_space<vmem>> -> memref<4096xi32, #tpu.memory_space<vmem>>
        %parallel_loop3A_674 = arith.index_cast %parallel_loop3A_670 : i32 to index
        %parallel_loop3A_675 = tpu.vector_load %parallel_loop3A_673[%parallel_loop3A_674] {strides = array<i32>} : memref<4096xi32, #tpu.memory_space<vmem>>, vector<16xi32>,
        %parallel_loop3A_676 = tpu.vector_load_idx %arg6[%parallel_loop3A_675] : memref<100000xf32, #tpu.memory_space<vmem>>[vector<16xi32>], vector<16xf32>,
        %parallel_loop3A_677 = arith.constant 0 : i32
        %parallel_loop3A_678 = arith.constant 0 : i32
        %parallel_loop3A_679 = tpu.memref_slice %arg8[%parallel_loop3A_532, %parallel_loop3A_677, %parallel_loop3A_678] : memref<2x32x128xf32, #tpu.memory_space<vmem>> -> memref<1x32x128xf32, #tpu.memory_space<vmem>>
        %parallel_loop3A_680 = tpu.memref_squeeze %parallel_loop3A_679 : memref<1x32x128xf32, #tpu.memory_space<vmem>> -> memref<32x128xf32, #tpu.memory_space<vmem>>
        %parallel_loop3A_681 = arith.index_cast %parallel_loop3A_564 : i32 to index
        %parallel_loop3A_682 = arith.constant 96 : index
        %parallel_loop3A_683 = tpu.vector_load %parallel_loop3A_680[%parallel_loop3A_681, %parallel_loop3A_682] {strides = array<i32>} : memref<32x128xf32, #tpu.memory_space<vmem>>, vector<16xf32>,
        tpu.vector_store %parallel_loop3A_680[%parallel_loop3A_681, %parallel_loop3A_682], %parallel_loop3A_676 {strides = array<i32>} : memref<32x128xf32, #tpu.memory_space<vmem>>, vector<16xf32>,
        %parallel_loop3A_684 = arith.constant 128 : i32
        %parallel_loop3A_685 = arith.muli %parallel_loop3A_564, %parallel_loop3A_684 : i32
        %parallel_loop3A_686 = arith.constant 112 : i32
        %parallel_loop3A_687 = arith.addi %parallel_loop3A_685, %parallel_loop3A_686 : i32
        %parallel_loop3A_688 = arith.constant 0 : i32
        %parallel_loop3A_689 = tpu.memref_slice %arg7[%parallel_loop3A_531, %parallel_loop3A_688] : memref<2x4096xi32, #tpu.memory_space<vmem>> -> memref<1x4096xi32, #tpu.memory_space<vmem>>
        %parallel_loop3A_690 = tpu.memref_squeeze %parallel_loop3A_689 : memref<1x4096xi32, #tpu.memory_space<vmem>> -> memref<4096xi32, #tpu.memory_space<vmem>>
        %parallel_loop3A_691 = arith.index_cast %parallel_loop3A_687 : i32 to index
        %parallel_loop3A_692 = tpu.vector_load %parallel_loop3A_690[%parallel_loop3A_691] {strides = array<i32>} : memref<4096xi32, #tpu.memory_space<vmem>>, vector<16xi32>,
        %parallel_loop3A_693 = tpu.vector_load_idx %arg6[%parallel_loop3A_692] : memref<100000xf32, #tpu.memory_space<vmem>>[vector<16xi32>], vector<16xf32>,
        %parallel_loop3A_694 = arith.constant 0 : i32
        %parallel_loop3A_695 = arith.constant 0 : i32
        %parallel_loop3A_696 = tpu.memref_slice %arg8[%parallel_loop3A_532, %parallel_loop3A_694, %parallel_loop3A_695] : memref<2x32x128xf32, #tpu.memory_space<vmem>> -> memref<1x32x128xf32, #tpu.memory_space<vmem>>
        %parallel_loop3A_697 = tpu.memref_squeeze %parallel_loop3A_696 : memref<1x32x128xf32, #tpu.memory_space<vmem>> -> memref<32x128xf32, #tpu.memory_space<vmem>>
        %parallel_loop3A_698 = arith.index_cast %parallel_loop3A_564 : i32 to index
        %parallel_loop3A_699 = arith.constant 112 : index
        %parallel_loop3A_700 = tpu.vector_load %parallel_loop3A_697[%parallel_loop3A_698, %parallel_loop3A_699] {strides = array<i32>} : memref<32x128xf32, #tpu.memory_space<vmem>>, vector<16xf32>,
        tpu.vector_store %parallel_loop3A_697[%parallel_loop3A_698, %parallel_loop3A_699], %parallel_loop3A_693 {strides = array<i32>} : memref<32x128xf32, #tpu.memory_space<vmem>>, vector<16xf32>,
      } {sc.loop_unroll_factor = 4 : i64, sc.parallel_access}
      %add3A_533 = arith.constant 0 : i32
      %add3A_534 = arith.addi %add3A_533, %add3A_506 : i32
      %dma_start3A_535 = arith.constant 1 : i32
      %dma_start3A_536 = arith.constant 1 : i32
      %dma_start3A_537 = arith.constant 0 : i32
      %dma_start3A_538 = arith.constant 0 : i32
      %dma_start3A_539 = tpu.memref_slice %arg8[%dma_start3A_535, %dma_start3A_537, %dma_start3A_538] : memref<2x32x128xf32, #tpu.memory_space<vmem>> -> memref<1x32x128xf32, #tpu.memory_space<vmem>>
      %dma_start3A_540 = tpu.memref_squeeze %dma_start3A_539 : memref<1x32x128xf32, #tpu.memory_space<vmem>> -> memref<32x128xf32, #tpu.memory_space<vmem>>
      %dma_start3A_541 = arith.constant 0 : i32
      %dma_start3A_542 = arith.constant 0 : i32
      %dma_start3A_543 = tpu.memref_slice %arg4[%add3A_534, %select_n3A, %dma_start3A_541, %select_n3A_34, %dma_start3A_542] : memref<100x8x32x8x128xf32, #tpu.memory_space<hbm>> -> memref<1x1x32x1x128xf32, #tpu.memory_space<hbm>>
      %dma_start3A_544 = tpu.memref_squeeze %dma_start3A_543 : memref<1x1x32x1x128xf32, #tpu.memory_space<hbm>> -> memref<32x128xf32, #tpu.memory_space<hbm>>
      %dma_start3A_545 = tpu.memref_slice %arg11[%dma_start3A_536] : memref<2x!tpu.dma_semaphore, #tpu.memory_space<semaphore_mem>> -> memref<1x!tpu.dma_semaphore, #tpu.memory_space<semaphore_mem>>
      %dma_start3A_546 = tpu.memref_squeeze %dma_start3A_545 : memref<1x!tpu.dma_semaphore, #tpu.memory_space<semaphore_mem>> -> memref<!tpu.dma_semaphore, #tpu.memory_space<semaphore_mem>>
      %dma_start3A_547 = arith.constant 0 : i32
      %dma_start3A_548 = arith.constant 0 : i32
      %dma_start3A_549 = tpu.memref_slice %arg4[%add3A_534, %select_n3A, %dma_start3A_547, %select_n3A_34, %dma_start3A_548] : memref<100x8x32x8x128xf32, #tpu.memory_space<hbm>> -> memref<1x1x32x1x128xf32, #tpu.memory_space<hbm>>
      %dma_start3A_550 = tpu.memref_squeeze %dma_start3A_549 : memref<1x1x32x1x128xf32, #tpu.memory_space<hbm>> -> memref<32x128xf32, #tpu.memory_space<hbm>>
      %dma_start3A_551 = arith.constant 0 : i32
      %dma_start3A_552 = arith.constant 0 : i32
      %dma_start3A_553 = tpu.memref_slice %arg8[%dma_start3A_535, %dma_start3A_551, %dma_start3A_552] : memref<2x32x128xf32, #tpu.memory_space<vmem>> -> memref<1x32x128xf32, #tpu.memory_space<vmem>>
      %dma_start3A_554 = tpu.memref_squeeze %dma_start3A_553 : memref<1x32x128xf32, #tpu.memory_space<vmem>> -> memref<32x128xf32, #tpu.memory_space<vmem>>
      tpu.enqueue_dma source(%dma_start3A_554 : memref<32x128xf32, #tpu.memory_space<vmem>>) target(%dma_start3A_550 : memref<32x128xf32, #tpu.memory_space<hbm>>) target_semaphore(%dma_start3A_546 : memref<!tpu.dma_semaphore, #tpu.memory_space<semaphore_mem>>)
      %add3A_555 = arith.constant 1 : i32
      %add3A_556 = arith.addi %add3A_447, %add3A_555 : i32
      %add3A_557 = arith.constant 2 : i32
      %add3A_558 = arith.addi %add3A_556, %add3A_557 : i32
      %lt3A_559 = arith.constant 50 : i32
      %lt3A_560 = arith.cmpi slt, %add3A_558, %lt3A_559 : i32
      %convert_element_type3A_561 = arith.extui %lt3A_560 : i1 to i32
      %cond3A_562 = arith.constant 0 : i32
      %cond3A_563 = arith.cmpi ne, %convert_element_type3A_561, %cond3A_562 : i32
      scf.if %cond3A_563 {
        %add3A_564 = arith.constant 2 : i32
        %add3A_565 = arith.addi %add3A_506, %add3A_564 : i32
        %mul3A_566 = arith.constant 4096 : i32
        %mul3A_567 = arith.muli %add3A_565, %mul3A_566 : i32
        %dma_start3A_568 = arith.constant 1 : i32
        %dma_start3A_569 = arith.constant 1 : i32
        %dma_start3A_570 = arith.constant 0 : i32
        %dma_start3A_571 = tpu.memref_slice %arg7[%dma_start3A_568, %dma_start3A_570] : memref<2x4096xi32, #tpu.memory_space<vmem>> -> memref<1x4096xi32, #tpu.memory_space<vmem>>
        %dma_start3A_572 = tpu.memref_squeeze %dma_start3A_571 : memref<1x4096xi32, #tpu.memory_space<vmem>> -> memref<4096xi32, #tpu.memory_space<vmem>>
        %dma_start3A_573 = tpu.memref_slice %arg5[%mul3A_567] : memref<204800xi32, #tpu.memory_space<vmem_shared>> -> memref<4096xi32, #tpu.memory_space<vmem_shared>>
        %dma_start3A_574 = tpu.memref_slice %arg10[%dma_start3A_569] : memref<2x!tpu.dma_semaphore, #tpu.memory_space<semaphore_mem>> -> memref<1x!tpu.dma_semaphore, #tpu.memory_space<semaphore_mem>>
        %dma_start3A_575 = tpu.memref_squeeze %dma_start3A_574 : memref<1x!tpu.dma_semaphore, #tpu.memory_space<semaphore_mem>> -> memref<!tpu.dma_semaphore, #tpu.memory_space<semaphore_mem>>
        %dma_start3A_576 = arith.constant 0 : i32
        %dma_start3A_577 = tpu.memref_slice %arg7[%dma_start3A_568, %dma_start3A_576] : memref<2x4096xi32, #tpu.memory_space<vmem>> -> memref<1x4096xi32, #tpu.memory_space<vmem>>
        %dma_start3A_578 = tpu.memref_squeeze %dma_start3A_577 : memref<1x4096xi32, #tpu.memory_space<vmem>> -> memref<4096xi32, #tpu.memory_space<vmem>>
        %dma_start3A_579 = tpu.memref_slice %arg5[%mul3A_567] : memref<204800xi32, #tpu.memory_space<vmem_shared>> -> memref<4096xi32, #tpu.memory_space<vmem_shared>>
        tpu.enqueue_dma source(%dma_start3A_579 : memref<4096xi32, #tpu.memory_space<vmem_shared>>) target(%dma_start3A_578 : memref<4096xi32, #tpu.memory_space<vmem>>) target_semaphore(%dma_start3A_575 : memref<!tpu.dma_semaphore, #tpu.memory_space<semaphore_mem>>)
      } else {
      }
    }
    %scan3A_81 = arith.constant 25 : i32
    %dma_wait3A_82 = arith.constant 0 : i32
    %dma_wait3A_83 = arith.constant 0 : i32
    %dma_wait3A_84 = arith.constant 0 : i32
    %dma_wait3A_85 = arith.constant 0 : i32
    %dma_wait3A_86 = arith.constant 0 : i32
    %dma_wait3A_87 = arith.constant 0 : i32
    %dma_wait3A_88 = arith.constant 0 : i32
    %dma_wait3A_89 = tpu.memref_slice %arg8[%dma_wait3A_82, %dma_wait3A_87, %dma_wait3A_88] : memref<2x32x128xf32, #tpu.memory_space<vmem>> -> memref<1x32x128xf32, #tpu.memory_space<vmem>>
    %dma_wait3A_90 = tpu.memref_squeeze %dma_wait3A_89 : memref<1x32x128xf32, #tpu.memory_space<vmem>> -> memref<32x128xf32, #tpu.memory_space<vmem>>
    %dma_wait3A_91 = arith.constant 0 : i32
    %dma_wait3A_92 = arith.constant 0 : i32
    %dma_wait3A_93 = tpu.memref_slice %arg4[%dma_wait3A_83, %dma_wait3A_84, %dma_wait3A_91, %dma_wait3A_85, %dma_wait3A_92] : memref<100x8x32x8x128xf32, #tpu.memory_space<hbm>> -> memref<1x1x32x1x128xf32, #tpu.memory_space<hbm>>
    %dma_wait3A_94 = tpu.memref_squeeze %dma_wait3A_93 : memref<1x1x32x1x128xf32, #tpu.memory_space<hbm>> -> memref<32x128xf32, #tpu.memory_space<hbm>>
    %dma_wait3A_95 = tpu.memref_slice %arg11[%dma_wait3A_86] : memref<2x!tpu.dma_semaphore, #tpu.memory_space<semaphore_mem>> -> memref<1x!tpu.dma_semaphore, #tpu.memory_space<semaphore_mem>>
    %dma_wait3A_96 = tpu.memref_squeeze %dma_wait3A_95 : memref<1x!tpu.dma_semaphore, #tpu.memory_space<semaphore_mem>> -> memref<!tpu.dma_semaphore, #tpu.memory_space<semaphore_mem>>
    %dma_wait3A_97 = arith.constant 0 : i32
    %dma_wait3A_98 = arith.constant 0 : i32
    %dma_wait3A_99 = tpu.memref_slice %arg4[%dma_wait3A_83, %dma_wait3A_84, %dma_wait3A_97, %dma_wait3A_85, %dma_wait3A_98] : memref<100x8x32x8x128xf32, #tpu.memory_space<hbm>> -> memref<1x1x32x1x128xf32, #tpu.memory_space<hbm>>
    %dma_wait3A_100 = tpu.memref_squeeze %dma_wait3A_99 : memref<1x1x32x1x128xf32, #tpu.memory_space<hbm>> -> memref<32x128xf32, #tpu.memory_space<hbm>>
    %dma_wait3A_101 = arith.constant 0 : i32
    %dma_wait3A_102 = arith.constant 0 : i32
    %dma_wait3A_103 = tpu.memref_slice %arg8[%dma_wait3A_82, %dma_wait3A_101, %dma_wait3A_102] : memref<2x32x128xf32, #tpu.memory_space<vmem>> -> memref<1x32x128xf32, #tpu.memory_space<vmem>>
    %dma_wait3A_104 = tpu.memref_squeeze %dma_wait3A_103 : memref<1x32x128xf32, #tpu.memory_space<vmem>> -> memref<32x128xf32, #tpu.memory_space<vmem>>
    tpu.wait_dma2 semaphore(%dma_wait3A_96 : memref<!tpu.dma_semaphore, #tpu.memory_space<semaphore_mem>>) src(%dma_wait3A_104 : memref<32x128xf32, #tpu.memory_space<vmem>>) dst(%dma_wait3A_100 : memref<32x128xf32, #tpu.memory_space<hbm>>)
    %dma_wait3A_105 = arith.constant 1 : i32
    %dma_wait3A_106 = arith.constant 0 : i32
    %dma_wait3A_107 = arith.constant 0 : i32
    %dma_wait3A_108 = arith.constant 0 : i32
    %dma_wait3A_109 = arith.constant 1 : i32
    %dma_wait3A_110 = arith.constant 0 : i32
    %dma_wait3A_111 = arith.constant 0 : i32
    %dma_wait3A_112 = tpu.memref_slice %arg8[%dma_wait3A_105, %dma_wait3A_110, %dma_wait3A_111] : memref<2x32x128xf32, #tpu.memory_space<vmem>> -> memref<1x32x128xf32, #tpu.memory_space<vmem>>
    %dma_wait3A_113 = tpu.memref_squeeze %dma_wait3A_112 : memref<1x32x128xf32, #tpu.memory_space<vmem>> -> memref<32x128xf32, #tpu.memory_space<vmem>>
    %dma_wait3A_114 = arith.constant 0 : i32
    %dma_wait3A_115 = arith.constant 0 : i32
    %dma_wait3A_116 = tpu.memref_slice %arg4[%dma_wait3A_106, %dma_wait3A_107, %dma_wait3A_114, %dma_wait3A_108, %dma_wait3A_115] : memref<100x8x32x8x128xf32, #tpu.memory_space<hbm>> -> memref<1x1x32x1x128xf32, #tpu.memory_space<hbm>>
    %dma_wait3A_117 = tpu.memref_squeeze %dma_wait3A_116 : memref<1x1x32x1x128xf32, #tpu.memory_space<hbm>> -> memref<32x128xf32, #tpu.memory_space<hbm>>
    %dma_wait3A_118 = tpu.memref_slice %arg11[%dma_wait3A_109] : memref<2x!tpu.dma_semaphore, #tpu.memory_space<semaphore_mem>> -> memref<1x!tpu.dma_semaphore, #tpu.memory_space<semaphore_mem>>
    %dma_wait3A_119 = tpu.memref_squeeze %dma_wait3A_118 : memref<1x!tpu.dma_semaphore, #tpu.memory_space<semaphore_mem>> -> memref<!tpu.dma_semaphore, #tpu.memory_space<semaphore_mem>>
    %dma_wait3A_120 = arith.constant 0 : i32
    %dma_wait3A_121 = arith.constant 0 : i32
    %dma_wait3A_122 = tpu.memref_slice %arg4[%dma_wait3A_106, %dma_wait3A_107, %dma_wait3A_120, %dma_wait3A_108, %dma_wait3A_121] : memref<100x8x32x8x128xf32, #tpu.memory_space<hbm>> -> memref<1x1x32x1x128xf32, #tpu.memory_space<hbm>>
    %dma_wait3A_123 = tpu.memref_squeeze %dma_wait3A_122 : memref<1x1x32x1x128xf32, #tpu.memory_space<hbm>> -> memref<32x128xf32, #tpu.memory_space<hbm>>
    %dma_wait3A_124 = arith.constant 0 : i32
    %dma_wait3A_125 = arith.constant 0 : i32
    %dma_wait3A_126 = tpu.memref_slice %arg8[%dma_wait3A_105, %dma_wait3A_124, %dma_wait3A_125] : memref<2x32x128xf32, #tpu.memory_space<vmem>> -> memref<1x32x128xf32, #tpu.memory_space<vmem>>
    %dma_wait3A_127 = tpu.memref_squeeze %dma_wait3A_126 : memref<1x32x128xf32, #tpu.memory_space<vmem>> -> memref<32x128xf32, #tpu.memory_space<vmem>>
    tpu.wait_dma2 semaphore(%dma_wait3A_119 : memref<!tpu.dma_semaphore, #tpu.memory_space<semaphore_mem>>) src(%dma_wait3A_127 : memref<32x128xf32, #tpu.memory_space<vmem>>) dst(%dma_wait3A_123 : memref<32x128xf32, #tpu.memory_space<hbm>>)
    %barrier3A_128 = arith.constant 0 : index
    tpu.barrier barrier_id(%barrier3A_128)
    %eq3A_129 = arith.constant 0 : i32
    %eq3A_130 = arith.cmpi eq, %arg1, %eq3A_129 : i32
    %convert_element_type3A_131 = arith.extui %eq3A_130 : i1 to i32
    %cond3A_132 = arith.constant 0 : i32
    %cond3A_133 = arith.cmpi ne, %convert_element_type3A_131, %cond3A_132 : i32
    scf.if %cond3A_133 {
      "tpu.region"() ({
        %run_scoped3A = tpu.sem_alloc : memref<!tpu.dma_semaphore, #tpu.memory_space<semaphore_mem>>
        %dma_start3A_443 = arith.constant 204800 : i32
        %dma_start3A_444 = tpu.memref_slice %arg2[%dma_start3A_443] : memref<409600xi32, #tpu.memory_space<hbm>> -> memref<204800xi32, #tpu.memory_space<hbm>>
        tpu.enqueue_dma source(%dma_start3A_444 : memref<204800xi32, #tpu.memory_space<hbm>>) target(%arg5 : memref<204800xi32, #tpu.memory_space<vmem_shared>>) target_semaphore(%run_scoped3A : memref<!tpu.dma_semaphore, #tpu.memory_space<semaphore_mem>>)
        %dma_wait3A_445 = arith.constant 204800 : i32
        %dma_wait3A_446 = tpu.memref_slice %arg2[%dma_wait3A_445] : memref<409600xi32, #tpu.memory_space<hbm>> -> memref<204800xi32, #tpu.memory_space<hbm>>
        tpu.wait_dma2 semaphore(%run_scoped3A : memref<!tpu.dma_semaphore, #tpu.memory_space<semaphore_mem>>) src(%dma_wait3A_446 : memref<204800xi32, #tpu.memory_space<hbm>>) dst(%arg5 : memref<204800xi32, #tpu.memory_space<vmem_shared>>)
        tpu.yield
      }) : () -> ()
    } else {
    }
    %barrier3A_134 = arith.constant 0 : index
    tpu.barrier barrier_id(%barrier3A_134)
    %dma_start3A_135 = arith.constant 0 : i32
    %dma_start3A_136 = arith.constant 0 : i32
    %dma_start3A_137 = arith.constant 0 : i32
    %dma_start3A_138 = tpu.memref_slice %arg7[%dma_start3A_135, %dma_start3A_137] : memref<2x4096xi32, #tpu.memory_space<vmem>> -> memref<1x4096xi32, #tpu.memory_space<vmem>>
    %dma_start3A_139 = tpu.memref_squeeze %dma_start3A_138 : memref<1x4096xi32, #tpu.memory_space<vmem>> -> memref<4096xi32, #tpu.memory_space<vmem>>
    %dma_start3A_140 = arith.constant 0 : i32
    %dma_start3A_141 = tpu.memref_slice %arg5[%dma_start3A_140] : memref<204800xi32, #tpu.memory_space<vmem_shared>> -> memref<4096xi32, #tpu.memory_space<vmem_shared>>
    %dma_start3A_142 = tpu.memref_slice %arg10[%dma_start3A_136] : memref<2x!tpu.dma_semaphore, #tpu.memory_space<semaphore_mem>> -> memref<1x!tpu.dma_semaphore, #tpu.memory_space<semaphore_mem>>
    %dma_start3A_143 = tpu.memref_squeeze %dma_start3A_142 : memref<1x!tpu.dma_semaphore, #tpu.memory_space<semaphore_mem>> -> memref<!tpu.dma_semaphore, #tpu.memory_space<semaphore_mem>>
    %dma_start3A_144 = arith.constant 0 : i32
    %dma_start3A_145 = tpu.memref_slice %arg7[%dma_start3A_135, %dma_start3A_144] : memref<2x4096xi32, #tpu.memory_space<vmem>> -> memref<1x4096xi32, #tpu.memory_space<vmem>>
    %dma_start3A_146 = tpu.memref_squeeze %dma_start3A_145 : memref<1x4096xi32, #tpu.memory_space<vmem>> -> memref<4096xi32, #tpu.memory_space<vmem>>
    %dma_start3A_147 = arith.constant 0 : i32
    %dma_start3A_148 = tpu.memref_slice %arg5[%dma_start3A_147] : memref<204800xi32, #tpu.memory_space<vmem_shared>> -> memref<4096xi32, #tpu.memory_space<vmem_shared>>
    tpu.enqueue_dma source(%dma_start3A_148 : memref<4096xi32, #tpu.memory_space<vmem_shared>>) target(%dma_start3A_146 : memref<4096xi32, #tpu.memory_space<vmem>>) target_semaphore(%dma_start3A_143 : memref<!tpu.dma_semaphore, #tpu.memory_space<semaphore_mem>>)
    %dma_start3A_149 = arith.constant 1 : i32
    %dma_start3A_150 = arith.constant 1 : i32
    %dma_start3A_151 = arith.constant 0 : i32
    %dma_start3A_152 = tpu.memref_slice %arg7[%dma_start3A_149, %dma_start3A_151] : memref<2x4096xi32, #tpu.memory_space<vmem>> -> memref<1x4096xi32, #tpu.memory_space<vmem>>
    %dma_start3A_153 = tpu.memref_squeeze %dma_start3A_152 : memref<1x4096xi32, #tpu.memory_space<vmem>> -> memref<4096xi32, #tpu.memory_space<vmem>>
    %dma_start3A_154 = arith.constant 4096 : i32
    %dma_start3A_155 = tpu.memref_slice %arg5[%dma_start3A_154] : memref<204800xi32, #tpu.memory_space<vmem_shared>> -> memref<4096xi32, #tpu.memory_space<vmem_shared>>
    %dma_start3A_156 = tpu.memref_slice %arg10[%dma_start3A_150] : memref<2x!tpu.dma_semaphore, #tpu.memory_space<semaphore_mem>> -> memref<1x!tpu.dma_semaphore, #tpu.memory_space<semaphore_mem>>
    %dma_start3A_157 = tpu.memref_squeeze %dma_start3A_156 : memref<1x!tpu.dma_semaphore, #tpu.memory_space<semaphore_mem>> -> memref<!tpu.dma_semaphore, #tpu.memory_space<semaphore_mem>>
    %dma_start3A_158 = arith.constant 0 : i32
    %dma_start3A_159 = tpu.memref_slice %arg7[%dma_start3A_149, %dma_start3A_158] : memref<2x4096xi32, #tpu.memory_space<vmem>> -> memref<1x4096xi32, #tpu.memory_space<vmem>>
    %dma_start3A_160 = tpu.memref_squeeze %dma_start3A_159 : memref<1x4096xi32, #tpu.memory_space<vmem>> -> memref<4096xi32, #tpu.memory_space<vmem>>
    %dma_start3A_161 = arith.constant 4096 : i32
    %dma_start3A_162 = tpu.memref_slice %arg5[%dma_start3A_161] : memref<204800xi32, #tpu.memory_space<vmem_shared>> -> memref<4096xi32, #tpu.memory_space<vmem_shared>>
    tpu.enqueue_dma source(%dma_start3A_162 : memref<4096xi32, #tpu.memory_space<vmem_shared>>) target(%dma_start3A_160 : memref<4096xi32, #tpu.memory_space<vmem>>) target_semaphore(%dma_start3A_157 : memref<!tpu.dma_semaphore, #tpu.memory_space<semaphore_mem>>)
    %scan3A_163 = arith.constant 0 : i32
    %scan3A_164 = arith.constant 25 : i32
    %scan3A_165 = arith.addi %scan3A_163, %scan3A_164 : i32
    %scan3A_166 = arith.constant 1 : i32
    scf.for %scan3A_443 = %scan3A_163 to %scan3A_165 step %scan3A_166  : i32 {
      %mul3A_444 = arith.constant 2 : i32
      %mul3A_445 = arith.muli %scan3A_443, %mul3A_444 : i32
      %add3A_446 = arith.constant 0 : i32
      %add3A_447 = arith.addi %add3A_446, %mul3A_445 : i32
      %add3A_448 = arith.constant 0 : i32
      %add3A_449 = arith.addi %add3A_447, %add3A_448 : i32
      %dma_wait3A_450 = arith.constant 0 : i32
      %dma_wait3A_451 = arith.constant 0 : i32
      %dma_wait3A_452 = arith.constant 0 : i32
      %dma_wait3A_453 = tpu.memref_slice %arg7[%dma_wait3A_450, %dma_wait3A_452] : memref<2x4096xi32, #tpu.memory_space<vmem>> -> memref<1x4096xi32, #tpu.memory_space<vmem>>
      %dma_wait3A_454 = tpu.memref_squeeze %dma_wait3A_453 : memref<1x4096xi32, #tpu.memory_space<vmem>> -> memref<4096xi32, #tpu.memory_space<vmem>>
      %dma_wait3A_455 = arith.constant 0 : i32
      %dma_wait3A_456 = tpu.memref_slice %arg5[%dma_wait3A_455] : memref<204800xi32, #tpu.memory_space<vmem_shared>> -> memref<4096xi32, #tpu.memory_space<vmem_shared>>
      %dma_wait3A_457 = tpu.memref_slice %arg10[%dma_wait3A_451] : memref<2x!tpu.dma_semaphore, #tpu.memory_space<semaphore_mem>> -> memref<1x!tpu.dma_semaphore, #tpu.memory_space<semaphore_mem>>
      %dma_wait3A_458 = tpu.memref_squeeze %dma_wait3A_457 : memref<1x!tpu.dma_semaphore, #tpu.memory_space<semaphore_mem>> -> memref<!tpu.dma_semaphore, #tpu.memory_space<semaphore_mem>>
      %dma_wait3A_459 = arith.constant 0 : i32
      %dma_wait3A_460 = tpu.memref_slice %arg7[%dma_wait3A_450, %dma_wait3A_459] : memref<2x4096xi32, #tpu.memory_space<vmem>> -> memref<1x4096xi32, #tpu.memory_space<vmem>>
      %dma_wait3A_461 = tpu.memref_squeeze %dma_wait3A_460 : memref<1x4096xi32, #tpu.memory_space<vmem>> -> memref<4096xi32, #tpu.memory_space<vmem>>
      %dma_wait3A_462 = arith.constant 0 : i32
      %dma_wait3A_463 = tpu.memref_slice %arg5[%dma_wait3A_462] : memref<204800xi32, #tpu.memory_space<vmem_shared>> -> memref<4096xi32, #tpu.memory_space<vmem_shared>>
      tpu.wait_dma2 semaphore(%dma_wait3A_458 : memref<!tpu.dma_semaphore, #tpu.memory_space<semaphore_mem>>) src(%dma_wait3A_463 : memref<4096xi32, #tpu.memory_space<vmem_shared>>) dst(%dma_wait3A_461 : memref<4096xi32, #tpu.memory_space<vmem>>)
      %add3A_464 = arith.constant 0 : i32
      %add3A_465 = arith.addi %add3A_447, %add3A_464 : i32
      %ge3A = arith.constant 2 : i32
      %ge3A_466 = arith.cmpi sge, %add3A_465, %ge3A : i32
      %convert_element_type3A_467 = arith.extui %ge3A_466 : i1 to i32
      %cond3A_468 = arith.constant 0 : i32
      %cond3A_469 = arith.cmpi ne, %convert_element_type3A_467, %cond3A_468 : i32
      scf.if %cond3A_469 {
        %dma_wait3A_564 = arith.constant 0 : i32
        %dma_wait3A_565 = arith.constant 0 : i32
        %dma_wait3A_566 = arith.constant 0 : i32
        %dma_wait3A_567 = arith.constant 0 : i32
        %dma_wait3A_568 = arith.constant 0 : i32
        %dma_wait3A_569 = arith.constant 0 : i32
        %dma_wait3A_570 = arith.constant 0 : i32
        %dma_wait3A_571 = tpu.memref_slice %arg8[%dma_wait3A_564, %dma_wait3A_569, %dma_wait3A_570] : memref<2x32x128xf32, #tpu.memory_space<vmem>> -> memref<1x32x128xf32, #tpu.memory_space<vmem>>
        %dma_wait3A_572 = tpu.memref_squeeze %dma_wait3A_571 : memref<1x32x128xf32, #tpu.memory_space<vmem>> -> memref<32x128xf32, #tpu.memory_space<vmem>>
        %dma_wait3A_573 = arith.constant 0 : i32
        %dma_wait3A_574 = arith.constant 0 : i32
        %dma_wait3A_575 = tpu.memref_slice %arg4[%dma_wait3A_565, %dma_wait3A_566, %dma_wait3A_573, %dma_wait3A_567, %dma_wait3A_574] : memref<100x8x32x8x128xf32, #tpu.memory_space<hbm>> -> memref<1x1x32x1x128xf32, #tpu.memory_space<hbm>>
        %dma_wait3A_576 = tpu.memref_squeeze %dma_wait3A_575 : memref<1x1x32x1x128xf32, #tpu.memory_space<hbm>> -> memref<32x128xf32, #tpu.memory_space<hbm>>
        %dma_wait3A_577 = tpu.memref_slice %arg11[%dma_wait3A_568] : memref<2x!tpu.dma_semaphore, #tpu.memory_space<semaphore_mem>> -> memref<1x!tpu.dma_semaphore, #tpu.memory_space<semaphore_mem>>
        %dma_wait3A_578 = tpu.memref_squeeze %dma_wait3A_577 : memref<1x!tpu.dma_semaphore, #tpu.memory_space<semaphore_mem>> -> memref<!tpu.dma_semaphore, #tpu.memory_space<semaphore_mem>>
        %dma_wait3A_579 = arith.constant 0 : i32
        %dma_wait3A_580 = arith.constant 0 : i32
        %dma_wait3A_581 = tpu.memref_slice %arg4[%dma_wait3A_565, %dma_wait3A_566, %dma_wait3A_579, %dma_wait3A_567, %dma_wait3A_580] : memref<100x8x32x8x128xf32, #tpu.memory_space<hbm>> -> memref<1x1x32x1x128xf32, #tpu.memory_space<hbm>>
        %dma_wait3A_582 = tpu.memref_squeeze %dma_wait3A_581 : memref<1x1x32x1x128xf32, #tpu.memory_space<hbm>> -> memref<32x128xf32, #tpu.memory_space<hbm>>
        %dma_wait3A_583 = arith.constant 0 : i32
        %dma_wait3A_584 = arith.constant 0 : i32
        %dma_wait3A_585 = tpu.memref_slice %arg8[%dma_wait3A_564, %dma_wait3A_583, %dma_wait3A_584] : memref<2x32x128xf32, #tpu.memory_space<vmem>> -> memref<1x32x128xf32, #tpu.memory_space<vmem>>
        %dma_wait3A_586 = tpu.memref_squeeze %dma_wait3A_585 : memref<1x32x128xf32, #tpu.memory_space<vmem>> -> memref<32x128xf32, #tpu.memory_space<vmem>>
        tpu.wait_dma2 semaphore(%dma_wait3A_578 : memref<!tpu.dma_semaphore, #tpu.memory_space<semaphore_mem>>) src(%dma_wait3A_586 : memref<32x128xf32, #tpu.memory_space<vmem>>) dst(%dma_wait3A_582 : memref<32x128xf32, #tpu.memory_space<hbm>>)
      } else {
      }
      %parallel_loop3A = arith.constant 0 : i32
      %parallel_loop3A_470 = arith.constant 32 : i32
      %parallel_loop3A_471 = arith.constant 1 : i32
      %parallel_loop3A_472 = arith.constant 0 : i32
      %parallel_loop3A_473 = arith.constant 0 : i32
      scf.for %parallel_loop3A_564 = %parallel_loop3A to %parallel_loop3A_470 step %parallel_loop3A_471  : i32 {
        %parallel_loop3A_565 = arith.constant 128 : i32
        %parallel_loop3A_566 = arith.muli %parallel_loop3A_564, %parallel_loop3A_565 : i32
        %parallel_loop3A_567 = arith.constant 0 : i32
        %parallel_loop3A_568 = arith.addi %parallel_loop3A_566, %parallel_loop3A_567 : i32
        %parallel_loop3A_569 = arith.constant 0 : i32
        %parallel_loop3A_570 = tpu.memref_slice %arg7[%parallel_loop3A_472, %parallel_loop3A_569] : memref<2x4096xi32, #tpu.memory_space<vmem>> -> memref<1x4096xi32, #tpu.memory_space<vmem>>
        %parallel_loop3A_571 = tpu.memref_squeeze %parallel_loop3A_570 : memref<1x4096xi32, #tpu.memory_space<vmem>> -> memref<4096xi32, #tpu.memory_space<vmem>>
        %parallel_loop3A_572 = arith.index_cast %parallel_loop3A_568 : i32 to index
        %parallel_loop3A_573 = tpu.vector_load %parallel_loop3A_571[%parallel_loop3A_572] {strides = array<i32>} : memref<4096xi32, #tpu.memory_space<vmem>>, vector<16xi32>,
        %parallel_loop3A_574 = tpu.vector_load_idx %arg6[%parallel_loop3A_573] : memref<100000xf32, #tpu.memory_space<vmem>>[vector<16xi32>], vector<16xf32>,
        %parallel_loop3A_575 = arith.constant 0 : i32
        %parallel_loop3A_576 = arith.constant 0 : i32
        %parallel_loop3A_577 = tpu.memref_slice %arg8[%parallel_loop3A_473, %parallel_loop3A_575, %parallel_loop3A_576] : memref<2x32x128xf32, #tpu.memory_space<vmem>> -> memref<1x32x128xf32, #tpu.memory_space<vmem>>
        %parallel_loop3A_578 = tpu.memref_squeeze %parallel_loop3A_577 : memref<1x32x128xf32, #tpu.memory_space<vmem>> -> memref<32x128xf32, #tpu.memory_space<vmem>>
        %parallel_loop3A_579 = arith.index_cast %parallel_loop3A_564 : i32 to index
        %parallel_loop3A_580 = arith.constant 0 : index
        %parallel_loop3A_581 = tpu.vector_load %parallel_loop3A_578[%parallel_loop3A_579, %parallel_loop3A_580] {strides = array<i32>} : memref<32x128xf32, #tpu.memory_space<vmem>>, vector<16xf32>,
        tpu.vector_store %parallel_loop3A_578[%parallel_loop3A_579, %parallel_loop3A_580], %parallel_loop3A_574 {strides = array<i32>} : memref<32x128xf32, #tpu.memory_space<vmem>>, vector<16xf32>,
        %parallel_loop3A_582 = arith.constant 128 : i32
        %parallel_loop3A_583 = arith.muli %parallel_loop3A_564, %parallel_loop3A_582 : i32
        %parallel_loop3A_584 = arith.constant 16 : i32
        %parallel_loop3A_585 = arith.addi %parallel_loop3A_583, %parallel_loop3A_584 : i32
        %parallel_loop3A_586 = arith.constant 0 : i32
        %parallel_loop3A_587 = tpu.memref_slice %arg7[%parallel_loop3A_472, %parallel_loop3A_586] : memref<2x4096xi32, #tpu.memory_space<vmem>> -> memref<1x4096xi32, #tpu.memory_space<vmem>>
        %parallel_loop3A_588 = tpu.memref_squeeze %parallel_loop3A_587 : memref<1x4096xi32, #tpu.memory_space<vmem>> -> memref<4096xi32, #tpu.memory_space<vmem>>
        %parallel_loop3A_589 = arith.index_cast %parallel_loop3A_585 : i32 to index
        %parallel_loop3A_590 = tpu.vector_load %parallel_loop3A_588[%parallel_loop3A_589] {strides = array<i32>} : memref<4096xi32, #tpu.memory_space<vmem>>, vector<16xi32>,
        %parallel_loop3A_591 = tpu.vector_load_idx %arg6[%parallel_loop3A_590] : memref<100000xf32, #tpu.memory_space<vmem>>[vector<16xi32>], vector<16xf32>,
        %parallel_loop3A_592 = arith.constant 0 : i32
        %parallel_loop3A_593 = arith.constant 0 : i32
        %parallel_loop3A_594 = tpu.memref_slice %arg8[%parallel_loop3A_473, %parallel_loop3A_592, %parallel_loop3A_593] : memref<2x32x128xf32, #tpu.memory_space<vmem>> -> memref<1x32x128xf32, #tpu.memory_space<vmem>>
        %parallel_loop3A_595 = tpu.memref_squeeze %parallel_loop3A_594 : memref<1x32x128xf32, #tpu.memory_space<vmem>> -> memref<32x128xf32, #tpu.memory_space<vmem>>
        %parallel_loop3A_596 = arith.index_cast %parallel_loop3A_564 : i32 to index
        %parallel_loop3A_597 = arith.constant 16 : index
        %parallel_loop3A_598 = tpu.vector_load %parallel_loop3A_595[%parallel_loop3A_596, %parallel_loop3A_597] {strides = array<i32>} : memref<32x128xf32, #tpu.memory_space<vmem>>, vector<16xf32>,
        tpu.vector_store %parallel_loop3A_595[%parallel_loop3A_596, %parallel_loop3A_597], %parallel_loop3A_591 {strides = array<i32>} : memref<32x128xf32, #tpu.memory_space<vmem>>, vector<16xf32>,
        %parallel_loop3A_599 = arith.constant 128 : i32
        %parallel_loop3A_600 = arith.muli %parallel_loop3A_564, %parallel_loop3A_599 : i32
        %parallel_loop3A_601 = arith.constant 32 : i32
        %parallel_loop3A_602 = arith.addi %parallel_loop3A_600, %parallel_loop3A_601 : i32
        %parallel_loop3A_603 = arith.constant 0 : i32
        %parallel_loop3A_604 = tpu.memref_slice %arg7[%parallel_loop3A_472, %parallel_loop3A_603] : memref<2x4096xi32, #tpu.memory_space<vmem>> -> memref<1x4096xi32, #tpu.memory_space<vmem>>
        %parallel_loop3A_605 = tpu.memref_squeeze %parallel_loop3A_604 : memref<1x4096xi32, #tpu.memory_space<vmem>> -> memref<4096xi32, #tpu.memory_space<vmem>>
        %parallel_loop3A_606 = arith.index_cast %parallel_loop3A_602 : i32 to index
        %parallel_loop3A_607 = tpu.vector_load %parallel_loop3A_605[%parallel_loop3A_606] {strides = array<i32>} : memref<4096xi32, #tpu.memory_space<vmem>>, vector<16xi32>,
        %parallel_loop3A_608 = tpu.vector_load_idx %arg6[%parallel_loop3A_607] : memref<100000xf32, #tpu.memory_space<vmem>>[vector<16xi32>], vector<16xf32>,
        %parallel_loop3A_609 = arith.constant 0 : i32
        %parallel_loop3A_610 = arith.constant 0 : i32
        %parallel_loop3A_611 = tpu.memref_slice %arg8[%parallel_loop3A_473, %parallel_loop3A_609, %parallel_loop3A_610] : memref<2x32x128xf32, #tpu.memory_space<vmem>> -> memref<1x32x128xf32, #tpu.memory_space<vmem>>
        %parallel_loop3A_612 = tpu.memref_squeeze %parallel_loop3A_611 : memref<1x32x128xf32, #tpu.memory_space<vmem>> -> memref<32x128xf32, #tpu.memory_space<vmem>>
        %parallel_loop3A_613 = arith.index_cast %parallel_loop3A_564 : i32 to index
        %parallel_loop3A_614 = arith.constant 32 : index
        %parallel_loop3A_615 = tpu.vector_load %parallel_loop3A_612[%parallel_loop3A_613, %parallel_loop3A_614] {strides = array<i32>} : memref<32x128xf32, #tpu.memory_space<vmem>>, vector<16xf32>,
        tpu.vector_store %parallel_loop3A_612[%parallel_loop3A_613, %parallel_loop3A_614], %parallel_loop3A_608 {strides = array<i32>} : memref<32x128xf32, #tpu.memory_space<vmem>>, vector<16xf32>,
        %parallel_loop3A_616 = arith.constant 128 : i32
        %parallel_loop3A_617 = arith.muli %parallel_loop3A_564, %parallel_loop3A_616 : i32
        %parallel_loop3A_618 = arith.constant 48 : i32
        %parallel_loop3A_619 = arith.addi %parallel_loop3A_617, %parallel_loop3A_618 : i32
        %parallel_loop3A_620 = arith.constant 0 : i32
        %parallel_loop3A_621 = tpu.memref_slice %arg7[%parallel_loop3A_472, %parallel_loop3A_620] : memref<2x4096xi32, #tpu.memory_space<vmem>> -> memref<1x4096xi32, #tpu.memory_space<vmem>>
        %parallel_loop3A_622 = tpu.memref_squeeze %parallel_loop3A_621 : memref<1x4096xi32, #tpu.memory_space<vmem>> -> memref<4096xi32, #tpu.memory_space<vmem>>
        %parallel_loop3A_623 = arith.index_cast %parallel_loop3A_619 : i32 to index
        %parallel_loop3A_624 = tpu.vector_load %parallel_loop3A_622[%parallel_loop3A_623] {strides = array<i32>} : memref<4096xi32, #tpu.memory_space<vmem>>, vector<16xi32>,
        %parallel_loop3A_625 = tpu.vector_load_idx %arg6[%parallel_loop3A_624] : memref<100000xf32, #tpu.memory_space<vmem>>[vector<16xi32>], vector<16xf32>,
        %parallel_loop3A_626 = arith.constant 0 : i32
        %parallel_loop3A_627 = arith.constant 0 : i32
        %parallel_loop3A_628 = tpu.memref_slice %arg8[%parallel_loop3A_473, %parallel_loop3A_626, %parallel_loop3A_627] : memref<2x32x128xf32, #tpu.memory_space<vmem>> -> memref<1x32x128xf32, #tpu.memory_space<vmem>>
        %parallel_loop3A_629 = tpu.memref_squeeze %parallel_loop3A_628 : memref<1x32x128xf32, #tpu.memory_space<vmem>> -> memref<32x128xf32, #tpu.memory_space<vmem>>
        %parallel_loop3A_630 = arith.index_cast %parallel_loop3A_564 : i32 to index
        %parallel_loop3A_631 = arith.constant 48 : index
        %parallel_loop3A_632 = tpu.vector_load %parallel_loop3A_629[%parallel_loop3A_630, %parallel_loop3A_631] {strides = array<i32>} : memref<32x128xf32, #tpu.memory_space<vmem>>, vector<16xf32>,
        tpu.vector_store %parallel_loop3A_629[%parallel_loop3A_630, %parallel_loop3A_631], %parallel_loop3A_625 {strides = array<i32>} : memref<32x128xf32, #tpu.memory_space<vmem>>, vector<16xf32>,
        %parallel_loop3A_633 = arith.constant 128 : i32
        %parallel_loop3A_634 = arith.muli %parallel_loop3A_564, %parallel_loop3A_633 : i32
        %parallel_loop3A_635 = arith.constant 64 : i32
        %parallel_loop3A_636 = arith.addi %parallel_loop3A_634, %parallel_loop3A_635 : i32
        %parallel_loop3A_637 = arith.constant 0 : i32
        %parallel_loop3A_638 = tpu.memref_slice %arg7[%parallel_loop3A_472, %parallel_loop3A_637] : memref<2x4096xi32, #tpu.memory_space<vmem>> -> memref<1x4096xi32, #tpu.memory_space<vmem>>
        %parallel_loop3A_639 = tpu.memref_squeeze %parallel_loop3A_638 : memref<1x4096xi32, #tpu.memory_space<vmem>> -> memref<4096xi32, #tpu.memory_space<vmem>>
        %parallel_loop3A_640 = arith.index_cast %parallel_loop3A_636 : i32 to index
        %parallel_loop3A_641 = tpu.vector_load %parallel_loop3A_639[%parallel_loop3A_640] {strides = array<i32>} : memref<4096xi32, #tpu.memory_space<vmem>>, vector<16xi32>,
        %parallel_loop3A_642 = tpu.vector_load_idx %arg6[%parallel_loop3A_641] : memref<100000xf32, #tpu.memory_space<vmem>>[vector<16xi32>], vector<16xf32>,
        %parallel_loop3A_643 = arith.constant 0 : i32
        %parallel_loop3A_644 = arith.constant 0 : i32
        %parallel_loop3A_645 = tpu.memref_slice %arg8[%parallel_loop3A_473, %parallel_loop3A_643, %parallel_loop3A_644] : memref<2x32x128xf32, #tpu.memory_space<vmem>> -> memref<1x32x128xf32, #tpu.memory_space<vmem>>
        %parallel_loop3A_646 = tpu.memref_squeeze %parallel_loop3A_645 : memref<1x32x128xf32, #tpu.memory_space<vmem>> -> memref<32x128xf32, #tpu.memory_space<vmem>>
        %parallel_loop3A_647 = arith.index_cast %parallel_loop3A_564 : i32 to index
        %parallel_loop3A_648 = arith.constant 64 : index
        %parallel_loop3A_649 = tpu.vector_load %parallel_loop3A_646[%parallel_loop3A_647, %parallel_loop3A_648] {strides = array<i32>} : memref<32x128xf32, #tpu.memory_space<vmem>>, vector<16xf32>,
        tpu.vector_store %parallel_loop3A_646[%parallel_loop3A_647, %parallel_loop3A_648], %parallel_loop3A_642 {strides = array<i32>} : memref<32x128xf32, #tpu.memory_space<vmem>>, vector<16xf32>,
        %parallel_loop3A_650 = arith.constant 128 : i32
        %parallel_loop3A_651 = arith.muli %parallel_loop3A_564, %parallel_loop3A_650 : i32
        %parallel_loop3A_652 = arith.constant 80 : i32
        %parallel_loop3A_653 = arith.addi %parallel_loop3A_651, %parallel_loop3A_652 : i32
        %parallel_loop3A_654 = arith.constant 0 : i32
        %parallel_loop3A_655 = tpu.memref_slice %arg7[%parallel_loop3A_472, %parallel_loop3A_654] : memref<2x4096xi32, #tpu.memory_space<vmem>> -> memref<1x4096xi32, #tpu.memory_space<vmem>>
        %parallel_loop3A_656 = tpu.memref_squeeze %parallel_loop3A_655 : memref<1x4096xi32, #tpu.memory_space<vmem>> -> memref<4096xi32, #tpu.memory_space<vmem>>
        %parallel_loop3A_657 = arith.index_cast %parallel_loop3A_653 : i32 to index
        %parallel_loop3A_658 = tpu.vector_load %parallel_loop3A_656[%parallel_loop3A_657] {strides = array<i32>} : memref<4096xi32, #tpu.memory_space<vmem>>, vector<16xi32>,
        %parallel_loop3A_659 = tpu.vector_load_idx %arg6[%parallel_loop3A_658] : memref<100000xf32, #tpu.memory_space<vmem>>[vector<16xi32>], vector<16xf32>,
        %parallel_loop3A_660 = arith.constant 0 : i32
        %parallel_loop3A_661 = arith.constant 0 : i32
        %parallel_loop3A_662 = tpu.memref_slice %arg8[%parallel_loop3A_473, %parallel_loop3A_660, %parallel_loop3A_661] : memref<2x32x128xf32, #tpu.memory_space<vmem>> -> memref<1x32x128xf32, #tpu.memory_space<vmem>>
        %parallel_loop3A_663 = tpu.memref_squeeze %parallel_loop3A_662 : memref<1x32x128xf32, #tpu.memory_space<vmem>> -> memref<32x128xf32, #tpu.memory_space<vmem>>
        %parallel_loop3A_664 = arith.index_cast %parallel_loop3A_564 : i32 to index
        %parallel_loop3A_665 = arith.constant 80 : index
        %parallel_loop3A_666 = tpu.vector_load %parallel_loop3A_663[%parallel_loop3A_664, %parallel_loop3A_665] {strides = array<i32>} : memref<32x128xf32, #tpu.memory_space<vmem>>, vector<16xf32>,
        tpu.vector_store %parallel_loop3A_663[%parallel_loop3A_664, %parallel_loop3A_665], %parallel_loop3A_659 {strides = array<i32>} : memref<32x128xf32, #tpu.memory_space<vmem>>, vector<16xf32>,
        %parallel_loop3A_667 = arith.constant 128 : i32
        %parallel_loop3A_668 = arith.muli %parallel_loop3A_564, %parallel_loop3A_667 : i32
        %parallel_loop3A_669 = arith.constant 96 : i32
        %parallel_loop3A_670 = arith.addi %parallel_loop3A_668, %parallel_loop3A_669 : i32
        %parallel_loop3A_671 = arith.constant 0 : i32
        %parallel_loop3A_672 = tpu.memref_slice %arg7[%parallel_loop3A_472, %parallel_loop3A_671] : memref<2x4096xi32, #tpu.memory_space<vmem>> -> memref<1x4096xi32, #tpu.memory_space<vmem>>
        %parallel_loop3A_673 = tpu.memref_squeeze %parallel_loop3A_672 : memref<1x4096xi32, #tpu.memory_space<vmem>> -> memref<4096xi32, #tpu.memory_space<vmem>>
        %parallel_loop3A_674 = arith.index_cast %parallel_loop3A_670 : i32 to index
        %parallel_loop3A_675 = tpu.vector_load %parallel_loop3A_673[%parallel_loop3A_674] {strides = array<i32>} : memref<4096xi32, #tpu.memory_space<vmem>>, vector<16xi32>,
        %parallel_loop3A_676 = tpu.vector_load_idx %arg6[%parallel_loop3A_675] : memref<100000xf32, #tpu.memory_space<vmem>>[vector<16xi32>], vector<16xf32>,
        %parallel_loop3A_677 = arith.constant 0 : i32
        %parallel_loop3A_678 = arith.constant 0 : i32
        %parallel_loop3A_679 = tpu.memref_slice %arg8[%parallel_loop3A_473, %parallel_loop3A_677, %parallel_loop3A_678] : memref<2x32x128xf32, #tpu.memory_space<vmem>> -> memref<1x32x128xf32, #tpu.memory_space<vmem>>
        %parallel_loop3A_680 = tpu.memref_squeeze %parallel_loop3A_679 : memref<1x32x128xf32, #tpu.memory_space<vmem>> -> memref<32x128xf32, #tpu.memory_space<vmem>>
        %parallel_loop3A_681 = arith.index_cast %parallel_loop3A_564 : i32 to index
        %parallel_loop3A_682 = arith.constant 96 : index
        %parallel_loop3A_683 = tpu.vector_load %parallel_loop3A_680[%parallel_loop3A_681, %parallel_loop3A_682] {strides = array<i32>} : memref<32x128xf32, #tpu.memory_space<vmem>>, vector<16xf32>,
        tpu.vector_store %parallel_loop3A_680[%parallel_loop3A_681, %parallel_loop3A_682], %parallel_loop3A_676 {strides = array<i32>} : memref<32x128xf32, #tpu.memory_space<vmem>>, vector<16xf32>,
        %parallel_loop3A_684 = arith.constant 128 : i32
        %parallel_loop3A_685 = arith.muli %parallel_loop3A_564, %parallel_loop3A_684 : i32
        %parallel_loop3A_686 = arith.constant 112 : i32
        %parallel_loop3A_687 = arith.addi %parallel_loop3A_685, %parallel_loop3A_686 : i32
        %parallel_loop3A_688 = arith.constant 0 : i32
        %parallel_loop3A_689 = tpu.memref_slice %arg7[%parallel_loop3A_472, %parallel_loop3A_688] : memref<2x4096xi32, #tpu.memory_space<vmem>> -> memref<1x4096xi32, #tpu.memory_space<vmem>>
        %parallel_loop3A_690 = tpu.memref_squeeze %parallel_loop3A_689 : memref<1x4096xi32, #tpu.memory_space<vmem>> -> memref<4096xi32, #tpu.memory_space<vmem>>
        %parallel_loop3A_691 = arith.index_cast %parallel_loop3A_687 : i32 to index
        %parallel_loop3A_692 = tpu.vector_load %parallel_loop3A_690[%parallel_loop3A_691] {strides = array<i32>} : memref<4096xi32, #tpu.memory_space<vmem>>, vector<16xi32>,
        %parallel_loop3A_693 = tpu.vector_load_idx %arg6[%parallel_loop3A_692] : memref<100000xf32, #tpu.memory_space<vmem>>[vector<16xi32>], vector<16xf32>,
        %parallel_loop3A_694 = arith.constant 0 : i32
        %parallel_loop3A_695 = arith.constant 0 : i32
        %parallel_loop3A_696 = tpu.memref_slice %arg8[%parallel_loop3A_473, %parallel_loop3A_694, %parallel_loop3A_695] : memref<2x32x128xf32, #tpu.memory_space<vmem>> -> memref<1x32x128xf32, #tpu.memory_space<vmem>>
        %parallel_loop3A_697 = tpu.memref_squeeze %parallel_loop3A_696 : memref<1x32x128xf32, #tpu.memory_space<vmem>> -> memref<32x128xf32, #tpu.memory_space<vmem>>
        %parallel_loop3A_698 = arith.index_cast %parallel_loop3A_564 : i32 to index
        %parallel_loop3A_699 = arith.constant 112 : index
        %parallel_loop3A_700 = tpu.vector_load %parallel_loop3A_697[%parallel_loop3A_698, %parallel_loop3A_699] {strides = array<i32>} : memref<32x128xf32, #tpu.memory_space<vmem>>, vector<16xf32>,
        tpu.vector_store %parallel_loop3A_697[%parallel_loop3A_698, %parallel_loop3A_699], %parallel_loop3A_693 {strides = array<i32>} : memref<32x128xf32, #tpu.memory_space<vmem>>, vector<16xf32>,
      } {sc.loop_unroll_factor = 4 : i64, sc.parallel_access}
      %add3A_474 = arith.constant 50 : i32
      %add3A_475 = arith.addi %add3A_474, %add3A_449 : i32
      %dma_start3A_476 = arith.constant 0 : i32
      %dma_start3A_477 = arith.constant 0 : i32
      %dma_start3A_478 = arith.constant 0 : i32
      %dma_start3A_479 = arith.constant 0 : i32
      %dma_start3A_480 = tpu.memref_slice %arg8[%dma_start3A_476, %dma_start3A_478, %dma_start3A_479] : memref<2x32x128xf32, #tpu.memory_space<vmem>> -> memref<1x32x128xf32, #tpu.memory_space<vmem>>
      %dma_start3A_481 = tpu.memref_squeeze %dma_start3A_480 : memref<1x32x128xf32, #tpu.memory_space<vmem>> -> memref<32x128xf32, #tpu.memory_space<vmem>>
      %dma_start3A_482 = arith.constant 0 : i32
      %dma_start3A_483 = arith.constant 0 : i32
      %dma_start3A_484 = tpu.memref_slice %arg4[%add3A_475, %select_n3A, %dma_start3A_482, %select_n3A_34, %dma_start3A_483] : memref<100x8x32x8x128xf32, #tpu.memory_space<hbm>> -> memref<1x1x32x1x128xf32, #tpu.memory_space<hbm>>
      %dma_start3A_485 = tpu.memref_squeeze %dma_start3A_484 : memref<1x1x32x1x128xf32, #tpu.memory_space<hbm>> -> memref<32x128xf32, #tpu.memory_space<hbm>>
      %dma_start3A_486 = tpu.memref_slice %arg11[%dma_start3A_477] : memref<2x!tpu.dma_semaphore, #tpu.memory_space<semaphore_mem>> -> memref<1x!tpu.dma_semaphore, #tpu.memory_space<semaphore_mem>>
      %dma_start3A_487 = tpu.memref_squeeze %dma_start3A_486 : memref<1x!tpu.dma_semaphore, #tpu.memory_space<semaphore_mem>> -> memref<!tpu.dma_semaphore, #tpu.memory_space<semaphore_mem>>
      %dma_start3A_488 = arith.constant 0 : i32
      %dma_start3A_489 = arith.constant 0 : i32
      %dma_start3A_490 = tpu.memref_slice %arg4[%add3A_475, %select_n3A, %dma_start3A_488, %select_n3A_34, %dma_start3A_489] : memref<100x8x32x8x128xf32, #tpu.memory_space<hbm>> -> memref<1x1x32x1x128xf32, #tpu.memory_space<hbm>>
      %dma_start3A_491 = tpu.memref_squeeze %dma_start3A_490 : memref<1x1x32x1x128xf32, #tpu.memory_space<hbm>> -> memref<32x128xf32, #tpu.memory_space<hbm>>
      %dma_start3A_492 = arith.constant 0 : i32
      %dma_start3A_493 = arith.constant 0 : i32
      %dma_start3A_494 = tpu.memref_slice %arg8[%dma_start3A_476, %dma_start3A_492, %dma_start3A_493] : memref<2x32x128xf32, #tpu.memory_space<vmem>> -> memref<1x32x128xf32, #tpu.memory_space<vmem>>
      %dma_start3A_495 = tpu.memref_squeeze %dma_start3A_494 : memref<1x32x128xf32, #tpu.memory_space<vmem>> -> memref<32x128xf32, #tpu.memory_space<vmem>>
      tpu.enqueue_dma source(%dma_start3A_495 : memref<32x128xf32, #tpu.memory_space<vmem>>) target(%dma_start3A_491 : memref<32x128xf32, #tpu.memory_space<hbm>>) target_semaphore(%dma_start3A_487 : memref<!tpu.dma_semaphore, #tpu.memory_space<semaphore_mem>>)
      %add3A_496 = arith.constant 0 : i32
      %add3A_497 = arith.addi %add3A_447, %add3A_496 : i32
      %add3A_498 = arith.constant 2 : i32
      %add3A_499 = arith.addi %add3A_497, %add3A_498 : i32
      %lt3A_500 = arith.constant 50 : i32
      %lt3A_501 = arith.cmpi slt, %add3A_499, %lt3A_500 : i32
      %convert_element_type3A_502 = arith.extui %lt3A_501 : i1 to i32
      %cond3A_503 = arith.constant 0 : i32
      %cond3A_504 = arith.cmpi ne, %convert_element_type3A_502, %cond3A_503 : i32
      scf.if %cond3A_504 {
        %add3A_564 = arith.constant 2 : i32
        %add3A_565 = arith.addi %add3A_449, %add3A_564 : i32
        %mul3A_566 = arith.constant 4096 : i32
        %mul3A_567 = arith.muli %add3A_565, %mul3A_566 : i32
        %dma_start3A_568 = arith.constant 0 : i32
        %dma_start3A_569 = arith.constant 0 : i32
        %dma_start3A_570 = arith.constant 0 : i32
        %dma_start3A_571 = tpu.memref_slice %arg7[%dma_start3A_568, %dma_start3A_570] : memref<2x4096xi32, #tpu.memory_space<vmem>> -> memref<1x4096xi32, #tpu.memory_space<vmem>>
        %dma_start3A_572 = tpu.memref_squeeze %dma_start3A_571 : memref<1x4096xi32, #tpu.memory_space<vmem>> -> memref<4096xi32, #tpu.memory_space<vmem>>
        %dma_start3A_573 = tpu.memref_slice %arg5[%mul3A_567] : memref<204800xi32, #tpu.memory_space<vmem_shared>> -> memref<4096xi32, #tpu.memory_space<vmem_shared>>
        %dma_start3A_574 = tpu.memref_slice %arg10[%dma_start3A_569] : memref<2x!tpu.dma_semaphore, #tpu.memory_space<semaphore_mem>> -> memref<1x!tpu.dma_semaphore, #tpu.memory_space<semaphore_mem>>
        %dma_start3A_575 = tpu.memref_squeeze %dma_start3A_574 : memref<1x!tpu.dma_semaphore, #tpu.memory_space<semaphore_mem>> -> memref<!tpu.dma_semaphore, #tpu.memory_space<semaphore_mem>>
        %dma_start3A_576 = arith.constant 0 : i32
        %dma_start3A_577 = tpu.memref_slice %arg7[%dma_start3A_568, %dma_start3A_576] : memref<2x4096xi32, #tpu.memory_space<vmem>> -> memref<1x4096xi32, #tpu.memory_space<vmem>>
        %dma_start3A_578 = tpu.memref_squeeze %dma_start3A_577 : memref<1x4096xi32, #tpu.memory_space<vmem>> -> memref<4096xi32, #tpu.memory_space<vmem>>
        %dma_start3A_579 = tpu.memref_slice %arg5[%mul3A_567] : memref<204800xi32, #tpu.memory_space<vmem_shared>> -> memref<4096xi32, #tpu.memory_space<vmem_shared>>
        tpu.enqueue_dma source(%dma_start3A_579 : memref<4096xi32, #tpu.memory_space<vmem_shared>>) target(%dma_start3A_578 : memref<4096xi32, #tpu.memory_space<vmem>>) target_semaphore(%dma_start3A_575 : memref<!tpu.dma_semaphore, #tpu.memory_space<semaphore_mem>>)
      } else {
      }
      %add3A_505 = arith.constant 1 : i32
      %add3A_506 = arith.addi %add3A_447, %add3A_505 : i32
      %dma_wait3A_507 = arith.constant 1 : i32
      %dma_wait3A_508 = arith.constant 1 : i32
      %dma_wait3A_509 = arith.constant 0 : i32
      %dma_wait3A_510 = tpu.memref_slice %arg7[%dma_wait3A_507, %dma_wait3A_509] : memref<2x4096xi32, #tpu.memory_space<vmem>> -> memref<1x4096xi32, #tpu.memory_space<vmem>>
      %dma_wait3A_511 = tpu.memref_squeeze %dma_wait3A_510 : memref<1x4096xi32, #tpu.memory_space<vmem>> -> memref<4096xi32, #tpu.memory_space<vmem>>
      %dma_wait3A_512 = arith.constant 0 : i32
      %dma_wait3A_513 = tpu.memref_slice %arg5[%dma_wait3A_512] : memref<204800xi32, #tpu.memory_space<vmem_shared>> -> memref<4096xi32, #tpu.memory_space<vmem_shared>>
      %dma_wait3A_514 = tpu.memref_slice %arg10[%dma_wait3A_508] : memref<2x!tpu.dma_semaphore, #tpu.memory_space<semaphore_mem>> -> memref<1x!tpu.dma_semaphore, #tpu.memory_space<semaphore_mem>>
      %dma_wait3A_515 = tpu.memref_squeeze %dma_wait3A_514 : memref<1x!tpu.dma_semaphore, #tpu.memory_space<semaphore_mem>> -> memref<!tpu.dma_semaphore, #tpu.memory_space<semaphore_mem>>
      %dma_wait3A_516 = arith.constant 0 : i32
      %dma_wait3A_517 = tpu.memref_slice %arg7[%dma_wait3A_507, %dma_wait3A_516] : memref<2x4096xi32, #tpu.memory_space<vmem>> -> memref<1x4096xi32, #tpu.memory_space<vmem>>
      %dma_wait3A_518 = tpu.memref_squeeze %dma_wait3A_517 : memref<1x4096xi32, #tpu.memory_space<vmem>> -> memref<4096xi32, #tpu.memory_space<vmem>>
      %dma_wait3A_519 = arith.constant 0 : i32
      %dma_wait3A_520 = tpu.memref_slice %arg5[%dma_wait3A_519] : memref<204800xi32, #tpu.memory_space<vmem_shared>> -> memref<4096xi32, #tpu.memory_space<vmem_shared>>
      tpu.wait_dma2 semaphore(%dma_wait3A_515 : memref<!tpu.dma_semaphore, #tpu.memory_space<semaphore_mem>>) src(%dma_wait3A_520 : memref<4096xi32, #tpu.memory_space<vmem_shared>>) dst(%dma_wait3A_518 : memref<4096xi32, #tpu.memory_space<vmem>>)
      %add3A_521 = arith.constant 1 : i32
      %add3A_522 = arith.addi %add3A_447, %add3A_521 : i32
      %ge3A_523 = arith.constant 2 : i32
      %ge3A_524 = arith.cmpi sge, %add3A_522, %ge3A_523 : i32
      %convert_element_type3A_525 = arith.extui %ge3A_524 : i1 to i32
      %cond3A_526 = arith.constant 0 : i32
      %cond3A_527 = arith.cmpi ne, %convert_element_type3A_525, %cond3A_526 : i32
      scf.if %cond3A_527 {
        %dma_wait3A_564 = arith.constant 1 : i32
        %dma_wait3A_565 = arith.constant 0 : i32
        %dma_wait3A_566 = arith.constant 0 : i32
        %dma_wait3A_567 = arith.constant 0 : i32
        %dma_wait3A_568 = arith.constant 1 : i32
        %dma_wait3A_569 = arith.constant 0 : i32
        %dma_wait3A_570 = arith.constant 0 : i32
        %dma_wait3A_571 = tpu.memref_slice %arg8[%dma_wait3A_564, %dma_wait3A_569, %dma_wait3A_570] : memref<2x32x128xf32, #tpu.memory_space<vmem>> -> memref<1x32x128xf32, #tpu.memory_space<vmem>>
        %dma_wait3A_572 = tpu.memref_squeeze %dma_wait3A_571 : memref<1x32x128xf32, #tpu.memory_space<vmem>> -> memref<32x128xf32, #tpu.memory_space<vmem>>
        %dma_wait3A_573 = arith.constant 0 : i32
        %dma_wait3A_574 = arith.constant 0 : i32
        %dma_wait3A_575 = tpu.memref_slice %arg4[%dma_wait3A_565, %dma_wait3A_566, %dma_wait3A_573, %dma_wait3A_567, %dma_wait3A_574] : memref<100x8x32x8x128xf32, #tpu.memory_space<hbm>> -> memref<1x1x32x1x128xf32, #tpu.memory_space<hbm>>
        %dma_wait3A_576 = tpu.memref_squeeze %dma_wait3A_575 : memref<1x1x32x1x128xf32, #tpu.memory_space<hbm>> -> memref<32x128xf32, #tpu.memory_space<hbm>>
        %dma_wait3A_577 = tpu.memref_slice %arg11[%dma_wait3A_568] : memref<2x!tpu.dma_semaphore, #tpu.memory_space<semaphore_mem>> -> memref<1x!tpu.dma_semaphore, #tpu.memory_space<semaphore_mem>>
        %dma_wait3A_578 = tpu.memref_squeeze %dma_wait3A_577 : memref<1x!tpu.dma_semaphore, #tpu.memory_space<semaphore_mem>> -> memref<!tpu.dma_semaphore, #tpu.memory_space<semaphore_mem>>
        %dma_wait3A_579 = arith.constant 0 : i32
        %dma_wait3A_580 = arith.constant 0 : i32
        %dma_wait3A_581 = tpu.memref_slice %arg4[%dma_wait3A_565, %dma_wait3A_566, %dma_wait3A_579, %dma_wait3A_567, %dma_wait3A_580] : memref<100x8x32x8x128xf32, #tpu.memory_space<hbm>> -> memref<1x1x32x1x128xf32, #tpu.memory_space<hbm>>
        %dma_wait3A_582 = tpu.memref_squeeze %dma_wait3A_581 : memref<1x1x32x1x128xf32, #tpu.memory_space<hbm>> -> memref<32x128xf32, #tpu.memory_space<hbm>>
        %dma_wait3A_583 = arith.constant 0 : i32
        %dma_wait3A_584 = arith.constant 0 : i32
        %dma_wait3A_585 = tpu.memref_slice %arg8[%dma_wait3A_564, %dma_wait3A_583, %dma_wait3A_584] : memref<2x32x128xf32, #tpu.memory_space<vmem>> -> memref<1x32x128xf32, #tpu.memory_space<vmem>>
        %dma_wait3A_586 = tpu.memref_squeeze %dma_wait3A_585 : memref<1x32x128xf32, #tpu.memory_space<vmem>> -> memref<32x128xf32, #tpu.memory_space<vmem>>
        tpu.wait_dma2 semaphore(%dma_wait3A_578 : memref<!tpu.dma_semaphore, #tpu.memory_space<semaphore_mem>>) src(%dma_wait3A_586 : memref<32x128xf32, #tpu.memory_space<vmem>>) dst(%dma_wait3A_582 : memref<32x128xf32, #tpu.memory_space<hbm>>)
      } else {
      }
      %parallel_loop3A_528 = arith.constant 0 : i32
      %parallel_loop3A_529 = arith.constant 32 : i32
      %parallel_loop3A_530 = arith.constant 1 : i32
      %parallel_loop3A_531 = arith.constant 1 : i32
      %parallel_loop3A_532 = arith.constant 1 : i32
      scf.for %parallel_loop3A_564 = %parallel_loop3A_528 to %parallel_loop3A_529 step %parallel_loop3A_530  : i32 {
        %parallel_loop3A_565 = arith.constant 128 : i32
        %parallel_loop3A_566 = arith.muli %parallel_loop3A_564, %parallel_loop3A_565 : i32
        %parallel_loop3A_567 = arith.constant 0 : i32
        %parallel_loop3A_568 = arith.addi %parallel_loop3A_566, %parallel_loop3A_567 : i32
        %parallel_loop3A_569 = arith.constant 0 : i32
        %parallel_loop3A_570 = tpu.memref_slice %arg7[%parallel_loop3A_531, %parallel_loop3A_569] : memref<2x4096xi32, #tpu.memory_space<vmem>> -> memref<1x4096xi32, #tpu.memory_space<vmem>>
        %parallel_loop3A_571 = tpu.memref_squeeze %parallel_loop3A_570 : memref<1x4096xi32, #tpu.memory_space<vmem>> -> memref<4096xi32, #tpu.memory_space<vmem>>
        %parallel_loop3A_572 = arith.index_cast %parallel_loop3A_568 : i32 to index
        %parallel_loop3A_573 = tpu.vector_load %parallel_loop3A_571[%parallel_loop3A_572] {strides = array<i32>} : memref<4096xi32, #tpu.memory_space<vmem>>, vector<16xi32>,
        %parallel_loop3A_574 = tpu.vector_load_idx %arg6[%parallel_loop3A_573] : memref<100000xf32, #tpu.memory_space<vmem>>[vector<16xi32>], vector<16xf32>,
        %parallel_loop3A_575 = arith.constant 0 : i32
        %parallel_loop3A_576 = arith.constant 0 : i32
        %parallel_loop3A_577 = tpu.memref_slice %arg8[%parallel_loop3A_532, %parallel_loop3A_575, %parallel_loop3A_576] : memref<2x32x128xf32, #tpu.memory_space<vmem>> -> memref<1x32x128xf32, #tpu.memory_space<vmem>>
        %parallel_loop3A_578 = tpu.memref_squeeze %parallel_loop3A_577 : memref<1x32x128xf32, #tpu.memory_space<vmem>> -> memref<32x128xf32, #tpu.memory_space<vmem>>
        %parallel_loop3A_579 = arith.index_cast %parallel_loop3A_564 : i32 to index
        %parallel_loop3A_580 = arith.constant 0 : index
        %parallel_loop3A_581 = tpu.vector_load %parallel_loop3A_578[%parallel_loop3A_579, %parallel_loop3A_580] {strides = array<i32>} : memref<32x128xf32, #tpu.memory_space<vmem>>, vector<16xf32>,
        tpu.vector_store %parallel_loop3A_578[%parallel_loop3A_579, %parallel_loop3A_580], %parallel_loop3A_574 {strides = array<i32>} : memref<32x128xf32, #tpu.memory_space<vmem>>, vector<16xf32>,
        %parallel_loop3A_582 = arith.constant 128 : i32
        %parallel_loop3A_583 = arith.muli %parallel_loop3A_564, %parallel_loop3A_582 : i32
        %parallel_loop3A_584 = arith.constant 16 : i32
        %parallel_loop3A_585 = arith.addi %parallel_loop3A_583, %parallel_loop3A_584 : i32
        %parallel_loop3A_586 = arith.constant 0 : i32
        %parallel_loop3A_587 = tpu.memref_slice %arg7[%parallel_loop3A_531, %parallel_loop3A_586] : memref<2x4096xi32, #tpu.memory_space<vmem>> -> memref<1x4096xi32, #tpu.memory_space<vmem>>
        %parallel_loop3A_588 = tpu.memref_squeeze %parallel_loop3A_587 : memref<1x4096xi32, #tpu.memory_space<vmem>> -> memref<4096xi32, #tpu.memory_space<vmem>>
        %parallel_loop3A_589 = arith.index_cast %parallel_loop3A_585 : i32 to index
        %parallel_loop3A_590 = tpu.vector_load %parallel_loop3A_588[%parallel_loop3A_589] {strides = array<i32>} : memref<4096xi32, #tpu.memory_space<vmem>>, vector<16xi32>,
        %parallel_loop3A_591 = tpu.vector_load_idx %arg6[%parallel_loop3A_590] : memref<100000xf32, #tpu.memory_space<vmem>>[vector<16xi32>], vector<16xf32>,
        %parallel_loop3A_592 = arith.constant 0 : i32
        %parallel_loop3A_593 = arith.constant 0 : i32
        %parallel_loop3A_594 = tpu.memref_slice %arg8[%parallel_loop3A_532, %parallel_loop3A_592, %parallel_loop3A_593] : memref<2x32x128xf32, #tpu.memory_space<vmem>> -> memref<1x32x128xf32, #tpu.memory_space<vmem>>
        %parallel_loop3A_595 = tpu.memref_squeeze %parallel_loop3A_594 : memref<1x32x128xf32, #tpu.memory_space<vmem>> -> memref<32x128xf32, #tpu.memory_space<vmem>>
        %parallel_loop3A_596 = arith.index_cast %parallel_loop3A_564 : i32 to index
        %parallel_loop3A_597 = arith.constant 16 : index
        %parallel_loop3A_598 = tpu.vector_load %parallel_loop3A_595[%parallel_loop3A_596, %parallel_loop3A_597] {strides = array<i32>} : memref<32x128xf32, #tpu.memory_space<vmem>>, vector<16xf32>,
        tpu.vector_store %parallel_loop3A_595[%parallel_loop3A_596, %parallel_loop3A_597], %parallel_loop3A_591 {strides = array<i32>} : memref<32x128xf32, #tpu.memory_space<vmem>>, vector<16xf32>,
        %parallel_loop3A_599 = arith.constant 128 : i32
        %parallel_loop3A_600 = arith.muli %parallel_loop3A_564, %parallel_loop3A_599 : i32
        %parallel_loop3A_601 = arith.constant 32 : i32
        %parallel_loop3A_602 = arith.addi %parallel_loop3A_600, %parallel_loop3A_601 : i32
        %parallel_loop3A_603 = arith.constant 0 : i32
        %parallel_loop3A_604 = tpu.memref_slice %arg7[%parallel_loop3A_531, %parallel_loop3A_603] : memref<2x4096xi32, #tpu.memory_space<vmem>> -> memref<1x4096xi32, #tpu.memory_space<vmem>>
        %parallel_loop3A_605 = tpu.memref_squeeze %parallel_loop3A_604 : memref<1x4096xi32, #tpu.memory_space<vmem>> -> memref<4096xi32, #tpu.memory_space<vmem>>
        %parallel_loop3A_606 = arith.index_cast %parallel_loop3A_602 : i32 to index
        %parallel_loop3A_607 = tpu.vector_load %parallel_loop3A_605[%parallel_loop3A_606] {strides = array<i32>} : memref<4096xi32, #tpu.memory_space<vmem>>, vector<16xi32>,
        %parallel_loop3A_608 = tpu.vector_load_idx %arg6[%parallel_loop3A_607] : memref<100000xf32, #tpu.memory_space<vmem>>[vector<16xi32>], vector<16xf32>,
        %parallel_loop3A_609 = arith.constant 0 : i32
        %parallel_loop3A_610 = arith.constant 0 : i32
        %parallel_loop3A_611 = tpu.memref_slice %arg8[%parallel_loop3A_532, %parallel_loop3A_609, %parallel_loop3A_610] : memref<2x32x128xf32, #tpu.memory_space<vmem>> -> memref<1x32x128xf32, #tpu.memory_space<vmem>>
        %parallel_loop3A_612 = tpu.memref_squeeze %parallel_loop3A_611 : memref<1x32x128xf32, #tpu.memory_space<vmem>> -> memref<32x128xf32, #tpu.memory_space<vmem>>
        %parallel_loop3A_613 = arith.index_cast %parallel_loop3A_564 : i32 to index
        %parallel_loop3A_614 = arith.constant 32 : index
        %parallel_loop3A_615 = tpu.vector_load %parallel_loop3A_612[%parallel_loop3A_613, %parallel_loop3A_614] {strides = array<i32>} : memref<32x128xf32, #tpu.memory_space<vmem>>, vector<16xf32>,
        tpu.vector_store %parallel_loop3A_612[%parallel_loop3A_613, %parallel_loop3A_614], %parallel_loop3A_608 {strides = array<i32>} : memref<32x128xf32, #tpu.memory_space<vmem>>, vector<16xf32>,
        %parallel_loop3A_616 = arith.constant 128 : i32
        %parallel_loop3A_617 = arith.muli %parallel_loop3A_564, %parallel_loop3A_616 : i32
        %parallel_loop3A_618 = arith.constant 48 : i32
        %parallel_loop3A_619 = arith.addi %parallel_loop3A_617, %parallel_loop3A_618 : i32
        %parallel_loop3A_620 = arith.constant 0 : i32
        %parallel_loop3A_621 = tpu.memref_slice %arg7[%parallel_loop3A_531, %parallel_loop3A_620] : memref<2x4096xi32, #tpu.memory_space<vmem>> -> memref<1x4096xi32, #tpu.memory_space<vmem>>
        %parallel_loop3A_622 = tpu.memref_squeeze %parallel_loop3A_621 : memref<1x4096xi32, #tpu.memory_space<vmem>> -> memref<4096xi32, #tpu.memory_space<vmem>>
        %parallel_loop3A_623 = arith.index_cast %parallel_loop3A_619 : i32 to index
        %parallel_loop3A_624 = tpu.vector_load %parallel_loop3A_622[%parallel_loop3A_623] {strides = array<i32>} : memref<4096xi32, #tpu.memory_space<vmem>>, vector<16xi32>,
        %parallel_loop3A_625 = tpu.vector_load_idx %arg6[%parallel_loop3A_624] : memref<100000xf32, #tpu.memory_space<vmem>>[vector<16xi32>], vector<16xf32>,
        %parallel_loop3A_626 = arith.constant 0 : i32
        %parallel_loop3A_627 = arith.constant 0 : i32
        %parallel_loop3A_628 = tpu.memref_slice %arg8[%parallel_loop3A_532, %parallel_loop3A_626, %parallel_loop3A_627] : memref<2x32x128xf32, #tpu.memory_space<vmem>> -> memref<1x32x128xf32, #tpu.memory_space<vmem>>
        %parallel_loop3A_629 = tpu.memref_squeeze %parallel_loop3A_628 : memref<1x32x128xf32, #tpu.memory_space<vmem>> -> memref<32x128xf32, #tpu.memory_space<vmem>>
        %parallel_loop3A_630 = arith.index_cast %parallel_loop3A_564 : i32 to index
        %parallel_loop3A_631 = arith.constant 48 : index
        %parallel_loop3A_632 = tpu.vector_load %parallel_loop3A_629[%parallel_loop3A_630, %parallel_loop3A_631] {strides = array<i32>} : memref<32x128xf32, #tpu.memory_space<vmem>>, vector<16xf32>,
        tpu.vector_store %parallel_loop3A_629[%parallel_loop3A_630, %parallel_loop3A_631], %parallel_loop3A_625 {strides = array<i32>} : memref<32x128xf32, #tpu.memory_space<vmem>>, vector<16xf32>,
        %parallel_loop3A_633 = arith.constant 128 : i32
        %parallel_loop3A_634 = arith.muli %parallel_loop3A_564, %parallel_loop3A_633 : i32
        %parallel_loop3A_635 = arith.constant 64 : i32
        %parallel_loop3A_636 = arith.addi %parallel_loop3A_634, %parallel_loop3A_635 : i32
        %parallel_loop3A_637 = arith.constant 0 : i32
        %parallel_loop3A_638 = tpu.memref_slice %arg7[%parallel_loop3A_531, %parallel_loop3A_637] : memref<2x4096xi32, #tpu.memory_space<vmem>> -> memref<1x4096xi32, #tpu.memory_space<vmem>>
        %parallel_loop3A_639 = tpu.memref_squeeze %parallel_loop3A_638 : memref<1x4096xi32, #tpu.memory_space<vmem>> -> memref<4096xi32, #tpu.memory_space<vmem>>
        %parallel_loop3A_640 = arith.index_cast %parallel_loop3A_636 : i32 to index
        %parallel_loop3A_641 = tpu.vector_load %parallel_loop3A_639[%parallel_loop3A_640] {strides = array<i32>} : memref<4096xi32, #tpu.memory_space<vmem>>, vector<16xi32>,
        %parallel_loop3A_642 = tpu.vector_load_idx %arg6[%parallel_loop3A_641] : memref<100000xf32, #tpu.memory_space<vmem>>[vector<16xi32>], vector<16xf32>,
        %parallel_loop3A_643 = arith.constant 0 : i32
        %parallel_loop3A_644 = arith.constant 0 : i32
        %parallel_loop3A_645 = tpu.memref_slice %arg8[%parallel_loop3A_532, %parallel_loop3A_643, %parallel_loop3A_644] : memref<2x32x128xf32, #tpu.memory_space<vmem>> -> memref<1x32x128xf32, #tpu.memory_space<vmem>>
        %parallel_loop3A_646 = tpu.memref_squeeze %parallel_loop3A_645 : memref<1x32x128xf32, #tpu.memory_space<vmem>> -> memref<32x128xf32, #tpu.memory_space<vmem>>
        %parallel_loop3A_647 = arith.index_cast %parallel_loop3A_564 : i32 to index
        %parallel_loop3A_648 = arith.constant 64 : index
        %parallel_loop3A_649 = tpu.vector_load %parallel_loop3A_646[%parallel_loop3A_647, %parallel_loop3A_648] {strides = array<i32>} : memref<32x128xf32, #tpu.memory_space<vmem>>, vector<16xf32>,
        tpu.vector_store %parallel_loop3A_646[%parallel_loop3A_647, %parallel_loop3A_648], %parallel_loop3A_642 {strides = array<i32>} : memref<32x128xf32, #tpu.memory_space<vmem>>, vector<16xf32>,
        %parallel_loop3A_650 = arith.constant 128 : i32
        %parallel_loop3A_651 = arith.muli %parallel_loop3A_564, %parallel_loop3A_650 : i32
        %parallel_loop3A_652 = arith.constant 80 : i32
        %parallel_loop3A_653 = arith.addi %parallel_loop3A_651, %parallel_loop3A_652 : i32
        %parallel_loop3A_654 = arith.constant 0 : i32
        %parallel_loop3A_655 = tpu.memref_slice %arg7[%parallel_loop3A_531, %parallel_loop3A_654] : memref<2x4096xi32, #tpu.memory_space<vmem>> -> memref<1x4096xi32, #tpu.memory_space<vmem>>
        %parallel_loop3A_656 = tpu.memref_squeeze %parallel_loop3A_655 : memref<1x4096xi32, #tpu.memory_space<vmem>> -> memref<4096xi32, #tpu.memory_space<vmem>>
        %parallel_loop3A_657 = arith.index_cast %parallel_loop3A_653 : i32 to index
        %parallel_loop3A_658 = tpu.vector_load %parallel_loop3A_656[%parallel_loop3A_657] {strides = array<i32>} : memref<4096xi32, #tpu.memory_space<vmem>>, vector<16xi32>,
        %parallel_loop3A_659 = tpu.vector_load_idx %arg6[%parallel_loop3A_658] : memref<100000xf32, #tpu.memory_space<vmem>>[vector<16xi32>], vector<16xf32>,
        %parallel_loop3A_660 = arith.constant 0 : i32
        %parallel_loop3A_661 = arith.constant 0 : i32
        %parallel_loop3A_662 = tpu.memref_slice %arg8[%parallel_loop3A_532, %parallel_loop3A_660, %parallel_loop3A_661] : memref<2x32x128xf32, #tpu.memory_space<vmem>> -> memref<1x32x128xf32, #tpu.memory_space<vmem>>
        %parallel_loop3A_663 = tpu.memref_squeeze %parallel_loop3A_662 : memref<1x32x128xf32, #tpu.memory_space<vmem>> -> memref<32x128xf32, #tpu.memory_space<vmem>>
        %parallel_loop3A_664 = arith.index_cast %parallel_loop3A_564 : i32 to index
        %parallel_loop3A_665 = arith.constant 80 : index
        %parallel_loop3A_666 = tpu.vector_load %parallel_loop3A_663[%parallel_loop3A_664, %parallel_loop3A_665] {strides = array<i32>} : memref<32x128xf32, #tpu.memory_space<vmem>>, vector<16xf32>,
        tpu.vector_store %parallel_loop3A_663[%parallel_loop3A_664, %parallel_loop3A_665], %parallel_loop3A_659 {strides = array<i32>} : memref<32x128xf32, #tpu.memory_space<vmem>>, vector<16xf32>,
        %parallel_loop3A_667 = arith.constant 128 : i32
        %parallel_loop3A_668 = arith.muli %parallel_loop3A_564, %parallel_loop3A_667 : i32
        %parallel_loop3A_669 = arith.constant 96 : i32
        %parallel_loop3A_670 = arith.addi %parallel_loop3A_668, %parallel_loop3A_669 : i32
        %parallel_loop3A_671 = arith.constant 0 : i32
        %parallel_loop3A_672 = tpu.memref_slice %arg7[%parallel_loop3A_531, %parallel_loop3A_671] : memref<2x4096xi32, #tpu.memory_space<vmem>> -> memref<1x4096xi32, #tpu.memory_space<vmem>>
        %parallel_loop3A_673 = tpu.memref_squeeze %parallel_loop3A_672 : memref<1x4096xi32, #tpu.memory_space<vmem>> -> memref<4096xi32, #tpu.memory_space<vmem>>
        %parallel_loop3A_674 = arith.index_cast %parallel_loop3A_670 : i32 to index
        %parallel_loop3A_675 = tpu.vector_load %parallel_loop3A_673[%parallel_loop3A_674] {strides = array<i32>} : memref<4096xi32, #tpu.memory_space<vmem>>, vector<16xi32>,
        %parallel_loop3A_676 = tpu.vector_load_idx %arg6[%parallel_loop3A_675] : memref<100000xf32, #tpu.memory_space<vmem>>[vector<16xi32>], vector<16xf32>,
        %parallel_loop3A_677 = arith.constant 0 : i32
        %parallel_loop3A_678 = arith.constant 0 : i32
        %parallel_loop3A_679 = tpu.memref_slice %arg8[%parallel_loop3A_532, %parallel_loop3A_677, %parallel_loop3A_678] : memref<2x32x128xf32, #tpu.memory_space<vmem>> -> memref<1x32x128xf32, #tpu.memory_space<vmem>>
        %parallel_loop3A_680 = tpu.memref_squeeze %parallel_loop3A_679 : memref<1x32x128xf32, #tpu.memory_space<vmem>> -> memref<32x128xf32, #tpu.memory_space<vmem>>
        %parallel_loop3A_681 = arith.index_cast %parallel_loop3A_564 : i32 to index
        %parallel_loop3A_682 = arith.constant 96 : index
        %parallel_loop3A_683 = tpu.vector_load %parallel_loop3A_680[%parallel_loop3A_681, %parallel_loop3A_682] {strides = array<i32>} : memref<32x128xf32, #tpu.memory_space<vmem>>, vector<16xf32>,
        tpu.vector_store %parallel_loop3A_680[%parallel_loop3A_681, %parallel_loop3A_682], %parallel_loop3A_676 {strides = array<i32>} : memref<32x128xf32, #tpu.memory_space<vmem>>, vector<16xf32>,
        %parallel_loop3A_684 = arith.constant 128 : i32
        %parallel_loop3A_685 = arith.muli %parallel_loop3A_564, %parallel_loop3A_684 : i32
        %parallel_loop3A_686 = arith.constant 112 : i32
        %parallel_loop3A_687 = arith.addi %parallel_loop3A_685, %parallel_loop3A_686 : i32
        %parallel_loop3A_688 = arith.constant 0 : i32
        %parallel_loop3A_689 = tpu.memref_slice %arg7[%parallel_loop3A_531, %parallel_loop3A_688] : memref<2x4096xi32, #tpu.memory_space<vmem>> -> memref<1x4096xi32, #tpu.memory_space<vmem>>
        %parallel_loop3A_690 = tpu.memref_squeeze %parallel_loop3A_689 : memref<1x4096xi32, #tpu.memory_space<vmem>> -> memref<4096xi32, #tpu.memory_space<vmem>>
        %parallel_loop3A_691 = arith.index_cast %parallel_loop3A_687 : i32 to index
        %parallel_loop3A_692 = tpu.vector_load %parallel_loop3A_690[%parallel_loop3A_691] {strides = array<i32>} : memref<4096xi32, #tpu.memory_space<vmem>>, vector<16xi32>,
        %parallel_loop3A_693 = tpu.vector_load_idx %arg6[%parallel_loop3A_692] : memref<100000xf32, #tpu.memory_space<vmem>>[vector<16xi32>], vector<16xf32>,
        %parallel_loop3A_694 = arith.constant 0 : i32
        %parallel_loop3A_695 = arith.constant 0 : i32
        %parallel_loop3A_696 = tpu.memref_slice %arg8[%parallel_loop3A_532, %parallel_loop3A_694, %parallel_loop3A_695] : memref<2x32x128xf32, #tpu.memory_space<vmem>> -> memref<1x32x128xf32, #tpu.memory_space<vmem>>
        %parallel_loop3A_697 = tpu.memref_squeeze %parallel_loop3A_696 : memref<1x32x128xf32, #tpu.memory_space<vmem>> -> memref<32x128xf32, #tpu.memory_space<vmem>>
        %parallel_loop3A_698 = arith.index_cast %parallel_loop3A_564 : i32 to index
        %parallel_loop3A_699 = arith.constant 112 : index
        %parallel_loop3A_700 = tpu.vector_load %parallel_loop3A_697[%parallel_loop3A_698, %parallel_loop3A_699] {strides = array<i32>} : memref<32x128xf32, #tpu.memory_space<vmem>>, vector<16xf32>,
        tpu.vector_store %parallel_loop3A_697[%parallel_loop3A_698, %parallel_loop3A_699], %parallel_loop3A_693 {strides = array<i32>} : memref<32x128xf32, #tpu.memory_space<vmem>>, vector<16xf32>,
      } {sc.loop_unroll_factor = 4 : i64, sc.parallel_access}
      %add3A_533 = arith.constant 50 : i32
      %add3A_534 = arith.addi %add3A_533, %add3A_506 : i32
      %dma_start3A_535 = arith.constant 1 : i32
      %dma_start3A_536 = arith.constant 1 : i32
      %dma_start3A_537 = arith.constant 0 : i32
      %dma_start3A_538 = arith.constant 0 : i32
      %dma_start3A_539 = tpu.memref_slice %arg8[%dma_start3A_535, %dma_start3A_537, %dma_start3A_538] : memref<2x32x128xf32, #tpu.memory_space<vmem>> -> memref<1x32x128xf32, #tpu.memory_space<vmem>>
      %dma_start3A_540 = tpu.memref_squeeze %dma_start3A_539 : memref<1x32x128xf32, #tpu.memory_space<vmem>> -> memref<32x128xf32, #tpu.memory_space<vmem>>
      %dma_start3A_541 = arith.constant 0 : i32
      %dma_start3A_542 = arith.constant 0 : i32
      %dma_start3A_543 = tpu.memref_slice %arg4[%add3A_534, %select_n3A, %dma_start3A_541, %select_n3A_34, %dma_start3A_542] : memref<100x8x32x8x128xf32, #tpu.memory_space<hbm>> -> memref<1x1x32x1x128xf32, #tpu.memory_space<hbm>>
      %dma_start3A_544 = tpu.memref_squeeze %dma_start3A_543 : memref<1x1x32x1x128xf32, #tpu.memory_space<hbm>> -> memref<32x128xf32, #tpu.memory_space<hbm>>
      %dma_start3A_545 = tpu.memref_slice %arg11[%dma_start3A_536] : memref<2x!tpu.dma_semaphore, #tpu.memory_space<semaphore_mem>> -> memref<1x!tpu.dma_semaphore, #tpu.memory_space<semaphore_mem>>
      %dma_start3A_546 = tpu.memref_squeeze %dma_start3A_545 : memref<1x!tpu.dma_semaphore, #tpu.memory_space<semaphore_mem>> -> memref<!tpu.dma_semaphore, #tpu.memory_space<semaphore_mem>>
      %dma_start3A_547 = arith.constant 0 : i32
      %dma_start3A_548 = arith.constant 0 : i32
      %dma_start3A_549 = tpu.memref_slice %arg4[%add3A_534, %select_n3A, %dma_start3A_547, %select_n3A_34, %dma_start3A_548] : memref<100x8x32x8x128xf32, #tpu.memory_space<hbm>> -> memref<1x1x32x1x128xf32, #tpu.memory_space<hbm>>
      %dma_start3A_550 = tpu.memref_squeeze %dma_start3A_549 : memref<1x1x32x1x128xf32, #tpu.memory_space<hbm>> -> memref<32x128xf32, #tpu.memory_space<hbm>>
      %dma_start3A_551 = arith.constant 0 : i32
      %dma_start3A_552 = arith.constant 0 : i32
      %dma_start3A_553 = tpu.memref_slice %arg8[%dma_start3A_535, %dma_start3A_551, %dma_start3A_552] : memref<2x32x128xf32, #tpu.memory_space<vmem>> -> memref<1x32x128xf32, #tpu.memory_space<vmem>>
      %dma_start3A_554 = tpu.memref_squeeze %dma_start3A_553 : memref<1x32x128xf32, #tpu.memory_space<vmem>> -> memref<32x128xf32, #tpu.memory_space<vmem>>
      tpu.enqueue_dma source(%dma_start3A_554 : memref<32x128xf32, #tpu.memory_space<vmem>>) target(%dma_start3A_550 : memref<32x128xf32, #tpu.memory_space<hbm>>) target_semaphore(%dma_start3A_546 : memref<!tpu.dma_semaphore, #tpu.memory_space<semaphore_mem>>)
      %add3A_555 = arith.constant 1 : i32
      %add3A_556 = arith.addi %add3A_447, %add3A_555 : i32
      %add3A_557 = arith.constant 2 : i32
      %add3A_558 = arith.addi %add3A_556, %add3A_557 : i32
      %lt3A_559 = arith.constant 50 : i32
      %lt3A_560 = arith.cmpi slt, %add3A_558, %lt3A_559 : i32
      %convert_element_type3A_561 = arith.extui %lt3A_560 : i1 to i32
      %cond3A_562 = arith.constant 0 : i32
      %cond3A_563 = arith.cmpi ne, %convert_element_type3A_561, %cond3A_562 : i32
      scf.if %cond3A_563 {
        %add3A_564 = arith.constant 2 : i32
        %add3A_565 = arith.addi %add3A_506, %add3A_564 : i32
        %mul3A_566 = arith.constant 4096 : i32
        %mul3A_567 = arith.muli %add3A_565, %mul3A_566 : i32
        %dma_start3A_568 = arith.constant 1 : i32
        %dma_start3A_569 = arith.constant 1 : i32
        %dma_start3A_570 = arith.constant 0 : i32
        %dma_start3A_571 = tpu.memref_slice %arg7[%dma_start3A_568, %dma_start3A_570] : memref<2x4096xi32, #tpu.memory_space<vmem>> -> memref<1x4096xi32, #tpu.memory_space<vmem>>
        %dma_start3A_572 = tpu.memref_squeeze %dma_start3A_571 : memref<1x4096xi32, #tpu.memory_space<vmem>> -> memref<4096xi32, #tpu.memory_space<vmem>>
        %dma_start3A_573 = tpu.memref_slice %arg5[%mul3A_567] : memref<204800xi32, #tpu.memory_space<vmem_shared>> -> memref<4096xi32, #tpu.memory_space<vmem_shared>>
        %dma_start3A_574 = tpu.memref_slice %arg10[%dma_start3A_569] : memref<2x!tpu.dma_semaphore, #tpu.memory_space<semaphore_mem>> -> memref<1x!tpu.dma_semaphore, #tpu.memory_space<semaphore_mem>>
        %dma_start3A_575 = tpu.memref_squeeze %dma_start3A_574 : memref<1x!tpu.dma_semaphore, #tpu.memory_space<semaphore_mem>> -> memref<!tpu.dma_semaphore, #tpu.memory_space<semaphore_mem>>
        %dma_start3A_576 = arith.constant 0 : i32
        %dma_start3A_577 = tpu.memref_slice %arg7[%dma_start3A_568, %dma_start3A_576] : memref<2x4096xi32, #tpu.memory_space<vmem>> -> memref<1x4096xi32, #tpu.memory_space<vmem>>
        %dma_start3A_578 = tpu.memref_squeeze %dma_start3A_577 : memref<1x4096xi32, #tpu.memory_space<vmem>> -> memref<4096xi32, #tpu.memory_space<vmem>>
        %dma_start3A_579 = tpu.memref_slice %arg5[%mul3A_567] : memref<204800xi32, #tpu.memory_space<vmem_shared>> -> memref<4096xi32, #tpu.memory_space<vmem_shared>>
        tpu.enqueue_dma source(%dma_start3A_579 : memref<4096xi32, #tpu.memory_space<vmem_shared>>) target(%dma_start3A_578 : memref<4096xi32, #tpu.memory_space<vmem>>) target_semaphore(%dma_start3A_575 : memref<!tpu.dma_semaphore, #tpu.memory_space<semaphore_mem>>)
      } else {
      }
    }
    %scan3A_167 = arith.constant 25 : i32
    %dma_wait3A_168 = arith.constant 0 : i32
    %dma_wait3A_169 = arith.constant 0 : i32
    %dma_wait3A_170 = arith.constant 0 : i32
    %dma_wait3A_171 = arith.constant 0 : i32
    %dma_wait3A_172 = arith.constant 0 : i32
    %dma_wait3A_173 = arith.constant 0 : i32
    %dma_wait3A_174 = arith.constant 0 : i32
    %dma_wait3A_175 = tpu.memref_slice %arg8[%dma_wait3A_168, %dma_wait3A_173, %dma_wait3A_174] : memref<2x32x128xf32, #tpu.memory_space<vmem>> -> memref<1x32x128xf32, #tpu.memory_space<vmem>>
    %dma_wait3A_176 = tpu.memref_squeeze %dma_wait3A_175 : memref<1x32x128xf32, #tpu.memory_space<vmem>> -> memref<32x128xf32, #tpu.memory_space<vmem>>
    %dma_wait3A_177 = arith.constant 0 : i32
    %dma_wait3A_178 = arith.constant 0 : i32
    %dma_wait3A_179 = tpu.memref_slice %arg4[%dma_wait3A_169, %dma_wait3A_170, %dma_wait3A_177, %dma_wait3A_171, %dma_wait3A_178] : memref<100x8x32x8x128xf32, #tpu.memory_space<hbm>> -> memref<1x1x32x1x128xf32, #tpu.memory_space<hbm>>
    %dma_wait3A_180 = tpu.memref_squeeze %dma_wait3A_179 : memref<1x1x32x1x128xf32, #tpu.memory_space<hbm>> -> memref<32x128xf32, #tpu.memory_space<hbm>>
    %dma_wait3A_181 = tpu.memref_slice %arg11[%dma_wait3A_172] : memref<2x!tpu.dma_semaphore, #tpu.memory_space<semaphore_mem>> -> memref<1x!tpu.dma_semaphore, #tpu.memory_space<semaphore_mem>>
    %dma_wait3A_182 = tpu.memref_squeeze %dma_wait3A_181 : memref<1x!tpu.dma_semaphore, #tpu.memory_space<semaphore_mem>> -> memref<!tpu.dma_semaphore, #tpu.memory_space<semaphore_mem>>
    %dma_wait3A_183 = arith.constant 0 : i32
    %dma_wait3A_184 = arith.constant 0 : i32
    %dma_wait3A_185 = tpu.memref_slice %arg4[%dma_wait3A_169, %dma_wait3A_170, %dma_wait3A_183, %dma_wait3A_171, %dma_wait3A_184] : memref<100x8x32x8x128xf32, #tpu.memory_space<hbm>> -> memref<1x1x32x1x128xf32, #tpu.memory_space<hbm>>
    %dma_wait3A_186 = tpu.memref_squeeze %dma_wait3A_185 : memref<1x1x32x1x128xf32, #tpu.memory_space<hbm>> -> memref<32x128xf32, #tpu.memory_space<hbm>>
    %dma_wait3A_187 = arith.constant 0 : i32
    %dma_wait3A_188 = arith.constant 0 : i32
    %dma_wait3A_189 = tpu.memref_slice %arg8[%dma_wait3A_168, %dma_wait3A_187, %dma_wait3A_188] : memref<2x32x128xf32, #tpu.memory_space<vmem>> -> memref<1x32x128xf32, #tpu.memory_space<vmem>>
    %dma_wait3A_190 = tpu.memref_squeeze %dma_wait3A_189 : memref<1x32x128xf32, #tpu.memory_space<vmem>> -> memref<32x128xf32, #tpu.memory_space<vmem>>
    tpu.wait_dma2 semaphore(%dma_wait3A_182 : memref<!tpu.dma_semaphore, #tpu.memory_space<semaphore_mem>>) src(%dma_wait3A_190 : memref<32x128xf32, #tpu.memory_space<vmem>>) dst(%dma_wait3A_186 : memref<32x128xf32, #tpu.memory_space<hbm>>)
    %dma_wait3A_191 = arith.constant 1 : i32
    %dma_wait3A_192 = arith.constant 0 : i32
    %dma_wait3A_193 = arith.constant 0 : i32
    %dma_wait3A_194 = arith.constant 0 : i32
    %dma_wait3A_195 = arith.constant 1 : i32
    %dma_wait3A_196 = arith.constant 0 : i32
    %dma_wait3A_197 = arith.constant 0 : i32
    %dma_wait3A_198 = tpu.memref_slice %arg8[%dma_wait3A_191, %dma_wait3A_196, %dma_wait3A_197] : memref<2x32x128xf32, #tpu.memory_space<vmem>> -> memref<1x32x128xf32, #tpu.memory_space<vmem>>
    %dma_wait3A_199 = tpu.memref_squeeze %dma_wait3A_198 : memref<1x32x128xf32, #tpu.memory_space<vmem>> -> memref<32x128xf32, #tpu.memory_space<vmem>>
    %dma_wait3A_200 = arith.constant 0 : i32
    %dma_wait3A_201 = arith.constant 0 : i32
    %dma_wait3A_202 = tpu.memref_slice %arg4[%dma_wait3A_192, %dma_wait3A_193, %dma_wait3A_200, %dma_wait3A_194, %dma_wait3A_201] : memref<100x8x32x8x128xf32, #tpu.memory_space<hbm>> -> memref<1x1x32x1x128xf32, #tpu.memory_space<hbm>>
    %dma_wait3A_203 = tpu.memref_squeeze %dma_wait3A_202 : memref<1x1x32x1x128xf32, #tpu.memory_space<hbm>> -> memref<32x128xf32, #tpu.memory_space<hbm>>
    %dma_wait3A_204 = tpu.memref_slice %arg11[%dma_wait3A_195] : memref<2x!tpu.dma_semaphore, #tpu.memory_space<semaphore_mem>> -> memref<1x!tpu.dma_semaphore, #tpu.memory_space<semaphore_mem>>
    %dma_wait3A_205 = tpu.memref_squeeze %dma_wait3A_204 : memref<1x!tpu.dma_semaphore, #tpu.memory_space<semaphore_mem>> -> memref<!tpu.dma_semaphore, #tpu.memory_space<semaphore_mem>>
    %dma_wait3A_206 = arith.constant 0 : i32
    %dma_wait3A_207 = arith.constant 0 : i32
    %dma_wait3A_208 = tpu.memref_slice %arg4[%dma_wait3A_192, %dma_wait3A_193, %dma_wait3A_206, %dma_wait3A_194, %dma_wait3A_207] : memref<100x8x32x8x128xf32, #tpu.memory_space<hbm>> -> memref<1x1x32x1x128xf32, #tpu.memory_space<hbm>>
    %dma_wait3A_209 = tpu.memref_squeeze %dma_wait3A_208 : memref<1x1x32x1x128xf32, #tpu.memory_space<hbm>> -> memref<32x128xf32, #tpu.memory_space<hbm>>
    %dma_wait3A_210 = arith.constant 0 : i32
    %dma_wait3A_211 = arith.constant 0 : i32
    %dma_wait3A_212 = tpu.memref_slice %arg8[%dma_wait3A_191, %dma_wait3A_210, %dma_wait3A_211] : memref<2x32x128xf32, #tpu.memory_space<vmem>> -> memref<1x32x128xf32, #tpu.memory_space<vmem>>
    %dma_wait3A_213 = tpu.memref_squeeze %dma_wait3A_212 : memref<1x32x128xf32, #tpu.memory_space<vmem>> -> memref<32x128xf32, #tpu.memory_space<vmem>>
    tpu.wait_dma2 semaphore(%dma_wait3A_205 : memref<!tpu.dma_semaphore, #tpu.memory_space<semaphore_mem>>) src(%dma_wait3A_213 : memref<32x128xf32, #tpu.memory_space<vmem>>) dst(%dma_wait3A_209 : memref<32x128xf32, #tpu.memory_space<hbm>>)
    %mul3A_214 = arith.constant 2 : i32
    %mul3A_215 = arith.muli %add3A, %mul3A_214 : i32
    %add3A_216 = arith.constant 1 : i32
    %add3A_217 = arith.addi %mul3A_215, %add3A_216 : i32
    %jit3A_218 = arith.constant 8 : i32
    %div3A_219 = arith.divsi %add3A_217, %jit3A_218 : i32
    %sign3A_220 = arith.constant 0 : i32
    %sign3A_221 = arith.cmpi sgt, %add3A_217, %sign3A_220 : i32
    %sign3A_222 = arith.extui %sign3A_221 : i1 to i32
    %sign3A_223 = arith.constant 0 : i32
    %sign3A_224 = arith.cmpi slt, %add3A_217, %sign3A_223 : i32
    %sign3A_225 = arith.extui %sign3A_224 : i1 to i32
    %sign3A_226 = arith.subi %sign3A_222, %sign3A_225 : i32
    %sign3A_227 = arith.constant 0 : i32
    %sign3A_228 = arith.cmpi sgt, %jit3A_218, %sign3A_227 : i32
    %sign3A_229 = arith.extui %sign3A_228 : i1 to i32
    %sign3A_230 = arith.constant 0 : i32
    %sign3A_231 = arith.cmpi slt, %jit3A_218, %sign3A_230 : i32
    %sign3A_232 = arith.extui %sign3A_231 : i1 to i32
    %sign3A_233 = arith.subi %sign3A_229, %sign3A_232 : i32
    %ne3A_234 = arith.cmpi ne, %sign3A_226, %sign3A_233 : i32
    %rem3A_235 = arith.remsi %add3A_217, %jit3A_218 : i32
    %ne3A_236 = arith.constant 0 : i32
    %ne3A_237 = arith.cmpi ne, %rem3A_235, %ne3A_236 : i32
    %and3A_238 = arith.andi %ne3A_234, %ne3A_237 : i1
    %sub3A_239 = arith.constant 1 : i32
    %sub3A_240 = arith.subi %div3A_219, %sub3A_239 : i32
    %select_n3A_241 = arith.select %and3A_238, %sub3A_240, %div3A_219 : i32
    %jit3A_242 = arith.constant 8 : i32
    %eq3A_243 = arith.constant 0 : i32
    %eq3A_244 = arith.cmpi eq, %jit3A_242, %eq3A_243 : i32
    %jit3A_245 = arith.constant 1 : i32
    %select_n3A_246 = arith.select %eq3A_244, %jit3A_245, %jit3A_242 : i32
    %rem3A_247 = arith.remsi %add3A_217, %select_n3A_246 : i32
    %ne3A_248 = arith.constant 0 : i32
    %ne3A_249 = arith.cmpi ne, %rem3A_247, %ne3A_248 : i32
    %lt3A_250 = arith.constant 0 : i32
    %lt3A_251 = arith.cmpi slt, %rem3A_247, %lt3A_250 : i32
    %lt3A_252 = arith.constant 0 : i32
    %lt3A_253 = arith.cmpi slt, %select_n3A_246, %lt3A_252 : i32
    %ne3A_254 = arith.xori %lt3A_251, %lt3A_253 : i1
    %and3A_255 = arith.andi %ne3A_254, %ne3A_249 : i1
    %add3A_256 = arith.addi %rem3A_247, %select_n3A_246 : i32
    %select_n3A_257 = arith.select %and3A_255, %add3A_256, %rem3A_247 : i32
    %dma_start3A_258 = arith.constant 0 : i32
    %dma_start3A_259 = tpu.memref_slice %arg3[%add3A_217, %dma_start3A_258] : memref<64x100000xf32, #tpu.memory_space<hbm>> -> memref<1x100000xf32, #tpu.memory_space<hbm>>
    %dma_start3A_260 = tpu.memref_squeeze %dma_start3A_259 : memref<1x100000xf32, #tpu.memory_space<hbm>> -> memref<100000xf32, #tpu.memory_space<hbm>>
    %dma_start3A_261 = arith.constant 0 : i32
    %dma_start3A_262 = tpu.memref_slice %arg3[%add3A_217, %dma_start3A_261] : memref<64x100000xf32, #tpu.memory_space<hbm>> -> memref<1x100000xf32, #tpu.memory_space<hbm>>
    %dma_start3A_263 = tpu.memref_squeeze %dma_start3A_262 : memref<1x100000xf32, #tpu.memory_space<hbm>> -> memref<100000xf32, #tpu.memory_space<hbm>>
    tpu.enqueue_dma source(%dma_start3A_263 : memref<100000xf32, #tpu.memory_space<hbm>>) target(%arg6 : memref<100000xf32, #tpu.memory_space<vmem>>) target_semaphore(%arg9 : memref<!tpu.dma_semaphore, #tpu.memory_space<semaphore_mem>>)
    %dma_wait3A_264 = arith.constant 0 : i32
    %dma_wait3A_265 = arith.constant 0 : i32
    %dma_wait3A_266 = tpu.memref_slice %arg3[%dma_wait3A_264, %dma_wait3A_265] : memref<64x100000xf32, #tpu.memory_space<hbm>> -> memref<1x100000xf32, #tpu.memory_space<hbm>>
    %dma_wait3A_267 = tpu.memref_squeeze %dma_wait3A_266 : memref<1x100000xf32, #tpu.memory_space<hbm>> -> memref<100000xf32, #tpu.memory_space<hbm>>
    %dma_wait3A_268 = arith.constant 0 : i32
    %dma_wait3A_269 = tpu.memref_slice %arg3[%dma_wait3A_264, %dma_wait3A_268] : memref<64x100000xf32, #tpu.memory_space<hbm>> -> memref<1x100000xf32, #tpu.memory_space<hbm>>
    %dma_wait3A_270 = tpu.memref_squeeze %dma_wait3A_269 : memref<1x100000xf32, #tpu.memory_space<hbm>> -> memref<100000xf32, #tpu.memory_space<hbm>>
    tpu.wait_dma2 semaphore(%arg9 : memref<!tpu.dma_semaphore, #tpu.memory_space<semaphore_mem>>) src(%dma_wait3A_270 : memref<100000xf32, #tpu.memory_space<hbm>>) dst(%arg6 : memref<100000xf32, #tpu.memory_space<vmem>>)
    %barrier3A_271 = arith.constant 0 : index
    tpu.barrier barrier_id(%barrier3A_271)
    %eq3A_272 = arith.constant 0 : i32
    %eq3A_273 = arith.cmpi eq, %arg1, %eq3A_272 : i32
    %convert_element_type3A_274 = arith.extui %eq3A_273 : i1 to i32
    %cond3A_275 = arith.constant 0 : i32
    %cond3A_276 = arith.cmpi ne, %convert_element_type3A_274, %cond3A_275 : i32
    scf.if %cond3A_276 {
      "tpu.region"() ({
        %run_scoped3A = tpu.sem_alloc : memref<!tpu.dma_semaphore, #tpu.memory_space<semaphore_mem>>
        %dma_start3A_443 = arith.constant 0 : i32
        %dma_start3A_444 = tpu.memref_slice %arg2[%dma_start3A_443] : memref<409600xi32, #tpu.memory_space<hbm>> -> memref<204800xi32, #tpu.memory_space<hbm>>
        tpu.enqueue_dma source(%dma_start3A_444 : memref<204800xi32, #tpu.memory_space<hbm>>) target(%arg5 : memref<204800xi32, #tpu.memory_space<vmem_shared>>) target_semaphore(%run_scoped3A : memref<!tpu.dma_semaphore, #tpu.memory_space<semaphore_mem>>)
        %dma_wait3A_445 = arith.constant 0 : i32
        %dma_wait3A_446 = tpu.memref_slice %arg2[%dma_wait3A_445] : memref<409600xi32, #tpu.memory_space<hbm>> -> memref<204800xi32, #tpu.memory_space<hbm>>
        tpu.wait_dma2 semaphore(%run_scoped3A : memref<!tpu.dma_semaphore, #tpu.memory_space<semaphore_mem>>) src(%dma_wait3A_446 : memref<204800xi32, #tpu.memory_space<hbm>>) dst(%arg5 : memref<204800xi32, #tpu.memory_space<vmem_shared>>)
        tpu.yield
      }) : () -> ()
    } else {
    }
    %barrier3A_277 = arith.constant 0 : index
    tpu.barrier barrier_id(%barrier3A_277)
    %dma_start3A_278 = arith.constant 0 : i32
    %dma_start3A_279 = arith.constant 0 : i32
    %dma_start3A_280 = arith.constant 0 : i32
    %dma_start3A_281 = tpu.memref_slice %arg7[%dma_start3A_278, %dma_start3A_280] : memref<2x4096xi32, #tpu.memory_space<vmem>> -> memref<1x4096xi32, #tpu.memory_space<vmem>>
    %dma_start3A_282 = tpu.memref_squeeze %dma_start3A_281 : memref<1x4096xi32, #tpu.memory_space<vmem>> -> memref<4096xi32, #tpu.memory_space<vmem>>
    %dma_start3A_283 = arith.constant 0 : i32
    %dma_start3A_284 = tpu.memref_slice %arg5[%dma_start3A_283] : memref<204800xi32, #tpu.memory_space<vmem_shared>> -> memref<4096xi32, #tpu.memory_space<vmem_shared>>
    %dma_start3A_285 = tpu.memref_slice %arg10[%dma_start3A_279] : memref<2x!tpu.dma_semaphore, #tpu.memory_space<semaphore_mem>> -> memref<1x!tpu.dma_semaphore, #tpu.memory_space<semaphore_mem>>
    %dma_start3A_286 = tpu.memref_squeeze %dma_start3A_285 : memref<1x!tpu.dma_semaphore, #tpu.memory_space<semaphore_mem>> -> memref<!tpu.dma_semaphore, #tpu.memory_space<semaphore_mem>>
    %dma_start3A_287 = arith.constant 0 : i32
    %dma_start3A_288 = tpu.memref_slice %arg7[%dma_start3A_278, %dma_start3A_287] : memref<2x4096xi32, #tpu.memory_space<vmem>> -> memref<1x4096xi32, #tpu.memory_space<vmem>>
    %dma_start3A_289 = tpu.memref_squeeze %dma_start3A_288 : memref<1x4096xi32, #tpu.memory_space<vmem>> -> memref<4096xi32, #tpu.memory_space<vmem>>
    %dma_start3A_290 = arith.constant 0 : i32
    %dma_start3A_291 = tpu.memref_slice %arg5[%dma_start3A_290] : memref<204800xi32, #tpu.memory_space<vmem_shared>> -> memref<4096xi32, #tpu.memory_space<vmem_shared>>
    tpu.enqueue_dma source(%dma_start3A_291 : memref<4096xi32, #tpu.memory_space<vmem_shared>>) target(%dma_start3A_289 : memref<4096xi32, #tpu.memory_space<vmem>>) target_semaphore(%dma_start3A_286 : memref<!tpu.dma_semaphore, #tpu.memory_space<semaphore_mem>>)
    %dma_start3A_292 = arith.constant 1 : i32
    %dma_start3A_293 = arith.constant 1 : i32
    %dma_start3A_294 = arith.constant 0 : i32
    %dma_start3A_295 = tpu.memref_slice %arg7[%dma_start3A_292, %dma_start3A_294] : memref<2x4096xi32, #tpu.memory_space<vmem>> -> memref<1x4096xi32, #tpu.memory_space<vmem>>
    %dma_start3A_296 = tpu.memref_squeeze %dma_start3A_295 : memref<1x4096xi32, #tpu.memory_space<vmem>> -> memref<4096xi32, #tpu.memory_space<vmem>>
    %dma_start3A_297 = arith.constant 4096 : i32
    %dma_start3A_298 = tpu.memref_slice %arg5[%dma_start3A_297] : memref<204800xi32, #tpu.memory_space<vmem_shared>> -> memref<4096xi32, #tpu.memory_space<vmem_shared>>
    %dma_start3A_299 = tpu.memref_slice %arg10[%dma_start3A_293] : memref<2x!tpu.dma_semaphore, #tpu.memory_space<semaphore_mem>> -> memref<1x!tpu.dma_semaphore, #tpu.memory_space<semaphore_mem>>
    %dma_start3A_300 = tpu.memref_squeeze %dma_start3A_299 : memref<1x!tpu.dma_semaphore, #tpu.memory_space<semaphore_mem>> -> memref<!tpu.dma_semaphore, #tpu.memory_space<semaphore_mem>>
    %dma_start3A_301 = arith.constant 0 : i32
    %dma_start3A_302 = tpu.memref_slice %arg7[%dma_start3A_292, %dma_start3A_301] : memref<2x4096xi32, #tpu.memory_space<vmem>> -> memref<1x4096xi32, #tpu.memory_space<vmem>>
    %dma_start3A_303 = tpu.memref_squeeze %dma_start3A_302 : memref<1x4096xi32, #tpu.memory_space<vmem>> -> memref<4096xi32, #tpu.memory_space<vmem>>
    %dma_start3A_304 = arith.constant 4096 : i32
    %dma_start3A_305 = tpu.memref_slice %arg5[%dma_start3A_304] : memref<204800xi32, #tpu.memory_space<vmem_shared>> -> memref<4096xi32, #tpu.memory_space<vmem_shared>>
    tpu.enqueue_dma source(%dma_start3A_305 : memref<4096xi32, #tpu.memory_space<vmem_shared>>) target(%dma_start3A_303 : memref<4096xi32, #tpu.memory_space<vmem>>) target_semaphore(%dma_start3A_300 : memref<!tpu.dma_semaphore, #tpu.memory_space<semaphore_mem>>)
    %scan3A_306 = arith.constant 0 : i32
    %scan3A_307 = arith.constant 25 : i32
    %scan3A_308 = arith.addi %scan3A_306, %scan3A_307 : i32
    %scan3A_309 = arith.constant 1 : i32
    scf.for %scan3A_443 = %scan3A_306 to %scan3A_308 step %scan3A_309  : i32 {
      %mul3A_444 = arith.constant 2 : i32
      %mul3A_445 = arith.muli %scan3A_443, %mul3A_444 : i32
      %add3A_446 = arith.constant 0 : i32
      %add3A_447 = arith.addi %add3A_446, %mul3A_445 : i32
      %add3A_448 = arith.constant 0 : i32
      %add3A_449 = arith.addi %add3A_447, %add3A_448 : i32
      %dma_wait3A_450 = arith.constant 0 : i32
      %dma_wait3A_451 = arith.constant 0 : i32
      %dma_wait3A_452 = arith.constant 0 : i32
      %dma_wait3A_453 = tpu.memref_slice %arg7[%dma_wait3A_450, %dma_wait3A_452] : memref<2x4096xi32, #tpu.memory_space<vmem>> -> memref<1x4096xi32, #tpu.memory_space<vmem>>
      %dma_wait3A_454 = tpu.memref_squeeze %dma_wait3A_453 : memref<1x4096xi32, #tpu.memory_space<vmem>> -> memref<4096xi32, #tpu.memory_space<vmem>>
      %dma_wait3A_455 = arith.constant 0 : i32
      %dma_wait3A_456 = tpu.memref_slice %arg5[%dma_wait3A_455] : memref<204800xi32, #tpu.memory_space<vmem_shared>> -> memref<4096xi32, #tpu.memory_space<vmem_shared>>
      %dma_wait3A_457 = tpu.memref_slice %arg10[%dma_wait3A_451] : memref<2x!tpu.dma_semaphore, #tpu.memory_space<semaphore_mem>> -> memref<1x!tpu.dma_semaphore, #tpu.memory_space<semaphore_mem>>
      %dma_wait3A_458 = tpu.memref_squeeze %dma_wait3A_457 : memref<1x!tpu.dma_semaphore, #tpu.memory_space<semaphore_mem>> -> memref<!tpu.dma_semaphore, #tpu.memory_space<semaphore_mem>>
      %dma_wait3A_459 = arith.constant 0 : i32
      %dma_wait3A_460 = tpu.memref_slice %arg7[%dma_wait3A_450, %dma_wait3A_459] : memref<2x4096xi32, #tpu.memory_space<vmem>> -> memref<1x4096xi32, #tpu.memory_space<vmem>>
      %dma_wait3A_461 = tpu.memref_squeeze %dma_wait3A_460 : memref<1x4096xi32, #tpu.memory_space<vmem>> -> memref<4096xi32, #tpu.memory_space<vmem>>
      %dma_wait3A_462 = arith.constant 0 : i32
      %dma_wait3A_463 = tpu.memref_slice %arg5[%dma_wait3A_462] : memref<204800xi32, #tpu.memory_space<vmem_shared>> -> memref<4096xi32, #tpu.memory_space<vmem_shared>>
      tpu.wait_dma2 semaphore(%dma_wait3A_458 : memref<!tpu.dma_semaphore, #tpu.memory_space<semaphore_mem>>) src(%dma_wait3A_463 : memref<4096xi32, #tpu.memory_space<vmem_shared>>) dst(%dma_wait3A_461 : memref<4096xi32, #tpu.memory_space<vmem>>)
      %add3A_464 = arith.constant 0 : i32
      %add3A_465 = arith.addi %add3A_447, %add3A_464 : i32
      %ge3A = arith.constant 2 : i32
      %ge3A_466 = arith.cmpi sge, %add3A_465, %ge3A : i32
      %convert_element_type3A_467 = arith.extui %ge3A_466 : i1 to i32
      %cond3A_468 = arith.constant 0 : i32
      %cond3A_469 = arith.cmpi ne, %convert_element_type3A_467, %cond3A_468 : i32
      scf.if %cond3A_469 {
        %dma_wait3A_564 = arith.constant 0 : i32
        %dma_wait3A_565 = arith.constant 0 : i32
        %dma_wait3A_566 = arith.constant 0 : i32
        %dma_wait3A_567 = arith.constant 0 : i32
        %dma_wait3A_568 = arith.constant 0 : i32
        %dma_wait3A_569 = arith.constant 0 : i32
        %dma_wait3A_570 = arith.constant 0 : i32
        %dma_wait3A_571 = tpu.memref_slice %arg8[%dma_wait3A_564, %dma_wait3A_569, %dma_wait3A_570] : memref<2x32x128xf32, #tpu.memory_space<vmem>> -> memref<1x32x128xf32, #tpu.memory_space<vmem>>
        %dma_wait3A_572 = tpu.memref_squeeze %dma_wait3A_571 : memref<1x32x128xf32, #tpu.memory_space<vmem>> -> memref<32x128xf32, #tpu.memory_space<vmem>>
        %dma_wait3A_573 = arith.constant 0 : i32
        %dma_wait3A_574 = arith.constant 0 : i32
        %dma_wait3A_575 = tpu.memref_slice %arg4[%dma_wait3A_565, %dma_wait3A_566, %dma_wait3A_573, %dma_wait3A_567, %dma_wait3A_574] : memref<100x8x32x8x128xf32, #tpu.memory_space<hbm>> -> memref<1x1x32x1x128xf32, #tpu.memory_space<hbm>>
        %dma_wait3A_576 = tpu.memref_squeeze %dma_wait3A_575 : memref<1x1x32x1x128xf32, #tpu.memory_space<hbm>> -> memref<32x128xf32, #tpu.memory_space<hbm>>
        %dma_wait3A_577 = tpu.memref_slice %arg11[%dma_wait3A_568] : memref<2x!tpu.dma_semaphore, #tpu.memory_space<semaphore_mem>> -> memref<1x!tpu.dma_semaphore, #tpu.memory_space<semaphore_mem>>
        %dma_wait3A_578 = tpu.memref_squeeze %dma_wait3A_577 : memref<1x!tpu.dma_semaphore, #tpu.memory_space<semaphore_mem>> -> memref<!tpu.dma_semaphore, #tpu.memory_space<semaphore_mem>>
        %dma_wait3A_579 = arith.constant 0 : i32
        %dma_wait3A_580 = arith.constant 0 : i32
        %dma_wait3A_581 = tpu.memref_slice %arg4[%dma_wait3A_565, %dma_wait3A_566, %dma_wait3A_579, %dma_wait3A_567, %dma_wait3A_580] : memref<100x8x32x8x128xf32, #tpu.memory_space<hbm>> -> memref<1x1x32x1x128xf32, #tpu.memory_space<hbm>>
        %dma_wait3A_582 = tpu.memref_squeeze %dma_wait3A_581 : memref<1x1x32x1x128xf32, #tpu.memory_space<hbm>> -> memref<32x128xf32, #tpu.memory_space<hbm>>
        %dma_wait3A_583 = arith.constant 0 : i32
        %dma_wait3A_584 = arith.constant 0 : i32
        %dma_wait3A_585 = tpu.memref_slice %arg8[%dma_wait3A_564, %dma_wait3A_583, %dma_wait3A_584] : memref<2x32x128xf32, #tpu.memory_space<vmem>> -> memref<1x32x128xf32, #tpu.memory_space<vmem>>
        %dma_wait3A_586 = tpu.memref_squeeze %dma_wait3A_585 : memref<1x32x128xf32, #tpu.memory_space<vmem>> -> memref<32x128xf32, #tpu.memory_space<vmem>>
        tpu.wait_dma2 semaphore(%dma_wait3A_578 : memref<!tpu.dma_semaphore, #tpu.memory_space<semaphore_mem>>) src(%dma_wait3A_586 : memref<32x128xf32, #tpu.memory_space<vmem>>) dst(%dma_wait3A_582 : memref<32x128xf32, #tpu.memory_space<hbm>>)
      } else {
      }
      %parallel_loop3A = arith.constant 0 : i32
      %parallel_loop3A_470 = arith.constant 32 : i32
      %parallel_loop3A_471 = arith.constant 1 : i32
      %parallel_loop3A_472 = arith.constant 0 : i32
      %parallel_loop3A_473 = arith.constant 0 : i32
      scf.for %parallel_loop3A_564 = %parallel_loop3A to %parallel_loop3A_470 step %parallel_loop3A_471  : i32 {
        %parallel_loop3A_565 = arith.constant 128 : i32
        %parallel_loop3A_566 = arith.muli %parallel_loop3A_564, %parallel_loop3A_565 : i32
        %parallel_loop3A_567 = arith.constant 0 : i32
        %parallel_loop3A_568 = arith.addi %parallel_loop3A_566, %parallel_loop3A_567 : i32
        %parallel_loop3A_569 = arith.constant 0 : i32
        %parallel_loop3A_570 = tpu.memref_slice %arg7[%parallel_loop3A_472, %parallel_loop3A_569] : memref<2x4096xi32, #tpu.memory_space<vmem>> -> memref<1x4096xi32, #tpu.memory_space<vmem>>
        %parallel_loop3A_571 = tpu.memref_squeeze %parallel_loop3A_570 : memref<1x4096xi32, #tpu.memory_space<vmem>> -> memref<4096xi32, #tpu.memory_space<vmem>>
        %parallel_loop3A_572 = arith.index_cast %parallel_loop3A_568 : i32 to index
        %parallel_loop3A_573 = tpu.vector_load %parallel_loop3A_571[%parallel_loop3A_572] {strides = array<i32>} : memref<4096xi32, #tpu.memory_space<vmem>>, vector<16xi32>,
        %parallel_loop3A_574 = tpu.vector_load_idx %arg6[%parallel_loop3A_573] : memref<100000xf32, #tpu.memory_space<vmem>>[vector<16xi32>], vector<16xf32>,
        %parallel_loop3A_575 = arith.constant 0 : i32
        %parallel_loop3A_576 = arith.constant 0 : i32
        %parallel_loop3A_577 = tpu.memref_slice %arg8[%parallel_loop3A_473, %parallel_loop3A_575, %parallel_loop3A_576] : memref<2x32x128xf32, #tpu.memory_space<vmem>> -> memref<1x32x128xf32, #tpu.memory_space<vmem>>
        %parallel_loop3A_578 = tpu.memref_squeeze %parallel_loop3A_577 : memref<1x32x128xf32, #tpu.memory_space<vmem>> -> memref<32x128xf32, #tpu.memory_space<vmem>>
        %parallel_loop3A_579 = arith.index_cast %parallel_loop3A_564 : i32 to index
        %parallel_loop3A_580 = arith.constant 0 : index
        %parallel_loop3A_581 = tpu.vector_load %parallel_loop3A_578[%parallel_loop3A_579, %parallel_loop3A_580] {strides = array<i32>} : memref<32x128xf32, #tpu.memory_space<vmem>>, vector<16xf32>,
        tpu.vector_store %parallel_loop3A_578[%parallel_loop3A_579, %parallel_loop3A_580], %parallel_loop3A_574 {strides = array<i32>} : memref<32x128xf32, #tpu.memory_space<vmem>>, vector<16xf32>,
        %parallel_loop3A_582 = arith.constant 128 : i32
        %parallel_loop3A_583 = arith.muli %parallel_loop3A_564, %parallel_loop3A_582 : i32
        %parallel_loop3A_584 = arith.constant 16 : i32
        %parallel_loop3A_585 = arith.addi %parallel_loop3A_583, %parallel_loop3A_584 : i32
        %parallel_loop3A_586 = arith.constant 0 : i32
        %parallel_loop3A_587 = tpu.memref_slice %arg7[%parallel_loop3A_472, %parallel_loop3A_586] : memref<2x4096xi32, #tpu.memory_space<vmem>> -> memref<1x4096xi32, #tpu.memory_space<vmem>>
        %parallel_loop3A_588 = tpu.memref_squeeze %parallel_loop3A_587 : memref<1x4096xi32, #tpu.memory_space<vmem>> -> memref<4096xi32, #tpu.memory_space<vmem>>
        %parallel_loop3A_589 = arith.index_cast %parallel_loop3A_585 : i32 to index
        %parallel_loop3A_590 = tpu.vector_load %parallel_loop3A_588[%parallel_loop3A_589] {strides = array<i32>} : memref<4096xi32, #tpu.memory_space<vmem>>, vector<16xi32>,
        %parallel_loop3A_591 = tpu.vector_load_idx %arg6[%parallel_loop3A_590] : memref<100000xf32, #tpu.memory_space<vmem>>[vector<16xi32>], vector<16xf32>,
        %parallel_loop3A_592 = arith.constant 0 : i32
        %parallel_loop3A_593 = arith.constant 0 : i32
        %parallel_loop3A_594 = tpu.memref_slice %arg8[%parallel_loop3A_473, %parallel_loop3A_592, %parallel_loop3A_593] : memref<2x32x128xf32, #tpu.memory_space<vmem>> -> memref<1x32x128xf32, #tpu.memory_space<vmem>>
        %parallel_loop3A_595 = tpu.memref_squeeze %parallel_loop3A_594 : memref<1x32x128xf32, #tpu.memory_space<vmem>> -> memref<32x128xf32, #tpu.memory_space<vmem>>
        %parallel_loop3A_596 = arith.index_cast %parallel_loop3A_564 : i32 to index
        %parallel_loop3A_597 = arith.constant 16 : index
        %parallel_loop3A_598 = tpu.vector_load %parallel_loop3A_595[%parallel_loop3A_596, %parallel_loop3A_597] {strides = array<i32>} : memref<32x128xf32, #tpu.memory_space<vmem>>, vector<16xf32>,
        tpu.vector_store %parallel_loop3A_595[%parallel_loop3A_596, %parallel_loop3A_597], %parallel_loop3A_591 {strides = array<i32>} : memref<32x128xf32, #tpu.memory_space<vmem>>, vector<16xf32>,
        %parallel_loop3A_599 = arith.constant 128 : i32
        %parallel_loop3A_600 = arith.muli %parallel_loop3A_564, %parallel_loop3A_599 : i32
        %parallel_loop3A_601 = arith.constant 32 : i32
        %parallel_loop3A_602 = arith.addi %parallel_loop3A_600, %parallel_loop3A_601 : i32
        %parallel_loop3A_603 = arith.constant 0 : i32
        %parallel_loop3A_604 = tpu.memref_slice %arg7[%parallel_loop3A_472, %parallel_loop3A_603] : memref<2x4096xi32, #tpu.memory_space<vmem>> -> memref<1x4096xi32, #tpu.memory_space<vmem>>
        %parallel_loop3A_605 = tpu.memref_squeeze %parallel_loop3A_604 : memref<1x4096xi32, #tpu.memory_space<vmem>> -> memref<4096xi32, #tpu.memory_space<vmem>>
        %parallel_loop3A_606 = arith.index_cast %parallel_loop3A_602 : i32 to index
        %parallel_loop3A_607 = tpu.vector_load %parallel_loop3A_605[%parallel_loop3A_606] {strides = array<i32>} : memref<4096xi32, #tpu.memory_space<vmem>>, vector<16xi32>,
        %parallel_loop3A_608 = tpu.vector_load_idx %arg6[%parallel_loop3A_607] : memref<100000xf32, #tpu.memory_space<vmem>>[vector<16xi32>], vector<16xf32>,
        %parallel_loop3A_609 = arith.constant 0 : i32
        %parallel_loop3A_610 = arith.constant 0 : i32
        %parallel_loop3A_611 = tpu.memref_slice %arg8[%parallel_loop3A_473, %parallel_loop3A_609, %parallel_loop3A_610] : memref<2x32x128xf32, #tpu.memory_space<vmem>> -> memref<1x32x128xf32, #tpu.memory_space<vmem>>
        %parallel_loop3A_612 = tpu.memref_squeeze %parallel_loop3A_611 : memref<1x32x128xf32, #tpu.memory_space<vmem>> -> memref<32x128xf32, #tpu.memory_space<vmem>>
        %parallel_loop3A_613 = arith.index_cast %parallel_loop3A_564 : i32 to index
        %parallel_loop3A_614 = arith.constant 32 : index
        %parallel_loop3A_615 = tpu.vector_load %parallel_loop3A_612[%parallel_loop3A_613, %parallel_loop3A_614] {strides = array<i32>} : memref<32x128xf32, #tpu.memory_space<vmem>>, vector<16xf32>,
        tpu.vector_store %parallel_loop3A_612[%parallel_loop3A_613, %parallel_loop3A_614], %parallel_loop3A_608 {strides = array<i32>} : memref<32x128xf32, #tpu.memory_space<vmem>>, vector<16xf32>,
        %parallel_loop3A_616 = arith.constant 128 : i32
        %parallel_loop3A_617 = arith.muli %parallel_loop3A_564, %parallel_loop3A_616 : i32
        %parallel_loop3A_618 = arith.constant 48 : i32
        %parallel_loop3A_619 = arith.addi %parallel_loop3A_617, %parallel_loop3A_618 : i32
        %parallel_loop3A_620 = arith.constant 0 : i32
        %parallel_loop3A_621 = tpu.memref_slice %arg7[%parallel_loop3A_472, %parallel_loop3A_620] : memref<2x4096xi32, #tpu.memory_space<vmem>> -> memref<1x4096xi32, #tpu.memory_space<vmem>>
        %parallel_loop3A_622 = tpu.memref_squeeze %parallel_loop3A_621 : memref<1x4096xi32, #tpu.memory_space<vmem>> -> memref<4096xi32, #tpu.memory_space<vmem>>
        %parallel_loop3A_623 = arith.index_cast %parallel_loop3A_619 : i32 to index
        %parallel_loop3A_624 = tpu.vector_load %parallel_loop3A_622[%parallel_loop3A_623] {strides = array<i32>} : memref<4096xi32, #tpu.memory_space<vmem>>, vector<16xi32>,
        %parallel_loop3A_625 = tpu.vector_load_idx %arg6[%parallel_loop3A_624] : memref<100000xf32, #tpu.memory_space<vmem>>[vector<16xi32>], vector<16xf32>,
        %parallel_loop3A_626 = arith.constant 0 : i32
        %parallel_loop3A_627 = arith.constant 0 : i32
        %parallel_loop3A_628 = tpu.memref_slice %arg8[%parallel_loop3A_473, %parallel_loop3A_626, %parallel_loop3A_627] : memref<2x32x128xf32, #tpu.memory_space<vmem>> -> memref<1x32x128xf32, #tpu.memory_space<vmem>>
        %parallel_loop3A_629 = tpu.memref_squeeze %parallel_loop3A_628 : memref<1x32x128xf32, #tpu.memory_space<vmem>> -> memref<32x128xf32, #tpu.memory_space<vmem>>
        %parallel_loop3A_630 = arith.index_cast %parallel_loop3A_564 : i32 to index
        %parallel_loop3A_631 = arith.constant 48 : index
        %parallel_loop3A_632 = tpu.vector_load %parallel_loop3A_629[%parallel_loop3A_630, %parallel_loop3A_631] {strides = array<i32>} : memref<32x128xf32, #tpu.memory_space<vmem>>, vector<16xf32>,
        tpu.vector_store %parallel_loop3A_629[%parallel_loop3A_630, %parallel_loop3A_631], %parallel_loop3A_625 {strides = array<i32>} : memref<32x128xf32, #tpu.memory_space<vmem>>, vector<16xf32>,
        %parallel_loop3A_633 = arith.constant 128 : i32
        %parallel_loop3A_634 = arith.muli %parallel_loop3A_564, %parallel_loop3A_633 : i32
        %parallel_loop3A_635 = arith.constant 64 : i32
        %parallel_loop3A_636 = arith.addi %parallel_loop3A_634, %parallel_loop3A_635 : i32
        %parallel_loop3A_637 = arith.constant 0 : i32
        %parallel_loop3A_638 = tpu.memref_slice %arg7[%parallel_loop3A_472, %parallel_loop3A_637] : memref<2x4096xi32, #tpu.memory_space<vmem>> -> memref<1x4096xi32, #tpu.memory_space<vmem>>
        %parallel_loop3A_639 = tpu.memref_squeeze %parallel_loop3A_638 : memref<1x4096xi32, #tpu.memory_space<vmem>> -> memref<4096xi32, #tpu.memory_space<vmem>>
        %parallel_loop3A_640 = arith.index_cast %parallel_loop3A_636 : i32 to index
        %parallel_loop3A_641 = tpu.vector_load %parallel_loop3A_639[%parallel_loop3A_640] {strides = array<i32>} : memref<4096xi32, #tpu.memory_space<vmem>>, vector<16xi32>,
        %parallel_loop3A_642 = tpu.vector_load_idx %arg6[%parallel_loop3A_641] : memref<100000xf32, #tpu.memory_space<vmem>>[vector<16xi32>], vector<16xf32>,
        %parallel_loop3A_643 = arith.constant 0 : i32
        %parallel_loop3A_644 = arith.constant 0 : i32
        %parallel_loop3A_645 = tpu.memref_slice %arg8[%parallel_loop3A_473, %parallel_loop3A_643, %parallel_loop3A_644] : memref<2x32x128xf32, #tpu.memory_space<vmem>> -> memref<1x32x128xf32, #tpu.memory_space<vmem>>
        %parallel_loop3A_646 = tpu.memref_squeeze %parallel_loop3A_645 : memref<1x32x128xf32, #tpu.memory_space<vmem>> -> memref<32x128xf32, #tpu.memory_space<vmem>>
        %parallel_loop3A_647 = arith.index_cast %parallel_loop3A_564 : i32 to index
        %parallel_loop3A_648 = arith.constant 64 : index
        %parallel_loop3A_649 = tpu.vector_load %parallel_loop3A_646[%parallel_loop3A_647, %parallel_loop3A_648] {strides = array<i32>} : memref<32x128xf32, #tpu.memory_space<vmem>>, vector<16xf32>,
        tpu.vector_store %parallel_loop3A_646[%parallel_loop3A_647, %parallel_loop3A_648], %parallel_loop3A_642 {strides = array<i32>} : memref<32x128xf32, #tpu.memory_space<vmem>>, vector<16xf32>,
        %parallel_loop3A_650 = arith.constant 128 : i32
        %parallel_loop3A_651 = arith.muli %parallel_loop3A_564, %parallel_loop3A_650 : i32
        %parallel_loop3A_652 = arith.constant 80 : i32
        %parallel_loop3A_653 = arith.addi %parallel_loop3A_651, %parallel_loop3A_652 : i32
        %parallel_loop3A_654 = arith.constant 0 : i32
        %parallel_loop3A_655 = tpu.memref_slice %arg7[%parallel_loop3A_472, %parallel_loop3A_654] : memref<2x4096xi32, #tpu.memory_space<vmem>> -> memref<1x4096xi32, #tpu.memory_space<vmem>>
        %parallel_loop3A_656 = tpu.memref_squeeze %parallel_loop3A_655 : memref<1x4096xi32, #tpu.memory_space<vmem>> -> memref<4096xi32, #tpu.memory_space<vmem>>
        %parallel_loop3A_657 = arith.index_cast %parallel_loop3A_653 : i32 to index
        %parallel_loop3A_658 = tpu.vector_load %parallel_loop3A_656[%parallel_loop3A_657] {strides = array<i32>} : memref<4096xi32, #tpu.memory_space<vmem>>, vector<16xi32>,
        %parallel_loop3A_659 = tpu.vector_load_idx %arg6[%parallel_loop3A_658] : memref<100000xf32, #tpu.memory_space<vmem>>[vector<16xi32>], vector<16xf32>,
        %parallel_loop3A_660 = arith.constant 0 : i32
        %parallel_loop3A_661 = arith.constant 0 : i32
        %parallel_loop3A_662 = tpu.memref_slice %arg8[%parallel_loop3A_473, %parallel_loop3A_660, %parallel_loop3A_661] : memref<2x32x128xf32, #tpu.memory_space<vmem>> -> memref<1x32x128xf32, #tpu.memory_space<vmem>>
        %parallel_loop3A_663 = tpu.memref_squeeze %parallel_loop3A_662 : memref<1x32x128xf32, #tpu.memory_space<vmem>> -> memref<32x128xf32, #tpu.memory_space<vmem>>
        %parallel_loop3A_664 = arith.index_cast %parallel_loop3A_564 : i32 to index
        %parallel_loop3A_665 = arith.constant 80 : index
        %parallel_loop3A_666 = tpu.vector_load %parallel_loop3A_663[%parallel_loop3A_664, %parallel_loop3A_665] {strides = array<i32>} : memref<32x128xf32, #tpu.memory_space<vmem>>, vector<16xf32>,
        tpu.vector_store %parallel_loop3A_663[%parallel_loop3A_664, %parallel_loop3A_665], %parallel_loop3A_659 {strides = array<i32>} : memref<32x128xf32, #tpu.memory_space<vmem>>, vector<16xf32>,
        %parallel_loop3A_667 = arith.constant 128 : i32
        %parallel_loop3A_668 = arith.muli %parallel_loop3A_564, %parallel_loop3A_667 : i32
        %parallel_loop3A_669 = arith.constant 96 : i32
        %parallel_loop3A_670 = arith.addi %parallel_loop3A_668, %parallel_loop3A_669 : i32
        %parallel_loop3A_671 = arith.constant 0 : i32
        %parallel_loop3A_672 = tpu.memref_slice %arg7[%parallel_loop3A_472, %parallel_loop3A_671] : memref<2x4096xi32, #tpu.memory_space<vmem>> -> memref<1x4096xi32, #tpu.memory_space<vmem>>
        %parallel_loop3A_673 = tpu.memref_squeeze %parallel_loop3A_672 : memref<1x4096xi32, #tpu.memory_space<vmem>> -> memref<4096xi32, #tpu.memory_space<vmem>>
        %parallel_loop3A_674 = arith.index_cast %parallel_loop3A_670 : i32 to index
        %parallel_loop3A_675 = tpu.vector_load %parallel_loop3A_673[%parallel_loop3A_674] {strides = array<i32>} : memref<4096xi32, #tpu.memory_space<vmem>>, vector<16xi32>,
        %parallel_loop3A_676 = tpu.vector_load_idx %arg6[%parallel_loop3A_675] : memref<100000xf32, #tpu.memory_space<vmem>>[vector<16xi32>], vector<16xf32>,
        %parallel_loop3A_677 = arith.constant 0 : i32
        %parallel_loop3A_678 = arith.constant 0 : i32
        %parallel_loop3A_679 = tpu.memref_slice %arg8[%parallel_loop3A_473, %parallel_loop3A_677, %parallel_loop3A_678] : memref<2x32x128xf32, #tpu.memory_space<vmem>> -> memref<1x32x128xf32, #tpu.memory_space<vmem>>
        %parallel_loop3A_680 = tpu.memref_squeeze %parallel_loop3A_679 : memref<1x32x128xf32, #tpu.memory_space<vmem>> -> memref<32x128xf32, #tpu.memory_space<vmem>>
        %parallel_loop3A_681 = arith.index_cast %parallel_loop3A_564 : i32 to index
        %parallel_loop3A_682 = arith.constant 96 : index
        %parallel_loop3A_683 = tpu.vector_load %parallel_loop3A_680[%parallel_loop3A_681, %parallel_loop3A_682] {strides = array<i32>} : memref<32x128xf32, #tpu.memory_space<vmem>>, vector<16xf32>,
        tpu.vector_store %parallel_loop3A_680[%parallel_loop3A_681, %parallel_loop3A_682], %parallel_loop3A_676 {strides = array<i32>} : memref<32x128xf32, #tpu.memory_space<vmem>>, vector<16xf32>,
        %parallel_loop3A_684 = arith.constant 128 : i32
        %parallel_loop3A_685 = arith.muli %parallel_loop3A_564, %parallel_loop3A_684 : i32
        %parallel_loop3A_686 = arith.constant 112 : i32
        %parallel_loop3A_687 = arith.addi %parallel_loop3A_685, %parallel_loop3A_686 : i32
        %parallel_loop3A_688 = arith.constant 0 : i32
        %parallel_loop3A_689 = tpu.memref_slice %arg7[%parallel_loop3A_472, %parallel_loop3A_688] : memref<2x4096xi32, #tpu.memory_space<vmem>> -> memref<1x4096xi32, #tpu.memory_space<vmem>>
        %parallel_loop3A_690 = tpu.memref_squeeze %parallel_loop3A_689 : memref<1x4096xi32, #tpu.memory_space<vmem>> -> memref<4096xi32, #tpu.memory_space<vmem>>
        %parallel_loop3A_691 = arith.index_cast %parallel_loop3A_687 : i32 to index
        %parallel_loop3A_692 = tpu.vector_load %parallel_loop3A_690[%parallel_loop3A_691] {strides = array<i32>} : memref<4096xi32, #tpu.memory_space<vmem>>, vector<16xi32>,
        %parallel_loop3A_693 = tpu.vector_load_idx %arg6[%parallel_loop3A_692] : memref<100000xf32, #tpu.memory_space<vmem>>[vector<16xi32>], vector<16xf32>,
        %parallel_loop3A_694 = arith.constant 0 : i32
        %parallel_loop3A_695 = arith.constant 0 : i32
        %parallel_loop3A_696 = tpu.memref_slice %arg8[%parallel_loop3A_473, %parallel_loop3A_694, %parallel_loop3A_695] : memref<2x32x128xf32, #tpu.memory_space<vmem>> -> memref<1x32x128xf32, #tpu.memory_space<vmem>>
        %parallel_loop3A_697 = tpu.memref_squeeze %parallel_loop3A_696 : memref<1x32x128xf32, #tpu.memory_space<vmem>> -> memref<32x128xf32, #tpu.memory_space<vmem>>
        %parallel_loop3A_698 = arith.index_cast %parallel_loop3A_564 : i32 to index
        %parallel_loop3A_699 = arith.constant 112 : index
        %parallel_loop3A_700 = tpu.vector_load %parallel_loop3A_697[%parallel_loop3A_698, %parallel_loop3A_699] {strides = array<i32>} : memref<32x128xf32, #tpu.memory_space<vmem>>, vector<16xf32>,
        tpu.vector_store %parallel_loop3A_697[%parallel_loop3A_698, %parallel_loop3A_699], %parallel_loop3A_693 {strides = array<i32>} : memref<32x128xf32, #tpu.memory_space<vmem>>, vector<16xf32>,
      } {sc.loop_unroll_factor = 4 : i64, sc.parallel_access}
      %add3A_474 = arith.constant 0 : i32
      %add3A_475 = arith.addi %add3A_474, %add3A_449 : i32
      %dma_start3A_476 = arith.constant 0 : i32
      %dma_start3A_477 = arith.constant 0 : i32
      %dma_start3A_478 = arith.constant 0 : i32
      %dma_start3A_479 = arith.constant 0 : i32
      %dma_start3A_480 = tpu.memref_slice %arg8[%dma_start3A_476, %dma_start3A_478, %dma_start3A_479] : memref<2x32x128xf32, #tpu.memory_space<vmem>> -> memref<1x32x128xf32, #tpu.memory_space<vmem>>
      %dma_start3A_481 = tpu.memref_squeeze %dma_start3A_480 : memref<1x32x128xf32, #tpu.memory_space<vmem>> -> memref<32x128xf32, #tpu.memory_space<vmem>>
      %dma_start3A_482 = arith.constant 0 : i32
      %dma_start3A_483 = arith.constant 0 : i32
      %dma_start3A_484 = tpu.memref_slice %arg4[%add3A_475, %select_n3A_241, %dma_start3A_482, %select_n3A_257, %dma_start3A_483] : memref<100x8x32x8x128xf32, #tpu.memory_space<hbm>> -> memref<1x1x32x1x128xf32, #tpu.memory_space<hbm>>
      %dma_start3A_485 = tpu.memref_squeeze %dma_start3A_484 : memref<1x1x32x1x128xf32, #tpu.memory_space<hbm>> -> memref<32x128xf32, #tpu.memory_space<hbm>>
      %dma_start3A_486 = tpu.memref_slice %arg11[%dma_start3A_477] : memref<2x!tpu.dma_semaphore, #tpu.memory_space<semaphore_mem>> -> memref<1x!tpu.dma_semaphore, #tpu.memory_space<semaphore_mem>>
      %dma_start3A_487 = tpu.memref_squeeze %dma_start3A_486 : memref<1x!tpu.dma_semaphore, #tpu.memory_space<semaphore_mem>> -> memref<!tpu.dma_semaphore, #tpu.memory_space<semaphore_mem>>
      %dma_start3A_488 = arith.constant 0 : i32
      %dma_start3A_489 = arith.constant 0 : i32
      %dma_start3A_490 = tpu.memref_slice %arg4[%add3A_475, %select_n3A_241, %dma_start3A_488, %select_n3A_257, %dma_start3A_489] : memref<100x8x32x8x128xf32, #tpu.memory_space<hbm>> -> memref<1x1x32x1x128xf32, #tpu.memory_space<hbm>>
      %dma_start3A_491 = tpu.memref_squeeze %dma_start3A_490 : memref<1x1x32x1x128xf32, #tpu.memory_space<hbm>> -> memref<32x128xf32, #tpu.memory_space<hbm>>
      %dma_start3A_492 = arith.constant 0 : i32
      %dma_start3A_493 = arith.constant 0 : i32
      %dma_start3A_494 = tpu.memref_slice %arg8[%dma_start3A_476, %dma_start3A_492, %dma_start3A_493] : memref<2x32x128xf32, #tpu.memory_space<vmem>> -> memref<1x32x128xf32, #tpu.memory_space<vmem>>
      %dma_start3A_495 = tpu.memref_squeeze %dma_start3A_494 : memref<1x32x128xf32, #tpu.memory_space<vmem>> -> memref<32x128xf32, #tpu.memory_space<vmem>>
      tpu.enqueue_dma source(%dma_start3A_495 : memref<32x128xf32, #tpu.memory_space<vmem>>) target(%dma_start3A_491 : memref<32x128xf32, #tpu.memory_space<hbm>>) target_semaphore(%dma_start3A_487 : memref<!tpu.dma_semaphore, #tpu.memory_space<semaphore_mem>>)
      %add3A_496 = arith.constant 0 : i32
      %add3A_497 = arith.addi %add3A_447, %add3A_496 : i32
      %add3A_498 = arith.constant 2 : i32
      %add3A_499 = arith.addi %add3A_497, %add3A_498 : i32
      %lt3A_500 = arith.constant 50 : i32
      %lt3A_501 = arith.cmpi slt, %add3A_499, %lt3A_500 : i32
      %convert_element_type3A_502 = arith.extui %lt3A_501 : i1 to i32
      %cond3A_503 = arith.constant 0 : i32
      %cond3A_504 = arith.cmpi ne, %convert_element_type3A_502, %cond3A_503 : i32
      scf.if %cond3A_504 {
        %add3A_564 = arith.constant 2 : i32
        %add3A_565 = arith.addi %add3A_449, %add3A_564 : i32
        %mul3A_566 = arith.constant 4096 : i32
        %mul3A_567 = arith.muli %add3A_565, %mul3A_566 : i32
        %dma_start3A_568 = arith.constant 0 : i32
        %dma_start3A_569 = arith.constant 0 : i32
        %dma_start3A_570 = arith.constant 0 : i32
        %dma_start3A_571 = tpu.memref_slice %arg7[%dma_start3A_568, %dma_start3A_570] : memref<2x4096xi32, #tpu.memory_space<vmem>> -> memref<1x4096xi32, #tpu.memory_space<vmem>>
        %dma_start3A_572 = tpu.memref_squeeze %dma_start3A_571 : memref<1x4096xi32, #tpu.memory_space<vmem>> -> memref<4096xi32, #tpu.memory_space<vmem>>
        %dma_start3A_573 = tpu.memref_slice %arg5[%mul3A_567] : memref<204800xi32, #tpu.memory_space<vmem_shared>> -> memref<4096xi32, #tpu.memory_space<vmem_shared>>
        %dma_start3A_574 = tpu.memref_slice %arg10[%dma_start3A_569] : memref<2x!tpu.dma_semaphore, #tpu.memory_space<semaphore_mem>> -> memref<1x!tpu.dma_semaphore, #tpu.memory_space<semaphore_mem>>
        %dma_start3A_575 = tpu.memref_squeeze %dma_start3A_574 : memref<1x!tpu.dma_semaphore, #tpu.memory_space<semaphore_mem>> -> memref<!tpu.dma_semaphore, #tpu.memory_space<semaphore_mem>>
        %dma_start3A_576 = arith.constant 0 : i32
        %dma_start3A_577 = tpu.memref_slice %arg7[%dma_start3A_568, %dma_start3A_576] : memref<2x4096xi32, #tpu.memory_space<vmem>> -> memref<1x4096xi32, #tpu.memory_space<vmem>>
        %dma_start3A_578 = tpu.memref_squeeze %dma_start3A_577 : memref<1x4096xi32, #tpu.memory_space<vmem>> -> memref<4096xi32, #tpu.memory_space<vmem>>
        %dma_start3A_579 = tpu.memref_slice %arg5[%mul3A_567] : memref<204800xi32, #tpu.memory_space<vmem_shared>> -> memref<4096xi32, #tpu.memory_space<vmem_shared>>
        tpu.enqueue_dma source(%dma_start3A_579 : memref<4096xi32, #tpu.memory_space<vmem_shared>>) target(%dma_start3A_578 : memref<4096xi32, #tpu.memory_space<vmem>>) target_semaphore(%dma_start3A_575 : memref<!tpu.dma_semaphore, #tpu.memory_space<semaphore_mem>>)
      } else {
      }
      %add3A_505 = arith.constant 1 : i32
      %add3A_506 = arith.addi %add3A_447, %add3A_505 : i32
      %dma_wait3A_507 = arith.constant 1 : i32
      %dma_wait3A_508 = arith.constant 1 : i32
      %dma_wait3A_509 = arith.constant 0 : i32
      %dma_wait3A_510 = tpu.memref_slice %arg7[%dma_wait3A_507, %dma_wait3A_509] : memref<2x4096xi32, #tpu.memory_space<vmem>> -> memref<1x4096xi32, #tpu.memory_space<vmem>>
      %dma_wait3A_511 = tpu.memref_squeeze %dma_wait3A_510 : memref<1x4096xi32, #tpu.memory_space<vmem>> -> memref<4096xi32, #tpu.memory_space<vmem>>
      %dma_wait3A_512 = arith.constant 0 : i32
      %dma_wait3A_513 = tpu.memref_slice %arg5[%dma_wait3A_512] : memref<204800xi32, #tpu.memory_space<vmem_shared>> -> memref<4096xi32, #tpu.memory_space<vmem_shared>>
      %dma_wait3A_514 = tpu.memref_slice %arg10[%dma_wait3A_508] : memref<2x!tpu.dma_semaphore, #tpu.memory_space<semaphore_mem>> -> memref<1x!tpu.dma_semaphore, #tpu.memory_space<semaphore_mem>>
      %dma_wait3A_515 = tpu.memref_squeeze %dma_wait3A_514 : memref<1x!tpu.dma_semaphore, #tpu.memory_space<semaphore_mem>> -> memref<!tpu.dma_semaphore, #tpu.memory_space<semaphore_mem>>
      %dma_wait3A_516 = arith.constant 0 : i32
      %dma_wait3A_517 = tpu.memref_slice %arg7[%dma_wait3A_507, %dma_wait3A_516] : memref<2x4096xi32, #tpu.memory_space<vmem>> -> memref<1x4096xi32, #tpu.memory_space<vmem>>
      %dma_wait3A_518 = tpu.memref_squeeze %dma_wait3A_517 : memref<1x4096xi32, #tpu.memory_space<vmem>> -> memref<4096xi32, #tpu.memory_space<vmem>>
      %dma_wait3A_519 = arith.constant 0 : i32
      %dma_wait3A_520 = tpu.memref_slice %arg5[%dma_wait3A_519] : memref<204800xi32, #tpu.memory_space<vmem_shared>> -> memref<4096xi32, #tpu.memory_space<vmem_shared>>
      tpu.wait_dma2 semaphore(%dma_wait3A_515 : memref<!tpu.dma_semaphore, #tpu.memory_space<semaphore_mem>>) src(%dma_wait3A_520 : memref<4096xi32, #tpu.memory_space<vmem_shared>>) dst(%dma_wait3A_518 : memref<4096xi32, #tpu.memory_space<vmem>>)
      %add3A_521 = arith.constant 1 : i32
      %add3A_522 = arith.addi %add3A_447, %add3A_521 : i32
      %ge3A_523 = arith.constant 2 : i32
      %ge3A_524 = arith.cmpi sge, %add3A_522, %ge3A_523 : i32
      %convert_element_type3A_525 = arith.extui %ge3A_524 : i1 to i32
      %cond3A_526 = arith.constant 0 : i32
      %cond3A_527 = arith.cmpi ne, %convert_element_type3A_525, %cond3A_526 : i32
      scf.if %cond3A_527 {
        %dma_wait3A_564 = arith.constant 1 : i32
        %dma_wait3A_565 = arith.constant 0 : i32
        %dma_wait3A_566 = arith.constant 0 : i32
        %dma_wait3A_567 = arith.constant 0 : i32
        %dma_wait3A_568 = arith.constant 1 : i32
        %dma_wait3A_569 = arith.constant 0 : i32
        %dma_wait3A_570 = arith.constant 0 : i32
        %dma_wait3A_571 = tpu.memref_slice %arg8[%dma_wait3A_564, %dma_wait3A_569, %dma_wait3A_570] : memref<2x32x128xf32, #tpu.memory_space<vmem>> -> memref<1x32x128xf32, #tpu.memory_space<vmem>>
        %dma_wait3A_572 = tpu.memref_squeeze %dma_wait3A_571 : memref<1x32x128xf32, #tpu.memory_space<vmem>> -> memref<32x128xf32, #tpu.memory_space<vmem>>
        %dma_wait3A_573 = arith.constant 0 : i32
        %dma_wait3A_574 = arith.constant 0 : i32
        %dma_wait3A_575 = tpu.memref_slice %arg4[%dma_wait3A_565, %dma_wait3A_566, %dma_wait3A_573, %dma_wait3A_567, %dma_wait3A_574] : memref<100x8x32x8x128xf32, #tpu.memory_space<hbm>> -> memref<1x1x32x1x128xf32, #tpu.memory_space<hbm>>
        %dma_wait3A_576 = tpu.memref_squeeze %dma_wait3A_575 : memref<1x1x32x1x128xf32, #tpu.memory_space<hbm>> -> memref<32x128xf32, #tpu.memory_space<hbm>>
        %dma_wait3A_577 = tpu.memref_slice %arg11[%dma_wait3A_568] : memref<2x!tpu.dma_semaphore, #tpu.memory_space<semaphore_mem>> -> memref<1x!tpu.dma_semaphore, #tpu.memory_space<semaphore_mem>>
        %dma_wait3A_578 = tpu.memref_squeeze %dma_wait3A_577 : memref<1x!tpu.dma_semaphore, #tpu.memory_space<semaphore_mem>> -> memref<!tpu.dma_semaphore, #tpu.memory_space<semaphore_mem>>
        %dma_wait3A_579 = arith.constant 0 : i32
        %dma_wait3A_580 = arith.constant 0 : i32
        %dma_wait3A_581 = tpu.memref_slice %arg4[%dma_wait3A_565, %dma_wait3A_566, %dma_wait3A_579, %dma_wait3A_567, %dma_wait3A_580] : memref<100x8x32x8x128xf32, #tpu.memory_space<hbm>> -> memref<1x1x32x1x128xf32, #tpu.memory_space<hbm>>
        %dma_wait3A_582 = tpu.memref_squeeze %dma_wait3A_581 : memref<1x1x32x1x128xf32, #tpu.memory_space<hbm>> -> memref<32x128xf32, #tpu.memory_space<hbm>>
        %dma_wait3A_583 = arith.constant 0 : i32
        %dma_wait3A_584 = arith.constant 0 : i32
        %dma_wait3A_585 = tpu.memref_slice %arg8[%dma_wait3A_564, %dma_wait3A_583, %dma_wait3A_584] : memref<2x32x128xf32, #tpu.memory_space<vmem>> -> memref<1x32x128xf32, #tpu.memory_space<vmem>>
        %dma_wait3A_586 = tpu.memref_squeeze %dma_wait3A_585 : memref<1x32x128xf32, #tpu.memory_space<vmem>> -> memref<32x128xf32, #tpu.memory_space<vmem>>
        tpu.wait_dma2 semaphore(%dma_wait3A_578 : memref<!tpu.dma_semaphore, #tpu.memory_space<semaphore_mem>>) src(%dma_wait3A_586 : memref<32x128xf32, #tpu.memory_space<vmem>>) dst(%dma_wait3A_582 : memref<32x128xf32, #tpu.memory_space<hbm>>)
      } else {
      }
      %parallel_loop3A_528 = arith.constant 0 : i32
      %parallel_loop3A_529 = arith.constant 32 : i32
      %parallel_loop3A_530 = arith.constant 1 : i32
      %parallel_loop3A_531 = arith.constant 1 : i32
      %parallel_loop3A_532 = arith.constant 1 : i32
      scf.for %parallel_loop3A_564 = %parallel_loop3A_528 to %parallel_loop3A_529 step %parallel_loop3A_530  : i32 {
        %parallel_loop3A_565 = arith.constant 128 : i32
        %parallel_loop3A_566 = arith.muli %parallel_loop3A_564, %parallel_loop3A_565 : i32
        %parallel_loop3A_567 = arith.constant 0 : i32
        %parallel_loop3A_568 = arith.addi %parallel_loop3A_566, %parallel_loop3A_567 : i32
        %parallel_loop3A_569 = arith.constant 0 : i32
        %parallel_loop3A_570 = tpu.memref_slice %arg7[%parallel_loop3A_531, %parallel_loop3A_569] : memref<2x4096xi32, #tpu.memory_space<vmem>> -> memref<1x4096xi32, #tpu.memory_space<vmem>>
        %parallel_loop3A_571 = tpu.memref_squeeze %parallel_loop3A_570 : memref<1x4096xi32, #tpu.memory_space<vmem>> -> memref<4096xi32, #tpu.memory_space<vmem>>
        %parallel_loop3A_572 = arith.index_cast %parallel_loop3A_568 : i32 to index
        %parallel_loop3A_573 = tpu.vector_load %parallel_loop3A_571[%parallel_loop3A_572] {strides = array<i32>} : memref<4096xi32, #tpu.memory_space<vmem>>, vector<16xi32>,
        %parallel_loop3A_574 = tpu.vector_load_idx %arg6[%parallel_loop3A_573] : memref<100000xf32, #tpu.memory_space<vmem>>[vector<16xi32>], vector<16xf32>,
        %parallel_loop3A_575 = arith.constant 0 : i32
        %parallel_loop3A_576 = arith.constant 0 : i32
        %parallel_loop3A_577 = tpu.memref_slice %arg8[%parallel_loop3A_532, %parallel_loop3A_575, %parallel_loop3A_576] : memref<2x32x128xf32, #tpu.memory_space<vmem>> -> memref<1x32x128xf32, #tpu.memory_space<vmem>>
        %parallel_loop3A_578 = tpu.memref_squeeze %parallel_loop3A_577 : memref<1x32x128xf32, #tpu.memory_space<vmem>> -> memref<32x128xf32, #tpu.memory_space<vmem>>
        %parallel_loop3A_579 = arith.index_cast %parallel_loop3A_564 : i32 to index
        %parallel_loop3A_580 = arith.constant 0 : index
        %parallel_loop3A_581 = tpu.vector_load %parallel_loop3A_578[%parallel_loop3A_579, %parallel_loop3A_580] {strides = array<i32>} : memref<32x128xf32, #tpu.memory_space<vmem>>, vector<16xf32>,
        tpu.vector_store %parallel_loop3A_578[%parallel_loop3A_579, %parallel_loop3A_580], %parallel_loop3A_574 {strides = array<i32>} : memref<32x128xf32, #tpu.memory_space<vmem>>, vector<16xf32>,
        %parallel_loop3A_582 = arith.constant 128 : i32
        %parallel_loop3A_583 = arith.muli %parallel_loop3A_564, %parallel_loop3A_582 : i32
        %parallel_loop3A_584 = arith.constant 16 : i32
        %parallel_loop3A_585 = arith.addi %parallel_loop3A_583, %parallel_loop3A_584 : i32
        %parallel_loop3A_586 = arith.constant 0 : i32
        %parallel_loop3A_587 = tpu.memref_slice %arg7[%parallel_loop3A_531, %parallel_loop3A_586] : memref<2x4096xi32, #tpu.memory_space<vmem>> -> memref<1x4096xi32, #tpu.memory_space<vmem>>
        %parallel_loop3A_588 = tpu.memref_squeeze %parallel_loop3A_587 : memref<1x4096xi32, #tpu.memory_space<vmem>> -> memref<4096xi32, #tpu.memory_space<vmem>>
        %parallel_loop3A_589 = arith.index_cast %parallel_loop3A_585 : i32 to index
        %parallel_loop3A_590 = tpu.vector_load %parallel_loop3A_588[%parallel_loop3A_589] {strides = array<i32>} : memref<4096xi32, #tpu.memory_space<vmem>>, vector<16xi32>,
        %parallel_loop3A_591 = tpu.vector_load_idx %arg6[%parallel_loop3A_590] : memref<100000xf32, #tpu.memory_space<vmem>>[vector<16xi32>], vector<16xf32>,
        %parallel_loop3A_592 = arith.constant 0 : i32
        %parallel_loop3A_593 = arith.constant 0 : i32
        %parallel_loop3A_594 = tpu.memref_slice %arg8[%parallel_loop3A_532, %parallel_loop3A_592, %parallel_loop3A_593] : memref<2x32x128xf32, #tpu.memory_space<vmem>> -> memref<1x32x128xf32, #tpu.memory_space<vmem>>
        %parallel_loop3A_595 = tpu.memref_squeeze %parallel_loop3A_594 : memref<1x32x128xf32, #tpu.memory_space<vmem>> -> memref<32x128xf32, #tpu.memory_space<vmem>>
        %parallel_loop3A_596 = arith.index_cast %parallel_loop3A_564 : i32 to index
        %parallel_loop3A_597 = arith.constant 16 : index
        %parallel_loop3A_598 = tpu.vector_load %parallel_loop3A_595[%parallel_loop3A_596, %parallel_loop3A_597] {strides = array<i32>} : memref<32x128xf32, #tpu.memory_space<vmem>>, vector<16xf32>,
        tpu.vector_store %parallel_loop3A_595[%parallel_loop3A_596, %parallel_loop3A_597], %parallel_loop3A_591 {strides = array<i32>} : memref<32x128xf32, #tpu.memory_space<vmem>>, vector<16xf32>,
        %parallel_loop3A_599 = arith.constant 128 : i32
        %parallel_loop3A_600 = arith.muli %parallel_loop3A_564, %parallel_loop3A_599 : i32
        %parallel_loop3A_601 = arith.constant 32 : i32
        %parallel_loop3A_602 = arith.addi %parallel_loop3A_600, %parallel_loop3A_601 : i32
        %parallel_loop3A_603 = arith.constant 0 : i32
        %parallel_loop3A_604 = tpu.memref_slice %arg7[%parallel_loop3A_531, %parallel_loop3A_603] : memref<2x4096xi32, #tpu.memory_space<vmem>> -> memref<1x4096xi32, #tpu.memory_space<vmem>>
        %parallel_loop3A_605 = tpu.memref_squeeze %parallel_loop3A_604 : memref<1x4096xi32, #tpu.memory_space<vmem>> -> memref<4096xi32, #tpu.memory_space<vmem>>
        %parallel_loop3A_606 = arith.index_cast %parallel_loop3A_602 : i32 to index
        %parallel_loop3A_607 = tpu.vector_load %parallel_loop3A_605[%parallel_loop3A_606] {strides = array<i32>} : memref<4096xi32, #tpu.memory_space<vmem>>, vector<16xi32>,
        %parallel_loop3A_608 = tpu.vector_load_idx %arg6[%parallel_loop3A_607] : memref<100000xf32, #tpu.memory_space<vmem>>[vector<16xi32>], vector<16xf32>,
        %parallel_loop3A_609 = arith.constant 0 : i32
        %parallel_loop3A_610 = arith.constant 0 : i32
        %parallel_loop3A_611 = tpu.memref_slice %arg8[%parallel_loop3A_532, %parallel_loop3A_609, %parallel_loop3A_610] : memref<2x32x128xf32, #tpu.memory_space<vmem>> -> memref<1x32x128xf32, #tpu.memory_space<vmem>>
        %parallel_loop3A_612 = tpu.memref_squeeze %parallel_loop3A_611 : memref<1x32x128xf32, #tpu.memory_space<vmem>> -> memref<32x128xf32, #tpu.memory_space<vmem>>
        %parallel_loop3A_613 = arith.index_cast %parallel_loop3A_564 : i32 to index
        %parallel_loop3A_614 = arith.constant 32 : index
        %parallel_loop3A_615 = tpu.vector_load %parallel_loop3A_612[%parallel_loop3A_613, %parallel_loop3A_614] {strides = array<i32>} : memref<32x128xf32, #tpu.memory_space<vmem>>, vector<16xf32>,
        tpu.vector_store %parallel_loop3A_612[%parallel_loop3A_613, %parallel_loop3A_614], %parallel_loop3A_608 {strides = array<i32>} : memref<32x128xf32, #tpu.memory_space<vmem>>, vector<16xf32>,
        %parallel_loop3A_616 = arith.constant 128 : i32
        %parallel_loop3A_617 = arith.muli %parallel_loop3A_564, %parallel_loop3A_616 : i32
        %parallel_loop3A_618 = arith.constant 48 : i32
        %parallel_loop3A_619 = arith.addi %parallel_loop3A_617, %parallel_loop3A_618 : i32
        %parallel_loop3A_620 = arith.constant 0 : i32
        %parallel_loop3A_621 = tpu.memref_slice %arg7[%parallel_loop3A_531, %parallel_loop3A_620] : memref<2x4096xi32, #tpu.memory_space<vmem>> -> memref<1x4096xi32, #tpu.memory_space<vmem>>
        %parallel_loop3A_622 = tpu.memref_squeeze %parallel_loop3A_621 : memref<1x4096xi32, #tpu.memory_space<vmem>> -> memref<4096xi32, #tpu.memory_space<vmem>>
        %parallel_loop3A_623 = arith.index_cast %parallel_loop3A_619 : i32 to index
        %parallel_loop3A_624 = tpu.vector_load %parallel_loop3A_622[%parallel_loop3A_623] {strides = array<i32>} : memref<4096xi32, #tpu.memory_space<vmem>>, vector<16xi32>,
        %parallel_loop3A_625 = tpu.vector_load_idx %arg6[%parallel_loop3A_624] : memref<100000xf32, #tpu.memory_space<vmem>>[vector<16xi32>], vector<16xf32>,
        %parallel_loop3A_626 = arith.constant 0 : i32
        %parallel_loop3A_627 = arith.constant 0 : i32
        %parallel_loop3A_628 = tpu.memref_slice %arg8[%parallel_loop3A_532, %parallel_loop3A_626, %parallel_loop3A_627] : memref<2x32x128xf32, #tpu.memory_space<vmem>> -> memref<1x32x128xf32, #tpu.memory_space<vmem>>
        %parallel_loop3A_629 = tpu.memref_squeeze %parallel_loop3A_628 : memref<1x32x128xf32, #tpu.memory_space<vmem>> -> memref<32x128xf32, #tpu.memory_space<vmem>>
        %parallel_loop3A_630 = arith.index_cast %parallel_loop3A_564 : i32 to index
        %parallel_loop3A_631 = arith.constant 48 : index
        %parallel_loop3A_632 = tpu.vector_load %parallel_loop3A_629[%parallel_loop3A_630, %parallel_loop3A_631] {strides = array<i32>} : memref<32x128xf32, #tpu.memory_space<vmem>>, vector<16xf32>,
        tpu.vector_store %parallel_loop3A_629[%parallel_loop3A_630, %parallel_loop3A_631], %parallel_loop3A_625 {strides = array<i32>} : memref<32x128xf32, #tpu.memory_space<vmem>>, vector<16xf32>,
        %parallel_loop3A_633 = arith.constant 128 : i32
        %parallel_loop3A_634 = arith.muli %parallel_loop3A_564, %parallel_loop3A_633 : i32
        %parallel_loop3A_635 = arith.constant 64 : i32
        %parallel_loop3A_636 = arith.addi %parallel_loop3A_634, %parallel_loop3A_635 : i32
        %parallel_loop3A_637 = arith.constant 0 : i32
        %parallel_loop3A_638 = tpu.memref_slice %arg7[%parallel_loop3A_531, %parallel_loop3A_637] : memref<2x4096xi32, #tpu.memory_space<vmem>> -> memref<1x4096xi32, #tpu.memory_space<vmem>>
        %parallel_loop3A_639 = tpu.memref_squeeze %parallel_loop3A_638 : memref<1x4096xi32, #tpu.memory_space<vmem>> -> memref<4096xi32, #tpu.memory_space<vmem>>
        %parallel_loop3A_640 = arith.index_cast %parallel_loop3A_636 : i32 to index
        %parallel_loop3A_641 = tpu.vector_load %parallel_loop3A_639[%parallel_loop3A_640] {strides = array<i32>} : memref<4096xi32, #tpu.memory_space<vmem>>, vector<16xi32>,
        %parallel_loop3A_642 = tpu.vector_load_idx %arg6[%parallel_loop3A_641] : memref<100000xf32, #tpu.memory_space<vmem>>[vector<16xi32>], vector<16xf32>,
        %parallel_loop3A_643 = arith.constant 0 : i32
        %parallel_loop3A_644 = arith.constant 0 : i32
        %parallel_loop3A_645 = tpu.memref_slice %arg8[%parallel_loop3A_532, %parallel_loop3A_643, %parallel_loop3A_644] : memref<2x32x128xf32, #tpu.memory_space<vmem>> -> memref<1x32x128xf32, #tpu.memory_space<vmem>>
        %parallel_loop3A_646 = tpu.memref_squeeze %parallel_loop3A_645 : memref<1x32x128xf32, #tpu.memory_space<vmem>> -> memref<32x128xf32, #tpu.memory_space<vmem>>
        %parallel_loop3A_647 = arith.index_cast %parallel_loop3A_564 : i32 to index
        %parallel_loop3A_648 = arith.constant 64 : index
        %parallel_loop3A_649 = tpu.vector_load %parallel_loop3A_646[%parallel_loop3A_647, %parallel_loop3A_648] {strides = array<i32>} : memref<32x128xf32, #tpu.memory_space<vmem>>, vector<16xf32>,
        tpu.vector_store %parallel_loop3A_646[%parallel_loop3A_647, %parallel_loop3A_648], %parallel_loop3A_642 {strides = array<i32>} : memref<32x128xf32, #tpu.memory_space<vmem>>, vector<16xf32>,
        %parallel_loop3A_650 = arith.constant 128 : i32
        %parallel_loop3A_651 = arith.muli %parallel_loop3A_564, %parallel_loop3A_650 : i32
        %parallel_loop3A_652 = arith.constant 80 : i32
        %parallel_loop3A_653 = arith.addi %parallel_loop3A_651, %parallel_loop3A_652 : i32
        %parallel_loop3A_654 = arith.constant 0 : i32
        %parallel_loop3A_655 = tpu.memref_slice %arg7[%parallel_loop3A_531, %parallel_loop3A_654] : memref<2x4096xi32, #tpu.memory_space<vmem>> -> memref<1x4096xi32, #tpu.memory_space<vmem>>
        %parallel_loop3A_656 = tpu.memref_squeeze %parallel_loop3A_655 : memref<1x4096xi32, #tpu.memory_space<vmem>> -> memref<4096xi32, #tpu.memory_space<vmem>>
        %parallel_loop3A_657 = arith.index_cast %parallel_loop3A_653 : i32 to index
        %parallel_loop3A_658 = tpu.vector_load %parallel_loop3A_656[%parallel_loop3A_657] {strides = array<i32>} : memref<4096xi32, #tpu.memory_space<vmem>>, vector<16xi32>,
        %parallel_loop3A_659 = tpu.vector_load_idx %arg6[%parallel_loop3A_658] : memref<100000xf32, #tpu.memory_space<vmem>>[vector<16xi32>], vector<16xf32>,
        %parallel_loop3A_660 = arith.constant 0 : i32
        %parallel_loop3A_661 = arith.constant 0 : i32
        %parallel_loop3A_662 = tpu.memref_slice %arg8[%parallel_loop3A_532, %parallel_loop3A_660, %parallel_loop3A_661] : memref<2x32x128xf32, #tpu.memory_space<vmem>> -> memref<1x32x128xf32, #tpu.memory_space<vmem>>
        %parallel_loop3A_663 = tpu.memref_squeeze %parallel_loop3A_662 : memref<1x32x128xf32, #tpu.memory_space<vmem>> -> memref<32x128xf32, #tpu.memory_space<vmem>>
        %parallel_loop3A_664 = arith.index_cast %parallel_loop3A_564 : i32 to index
        %parallel_loop3A_665 = arith.constant 80 : index
        %parallel_loop3A_666 = tpu.vector_load %parallel_loop3A_663[%parallel_loop3A_664, %parallel_loop3A_665] {strides = array<i32>} : memref<32x128xf32, #tpu.memory_space<vmem>>, vector<16xf32>,
        tpu.vector_store %parallel_loop3A_663[%parallel_loop3A_664, %parallel_loop3A_665], %parallel_loop3A_659 {strides = array<i32>} : memref<32x128xf32, #tpu.memory_space<vmem>>, vector<16xf32>,
        %parallel_loop3A_667 = arith.constant 128 : i32
        %parallel_loop3A_668 = arith.muli %parallel_loop3A_564, %parallel_loop3A_667 : i32
        %parallel_loop3A_669 = arith.constant 96 : i32
        %parallel_loop3A_670 = arith.addi %parallel_loop3A_668, %parallel_loop3A_669 : i32
        %parallel_loop3A_671 = arith.constant 0 : i32
        %parallel_loop3A_672 = tpu.memref_slice %arg7[%parallel_loop3A_531, %parallel_loop3A_671] : memref<2x4096xi32, #tpu.memory_space<vmem>> -> memref<1x4096xi32, #tpu.memory_space<vmem>>
        %parallel_loop3A_673 = tpu.memref_squeeze %parallel_loop3A_672 : memref<1x4096xi32, #tpu.memory_space<vmem>> -> memref<4096xi32, #tpu.memory_space<vmem>>
        %parallel_loop3A_674 = arith.index_cast %parallel_loop3A_670 : i32 to index
        %parallel_loop3A_675 = tpu.vector_load %parallel_loop3A_673[%parallel_loop3A_674] {strides = array<i32>} : memref<4096xi32, #tpu.memory_space<vmem>>, vector<16xi32>,
        %parallel_loop3A_676 = tpu.vector_load_idx %arg6[%parallel_loop3A_675] : memref<100000xf32, #tpu.memory_space<vmem>>[vector<16xi32>], vector<16xf32>,
        %parallel_loop3A_677 = arith.constant 0 : i32
        %parallel_loop3A_678 = arith.constant 0 : i32
        %parallel_loop3A_679 = tpu.memref_slice %arg8[%parallel_loop3A_532, %parallel_loop3A_677, %parallel_loop3A_678] : memref<2x32x128xf32, #tpu.memory_space<vmem>> -> memref<1x32x128xf32, #tpu.memory_space<vmem>>
        %parallel_loop3A_680 = tpu.memref_squeeze %parallel_loop3A_679 : memref<1x32x128xf32, #tpu.memory_space<vmem>> -> memref<32x128xf32, #tpu.memory_space<vmem>>
        %parallel_loop3A_681 = arith.index_cast %parallel_loop3A_564 : i32 to index
        %parallel_loop3A_682 = arith.constant 96 : index
        %parallel_loop3A_683 = tpu.vector_load %parallel_loop3A_680[%parallel_loop3A_681, %parallel_loop3A_682] {strides = array<i32>} : memref<32x128xf32, #tpu.memory_space<vmem>>, vector<16xf32>,
        tpu.vector_store %parallel_loop3A_680[%parallel_loop3A_681, %parallel_loop3A_682], %parallel_loop3A_676 {strides = array<i32>} : memref<32x128xf32, #tpu.memory_space<vmem>>, vector<16xf32>,
        %parallel_loop3A_684 = arith.constant 128 : i32
        %parallel_loop3A_685 = arith.muli %parallel_loop3A_564, %parallel_loop3A_684 : i32
        %parallel_loop3A_686 = arith.constant 112 : i32
        %parallel_loop3A_687 = arith.addi %parallel_loop3A_685, %parallel_loop3A_686 : i32
        %parallel_loop3A_688 = arith.constant 0 : i32
        %parallel_loop3A_689 = tpu.memref_slice %arg7[%parallel_loop3A_531, %parallel_loop3A_688] : memref<2x4096xi32, #tpu.memory_space<vmem>> -> memref<1x4096xi32, #tpu.memory_space<vmem>>
        %parallel_loop3A_690 = tpu.memref_squeeze %parallel_loop3A_689 : memref<1x4096xi32, #tpu.memory_space<vmem>> -> memref<4096xi32, #tpu.memory_space<vmem>>
        %parallel_loop3A_691 = arith.index_cast %parallel_loop3A_687 : i32 to index
        %parallel_loop3A_692 = tpu.vector_load %parallel_loop3A_690[%parallel_loop3A_691] {strides = array<i32>} : memref<4096xi32, #tpu.memory_space<vmem>>, vector<16xi32>,
        %parallel_loop3A_693 = tpu.vector_load_idx %arg6[%parallel_loop3A_692] : memref<100000xf32, #tpu.memory_space<vmem>>[vector<16xi32>], vector<16xf32>,
        %parallel_loop3A_694 = arith.constant 0 : i32
        %parallel_loop3A_695 = arith.constant 0 : i32
        %parallel_loop3A_696 = tpu.memref_slice %arg8[%parallel_loop3A_532, %parallel_loop3A_694, %parallel_loop3A_695] : memref<2x32x128xf32, #tpu.memory_space<vmem>> -> memref<1x32x128xf32, #tpu.memory_space<vmem>>
        %parallel_loop3A_697 = tpu.memref_squeeze %parallel_loop3A_696 : memref<1x32x128xf32, #tpu.memory_space<vmem>> -> memref<32x128xf32, #tpu.memory_space<vmem>>
        %parallel_loop3A_698 = arith.index_cast %parallel_loop3A_564 : i32 to index
        %parallel_loop3A_699 = arith.constant 112 : index
        %parallel_loop3A_700 = tpu.vector_load %parallel_loop3A_697[%parallel_loop3A_698, %parallel_loop3A_699] {strides = array<i32>} : memref<32x128xf32, #tpu.memory_space<vmem>>, vector<16xf32>,
        tpu.vector_store %parallel_loop3A_697[%parallel_loop3A_698, %parallel_loop3A_699], %parallel_loop3A_693 {strides = array<i32>} : memref<32x128xf32, #tpu.memory_space<vmem>>, vector<16xf32>,
      } {sc.loop_unroll_factor = 4 : i64, sc.parallel_access}
      %add3A_533 = arith.constant 0 : i32
      %add3A_534 = arith.addi %add3A_533, %add3A_506 : i32
      %dma_start3A_535 = arith.constant 1 : i32
      %dma_start3A_536 = arith.constant 1 : i32
      %dma_start3A_537 = arith.constant 0 : i32
      %dma_start3A_538 = arith.constant 0 : i32
      %dma_start3A_539 = tpu.memref_slice %arg8[%dma_start3A_535, %dma_start3A_537, %dma_start3A_538] : memref<2x32x128xf32, #tpu.memory_space<vmem>> -> memref<1x32x128xf32, #tpu.memory_space<vmem>>
      %dma_start3A_540 = tpu.memref_squeeze %dma_start3A_539 : memref<1x32x128xf32, #tpu.memory_space<vmem>> -> memref<32x128xf32, #tpu.memory_space<vmem>>
      %dma_start3A_541 = arith.constant 0 : i32
      %dma_start3A_542 = arith.constant 0 : i32
      %dma_start3A_543 = tpu.memref_slice %arg4[%add3A_534, %select_n3A_241, %dma_start3A_541, %select_n3A_257, %dma_start3A_542] : memref<100x8x32x8x128xf32, #tpu.memory_space<hbm>> -> memref<1x1x32x1x128xf32, #tpu.memory_space<hbm>>
      %dma_start3A_544 = tpu.memref_squeeze %dma_start3A_543 : memref<1x1x32x1x128xf32, #tpu.memory_space<hbm>> -> memref<32x128xf32, #tpu.memory_space<hbm>>
      %dma_start3A_545 = tpu.memref_slice %arg11[%dma_start3A_536] : memref<2x!tpu.dma_semaphore, #tpu.memory_space<semaphore_mem>> -> memref<1x!tpu.dma_semaphore, #tpu.memory_space<semaphore_mem>>
      %dma_start3A_546 = tpu.memref_squeeze %dma_start3A_545 : memref<1x!tpu.dma_semaphore, #tpu.memory_space<semaphore_mem>> -> memref<!tpu.dma_semaphore, #tpu.memory_space<semaphore_mem>>
      %dma_start3A_547 = arith.constant 0 : i32
      %dma_start3A_548 = arith.constant 0 : i32
      %dma_start3A_549 = tpu.memref_slice %arg4[%add3A_534, %select_n3A_241, %dma_start3A_547, %select_n3A_257, %dma_start3A_548] : memref<100x8x32x8x128xf32, #tpu.memory_space<hbm>> -> memref<1x1x32x1x128xf32, #tpu.memory_space<hbm>>
      %dma_start3A_550 = tpu.memref_squeeze %dma_start3A_549 : memref<1x1x32x1x128xf32, #tpu.memory_space<hbm>> -> memref<32x128xf32, #tpu.memory_space<hbm>>
      %dma_start3A_551 = arith.constant 0 : i32
      %dma_start3A_552 = arith.constant 0 : i32
      %dma_start3A_553 = tpu.memref_slice %arg8[%dma_start3A_535, %dma_start3A_551, %dma_start3A_552] : memref<2x32x128xf32, #tpu.memory_space<vmem>> -> memref<1x32x128xf32, #tpu.memory_space<vmem>>
      %dma_start3A_554 = tpu.memref_squeeze %dma_start3A_553 : memref<1x32x128xf32, #tpu.memory_space<vmem>> -> memref<32x128xf32, #tpu.memory_space<vmem>>
      tpu.enqueue_dma source(%dma_start3A_554 : memref<32x128xf32, #tpu.memory_space<vmem>>) target(%dma_start3A_550 : memref<32x128xf32, #tpu.memory_space<hbm>>) target_semaphore(%dma_start3A_546 : memref<!tpu.dma_semaphore, #tpu.memory_space<semaphore_mem>>)
      %add3A_555 = arith.constant 1 : i32
      %add3A_556 = arith.addi %add3A_447, %add3A_555 : i32
      %add3A_557 = arith.constant 2 : i32
      %add3A_558 = arith.addi %add3A_556, %add3A_557 : i32
      %lt3A_559 = arith.constant 50 : i32
      %lt3A_560 = arith.cmpi slt, %add3A_558, %lt3A_559 : i32
      %convert_element_type3A_561 = arith.extui %lt3A_560 : i1 to i32
      %cond3A_562 = arith.constant 0 : i32
      %cond3A_563 = arith.cmpi ne, %convert_element_type3A_561, %cond3A_562 : i32
      scf.if %cond3A_563 {
        %add3A_564 = arith.constant 2 : i32
        %add3A_565 = arith.addi %add3A_506, %add3A_564 : i32
        %mul3A_566 = arith.constant 4096 : i32
        %mul3A_567 = arith.muli %add3A_565, %mul3A_566 : i32
        %dma_start3A_568 = arith.constant 1 : i32
        %dma_start3A_569 = arith.constant 1 : i32
        %dma_start3A_570 = arith.constant 0 : i32
        %dma_start3A_571 = tpu.memref_slice %arg7[%dma_start3A_568, %dma_start3A_570] : memref<2x4096xi32, #tpu.memory_space<vmem>> -> memref<1x4096xi32, #tpu.memory_space<vmem>>
        %dma_start3A_572 = tpu.memref_squeeze %dma_start3A_571 : memref<1x4096xi32, #tpu.memory_space<vmem>> -> memref<4096xi32, #tpu.memory_space<vmem>>
        %dma_start3A_573 = tpu.memref_slice %arg5[%mul3A_567] : memref<204800xi32, #tpu.memory_space<vmem_shared>> -> memref<4096xi32, #tpu.memory_space<vmem_shared>>
        %dma_start3A_574 = tpu.memref_slice %arg10[%dma_start3A_569] : memref<2x!tpu.dma_semaphore, #tpu.memory_space<semaphore_mem>> -> memref<1x!tpu.dma_semaphore, #tpu.memory_space<semaphore_mem>>
        %dma_start3A_575 = tpu.memref_squeeze %dma_start3A_574 : memref<1x!tpu.dma_semaphore, #tpu.memory_space<semaphore_mem>> -> memref<!tpu.dma_semaphore, #tpu.memory_space<semaphore_mem>>
        %dma_start3A_576 = arith.constant 0 : i32
        %dma_start3A_577 = tpu.memref_slice %arg7[%dma_start3A_568, %dma_start3A_576] : memref<2x4096xi32, #tpu.memory_space<vmem>> -> memref<1x4096xi32, #tpu.memory_space<vmem>>
        %dma_start3A_578 = tpu.memref_squeeze %dma_start3A_577 : memref<1x4096xi32, #tpu.memory_space<vmem>> -> memref<4096xi32, #tpu.memory_space<vmem>>
        %dma_start3A_579 = tpu.memref_slice %arg5[%mul3A_567] : memref<204800xi32, #tpu.memory_space<vmem_shared>> -> memref<4096xi32, #tpu.memory_space<vmem_shared>>
        tpu.enqueue_dma source(%dma_start3A_579 : memref<4096xi32, #tpu.memory_space<vmem_shared>>) target(%dma_start3A_578 : memref<4096xi32, #tpu.memory_space<vmem>>) target_semaphore(%dma_start3A_575 : memref<!tpu.dma_semaphore, #tpu.memory_space<semaphore_mem>>)
      } else {
      }
    }
    %scan3A_310 = arith.constant 25 : i32
    %dma_wait3A_311 = arith.constant 0 : i32
    %dma_wait3A_312 = arith.constant 0 : i32
    %dma_wait3A_313 = arith.constant 0 : i32
    %dma_wait3A_314 = arith.constant 0 : i32
    %dma_wait3A_315 = arith.constant 0 : i32
    %dma_wait3A_316 = arith.constant 0 : i32
    %dma_wait3A_317 = arith.constant 0 : i32
    %dma_wait3A_318 = tpu.memref_slice %arg8[%dma_wait3A_311, %dma_wait3A_316, %dma_wait3A_317] : memref<2x32x128xf32, #tpu.memory_space<vmem>> -> memref<1x32x128xf32, #tpu.memory_space<vmem>>
    %dma_wait3A_319 = tpu.memref_squeeze %dma_wait3A_318 : memref<1x32x128xf32, #tpu.memory_space<vmem>> -> memref<32x128xf32, #tpu.memory_space<vmem>>
    %dma_wait3A_320 = arith.constant 0 : i32
    %dma_wait3A_321 = arith.constant 0 : i32
    %dma_wait3A_322 = tpu.memref_slice %arg4[%dma_wait3A_312, %dma_wait3A_313, %dma_wait3A_320, %dma_wait3A_314, %dma_wait3A_321] : memref<100x8x32x8x128xf32, #tpu.memory_space<hbm>> -> memref<1x1x32x1x128xf32, #tpu.memory_space<hbm>>
    %dma_wait3A_323 = tpu.memref_squeeze %dma_wait3A_322 : memref<1x1x32x1x128xf32, #tpu.memory_space<hbm>> -> memref<32x128xf32, #tpu.memory_space<hbm>>
    %dma_wait3A_324 = tpu.memref_slice %arg11[%dma_wait3A_315] : memref<2x!tpu.dma_semaphore, #tpu.memory_space<semaphore_mem>> -> memref<1x!tpu.dma_semaphore, #tpu.memory_space<semaphore_mem>>
    %dma_wait3A_325 = tpu.memref_squeeze %dma_wait3A_324 : memref<1x!tpu.dma_semaphore, #tpu.memory_space<semaphore_mem>> -> memref<!tpu.dma_semaphore, #tpu.memory_space<semaphore_mem>>
    %dma_wait3A_326 = arith.constant 0 : i32
    %dma_wait3A_327 = arith.constant 0 : i32
    %dma_wait3A_328 = tpu.memref_slice %arg4[%dma_wait3A_312, %dma_wait3A_313, %dma_wait3A_326, %dma_wait3A_314, %dma_wait3A_327] : memref<100x8x32x8x128xf32, #tpu.memory_space<hbm>> -> memref<1x1x32x1x128xf32, #tpu.memory_space<hbm>>
    %dma_wait3A_329 = tpu.memref_squeeze %dma_wait3A_328 : memref<1x1x32x1x128xf32, #tpu.memory_space<hbm>> -> memref<32x128xf32, #tpu.memory_space<hbm>>
    %dma_wait3A_330 = arith.constant 0 : i32
    %dma_wait3A_331 = arith.constant 0 : i32
    %dma_wait3A_332 = tpu.memref_slice %arg8[%dma_wait3A_311, %dma_wait3A_330, %dma_wait3A_331] : memref<2x32x128xf32, #tpu.memory_space<vmem>> -> memref<1x32x128xf32, #tpu.memory_space<vmem>>
    %dma_wait3A_333 = tpu.memref_squeeze %dma_wait3A_332 : memref<1x32x128xf32, #tpu.memory_space<vmem>> -> memref<32x128xf32, #tpu.memory_space<vmem>>
    tpu.wait_dma2 semaphore(%dma_wait3A_325 : memref<!tpu.dma_semaphore, #tpu.memory_space<semaphore_mem>>) src(%dma_wait3A_333 : memref<32x128xf32, #tpu.memory_space<vmem>>) dst(%dma_wait3A_329 : memref<32x128xf32, #tpu.memory_space<hbm>>)
    %dma_wait3A_334 = arith.constant 1 : i32
    %dma_wait3A_335 = arith.constant 0 : i32
    %dma_wait3A_336 = arith.constant 0 : i32
    %dma_wait3A_337 = arith.constant 0 : i32
    %dma_wait3A_338 = arith.constant 1 : i32
    %dma_wait3A_339 = arith.constant 0 : i32
    %dma_wait3A_340 = arith.constant 0 : i32
    %dma_wait3A_341 = tpu.memref_slice %arg8[%dma_wait3A_334, %dma_wait3A_339, %dma_wait3A_340] : memref<2x32x128xf32, #tpu.memory_space<vmem>> -> memref<1x32x128xf32, #tpu.memory_space<vmem>>
    %dma_wait3A_342 = tpu.memref_squeeze %dma_wait3A_341 : memref<1x32x128xf32, #tpu.memory_space<vmem>> -> memref<32x128xf32, #tpu.memory_space<vmem>>
    %dma_wait3A_343 = arith.constant 0 : i32
    %dma_wait3A_344 = arith.constant 0 : i32
    %dma_wait3A_345 = tpu.memref_slice %arg4[%dma_wait3A_335, %dma_wait3A_336, %dma_wait3A_343, %dma_wait3A_337, %dma_wait3A_344] : memref<100x8x32x8x128xf32, #tpu.memory_space<hbm>> -> memref<1x1x32x1x128xf32, #tpu.memory_space<hbm>>
    %dma_wait3A_346 = tpu.memref_squeeze %dma_wait3A_345 : memref<1x1x32x1x128xf32, #tpu.memory_space<hbm>> -> memref<32x128xf32, #tpu.memory_space<hbm>>
    %dma_wait3A_347 = tpu.memref_slice %arg11[%dma_wait3A_338] : memref<2x!tpu.dma_semaphore, #tpu.memory_space<semaphore_mem>> -> memref<1x!tpu.dma_semaphore, #tpu.memory_space<semaphore_mem>>
    %dma_wait3A_348 = tpu.memref_squeeze %dma_wait3A_347 : memref<1x!tpu.dma_semaphore, #tpu.memory_space<semaphore_mem>> -> memref<!tpu.dma_semaphore, #tpu.memory_space<semaphore_mem>>
    %dma_wait3A_349 = arith.constant 0 : i32
    %dma_wait3A_350 = arith.constant 0 : i32
    %dma_wait3A_351 = tpu.memref_slice %arg4[%dma_wait3A_335, %dma_wait3A_336, %dma_wait3A_349, %dma_wait3A_337, %dma_wait3A_350] : memref<100x8x32x8x128xf32, #tpu.memory_space<hbm>> -> memref<1x1x32x1x128xf32, #tpu.memory_space<hbm>>
    %dma_wait3A_352 = tpu.memref_squeeze %dma_wait3A_351 : memref<1x1x32x1x128xf32, #tpu.memory_space<hbm>> -> memref<32x128xf32, #tpu.memory_space<hbm>>
    %dma_wait3A_353 = arith.constant 0 : i32
    %dma_wait3A_354 = arith.constant 0 : i32
    %dma_wait3A_355 = tpu.memref_slice %arg8[%dma_wait3A_334, %dma_wait3A_353, %dma_wait3A_354] : memref<2x32x128xf32, #tpu.memory_space<vmem>> -> memref<1x32x128xf32, #tpu.memory_space<vmem>>
    %dma_wait3A_356 = tpu.memref_squeeze %dma_wait3A_355 : memref<1x32x128xf32, #tpu.memory_space<vmem>> -> memref<32x128xf32, #tpu.memory_space<vmem>>
    tpu.wait_dma2 semaphore(%dma_wait3A_348 : memref<!tpu.dma_semaphore, #tpu.memory_space<semaphore_mem>>) src(%dma_wait3A_356 : memref<32x128xf32, #tpu.memory_space<vmem>>) dst(%dma_wait3A_352 : memref<32x128xf32, #tpu.memory_space<hbm>>)
    %barrier3A_357 = arith.constant 0 : index
    tpu.barrier barrier_id(%barrier3A_357)
    %eq3A_358 = arith.constant 0 : i32
    %eq3A_359 = arith.cmpi eq, %arg1, %eq3A_358 : i32
    %convert_element_type3A_360 = arith.extui %eq3A_359 : i1 to i32
    %cond3A_361 = arith.constant 0 : i32
    %cond3A_362 = arith.cmpi ne, %convert_element_type3A_360, %cond3A_361 : i32
    scf.if %cond3A_362 {
      "tpu.region"() ({
        %run_scoped3A = tpu.sem_alloc : memref<!tpu.dma_semaphore, #tpu.memory_space<semaphore_mem>>
        %dma_start3A_443 = arith.constant 204800 : i32
        %dma_start3A_444 = tpu.memref_slice %arg2[%dma_start3A_443] : memref<409600xi32, #tpu.memory_space<hbm>> -> memref<204800xi32, #tpu.memory_space<hbm>>
        tpu.enqueue_dma source(%dma_start3A_444 : memref<204800xi32, #tpu.memory_space<hbm>>) target(%arg5 : memref<204800xi32, #tpu.memory_space<vmem_shared>>) target_semaphore(%run_scoped3A : memref<!tpu.dma_semaphore, #tpu.memory_space<semaphore_mem>>)
        %dma_wait3A_445 = arith.constant 204800 : i32
        %dma_wait3A_446 = tpu.memref_slice %arg2[%dma_wait3A_445] : memref<409600xi32, #tpu.memory_space<hbm>> -> memref<204800xi32, #tpu.memory_space<hbm>>
        tpu.wait_dma2 semaphore(%run_scoped3A : memref<!tpu.dma_semaphore, #tpu.memory_space<semaphore_mem>>) src(%dma_wait3A_446 : memref<204800xi32, #tpu.memory_space<hbm>>) dst(%arg5 : memref<204800xi32, #tpu.memory_space<vmem_shared>>)
        tpu.yield
      }) : () -> ()
    } else {
    }
    %barrier3A_363 = arith.constant 0 : index
    tpu.barrier barrier_id(%barrier3A_363)
    %dma_start3A_364 = arith.constant 0 : i32
    %dma_start3A_365 = arith.constant 0 : i32
    %dma_start3A_366 = arith.constant 0 : i32
    %dma_start3A_367 = tpu.memref_slice %arg7[%dma_start3A_364, %dma_start3A_366] : memref<2x4096xi32, #tpu.memory_space<vmem>> -> memref<1x4096xi32, #tpu.memory_space<vmem>>
    %dma_start3A_368 = tpu.memref_squeeze %dma_start3A_367 : memref<1x4096xi32, #tpu.memory_space<vmem>> -> memref<4096xi32, #tpu.memory_space<vmem>>
    %dma_start3A_369 = arith.constant 0 : i32
    %dma_start3A_370 = tpu.memref_slice %arg5[%dma_start3A_369] : memref<204800xi32, #tpu.memory_space<vmem_shared>> -> memref<4096xi32, #tpu.memory_space<vmem_shared>>
    %dma_start3A_371 = tpu.memref_slice %arg10[%dma_start3A_365] : memref<2x!tpu.dma_semaphore, #tpu.memory_space<semaphore_mem>> -> memref<1x!tpu.dma_semaphore, #tpu.memory_space<semaphore_mem>>
    %dma_start3A_372 = tpu.memref_squeeze %dma_start3A_371 : memref<1x!tpu.dma_semaphore, #tpu.memory_space<semaphore_mem>> -> memref<!tpu.dma_semaphore, #tpu.memory_space<semaphore_mem>>
    %dma_start3A_373 = arith.constant 0 : i32
    %dma_start3A_374 = tpu.memref_slice %arg7[%dma_start3A_364, %dma_start3A_373] : memref<2x4096xi32, #tpu.memory_space<vmem>> -> memref<1x4096xi32, #tpu.memory_space<vmem>>
    %dma_start3A_375 = tpu.memref_squeeze %dma_start3A_374 : memref<1x4096xi32, #tpu.memory_space<vmem>> -> memref<4096xi32, #tpu.memory_space<vmem>>
    %dma_start3A_376 = arith.constant 0 : i32
    %dma_start3A_377 = tpu.memref_slice %arg5[%dma_start3A_376] : memref<204800xi32, #tpu.memory_space<vmem_shared>> -> memref<4096xi32, #tpu.memory_space<vmem_shared>>
    tpu.enqueue_dma source(%dma_start3A_377 : memref<4096xi32, #tpu.memory_space<vmem_shared>>) target(%dma_start3A_375 : memref<4096xi32, #tpu.memory_space<vmem>>) target_semaphore(%dma_start3A_372 : memref<!tpu.dma_semaphore, #tpu.memory_space<semaphore_mem>>)
    %dma_start3A_378 = arith.constant 1 : i32
    %dma_start3A_379 = arith.constant 1 : i32
    %dma_start3A_380 = arith.constant 0 : i32
    %dma_start3A_381 = tpu.memref_slice %arg7[%dma_start3A_378, %dma_start3A_380] : memref<2x4096xi32, #tpu.memory_space<vmem>> -> memref<1x4096xi32, #tpu.memory_space<vmem>>
    %dma_start3A_382 = tpu.memref_squeeze %dma_start3A_381 : memref<1x4096xi32, #tpu.memory_space<vmem>> -> memref<4096xi32, #tpu.memory_space<vmem>>
    %dma_start3A_383 = arith.constant 4096 : i32
    %dma_start3A_384 = tpu.memref_slice %arg5[%dma_start3A_383] : memref<204800xi32, #tpu.memory_space<vmem_shared>> -> memref<4096xi32, #tpu.memory_space<vmem_shared>>
    %dma_start3A_385 = tpu.memref_slice %arg10[%dma_start3A_379] : memref<2x!tpu.dma_semaphore, #tpu.memory_space<semaphore_mem>> -> memref<1x!tpu.dma_semaphore, #tpu.memory_space<semaphore_mem>>
    %dma_start3A_386 = tpu.memref_squeeze %dma_start3A_385 : memref<1x!tpu.dma_semaphore, #tpu.memory_space<semaphore_mem>> -> memref<!tpu.dma_semaphore, #tpu.memory_space<semaphore_mem>>
    %dma_start3A_387 = arith.constant 0 : i32
    %dma_start3A_388 = tpu.memref_slice %arg7[%dma_start3A_378, %dma_start3A_387] : memref<2x4096xi32, #tpu.memory_space<vmem>> -> memref<1x4096xi32, #tpu.memory_space<vmem>>
    %dma_start3A_389 = tpu.memref_squeeze %dma_start3A_388 : memref<1x4096xi32, #tpu.memory_space<vmem>> -> memref<4096xi32, #tpu.memory_space<vmem>>
    %dma_start3A_390 = arith.constant 4096 : i32
    %dma_start3A_391 = tpu.memref_slice %arg5[%dma_start3A_390] : memref<204800xi32, #tpu.memory_space<vmem_shared>> -> memref<4096xi32, #tpu.memory_space<vmem_shared>>
    tpu.enqueue_dma source(%dma_start3A_391 : memref<4096xi32, #tpu.memory_space<vmem_shared>>) target(%dma_start3A_389 : memref<4096xi32, #tpu.memory_space<vmem>>) target_semaphore(%dma_start3A_386 : memref<!tpu.dma_semaphore, #tpu.memory_space<semaphore_mem>>)
    %scan3A_392 = arith.constant 0 : i32
    %scan3A_393 = arith.constant 25 : i32
    %scan3A_394 = arith.addi %scan3A_392, %scan3A_393 : i32
    %scan3A_395 = arith.constant 1 : i32
    scf.for %scan3A_443 = %scan3A_392 to %scan3A_394 step %scan3A_395  : i32 {
      %mul3A_444 = arith.constant 2 : i32
      %mul3A_445 = arith.muli %scan3A_443, %mul3A_444 : i32
      %add3A_446 = arith.constant 0 : i32
      %add3A_447 = arith.addi %add3A_446, %mul3A_445 : i32
      %add3A_448 = arith.constant 0 : i32
      %add3A_449 = arith.addi %add3A_447, %add3A_448 : i32
      %dma_wait3A_450 = arith.constant 0 : i32
      %dma_wait3A_451 = arith.constant 0 : i32
      %dma_wait3A_452 = arith.constant 0 : i32
      %dma_wait3A_453 = tpu.memref_slice %arg7[%dma_wait3A_450, %dma_wait3A_452] : memref<2x4096xi32, #tpu.memory_space<vmem>> -> memref<1x4096xi32, #tpu.memory_space<vmem>>
      %dma_wait3A_454 = tpu.memref_squeeze %dma_wait3A_453 : memref<1x4096xi32, #tpu.memory_space<vmem>> -> memref<4096xi32, #tpu.memory_space<vmem>>
      %dma_wait3A_455 = arith.constant 0 : i32
      %dma_wait3A_456 = tpu.memref_slice %arg5[%dma_wait3A_455] : memref<204800xi32, #tpu.memory_space<vmem_shared>> -> memref<4096xi32, #tpu.memory_space<vmem_shared>>
      %dma_wait3A_457 = tpu.memref_slice %arg10[%dma_wait3A_451] : memref<2x!tpu.dma_semaphore, #tpu.memory_space<semaphore_mem>> -> memref<1x!tpu.dma_semaphore, #tpu.memory_space<semaphore_mem>>
      %dma_wait3A_458 = tpu.memref_squeeze %dma_wait3A_457 : memref<1x!tpu.dma_semaphore, #tpu.memory_space<semaphore_mem>> -> memref<!tpu.dma_semaphore, #tpu.memory_space<semaphore_mem>>
      %dma_wait3A_459 = arith.constant 0 : i32
      %dma_wait3A_460 = tpu.memref_slice %arg7[%dma_wait3A_450, %dma_wait3A_459] : memref<2x4096xi32, #tpu.memory_space<vmem>> -> memref<1x4096xi32, #tpu.memory_space<vmem>>
      %dma_wait3A_461 = tpu.memref_squeeze %dma_wait3A_460 : memref<1x4096xi32, #tpu.memory_space<vmem>> -> memref<4096xi32, #tpu.memory_space<vmem>>
      %dma_wait3A_462 = arith.constant 0 : i32
      %dma_wait3A_463 = tpu.memref_slice %arg5[%dma_wait3A_462] : memref<204800xi32, #tpu.memory_space<vmem_shared>> -> memref<4096xi32, #tpu.memory_space<vmem_shared>>
      tpu.wait_dma2 semaphore(%dma_wait3A_458 : memref<!tpu.dma_semaphore, #tpu.memory_space<semaphore_mem>>) src(%dma_wait3A_463 : memref<4096xi32, #tpu.memory_space<vmem_shared>>) dst(%dma_wait3A_461 : memref<4096xi32, #tpu.memory_space<vmem>>)
      %add3A_464 = arith.constant 0 : i32
      %add3A_465 = arith.addi %add3A_447, %add3A_464 : i32
      %ge3A = arith.constant 2 : i32
      %ge3A_466 = arith.cmpi sge, %add3A_465, %ge3A : i32
      %convert_element_type3A_467 = arith.extui %ge3A_466 : i1 to i32
      %cond3A_468 = arith.constant 0 : i32
      %cond3A_469 = arith.cmpi ne, %convert_element_type3A_467, %cond3A_468 : i32
      scf.if %cond3A_469 {
        %dma_wait3A_564 = arith.constant 0 : i32
        %dma_wait3A_565 = arith.constant 0 : i32
        %dma_wait3A_566 = arith.constant 0 : i32
        %dma_wait3A_567 = arith.constant 0 : i32
        %dma_wait3A_568 = arith.constant 0 : i32
        %dma_wait3A_569 = arith.constant 0 : i32
        %dma_wait3A_570 = arith.constant 0 : i32
        %dma_wait3A_571 = tpu.memref_slice %arg8[%dma_wait3A_564, %dma_wait3A_569, %dma_wait3A_570] : memref<2x32x128xf32, #tpu.memory_space<vmem>> -> memref<1x32x128xf32, #tpu.memory_space<vmem>>
        %dma_wait3A_572 = tpu.memref_squeeze %dma_wait3A_571 : memref<1x32x128xf32, #tpu.memory_space<vmem>> -> memref<32x128xf32, #tpu.memory_space<vmem>>
        %dma_wait3A_573 = arith.constant 0 : i32
        %dma_wait3A_574 = arith.constant 0 : i32
        %dma_wait3A_575 = tpu.memref_slice %arg4[%dma_wait3A_565, %dma_wait3A_566, %dma_wait3A_573, %dma_wait3A_567, %dma_wait3A_574] : memref<100x8x32x8x128xf32, #tpu.memory_space<hbm>> -> memref<1x1x32x1x128xf32, #tpu.memory_space<hbm>>
        %dma_wait3A_576 = tpu.memref_squeeze %dma_wait3A_575 : memref<1x1x32x1x128xf32, #tpu.memory_space<hbm>> -> memref<32x128xf32, #tpu.memory_space<hbm>>
        %dma_wait3A_577 = tpu.memref_slice %arg11[%dma_wait3A_568] : memref<2x!tpu.dma_semaphore, #tpu.memory_space<semaphore_mem>> -> memref<1x!tpu.dma_semaphore, #tpu.memory_space<semaphore_mem>>
        %dma_wait3A_578 = tpu.memref_squeeze %dma_wait3A_577 : memref<1x!tpu.dma_semaphore, #tpu.memory_space<semaphore_mem>> -> memref<!tpu.dma_semaphore, #tpu.memory_space<semaphore_mem>>
        %dma_wait3A_579 = arith.constant 0 : i32
        %dma_wait3A_580 = arith.constant 0 : i32
        %dma_wait3A_581 = tpu.memref_slice %arg4[%dma_wait3A_565, %dma_wait3A_566, %dma_wait3A_579, %dma_wait3A_567, %dma_wait3A_580] : memref<100x8x32x8x128xf32, #tpu.memory_space<hbm>> -> memref<1x1x32x1x128xf32, #tpu.memory_space<hbm>>
        %dma_wait3A_582 = tpu.memref_squeeze %dma_wait3A_581 : memref<1x1x32x1x128xf32, #tpu.memory_space<hbm>> -> memref<32x128xf32, #tpu.memory_space<hbm>>
        %dma_wait3A_583 = arith.constant 0 : i32
        %dma_wait3A_584 = arith.constant 0 : i32
        %dma_wait3A_585 = tpu.memref_slice %arg8[%dma_wait3A_564, %dma_wait3A_583, %dma_wait3A_584] : memref<2x32x128xf32, #tpu.memory_space<vmem>> -> memref<1x32x128xf32, #tpu.memory_space<vmem>>
        %dma_wait3A_586 = tpu.memref_squeeze %dma_wait3A_585 : memref<1x32x128xf32, #tpu.memory_space<vmem>> -> memref<32x128xf32, #tpu.memory_space<vmem>>
        tpu.wait_dma2 semaphore(%dma_wait3A_578 : memref<!tpu.dma_semaphore, #tpu.memory_space<semaphore_mem>>) src(%dma_wait3A_586 : memref<32x128xf32, #tpu.memory_space<vmem>>) dst(%dma_wait3A_582 : memref<32x128xf32, #tpu.memory_space<hbm>>)
      } else {
      }
      %parallel_loop3A = arith.constant 0 : i32
      %parallel_loop3A_470 = arith.constant 32 : i32
      %parallel_loop3A_471 = arith.constant 1 : i32
      %parallel_loop3A_472 = arith.constant 0 : i32
      %parallel_loop3A_473 = arith.constant 0 : i32
      scf.for %parallel_loop3A_564 = %parallel_loop3A to %parallel_loop3A_470 step %parallel_loop3A_471  : i32 {
        %parallel_loop3A_565 = arith.constant 128 : i32
        %parallel_loop3A_566 = arith.muli %parallel_loop3A_564, %parallel_loop3A_565 : i32
        %parallel_loop3A_567 = arith.constant 0 : i32
        %parallel_loop3A_568 = arith.addi %parallel_loop3A_566, %parallel_loop3A_567 : i32
        %parallel_loop3A_569 = arith.constant 0 : i32
        %parallel_loop3A_570 = tpu.memref_slice %arg7[%parallel_loop3A_472, %parallel_loop3A_569] : memref<2x4096xi32, #tpu.memory_space<vmem>> -> memref<1x4096xi32, #tpu.memory_space<vmem>>
        %parallel_loop3A_571 = tpu.memref_squeeze %parallel_loop3A_570 : memref<1x4096xi32, #tpu.memory_space<vmem>> -> memref<4096xi32, #tpu.memory_space<vmem>>
        %parallel_loop3A_572 = arith.index_cast %parallel_loop3A_568 : i32 to index
        %parallel_loop3A_573 = tpu.vector_load %parallel_loop3A_571[%parallel_loop3A_572] {strides = array<i32>} : memref<4096xi32, #tpu.memory_space<vmem>>, vector<16xi32>,
        %parallel_loop3A_574 = tpu.vector_load_idx %arg6[%parallel_loop3A_573] : memref<100000xf32, #tpu.memory_space<vmem>>[vector<16xi32>], vector<16xf32>,
        %parallel_loop3A_575 = arith.constant 0 : i32
        %parallel_loop3A_576 = arith.constant 0 : i32
        %parallel_loop3A_577 = tpu.memref_slice %arg8[%parallel_loop3A_473, %parallel_loop3A_575, %parallel_loop3A_576] : memref<2x32x128xf32, #tpu.memory_space<vmem>> -> memref<1x32x128xf32, #tpu.memory_space<vmem>>
        %parallel_loop3A_578 = tpu.memref_squeeze %parallel_loop3A_577 : memref<1x32x128xf32, #tpu.memory_space<vmem>> -> memref<32x128xf32, #tpu.memory_space<vmem>>
        %parallel_loop3A_579 = arith.index_cast %parallel_loop3A_564 : i32 to index
        %parallel_loop3A_580 = arith.constant 0 : index
        %parallel_loop3A_581 = tpu.vector_load %parallel_loop3A_578[%parallel_loop3A_579, %parallel_loop3A_580] {strides = array<i32>} : memref<32x128xf32, #tpu.memory_space<vmem>>, vector<16xf32>,
        tpu.vector_store %parallel_loop3A_578[%parallel_loop3A_579, %parallel_loop3A_580], %parallel_loop3A_574 {strides = array<i32>} : memref<32x128xf32, #tpu.memory_space<vmem>>, vector<16xf32>,
        %parallel_loop3A_582 = arith.constant 128 : i32
        %parallel_loop3A_583 = arith.muli %parallel_loop3A_564, %parallel_loop3A_582 : i32
        %parallel_loop3A_584 = arith.constant 16 : i32
        %parallel_loop3A_585 = arith.addi %parallel_loop3A_583, %parallel_loop3A_584 : i32
        %parallel_loop3A_586 = arith.constant 0 : i32
        %parallel_loop3A_587 = tpu.memref_slice %arg7[%parallel_loop3A_472, %parallel_loop3A_586] : memref<2x4096xi32, #tpu.memory_space<vmem>> -> memref<1x4096xi32, #tpu.memory_space<vmem>>
        %parallel_loop3A_588 = tpu.memref_squeeze %parallel_loop3A_587 : memref<1x4096xi32, #tpu.memory_space<vmem>> -> memref<4096xi32, #tpu.memory_space<vmem>>
        %parallel_loop3A_589 = arith.index_cast %parallel_loop3A_585 : i32 to index
        %parallel_loop3A_590 = tpu.vector_load %parallel_loop3A_588[%parallel_loop3A_589] {strides = array<i32>} : memref<4096xi32, #tpu.memory_space<vmem>>, vector<16xi32>,
        %parallel_loop3A_591 = tpu.vector_load_idx %arg6[%parallel_loop3A_590] : memref<100000xf32, #tpu.memory_space<vmem>>[vector<16xi32>], vector<16xf32>,
        %parallel_loop3A_592 = arith.constant 0 : i32
        %parallel_loop3A_593 = arith.constant 0 : i32
        %parallel_loop3A_594 = tpu.memref_slice %arg8[%parallel_loop3A_473, %parallel_loop3A_592, %parallel_loop3A_593] : memref<2x32x128xf32, #tpu.memory_space<vmem>> -> memref<1x32x128xf32, #tpu.memory_space<vmem>>
        %parallel_loop3A_595 = tpu.memref_squeeze %parallel_loop3A_594 : memref<1x32x128xf32, #tpu.memory_space<vmem>> -> memref<32x128xf32, #tpu.memory_space<vmem>>
        %parallel_loop3A_596 = arith.index_cast %parallel_loop3A_564 : i32 to index
        %parallel_loop3A_597 = arith.constant 16 : index
        %parallel_loop3A_598 = tpu.vector_load %parallel_loop3A_595[%parallel_loop3A_596, %parallel_loop3A_597] {strides = array<i32>} : memref<32x128xf32, #tpu.memory_space<vmem>>, vector<16xf32>,
        tpu.vector_store %parallel_loop3A_595[%parallel_loop3A_596, %parallel_loop3A_597], %parallel_loop3A_591 {strides = array<i32>} : memref<32x128xf32, #tpu.memory_space<vmem>>, vector<16xf32>,
        %parallel_loop3A_599 = arith.constant 128 : i32
        %parallel_loop3A_600 = arith.muli %parallel_loop3A_564, %parallel_loop3A_599 : i32
        %parallel_loop3A_601 = arith.constant 32 : i32
        %parallel_loop3A_602 = arith.addi %parallel_loop3A_600, %parallel_loop3A_601 : i32
        %parallel_loop3A_603 = arith.constant 0 : i32
        %parallel_loop3A_604 = tpu.memref_slice %arg7[%parallel_loop3A_472, %parallel_loop3A_603] : memref<2x4096xi32, #tpu.memory_space<vmem>> -> memref<1x4096xi32, #tpu.memory_space<vmem>>
        %parallel_loop3A_605 = tpu.memref_squeeze %parallel_loop3A_604 : memref<1x4096xi32, #tpu.memory_space<vmem>> -> memref<4096xi32, #tpu.memory_space<vmem>>
        %parallel_loop3A_606 = arith.index_cast %parallel_loop3A_602 : i32 to index
        %parallel_loop3A_607 = tpu.vector_load %parallel_loop3A_605[%parallel_loop3A_606] {strides = array<i32>} : memref<4096xi32, #tpu.memory_space<vmem>>, vector<16xi32>,
        %parallel_loop3A_608 = tpu.vector_load_idx %arg6[%parallel_loop3A_607] : memref<100000xf32, #tpu.memory_space<vmem>>[vector<16xi32>], vector<16xf32>,
        %parallel_loop3A_609 = arith.constant 0 : i32
        %parallel_loop3A_610 = arith.constant 0 : i32
        %parallel_loop3A_611 = tpu.memref_slice %arg8[%parallel_loop3A_473, %parallel_loop3A_609, %parallel_loop3A_610] : memref<2x32x128xf32, #tpu.memory_space<vmem>> -> memref<1x32x128xf32, #tpu.memory_space<vmem>>
        %parallel_loop3A_612 = tpu.memref_squeeze %parallel_loop3A_611 : memref<1x32x128xf32, #tpu.memory_space<vmem>> -> memref<32x128xf32, #tpu.memory_space<vmem>>
        %parallel_loop3A_613 = arith.index_cast %parallel_loop3A_564 : i32 to index
        %parallel_loop3A_614 = arith.constant 32 : index
        %parallel_loop3A_615 = tpu.vector_load %parallel_loop3A_612[%parallel_loop3A_613, %parallel_loop3A_614] {strides = array<i32>} : memref<32x128xf32, #tpu.memory_space<vmem>>, vector<16xf32>,
        tpu.vector_store %parallel_loop3A_612[%parallel_loop3A_613, %parallel_loop3A_614], %parallel_loop3A_608 {strides = array<i32>} : memref<32x128xf32, #tpu.memory_space<vmem>>, vector<16xf32>,
        %parallel_loop3A_616 = arith.constant 128 : i32
        %parallel_loop3A_617 = arith.muli %parallel_loop3A_564, %parallel_loop3A_616 : i32
        %parallel_loop3A_618 = arith.constant 48 : i32
        %parallel_loop3A_619 = arith.addi %parallel_loop3A_617, %parallel_loop3A_618 : i32
        %parallel_loop3A_620 = arith.constant 0 : i32
        %parallel_loop3A_621 = tpu.memref_slice %arg7[%parallel_loop3A_472, %parallel_loop3A_620] : memref<2x4096xi32, #tpu.memory_space<vmem>> -> memref<1x4096xi32, #tpu.memory_space<vmem>>
        %parallel_loop3A_622 = tpu.memref_squeeze %parallel_loop3A_621 : memref<1x4096xi32, #tpu.memory_space<vmem>> -> memref<4096xi32, #tpu.memory_space<vmem>>
        %parallel_loop3A_623 = arith.index_cast %parallel_loop3A_619 : i32 to index
        %parallel_loop3A_624 = tpu.vector_load %parallel_loop3A_622[%parallel_loop3A_623] {strides = array<i32>} : memref<4096xi32, #tpu.memory_space<vmem>>, vector<16xi32>,
        %parallel_loop3A_625 = tpu.vector_load_idx %arg6[%parallel_loop3A_624] : memref<100000xf32, #tpu.memory_space<vmem>>[vector<16xi32>], vector<16xf32>,
        %parallel_loop3A_626 = arith.constant 0 : i32
        %parallel_loop3A_627 = arith.constant 0 : i32
        %parallel_loop3A_628 = tpu.memref_slice %arg8[%parallel_loop3A_473, %parallel_loop3A_626, %parallel_loop3A_627] : memref<2x32x128xf32, #tpu.memory_space<vmem>> -> memref<1x32x128xf32, #tpu.memory_space<vmem>>
        %parallel_loop3A_629 = tpu.memref_squeeze %parallel_loop3A_628 : memref<1x32x128xf32, #tpu.memory_space<vmem>> -> memref<32x128xf32, #tpu.memory_space<vmem>>
        %parallel_loop3A_630 = arith.index_cast %parallel_loop3A_564 : i32 to index
        %parallel_loop3A_631 = arith.constant 48 : index
        %parallel_loop3A_632 = tpu.vector_load %parallel_loop3A_629[%parallel_loop3A_630, %parallel_loop3A_631] {strides = array<i32>} : memref<32x128xf32, #tpu.memory_space<vmem>>, vector<16xf32>,
        tpu.vector_store %parallel_loop3A_629[%parallel_loop3A_630, %parallel_loop3A_631], %parallel_loop3A_625 {strides = array<i32>} : memref<32x128xf32, #tpu.memory_space<vmem>>, vector<16xf32>,
        %parallel_loop3A_633 = arith.constant 128 : i32
        %parallel_loop3A_634 = arith.muli %parallel_loop3A_564, %parallel_loop3A_633 : i32
        %parallel_loop3A_635 = arith.constant 64 : i32
        %parallel_loop3A_636 = arith.addi %parallel_loop3A_634, %parallel_loop3A_635 : i32
        %parallel_loop3A_637 = arith.constant 0 : i32
        %parallel_loop3A_638 = tpu.memref_slice %arg7[%parallel_loop3A_472, %parallel_loop3A_637] : memref<2x4096xi32, #tpu.memory_space<vmem>> -> memref<1x4096xi32, #tpu.memory_space<vmem>>
        %parallel_loop3A_639 = tpu.memref_squeeze %parallel_loop3A_638 : memref<1x4096xi32, #tpu.memory_space<vmem>> -> memref<4096xi32, #tpu.memory_space<vmem>>
        %parallel_loop3A_640 = arith.index_cast %parallel_loop3A_636 : i32 to index
        %parallel_loop3A_641 = tpu.vector_load %parallel_loop3A_639[%parallel_loop3A_640] {strides = array<i32>} : memref<4096xi32, #tpu.memory_space<vmem>>, vector<16xi32>,
        %parallel_loop3A_642 = tpu.vector_load_idx %arg6[%parallel_loop3A_641] : memref<100000xf32, #tpu.memory_space<vmem>>[vector<16xi32>], vector<16xf32>,
        %parallel_loop3A_643 = arith.constant 0 : i32
        %parallel_loop3A_644 = arith.constant 0 : i32
        %parallel_loop3A_645 = tpu.memref_slice %arg8[%parallel_loop3A_473, %parallel_loop3A_643, %parallel_loop3A_644] : memref<2x32x128xf32, #tpu.memory_space<vmem>> -> memref<1x32x128xf32, #tpu.memory_space<vmem>>
        %parallel_loop3A_646 = tpu.memref_squeeze %parallel_loop3A_645 : memref<1x32x128xf32, #tpu.memory_space<vmem>> -> memref<32x128xf32, #tpu.memory_space<vmem>>
        %parallel_loop3A_647 = arith.index_cast %parallel_loop3A_564 : i32 to index
        %parallel_loop3A_648 = arith.constant 64 : index
        %parallel_loop3A_649 = tpu.vector_load %parallel_loop3A_646[%parallel_loop3A_647, %parallel_loop3A_648] {strides = array<i32>} : memref<32x128xf32, #tpu.memory_space<vmem>>, vector<16xf32>,
        tpu.vector_store %parallel_loop3A_646[%parallel_loop3A_647, %parallel_loop3A_648], %parallel_loop3A_642 {strides = array<i32>} : memref<32x128xf32, #tpu.memory_space<vmem>>, vector<16xf32>,
        %parallel_loop3A_650 = arith.constant 128 : i32
        %parallel_loop3A_651 = arith.muli %parallel_loop3A_564, %parallel_loop3A_650 : i32
        %parallel_loop3A_652 = arith.constant 80 : i32
        %parallel_loop3A_653 = arith.addi %parallel_loop3A_651, %parallel_loop3A_652 : i32
        %parallel_loop3A_654 = arith.constant 0 : i32
        %parallel_loop3A_655 = tpu.memref_slice %arg7[%parallel_loop3A_472, %parallel_loop3A_654] : memref<2x4096xi32, #tpu.memory_space<vmem>> -> memref<1x4096xi32, #tpu.memory_space<vmem>>
        %parallel_loop3A_656 = tpu.memref_squeeze %parallel_loop3A_655 : memref<1x4096xi32, #tpu.memory_space<vmem>> -> memref<4096xi32, #tpu.memory_space<vmem>>
        %parallel_loop3A_657 = arith.index_cast %parallel_loop3A_653 : i32 to index
        %parallel_loop3A_658 = tpu.vector_load %parallel_loop3A_656[%parallel_loop3A_657] {strides = array<i32>} : memref<4096xi32, #tpu.memory_space<vmem>>, vector<16xi32>,
        %parallel_loop3A_659 = tpu.vector_load_idx %arg6[%parallel_loop3A_658] : memref<100000xf32, #tpu.memory_space<vmem>>[vector<16xi32>], vector<16xf32>,
        %parallel_loop3A_660 = arith.constant 0 : i32
        %parallel_loop3A_661 = arith.constant 0 : i32
        %parallel_loop3A_662 = tpu.memref_slice %arg8[%parallel_loop3A_473, %parallel_loop3A_660, %parallel_loop3A_661] : memref<2x32x128xf32, #tpu.memory_space<vmem>> -> memref<1x32x128xf32, #tpu.memory_space<vmem>>
        %parallel_loop3A_663 = tpu.memref_squeeze %parallel_loop3A_662 : memref<1x32x128xf32, #tpu.memory_space<vmem>> -> memref<32x128xf32, #tpu.memory_space<vmem>>
        %parallel_loop3A_664 = arith.index_cast %parallel_loop3A_564 : i32 to index
        %parallel_loop3A_665 = arith.constant 80 : index
        %parallel_loop3A_666 = tpu.vector_load %parallel_loop3A_663[%parallel_loop3A_664, %parallel_loop3A_665] {strides = array<i32>} : memref<32x128xf32, #tpu.memory_space<vmem>>, vector<16xf32>,
        tpu.vector_store %parallel_loop3A_663[%parallel_loop3A_664, %parallel_loop3A_665], %parallel_loop3A_659 {strides = array<i32>} : memref<32x128xf32, #tpu.memory_space<vmem>>, vector<16xf32>,
        %parallel_loop3A_667 = arith.constant 128 : i32
        %parallel_loop3A_668 = arith.muli %parallel_loop3A_564, %parallel_loop3A_667 : i32
        %parallel_loop3A_669 = arith.constant 96 : i32
        %parallel_loop3A_670 = arith.addi %parallel_loop3A_668, %parallel_loop3A_669 : i32
        %parallel_loop3A_671 = arith.constant 0 : i32
        %parallel_loop3A_672 = tpu.memref_slice %arg7[%parallel_loop3A_472, %parallel_loop3A_671] : memref<2x4096xi32, #tpu.memory_space<vmem>> -> memref<1x4096xi32, #tpu.memory_space<vmem>>
        %parallel_loop3A_673 = tpu.memref_squeeze %parallel_loop3A_672 : memref<1x4096xi32, #tpu.memory_space<vmem>> -> memref<4096xi32, #tpu.memory_space<vmem>>
        %parallel_loop3A_674 = arith.index_cast %parallel_loop3A_670 : i32 to index
        %parallel_loop3A_675 = tpu.vector_load %parallel_loop3A_673[%parallel_loop3A_674] {strides = array<i32>} : memref<4096xi32, #tpu.memory_space<vmem>>, vector<16xi32>,
        %parallel_loop3A_676 = tpu.vector_load_idx %arg6[%parallel_loop3A_675] : memref<100000xf32, #tpu.memory_space<vmem>>[vector<16xi32>], vector<16xf32>,
        %parallel_loop3A_677 = arith.constant 0 : i32
        %parallel_loop3A_678 = arith.constant 0 : i32
        %parallel_loop3A_679 = tpu.memref_slice %arg8[%parallel_loop3A_473, %parallel_loop3A_677, %parallel_loop3A_678] : memref<2x32x128xf32, #tpu.memory_space<vmem>> -> memref<1x32x128xf32, #tpu.memory_space<vmem>>
        %parallel_loop3A_680 = tpu.memref_squeeze %parallel_loop3A_679 : memref<1x32x128xf32, #tpu.memory_space<vmem>> -> memref<32x128xf32, #tpu.memory_space<vmem>>
        %parallel_loop3A_681 = arith.index_cast %parallel_loop3A_564 : i32 to index
        %parallel_loop3A_682 = arith.constant 96 : index
        %parallel_loop3A_683 = tpu.vector_load %parallel_loop3A_680[%parallel_loop3A_681, %parallel_loop3A_682] {strides = array<i32>} : memref<32x128xf32, #tpu.memory_space<vmem>>, vector<16xf32>,
        tpu.vector_store %parallel_loop3A_680[%parallel_loop3A_681, %parallel_loop3A_682], %parallel_loop3A_676 {strides = array<i32>} : memref<32x128xf32, #tpu.memory_space<vmem>>, vector<16xf32>,
        %parallel_loop3A_684 = arith.constant 128 : i32
        %parallel_loop3A_685 = arith.muli %parallel_loop3A_564, %parallel_loop3A_684 : i32
        %parallel_loop3A_686 = arith.constant 112 : i32
        %parallel_loop3A_687 = arith.addi %parallel_loop3A_685, %parallel_loop3A_686 : i32
        %parallel_loop3A_688 = arith.constant 0 : i32
        %parallel_loop3A_689 = tpu.memref_slice %arg7[%parallel_loop3A_472, %parallel_loop3A_688] : memref<2x4096xi32, #tpu.memory_space<vmem>> -> memref<1x4096xi32, #tpu.memory_space<vmem>>
        %parallel_loop3A_690 = tpu.memref_squeeze %parallel_loop3A_689 : memref<1x4096xi32, #tpu.memory_space<vmem>> -> memref<4096xi32, #tpu.memory_space<vmem>>
        %parallel_loop3A_691 = arith.index_cast %parallel_loop3A_687 : i32 to index
        %parallel_loop3A_692 = tpu.vector_load %parallel_loop3A_690[%parallel_loop3A_691] {strides = array<i32>} : memref<4096xi32, #tpu.memory_space<vmem>>, vector<16xi32>,
        %parallel_loop3A_693 = tpu.vector_load_idx %arg6[%parallel_loop3A_692] : memref<100000xf32, #tpu.memory_space<vmem>>[vector<16xi32>], vector<16xf32>,
        %parallel_loop3A_694 = arith.constant 0 : i32
        %parallel_loop3A_695 = arith.constant 0 : i32
        %parallel_loop3A_696 = tpu.memref_slice %arg8[%parallel_loop3A_473, %parallel_loop3A_694, %parallel_loop3A_695] : memref<2x32x128xf32, #tpu.memory_space<vmem>> -> memref<1x32x128xf32, #tpu.memory_space<vmem>>
        %parallel_loop3A_697 = tpu.memref_squeeze %parallel_loop3A_696 : memref<1x32x128xf32, #tpu.memory_space<vmem>> -> memref<32x128xf32, #tpu.memory_space<vmem>>
        %parallel_loop3A_698 = arith.index_cast %parallel_loop3A_564 : i32 to index
        %parallel_loop3A_699 = arith.constant 112 : index
        %parallel_loop3A_700 = tpu.vector_load %parallel_loop3A_697[%parallel_loop3A_698, %parallel_loop3A_699] {strides = array<i32>} : memref<32x128xf32, #tpu.memory_space<vmem>>, vector<16xf32>,
        tpu.vector_store %parallel_loop3A_697[%parallel_loop3A_698, %parallel_loop3A_699], %parallel_loop3A_693 {strides = array<i32>} : memref<32x128xf32, #tpu.memory_space<vmem>>, vector<16xf32>,
      } {sc.loop_unroll_factor = 4 : i64, sc.parallel_access}
      %add3A_474 = arith.constant 50 : i32
      %add3A_475 = arith.addi %add3A_474, %add3A_449 : i32
      %dma_start3A_476 = arith.constant 0 : i32
      %dma_start3A_477 = arith.constant 0 : i32
      %dma_start3A_478 = arith.constant 0 : i32
      %dma_start3A_479 = arith.constant 0 : i32
      %dma_start3A_480 = tpu.memref_slice %arg8[%dma_start3A_476, %dma_start3A_478, %dma_start3A_479] : memref<2x32x128xf32, #tpu.memory_space<vmem>> -> memref<1x32x128xf32, #tpu.memory_space<vmem>>
      %dma_start3A_481 = tpu.memref_squeeze %dma_start3A_480 : memref<1x32x128xf32, #tpu.memory_space<vmem>> -> memref<32x128xf32, #tpu.memory_space<vmem>>
      %dma_start3A_482 = arith.constant 0 : i32
      %dma_start3A_483 = arith.constant 0 : i32
      %dma_start3A_484 = tpu.memref_slice %arg4[%add3A_475, %select_n3A_241, %dma_start3A_482, %select_n3A_257, %dma_start3A_483] : memref<100x8x32x8x128xf32, #tpu.memory_space<hbm>> -> memref<1x1x32x1x128xf32, #tpu.memory_space<hbm>>
      %dma_start3A_485 = tpu.memref_squeeze %dma_start3A_484 : memref<1x1x32x1x128xf32, #tpu.memory_space<hbm>> -> memref<32x128xf32, #tpu.memory_space<hbm>>
      %dma_start3A_486 = tpu.memref_slice %arg11[%dma_start3A_477] : memref<2x!tpu.dma_semaphore, #tpu.memory_space<semaphore_mem>> -> memref<1x!tpu.dma_semaphore, #tpu.memory_space<semaphore_mem>>
      %dma_start3A_487 = tpu.memref_squeeze %dma_start3A_486 : memref<1x!tpu.dma_semaphore, #tpu.memory_space<semaphore_mem>> -> memref<!tpu.dma_semaphore, #tpu.memory_space<semaphore_mem>>
      %dma_start3A_488 = arith.constant 0 : i32
      %dma_start3A_489 = arith.constant 0 : i32
      %dma_start3A_490 = tpu.memref_slice %arg4[%add3A_475, %select_n3A_241, %dma_start3A_488, %select_n3A_257, %dma_start3A_489] : memref<100x8x32x8x128xf32, #tpu.memory_space<hbm>> -> memref<1x1x32x1x128xf32, #tpu.memory_space<hbm>>
      %dma_start3A_491 = tpu.memref_squeeze %dma_start3A_490 : memref<1x1x32x1x128xf32, #tpu.memory_space<hbm>> -> memref<32x128xf32, #tpu.memory_space<hbm>>
      %dma_start3A_492 = arith.constant 0 : i32
      %dma_start3A_493 = arith.constant 0 : i32
      %dma_start3A_494 = tpu.memref_slice %arg8[%dma_start3A_476, %dma_start3A_492, %dma_start3A_493] : memref<2x32x128xf32, #tpu.memory_space<vmem>> -> memref<1x32x128xf32, #tpu.memory_space<vmem>>
      %dma_start3A_495 = tpu.memref_squeeze %dma_start3A_494 : memref<1x32x128xf32, #tpu.memory_space<vmem>> -> memref<32x128xf32, #tpu.memory_space<vmem>>
      tpu.enqueue_dma source(%dma_start3A_495 : memref<32x128xf32, #tpu.memory_space<vmem>>) target(%dma_start3A_491 : memref<32x128xf32, #tpu.memory_space<hbm>>) target_semaphore(%dma_start3A_487 : memref<!tpu.dma_semaphore, #tpu.memory_space<semaphore_mem>>)
      %add3A_496 = arith.constant 0 : i32
      %add3A_497 = arith.addi %add3A_447, %add3A_496 : i32
      %add3A_498 = arith.constant 2 : i32
      %add3A_499 = arith.addi %add3A_497, %add3A_498 : i32
      %lt3A_500 = arith.constant 50 : i32
      %lt3A_501 = arith.cmpi slt, %add3A_499, %lt3A_500 : i32
      %convert_element_type3A_502 = arith.extui %lt3A_501 : i1 to i32
      %cond3A_503 = arith.constant 0 : i32
      %cond3A_504 = arith.cmpi ne, %convert_element_type3A_502, %cond3A_503 : i32
      scf.if %cond3A_504 {
        %add3A_564 = arith.constant 2 : i32
        %add3A_565 = arith.addi %add3A_449, %add3A_564 : i32
        %mul3A_566 = arith.constant 4096 : i32
        %mul3A_567 = arith.muli %add3A_565, %mul3A_566 : i32
        %dma_start3A_568 = arith.constant 0 : i32
        %dma_start3A_569 = arith.constant 0 : i32
        %dma_start3A_570 = arith.constant 0 : i32
        %dma_start3A_571 = tpu.memref_slice %arg7[%dma_start3A_568, %dma_start3A_570] : memref<2x4096xi32, #tpu.memory_space<vmem>> -> memref<1x4096xi32, #tpu.memory_space<vmem>>
        %dma_start3A_572 = tpu.memref_squeeze %dma_start3A_571 : memref<1x4096xi32, #tpu.memory_space<vmem>> -> memref<4096xi32, #tpu.memory_space<vmem>>
        %dma_start3A_573 = tpu.memref_slice %arg5[%mul3A_567] : memref<204800xi32, #tpu.memory_space<vmem_shared>> -> memref<4096xi32, #tpu.memory_space<vmem_shared>>
        %dma_start3A_574 = tpu.memref_slice %arg10[%dma_start3A_569] : memref<2x!tpu.dma_semaphore, #tpu.memory_space<semaphore_mem>> -> memref<1x!tpu.dma_semaphore, #tpu.memory_space<semaphore_mem>>
        %dma_start3A_575 = tpu.memref_squeeze %dma_start3A_574 : memref<1x!tpu.dma_semaphore, #tpu.memory_space<semaphore_mem>> -> memref<!tpu.dma_semaphore, #tpu.memory_space<semaphore_mem>>
        %dma_start3A_576 = arith.constant 0 : i32
        %dma_start3A_577 = tpu.memref_slice %arg7[%dma_start3A_568, %dma_start3A_576] : memref<2x4096xi32, #tpu.memory_space<vmem>> -> memref<1x4096xi32, #tpu.memory_space<vmem>>
        %dma_start3A_578 = tpu.memref_squeeze %dma_start3A_577 : memref<1x4096xi32, #tpu.memory_space<vmem>> -> memref<4096xi32, #tpu.memory_space<vmem>>
        %dma_start3A_579 = tpu.memref_slice %arg5[%mul3A_567] : memref<204800xi32, #tpu.memory_space<vmem_shared>> -> memref<4096xi32, #tpu.memory_space<vmem_shared>>
        tpu.enqueue_dma source(%dma_start3A_579 : memref<4096xi32, #tpu.memory_space<vmem_shared>>) target(%dma_start3A_578 : memref<4096xi32, #tpu.memory_space<vmem>>) target_semaphore(%dma_start3A_575 : memref<!tpu.dma_semaphore, #tpu.memory_space<semaphore_mem>>)
      } else {
      }
      %add3A_505 = arith.constant 1 : i32
      %add3A_506 = arith.addi %add3A_447, %add3A_505 : i32
      %dma_wait3A_507 = arith.constant 1 : i32
      %dma_wait3A_508 = arith.constant 1 : i32
      %dma_wait3A_509 = arith.constant 0 : i32
      %dma_wait3A_510 = tpu.memref_slice %arg7[%dma_wait3A_507, %dma_wait3A_509] : memref<2x4096xi32, #tpu.memory_space<vmem>> -> memref<1x4096xi32, #tpu.memory_space<vmem>>
      %dma_wait3A_511 = tpu.memref_squeeze %dma_wait3A_510 : memref<1x4096xi32, #tpu.memory_space<vmem>> -> memref<4096xi32, #tpu.memory_space<vmem>>
      %dma_wait3A_512 = arith.constant 0 : i32
      %dma_wait3A_513 = tpu.memref_slice %arg5[%dma_wait3A_512] : memref<204800xi32, #tpu.memory_space<vmem_shared>> -> memref<4096xi32, #tpu.memory_space<vmem_shared>>
      %dma_wait3A_514 = tpu.memref_slice %arg10[%dma_wait3A_508] : memref<2x!tpu.dma_semaphore, #tpu.memory_space<semaphore_mem>> -> memref<1x!tpu.dma_semaphore, #tpu.memory_space<semaphore_mem>>
      %dma_wait3A_515 = tpu.memref_squeeze %dma_wait3A_514 : memref<1x!tpu.dma_semaphore, #tpu.memory_space<semaphore_mem>> -> memref<!tpu.dma_semaphore, #tpu.memory_space<semaphore_mem>>
      %dma_wait3A_516 = arith.constant 0 : i32
      %dma_wait3A_517 = tpu.memref_slice %arg7[%dma_wait3A_507, %dma_wait3A_516] : memref<2x4096xi32, #tpu.memory_space<vmem>> -> memref<1x4096xi32, #tpu.memory_space<vmem>>
      %dma_wait3A_518 = tpu.memref_squeeze %dma_wait3A_517 : memref<1x4096xi32, #tpu.memory_space<vmem>> -> memref<4096xi32, #tpu.memory_space<vmem>>
      %dma_wait3A_519 = arith.constant 0 : i32
      %dma_wait3A_520 = tpu.memref_slice %arg5[%dma_wait3A_519] : memref<204800xi32, #tpu.memory_space<vmem_shared>> -> memref<4096xi32, #tpu.memory_space<vmem_shared>>
      tpu.wait_dma2 semaphore(%dma_wait3A_515 : memref<!tpu.dma_semaphore, #tpu.memory_space<semaphore_mem>>) src(%dma_wait3A_520 : memref<4096xi32, #tpu.memory_space<vmem_shared>>) dst(%dma_wait3A_518 : memref<4096xi32, #tpu.memory_space<vmem>>)
      %add3A_521 = arith.constant 1 : i32
      %add3A_522 = arith.addi %add3A_447, %add3A_521 : i32
      %ge3A_523 = arith.constant 2 : i32
      %ge3A_524 = arith.cmpi sge, %add3A_522, %ge3A_523 : i32
      %convert_element_type3A_525 = arith.extui %ge3A_524 : i1 to i32
      %cond3A_526 = arith.constant 0 : i32
      %cond3A_527 = arith.cmpi ne, %convert_element_type3A_525, %cond3A_526 : i32
      scf.if %cond3A_527 {
        %dma_wait3A_564 = arith.constant 1 : i32
        %dma_wait3A_565 = arith.constant 0 : i32
        %dma_wait3A_566 = arith.constant 0 : i32
        %dma_wait3A_567 = arith.constant 0 : i32
        %dma_wait3A_568 = arith.constant 1 : i32
        %dma_wait3A_569 = arith.constant 0 : i32
        %dma_wait3A_570 = arith.constant 0 : i32
        %dma_wait3A_571 = tpu.memref_slice %arg8[%dma_wait3A_564, %dma_wait3A_569, %dma_wait3A_570] : memref<2x32x128xf32, #tpu.memory_space<vmem>> -> memref<1x32x128xf32, #tpu.memory_space<vmem>>
        %dma_wait3A_572 = tpu.memref_squeeze %dma_wait3A_571 : memref<1x32x128xf32, #tpu.memory_space<vmem>> -> memref<32x128xf32, #tpu.memory_space<vmem>>
        %dma_wait3A_573 = arith.constant 0 : i32
        %dma_wait3A_574 = arith.constant 0 : i32
        %dma_wait3A_575 = tpu.memref_slice %arg4[%dma_wait3A_565, %dma_wait3A_566, %dma_wait3A_573, %dma_wait3A_567, %dma_wait3A_574] : memref<100x8x32x8x128xf32, #tpu.memory_space<hbm>> -> memref<1x1x32x1x128xf32, #tpu.memory_space<hbm>>
        %dma_wait3A_576 = tpu.memref_squeeze %dma_wait3A_575 : memref<1x1x32x1x128xf32, #tpu.memory_space<hbm>> -> memref<32x128xf32, #tpu.memory_space<hbm>>
        %dma_wait3A_577 = tpu.memref_slice %arg11[%dma_wait3A_568] : memref<2x!tpu.dma_semaphore, #tpu.memory_space<semaphore_mem>> -> memref<1x!tpu.dma_semaphore, #tpu.memory_space<semaphore_mem>>
        %dma_wait3A_578 = tpu.memref_squeeze %dma_wait3A_577 : memref<1x!tpu.dma_semaphore, #tpu.memory_space<semaphore_mem>> -> memref<!tpu.dma_semaphore, #tpu.memory_space<semaphore_mem>>
        %dma_wait3A_579 = arith.constant 0 : i32
        %dma_wait3A_580 = arith.constant 0 : i32
        %dma_wait3A_581 = tpu.memref_slice %arg4[%dma_wait3A_565, %dma_wait3A_566, %dma_wait3A_579, %dma_wait3A_567, %dma_wait3A_580] : memref<100x8x32x8x128xf32, #tpu.memory_space<hbm>> -> memref<1x1x32x1x128xf32, #tpu.memory_space<hbm>>
        %dma_wait3A_582 = tpu.memref_squeeze %dma_wait3A_581 : memref<1x1x32x1x128xf32, #tpu.memory_space<hbm>> -> memref<32x128xf32, #tpu.memory_space<hbm>>
        %dma_wait3A_583 = arith.constant 0 : i32
        %dma_wait3A_584 = arith.constant 0 : i32
        %dma_wait3A_585 = tpu.memref_slice %arg8[%dma_wait3A_564, %dma_wait3A_583, %dma_wait3A_584] : memref<2x32x128xf32, #tpu.memory_space<vmem>> -> memref<1x32x128xf32, #tpu.memory_space<vmem>>
        %dma_wait3A_586 = tpu.memref_squeeze %dma_wait3A_585 : memref<1x32x128xf32, #tpu.memory_space<vmem>> -> memref<32x128xf32, #tpu.memory_space<vmem>>
        tpu.wait_dma2 semaphore(%dma_wait3A_578 : memref<!tpu.dma_semaphore, #tpu.memory_space<semaphore_mem>>) src(%dma_wait3A_586 : memref<32x128xf32, #tpu.memory_space<vmem>>) dst(%dma_wait3A_582 : memref<32x128xf32, #tpu.memory_space<hbm>>)
      } else {
      }
      %parallel_loop3A_528 = arith.constant 0 : i32
      %parallel_loop3A_529 = arith.constant 32 : i32
      %parallel_loop3A_530 = arith.constant 1 : i32
      %parallel_loop3A_531 = arith.constant 1 : i32
      %parallel_loop3A_532 = arith.constant 1 : i32
      scf.for %parallel_loop3A_564 = %parallel_loop3A_528 to %parallel_loop3A_529 step %parallel_loop3A_530  : i32 {
        %parallel_loop3A_565 = arith.constant 128 : i32
        %parallel_loop3A_566 = arith.muli %parallel_loop3A_564, %parallel_loop3A_565 : i32
        %parallel_loop3A_567 = arith.constant 0 : i32
        %parallel_loop3A_568 = arith.addi %parallel_loop3A_566, %parallel_loop3A_567 : i32
        %parallel_loop3A_569 = arith.constant 0 : i32
        %parallel_loop3A_570 = tpu.memref_slice %arg7[%parallel_loop3A_531, %parallel_loop3A_569] : memref<2x4096xi32, #tpu.memory_space<vmem>> -> memref<1x4096xi32, #tpu.memory_space<vmem>>
        %parallel_loop3A_571 = tpu.memref_squeeze %parallel_loop3A_570 : memref<1x4096xi32, #tpu.memory_space<vmem>> -> memref<4096xi32, #tpu.memory_space<vmem>>
        %parallel_loop3A_572 = arith.index_cast %parallel_loop3A_568 : i32 to index
        %parallel_loop3A_573 = tpu.vector_load %parallel_loop3A_571[%parallel_loop3A_572] {strides = array<i32>} : memref<4096xi32, #tpu.memory_space<vmem>>, vector<16xi32>,
        %parallel_loop3A_574 = tpu.vector_load_idx %arg6[%parallel_loop3A_573] : memref<100000xf32, #tpu.memory_space<vmem>>[vector<16xi32>], vector<16xf32>,
        %parallel_loop3A_575 = arith.constant 0 : i32
        %parallel_loop3A_576 = arith.constant 0 : i32
        %parallel_loop3A_577 = tpu.memref_slice %arg8[%parallel_loop3A_532, %parallel_loop3A_575, %parallel_loop3A_576] : memref<2x32x128xf32, #tpu.memory_space<vmem>> -> memref<1x32x128xf32, #tpu.memory_space<vmem>>
        %parallel_loop3A_578 = tpu.memref_squeeze %parallel_loop3A_577 : memref<1x32x128xf32, #tpu.memory_space<vmem>> -> memref<32x128xf32, #tpu.memory_space<vmem>>
        %parallel_loop3A_579 = arith.index_cast %parallel_loop3A_564 : i32 to index
        %parallel_loop3A_580 = arith.constant 0 : index
        %parallel_loop3A_581 = tpu.vector_load %parallel_loop3A_578[%parallel_loop3A_579, %parallel_loop3A_580] {strides = array<i32>} : memref<32x128xf32, #tpu.memory_space<vmem>>, vector<16xf32>,
        tpu.vector_store %parallel_loop3A_578[%parallel_loop3A_579, %parallel_loop3A_580], %parallel_loop3A_574 {strides = array<i32>} : memref<32x128xf32, #tpu.memory_space<vmem>>, vector<16xf32>,
        %parallel_loop3A_582 = arith.constant 128 : i32
        %parallel_loop3A_583 = arith.muli %parallel_loop3A_564, %parallel_loop3A_582 : i32
        %parallel_loop3A_584 = arith.constant 16 : i32
        %parallel_loop3A_585 = arith.addi %parallel_loop3A_583, %parallel_loop3A_584 : i32
        %parallel_loop3A_586 = arith.constant 0 : i32
        %parallel_loop3A_587 = tpu.memref_slice %arg7[%parallel_loop3A_531, %parallel_loop3A_586] : memref<2x4096xi32, #tpu.memory_space<vmem>> -> memref<1x4096xi32, #tpu.memory_space<vmem>>
        %parallel_loop3A_588 = tpu.memref_squeeze %parallel_loop3A_587 : memref<1x4096xi32, #tpu.memory_space<vmem>> -> memref<4096xi32, #tpu.memory_space<vmem>>
        %parallel_loop3A_589 = arith.index_cast %parallel_loop3A_585 : i32 to index
        %parallel_loop3A_590 = tpu.vector_load %parallel_loop3A_588[%parallel_loop3A_589] {strides = array<i32>} : memref<4096xi32, #tpu.memory_space<vmem>>, vector<16xi32>,
        %parallel_loop3A_591 = tpu.vector_load_idx %arg6[%parallel_loop3A_590] : memref<100000xf32, #tpu.memory_space<vmem>>[vector<16xi32>], vector<16xf32>,
        %parallel_loop3A_592 = arith.constant 0 : i32
        %parallel_loop3A_593 = arith.constant 0 : i32
        %parallel_loop3A_594 = tpu.memref_slice %arg8[%parallel_loop3A_532, %parallel_loop3A_592, %parallel_loop3A_593] : memref<2x32x128xf32, #tpu.memory_space<vmem>> -> memref<1x32x128xf32, #tpu.memory_space<vmem>>
        %parallel_loop3A_595 = tpu.memref_squeeze %parallel_loop3A_594 : memref<1x32x128xf32, #tpu.memory_space<vmem>> -> memref<32x128xf32, #tpu.memory_space<vmem>>
        %parallel_loop3A_596 = arith.index_cast %parallel_loop3A_564 : i32 to index
        %parallel_loop3A_597 = arith.constant 16 : index
        %parallel_loop3A_598 = tpu.vector_load %parallel_loop3A_595[%parallel_loop3A_596, %parallel_loop3A_597] {strides = array<i32>} : memref<32x128xf32, #tpu.memory_space<vmem>>, vector<16xf32>,
        tpu.vector_store %parallel_loop3A_595[%parallel_loop3A_596, %parallel_loop3A_597], %parallel_loop3A_591 {strides = array<i32>} : memref<32x128xf32, #tpu.memory_space<vmem>>, vector<16xf32>,
        %parallel_loop3A_599 = arith.constant 128 : i32
        %parallel_loop3A_600 = arith.muli %parallel_loop3A_564, %parallel_loop3A_599 : i32
        %parallel_loop3A_601 = arith.constant 32 : i32
        %parallel_loop3A_602 = arith.addi %parallel_loop3A_600, %parallel_loop3A_601 : i32
        %parallel_loop3A_603 = arith.constant 0 : i32
        %parallel_loop3A_604 = tpu.memref_slice %arg7[%parallel_loop3A_531, %parallel_loop3A_603] : memref<2x4096xi32, #tpu.memory_space<vmem>> -> memref<1x4096xi32, #tpu.memory_space<vmem>>
        %parallel_loop3A_605 = tpu.memref_squeeze %parallel_loop3A_604 : memref<1x4096xi32, #tpu.memory_space<vmem>> -> memref<4096xi32, #tpu.memory_space<vmem>>
        %parallel_loop3A_606 = arith.index_cast %parallel_loop3A_602 : i32 to index
        %parallel_loop3A_607 = tpu.vector_load %parallel_loop3A_605[%parallel_loop3A_606] {strides = array<i32>} : memref<4096xi32, #tpu.memory_space<vmem>>, vector<16xi32>,
        %parallel_loop3A_608 = tpu.vector_load_idx %arg6[%parallel_loop3A_607] : memref<100000xf32, #tpu.memory_space<vmem>>[vector<16xi32>], vector<16xf32>,
        %parallel_loop3A_609 = arith.constant 0 : i32
        %parallel_loop3A_610 = arith.constant 0 : i32
        %parallel_loop3A_611 = tpu.memref_slice %arg8[%parallel_loop3A_532, %parallel_loop3A_609, %parallel_loop3A_610] : memref<2x32x128xf32, #tpu.memory_space<vmem>> -> memref<1x32x128xf32, #tpu.memory_space<vmem>>
        %parallel_loop3A_612 = tpu.memref_squeeze %parallel_loop3A_611 : memref<1x32x128xf32, #tpu.memory_space<vmem>> -> memref<32x128xf32, #tpu.memory_space<vmem>>
        %parallel_loop3A_613 = arith.index_cast %parallel_loop3A_564 : i32 to index
        %parallel_loop3A_614 = arith.constant 32 : index
        %parallel_loop3A_615 = tpu.vector_load %parallel_loop3A_612[%parallel_loop3A_613, %parallel_loop3A_614] {strides = array<i32>} : memref<32x128xf32, #tpu.memory_space<vmem>>, vector<16xf32>,
        tpu.vector_store %parallel_loop3A_612[%parallel_loop3A_613, %parallel_loop3A_614], %parallel_loop3A_608 {strides = array<i32>} : memref<32x128xf32, #tpu.memory_space<vmem>>, vector<16xf32>,
        %parallel_loop3A_616 = arith.constant 128 : i32
        %parallel_loop3A_617 = arith.muli %parallel_loop3A_564, %parallel_loop3A_616 : i32
        %parallel_loop3A_618 = arith.constant 48 : i32
        %parallel_loop3A_619 = arith.addi %parallel_loop3A_617, %parallel_loop3A_618 : i32
        %parallel_loop3A_620 = arith.constant 0 : i32
        %parallel_loop3A_621 = tpu.memref_slice %arg7[%parallel_loop3A_531, %parallel_loop3A_620] : memref<2x4096xi32, #tpu.memory_space<vmem>> -> memref<1x4096xi32, #tpu.memory_space<vmem>>
        %parallel_loop3A_622 = tpu.memref_squeeze %parallel_loop3A_621 : memref<1x4096xi32, #tpu.memory_space<vmem>> -> memref<4096xi32, #tpu.memory_space<vmem>>
        %parallel_loop3A_623 = arith.index_cast %parallel_loop3A_619 : i32 to index
        %parallel_loop3A_624 = tpu.vector_load %parallel_loop3A_622[%parallel_loop3A_623] {strides = array<i32>} : memref<4096xi32, #tpu.memory_space<vmem>>, vector<16xi32>,
        %parallel_loop3A_625 = tpu.vector_load_idx %arg6[%parallel_loop3A_624] : memref<100000xf32, #tpu.memory_space<vmem>>[vector<16xi32>], vector<16xf32>,
        %parallel_loop3A_626 = arith.constant 0 : i32
        %parallel_loop3A_627 = arith.constant 0 : i32
        %parallel_loop3A_628 = tpu.memref_slice %arg8[%parallel_loop3A_532, %parallel_loop3A_626, %parallel_loop3A_627] : memref<2x32x128xf32, #tpu.memory_space<vmem>> -> memref<1x32x128xf32, #tpu.memory_space<vmem>>
        %parallel_loop3A_629 = tpu.memref_squeeze %parallel_loop3A_628 : memref<1x32x128xf32, #tpu.memory_space<vmem>> -> memref<32x128xf32, #tpu.memory_space<vmem>>
        %parallel_loop3A_630 = arith.index_cast %parallel_loop3A_564 : i32 to index
        %parallel_loop3A_631 = arith.constant 48 : index
        %parallel_loop3A_632 = tpu.vector_load %parallel_loop3A_629[%parallel_loop3A_630, %parallel_loop3A_631] {strides = array<i32>} : memref<32x128xf32, #tpu.memory_space<vmem>>, vector<16xf32>,
        tpu.vector_store %parallel_loop3A_629[%parallel_loop3A_630, %parallel_loop3A_631], %parallel_loop3A_625 {strides = array<i32>} : memref<32x128xf32, #tpu.memory_space<vmem>>, vector<16xf32>,
        %parallel_loop3A_633 = arith.constant 128 : i32
        %parallel_loop3A_634 = arith.muli %parallel_loop3A_564, %parallel_loop3A_633 : i32
        %parallel_loop3A_635 = arith.constant 64 : i32
        %parallel_loop3A_636 = arith.addi %parallel_loop3A_634, %parallel_loop3A_635 : i32
        %parallel_loop3A_637 = arith.constant 0 : i32
        %parallel_loop3A_638 = tpu.memref_slice %arg7[%parallel_loop3A_531, %parallel_loop3A_637] : memref<2x4096xi32, #tpu.memory_space<vmem>> -> memref<1x4096xi32, #tpu.memory_space<vmem>>
        %parallel_loop3A_639 = tpu.memref_squeeze %parallel_loop3A_638 : memref<1x4096xi32, #tpu.memory_space<vmem>> -> memref<4096xi32, #tpu.memory_space<vmem>>
        %parallel_loop3A_640 = arith.index_cast %parallel_loop3A_636 : i32 to index
        %parallel_loop3A_641 = tpu.vector_load %parallel_loop3A_639[%parallel_loop3A_640] {strides = array<i32>} : memref<4096xi32, #tpu.memory_space<vmem>>, vector<16xi32>,
        %parallel_loop3A_642 = tpu.vector_load_idx %arg6[%parallel_loop3A_641] : memref<100000xf32, #tpu.memory_space<vmem>>[vector<16xi32>], vector<16xf32>,
        %parallel_loop3A_643 = arith.constant 0 : i32
        %parallel_loop3A_644 = arith.constant 0 : i32
        %parallel_loop3A_645 = tpu.memref_slice %arg8[%parallel_loop3A_532, %parallel_loop3A_643, %parallel_loop3A_644] : memref<2x32x128xf32, #tpu.memory_space<vmem>> -> memref<1x32x128xf32, #tpu.memory_space<vmem>>
        %parallel_loop3A_646 = tpu.memref_squeeze %parallel_loop3A_645 : memref<1x32x128xf32, #tpu.memory_space<vmem>> -> memref<32x128xf32, #tpu.memory_space<vmem>>
        %parallel_loop3A_647 = arith.index_cast %parallel_loop3A_564 : i32 to index
        %parallel_loop3A_648 = arith.constant 64 : index
        %parallel_loop3A_649 = tpu.vector_load %parallel_loop3A_646[%parallel_loop3A_647, %parallel_loop3A_648] {strides = array<i32>} : memref<32x128xf32, #tpu.memory_space<vmem>>, vector<16xf32>,
        tpu.vector_store %parallel_loop3A_646[%parallel_loop3A_647, %parallel_loop3A_648], %parallel_loop3A_642 {strides = array<i32>} : memref<32x128xf32, #tpu.memory_space<vmem>>, vector<16xf32>,
        %parallel_loop3A_650 = arith.constant 128 : i32
        %parallel_loop3A_651 = arith.muli %parallel_loop3A_564, %parallel_loop3A_650 : i32
        %parallel_loop3A_652 = arith.constant 80 : i32
        %parallel_loop3A_653 = arith.addi %parallel_loop3A_651, %parallel_loop3A_652 : i32
        %parallel_loop3A_654 = arith.constant 0 : i32
        %parallel_loop3A_655 = tpu.memref_slice %arg7[%parallel_loop3A_531, %parallel_loop3A_654] : memref<2x4096xi32, #tpu.memory_space<vmem>> -> memref<1x4096xi32, #tpu.memory_space<vmem>>
        %parallel_loop3A_656 = tpu.memref_squeeze %parallel_loop3A_655 : memref<1x4096xi32, #tpu.memory_space<vmem>> -> memref<4096xi32, #tpu.memory_space<vmem>>
        %parallel_loop3A_657 = arith.index_cast %parallel_loop3A_653 : i32 to index
        %parallel_loop3A_658 = tpu.vector_load %parallel_loop3A_656[%parallel_loop3A_657] {strides = array<i32>} : memref<4096xi32, #tpu.memory_space<vmem>>, vector<16xi32>,
        %parallel_loop3A_659 = tpu.vector_load_idx %arg6[%parallel_loop3A_658] : memref<100000xf32, #tpu.memory_space<vmem>>[vector<16xi32>], vector<16xf32>,
        %parallel_loop3A_660 = arith.constant 0 : i32
        %parallel_loop3A_661 = arith.constant 0 : i32
        %parallel_loop3A_662 = tpu.memref_slice %arg8[%parallel_loop3A_532, %parallel_loop3A_660, %parallel_loop3A_661] : memref<2x32x128xf32, #tpu.memory_space<vmem>> -> memref<1x32x128xf32, #tpu.memory_space<vmem>>
        %parallel_loop3A_663 = tpu.memref_squeeze %parallel_loop3A_662 : memref<1x32x128xf32, #tpu.memory_space<vmem>> -> memref<32x128xf32, #tpu.memory_space<vmem>>
        %parallel_loop3A_664 = arith.index_cast %parallel_loop3A_564 : i32 to index
        %parallel_loop3A_665 = arith.constant 80 : index
        %parallel_loop3A_666 = tpu.vector_load %parallel_loop3A_663[%parallel_loop3A_664, %parallel_loop3A_665] {strides = array<i32>} : memref<32x128xf32, #tpu.memory_space<vmem>>, vector<16xf32>,
        tpu.vector_store %parallel_loop3A_663[%parallel_loop3A_664, %parallel_loop3A_665], %parallel_loop3A_659 {strides = array<i32>} : memref<32x128xf32, #tpu.memory_space<vmem>>, vector<16xf32>,
        %parallel_loop3A_667 = arith.constant 128 : i32
        %parallel_loop3A_668 = arith.muli %parallel_loop3A_564, %parallel_loop3A_667 : i32
        %parallel_loop3A_669 = arith.constant 96 : i32
        %parallel_loop3A_670 = arith.addi %parallel_loop3A_668, %parallel_loop3A_669 : i32
        %parallel_loop3A_671 = arith.constant 0 : i32
        %parallel_loop3A_672 = tpu.memref_slice %arg7[%parallel_loop3A_531, %parallel_loop3A_671] : memref<2x4096xi32, #tpu.memory_space<vmem>> -> memref<1x4096xi32, #tpu.memory_space<vmem>>
        %parallel_loop3A_673 = tpu.memref_squeeze %parallel_loop3A_672 : memref<1x4096xi32, #tpu.memory_space<vmem>> -> memref<4096xi32, #tpu.memory_space<vmem>>
        %parallel_loop3A_674 = arith.index_cast %parallel_loop3A_670 : i32 to index
        %parallel_loop3A_675 = tpu.vector_load %parallel_loop3A_673[%parallel_loop3A_674] {strides = array<i32>} : memref<4096xi32, #tpu.memory_space<vmem>>, vector<16xi32>,
        %parallel_loop3A_676 = tpu.vector_load_idx %arg6[%parallel_loop3A_675] : memref<100000xf32, #tpu.memory_space<vmem>>[vector<16xi32>], vector<16xf32>,
        %parallel_loop3A_677 = arith.constant 0 : i32
        %parallel_loop3A_678 = arith.constant 0 : i32
        %parallel_loop3A_679 = tpu.memref_slice %arg8[%parallel_loop3A_532, %parallel_loop3A_677, %parallel_loop3A_678] : memref<2x32x128xf32, #tpu.memory_space<vmem>> -> memref<1x32x128xf32, #tpu.memory_space<vmem>>
        %parallel_loop3A_680 = tpu.memref_squeeze %parallel_loop3A_679 : memref<1x32x128xf32, #tpu.memory_space<vmem>> -> memref<32x128xf32, #tpu.memory_space<vmem>>
        %parallel_loop3A_681 = arith.index_cast %parallel_loop3A_564 : i32 to index
        %parallel_loop3A_682 = arith.constant 96 : index
        %parallel_loop3A_683 = tpu.vector_load %parallel_loop3A_680[%parallel_loop3A_681, %parallel_loop3A_682] {strides = array<i32>} : memref<32x128xf32, #tpu.memory_space<vmem>>, vector<16xf32>,
        tpu.vector_store %parallel_loop3A_680[%parallel_loop3A_681, %parallel_loop3A_682], %parallel_loop3A_676 {strides = array<i32>} : memref<32x128xf32, #tpu.memory_space<vmem>>, vector<16xf32>,
        %parallel_loop3A_684 = arith.constant 128 : i32
        %parallel_loop3A_685 = arith.muli %parallel_loop3A_564, %parallel_loop3A_684 : i32
        %parallel_loop3A_686 = arith.constant 112 : i32
        %parallel_loop3A_687 = arith.addi %parallel_loop3A_685, %parallel_loop3A_686 : i32
        %parallel_loop3A_688 = arith.constant 0 : i32
        %parallel_loop3A_689 = tpu.memref_slice %arg7[%parallel_loop3A_531, %parallel_loop3A_688] : memref<2x4096xi32, #tpu.memory_space<vmem>> -> memref<1x4096xi32, #tpu.memory_space<vmem>>
        %parallel_loop3A_690 = tpu.memref_squeeze %parallel_loop3A_689 : memref<1x4096xi32, #tpu.memory_space<vmem>> -> memref<4096xi32, #tpu.memory_space<vmem>>
        %parallel_loop3A_691 = arith.index_cast %parallel_loop3A_687 : i32 to index
        %parallel_loop3A_692 = tpu.vector_load %parallel_loop3A_690[%parallel_loop3A_691] {strides = array<i32>} : memref<4096xi32, #tpu.memory_space<vmem>>, vector<16xi32>,
        %parallel_loop3A_693 = tpu.vector_load_idx %arg6[%parallel_loop3A_692] : memref<100000xf32, #tpu.memory_space<vmem>>[vector<16xi32>], vector<16xf32>,
        %parallel_loop3A_694 = arith.constant 0 : i32
        %parallel_loop3A_695 = arith.constant 0 : i32
        %parallel_loop3A_696 = tpu.memref_slice %arg8[%parallel_loop3A_532, %parallel_loop3A_694, %parallel_loop3A_695] : memref<2x32x128xf32, #tpu.memory_space<vmem>> -> memref<1x32x128xf32, #tpu.memory_space<vmem>>
        %parallel_loop3A_697 = tpu.memref_squeeze %parallel_loop3A_696 : memref<1x32x128xf32, #tpu.memory_space<vmem>> -> memref<32x128xf32, #tpu.memory_space<vmem>>
        %parallel_loop3A_698 = arith.index_cast %parallel_loop3A_564 : i32 to index
        %parallel_loop3A_699 = arith.constant 112 : index
        %parallel_loop3A_700 = tpu.vector_load %parallel_loop3A_697[%parallel_loop3A_698, %parallel_loop3A_699] {strides = array<i32>} : memref<32x128xf32, #tpu.memory_space<vmem>>, vector<16xf32>,
        tpu.vector_store %parallel_loop3A_697[%parallel_loop3A_698, %parallel_loop3A_699], %parallel_loop3A_693 {strides = array<i32>} : memref<32x128xf32, #tpu.memory_space<vmem>>, vector<16xf32>,
      } {sc.loop_unroll_factor = 4 : i64, sc.parallel_access}
      %add3A_533 = arith.constant 50 : i32
      %add3A_534 = arith.addi %add3A_533, %add3A_506 : i32
      %dma_start3A_535 = arith.constant 1 : i32
      %dma_start3A_536 = arith.constant 1 : i32
      %dma_start3A_537 = arith.constant 0 : i32
      %dma_start3A_538 = arith.constant 0 : i32
      %dma_start3A_539 = tpu.memref_slice %arg8[%dma_start3A_535, %dma_start3A_537, %dma_start3A_538] : memref<2x32x128xf32, #tpu.memory_space<vmem>> -> memref<1x32x128xf32, #tpu.memory_space<vmem>>
      %dma_start3A_540 = tpu.memref_squeeze %dma_start3A_539 : memref<1x32x128xf32, #tpu.memory_space<vmem>> -> memref<32x128xf32, #tpu.memory_space<vmem>>
      %dma_start3A_541 = arith.constant 0 : i32
      %dma_start3A_542 = arith.constant 0 : i32
      %dma_start3A_543 = tpu.memref_slice %arg4[%add3A_534, %select_n3A_241, %dma_start3A_541, %select_n3A_257, %dma_start3A_542] : memref<100x8x32x8x128xf32, #tpu.memory_space<hbm>> -> memref<1x1x32x1x128xf32, #tpu.memory_space<hbm>>
      %dma_start3A_544 = tpu.memref_squeeze %dma_start3A_543 : memref<1x1x32x1x128xf32, #tpu.memory_space<hbm>> -> memref<32x128xf32, #tpu.memory_space<hbm>>
      %dma_start3A_545 = tpu.memref_slice %arg11[%dma_start3A_536] : memref<2x!tpu.dma_semaphore, #tpu.memory_space<semaphore_mem>> -> memref<1x!tpu.dma_semaphore, #tpu.memory_space<semaphore_mem>>
      %dma_start3A_546 = tpu.memref_squeeze %dma_start3A_545 : memref<1x!tpu.dma_semaphore, #tpu.memory_space<semaphore_mem>> -> memref<!tpu.dma_semaphore, #tpu.memory_space<semaphore_mem>>
      %dma_start3A_547 = arith.constant 0 : i32
      %dma_start3A_548 = arith.constant 0 : i32
      %dma_start3A_549 = tpu.memref_slice %arg4[%add3A_534, %select_n3A_241, %dma_start3A_547, %select_n3A_257, %dma_start3A_548] : memref<100x8x32x8x128xf32, #tpu.memory_space<hbm>> -> memref<1x1x32x1x128xf32, #tpu.memory_space<hbm>>
      %dma_start3A_550 = tpu.memref_squeeze %dma_start3A_549 : memref<1x1x32x1x128xf32, #tpu.memory_space<hbm>> -> memref<32x128xf32, #tpu.memory_space<hbm>>
      %dma_start3A_551 = arith.constant 0 : i32
      %dma_start3A_552 = arith.constant 0 : i32
      %dma_start3A_553 = tpu.memref_slice %arg8[%dma_start3A_535, %dma_start3A_551, %dma_start3A_552] : memref<2x32x128xf32, #tpu.memory_space<vmem>> -> memref<1x32x128xf32, #tpu.memory_space<vmem>>
      %dma_start3A_554 = tpu.memref_squeeze %dma_start3A_553 : memref<1x32x128xf32, #tpu.memory_space<vmem>> -> memref<32x128xf32, #tpu.memory_space<vmem>>
      tpu.enqueue_dma source(%dma_start3A_554 : memref<32x128xf32, #tpu.memory_space<vmem>>) target(%dma_start3A_550 : memref<32x128xf32, #tpu.memory_space<hbm>>) target_semaphore(%dma_start3A_546 : memref<!tpu.dma_semaphore, #tpu.memory_space<semaphore_mem>>)
      %add3A_555 = arith.constant 1 : i32
      %add3A_556 = arith.addi %add3A_447, %add3A_555 : i32
      %add3A_557 = arith.constant 2 : i32
      %add3A_558 = arith.addi %add3A_556, %add3A_557 : i32
      %lt3A_559 = arith.constant 50 : i32
      %lt3A_560 = arith.cmpi slt, %add3A_558, %lt3A_559 : i32
      %convert_element_type3A_561 = arith.extui %lt3A_560 : i1 to i32
      %cond3A_562 = arith.constant 0 : i32
      %cond3A_563 = arith.cmpi ne, %convert_element_type3A_561, %cond3A_562 : i32
      scf.if %cond3A_563 {
        %add3A_564 = arith.constant 2 : i32
        %add3A_565 = arith.addi %add3A_506, %add3A_564 : i32
        %mul3A_566 = arith.constant 4096 : i32
        %mul3A_567 = arith.muli %add3A_565, %mul3A_566 : i32
        %dma_start3A_568 = arith.constant 1 : i32
        %dma_start3A_569 = arith.constant 1 : i32
        %dma_start3A_570 = arith.constant 0 : i32
        %dma_start3A_571 = tpu.memref_slice %arg7[%dma_start3A_568, %dma_start3A_570] : memref<2x4096xi32, #tpu.memory_space<vmem>> -> memref<1x4096xi32, #tpu.memory_space<vmem>>
        %dma_start3A_572 = tpu.memref_squeeze %dma_start3A_571 : memref<1x4096xi32, #tpu.memory_space<vmem>> -> memref<4096xi32, #tpu.memory_space<vmem>>
        %dma_start3A_573 = tpu.memref_slice %arg5[%mul3A_567] : memref<204800xi32, #tpu.memory_space<vmem_shared>> -> memref<4096xi32, #tpu.memory_space<vmem_shared>>
        %dma_start3A_574 = tpu.memref_slice %arg10[%dma_start3A_569] : memref<2x!tpu.dma_semaphore, #tpu.memory_space<semaphore_mem>> -> memref<1x!tpu.dma_semaphore, #tpu.memory_space<semaphore_mem>>
        %dma_start3A_575 = tpu.memref_squeeze %dma_start3A_574 : memref<1x!tpu.dma_semaphore, #tpu.memory_space<semaphore_mem>> -> memref<!tpu.dma_semaphore, #tpu.memory_space<semaphore_mem>>
        %dma_start3A_576 = arith.constant 0 : i32
        %dma_start3A_577 = tpu.memref_slice %arg7[%dma_start3A_568, %dma_start3A_576] : memref<2x4096xi32, #tpu.memory_space<vmem>> -> memref<1x4096xi32, #tpu.memory_space<vmem>>
        %dma_start3A_578 = tpu.memref_squeeze %dma_start3A_577 : memref<1x4096xi32, #tpu.memory_space<vmem>> -> memref<4096xi32, #tpu.memory_space<vmem>>
        %dma_start3A_579 = tpu.memref_slice %arg5[%mul3A_567] : memref<204800xi32, #tpu.memory_space<vmem_shared>> -> memref<4096xi32, #tpu.memory_space<vmem_shared>>
        tpu.enqueue_dma source(%dma_start3A_579 : memref<4096xi32, #tpu.memory_space<vmem_shared>>) target(%dma_start3A_578 : memref<4096xi32, #tpu.memory_space<vmem>>) target_semaphore(%dma_start3A_575 : memref<!tpu.dma_semaphore, #tpu.memory_space<semaphore_mem>>)
      } else {
      }
    }
    %scan3A_396 = arith.constant 25 : i32
    %dma_wait3A_397 = arith.constant 0 : i32
    %dma_wait3A_398 = arith.constant 0 : i32
    %dma_wait3A_399 = arith.constant 0 : i32
    %dma_wait3A_400 = arith.constant 0 : i32
    %dma_wait3A_401 = arith.constant 0 : i32
    %dma_wait3A_402 = arith.constant 0 : i32
    %dma_wait3A_403 = arith.constant 0 : i32
    %dma_wait3A_404 = tpu.memref_slice %arg8[%dma_wait3A_397, %dma_wait3A_402, %dma_wait3A_403] : memref<2x32x128xf32, #tpu.memory_space<vmem>> -> memref<1x32x128xf32, #tpu.memory_space<vmem>>
    %dma_wait3A_405 = tpu.memref_squeeze %dma_wait3A_404 : memref<1x32x128xf32, #tpu.memory_space<vmem>> -> memref<32x128xf32, #tpu.memory_space<vmem>>
    %dma_wait3A_406 = arith.constant 0 : i32
    %dma_wait3A_407 = arith.constant 0 : i32
    %dma_wait3A_408 = tpu.memref_slice %arg4[%dma_wait3A_398, %dma_wait3A_399, %dma_wait3A_406, %dma_wait3A_400, %dma_wait3A_407] : memref<100x8x32x8x128xf32, #tpu.memory_space<hbm>> -> memref<1x1x32x1x128xf32, #tpu.memory_space<hbm>>
    %dma_wait3A_409 = tpu.memref_squeeze %dma_wait3A_408 : memref<1x1x32x1x128xf32, #tpu.memory_space<hbm>> -> memref<32x128xf32, #tpu.memory_space<hbm>>
    %dma_wait3A_410 = tpu.memref_slice %arg11[%dma_wait3A_401] : memref<2x!tpu.dma_semaphore, #tpu.memory_space<semaphore_mem>> -> memref<1x!tpu.dma_semaphore, #tpu.memory_space<semaphore_mem>>
    %dma_wait3A_411 = tpu.memref_squeeze %dma_wait3A_410 : memref<1x!tpu.dma_semaphore, #tpu.memory_space<semaphore_mem>> -> memref<!tpu.dma_semaphore, #tpu.memory_space<semaphore_mem>>
    %dma_wait3A_412 = arith.constant 0 : i32
    %dma_wait3A_413 = arith.constant 0 : i32
    %dma_wait3A_414 = tpu.memref_slice %arg4[%dma_wait3A_398, %dma_wait3A_399, %dma_wait3A_412, %dma_wait3A_400, %dma_wait3A_413] : memref<100x8x32x8x128xf32, #tpu.memory_space<hbm>> -> memref<1x1x32x1x128xf32, #tpu.memory_space<hbm>>
    %dma_wait3A_415 = tpu.memref_squeeze %dma_wait3A_414 : memref<1x1x32x1x128xf32, #tpu.memory_space<hbm>> -> memref<32x128xf32, #tpu.memory_space<hbm>>
    %dma_wait3A_416 = arith.constant 0 : i32
    %dma_wait3A_417 = arith.constant 0 : i32
    %dma_wait3A_418 = tpu.memref_slice %arg8[%dma_wait3A_397, %dma_wait3A_416, %dma_wait3A_417] : memref<2x32x128xf32, #tpu.memory_space<vmem>> -> memref<1x32x128xf32, #tpu.memory_space<vmem>>
    %dma_wait3A_419 = tpu.memref_squeeze %dma_wait3A_418 : memref<1x32x128xf32, #tpu.memory_space<vmem>> -> memref<32x128xf32, #tpu.memory_space<vmem>>
    tpu.wait_dma2 semaphore(%dma_wait3A_411 : memref<!tpu.dma_semaphore, #tpu.memory_space<semaphore_mem>>) src(%dma_wait3A_419 : memref<32x128xf32, #tpu.memory_space<vmem>>) dst(%dma_wait3A_415 : memref<32x128xf32, #tpu.memory_space<hbm>>)
    %dma_wait3A_420 = arith.constant 1 : i32
    %dma_wait3A_421 = arith.constant 0 : i32
    %dma_wait3A_422 = arith.constant 0 : i32
    %dma_wait3A_423 = arith.constant 0 : i32
    %dma_wait3A_424 = arith.constant 1 : i32
    %dma_wait3A_425 = arith.constant 0 : i32
    %dma_wait3A_426 = arith.constant 0 : i32
    %dma_wait3A_427 = tpu.memref_slice %arg8[%dma_wait3A_420, %dma_wait3A_425, %dma_wait3A_426] : memref<2x32x128xf32, #tpu.memory_space<vmem>> -> memref<1x32x128xf32, #tpu.memory_space<vmem>>
    %dma_wait3A_428 = tpu.memref_squeeze %dma_wait3A_427 : memref<1x32x128xf32, #tpu.memory_space<vmem>> -> memref<32x128xf32, #tpu.memory_space<vmem>>
    %dma_wait3A_429 = arith.constant 0 : i32
    %dma_wait3A_430 = arith.constant 0 : i32
    %dma_wait3A_431 = tpu.memref_slice %arg4[%dma_wait3A_421, %dma_wait3A_422, %dma_wait3A_429, %dma_wait3A_423, %dma_wait3A_430] : memref<100x8x32x8x128xf32, #tpu.memory_space<hbm>> -> memref<1x1x32x1x128xf32, #tpu.memory_space<hbm>>
    %dma_wait3A_432 = tpu.memref_squeeze %dma_wait3A_431 : memref<1x1x32x1x128xf32, #tpu.memory_space<hbm>> -> memref<32x128xf32, #tpu.memory_space<hbm>>
    %dma_wait3A_433 = tpu.memref_slice %arg11[%dma_wait3A_424] : memref<2x!tpu.dma_semaphore, #tpu.memory_space<semaphore_mem>> -> memref<1x!tpu.dma_semaphore, #tpu.memory_space<semaphore_mem>>
    %dma_wait3A_434 = tpu.memref_squeeze %dma_wait3A_433 : memref<1x!tpu.dma_semaphore, #tpu.memory_space<semaphore_mem>> -> memref<!tpu.dma_semaphore, #tpu.memory_space<semaphore_mem>>
    %dma_wait3A_435 = arith.constant 0 : i32
    %dma_wait3A_436 = arith.constant 0 : i32
    %dma_wait3A_437 = tpu.memref_slice %arg4[%dma_wait3A_421, %dma_wait3A_422, %dma_wait3A_435, %dma_wait3A_423, %dma_wait3A_436] : memref<100x8x32x8x128xf32, #tpu.memory_space<hbm>> -> memref<1x1x32x1x128xf32, #tpu.memory_space<hbm>>
    %dma_wait3A_438 = tpu.memref_squeeze %dma_wait3A_437 : memref<1x1x32x1x128xf32, #tpu.memory_space<hbm>> -> memref<32x128xf32, #tpu.memory_space<hbm>>
    %dma_wait3A_439 = arith.constant 0 : i32
    %dma_wait3A_440 = arith.constant 0 : i32
    %dma_wait3A_441 = tpu.memref_slice %arg8[%dma_wait3A_420, %dma_wait3A_439, %dma_wait3A_440] : memref<2x32x128xf32, #tpu.memory_space<vmem>> -> memref<1x32x128xf32, #tpu.memory_space<vmem>>
    %dma_wait3A_442 = tpu.memref_squeeze %dma_wait3A_441 : memref<1x32x128xf32, #tpu.memory_space<vmem>> -> memref<32x128xf32, #tpu.memory_space<vmem>>
    tpu.wait_dma2 semaphore(%dma_wait3A_434 : memref<!tpu.dma_semaphore, #tpu.memory_space<semaphore_mem>>) src(%dma_wait3A_442 : memref<32x128xf32, #tpu.memory_space<vmem>>) dst(%dma_wait3A_438 : memref<32x128xf32, #tpu.memory_space<hbm>>)
    return
  }
}

</mosaic_0001>

<sc_bundles>
// kernel: _gather_sc.3.cloned.1.call-start
scs
__scs_entry_jumppad:
0x0: {  	(pc) =	sbr.rel $0x88, $3  }
0x1: {  	(tag) =	ssettag $0x0;
	lr =	simm.s32 $0x1  }
0x2: {  	[smem:$0x3F9F] =	sst lr;
	_ =	strace $0xD0000000  }
0x3: {  	_ = 	snop  }
0x4: {  	_ = 	snop  }
0x5: {  	_ = 	snop  }
0x6: {  	_ = 	snop  }
0x7: {  	_ = 	snop  }
__scs_overlays_trampoline_lowered:
0x8: {  	[smem:$0x3FAE] =	sst s0  }
0x9: {  	[smem:$0x3FAF] =	sst s1  }
0xa: {  	[smem:$0x3FB0] =	sst s2  }
0xb: {  	[smem:$0x3FB1] =	sst s3  }
0xc: {  	[smem:$0x3FB2] =	sst s4  }
0xd: {  	[smem:$0x3FB3] =	sst s5  }
0xe: {  	[smem:$0x3FB4] =	sst s6  }
0xf: {  	[smem:$0x3FB5] =	sst s7  }
0x10: {  	[smem:$0x3FB6] =	sst s8  }
0x11: {  	[smem:$0x3FB7] =	sst s9;
	s0 =	simm.s32 @!p0 $0x0  }
0x12: {  	s1 =	sld [smem:$0x3F9D];
	s0 =	simm.s32 @p0 $0x1  }
0x13: {  	[smem:$0x3FB8] =	sst s0;
	s0 =	simm.s32 @!p1 $0x0  }
0x14: {  	s2 =	sld [smem:$0x3F9C];
	s0 =	simm.s32 @p1 $0x1  }
0x15: {  	[smem:$0x3FB9] =	sst s0;
	s0 =	simm.s32 @!p2 $0x0  }
0x16: {  	s3 =	sld [smem:$0x3FDB];
	s0 =	simm.s32 @p2 $0x1  }
0x17: {  	s4 =	simm.s32 $0x1BF5;
	[smem:$0x3FBB] =	sst s0  }
0x18: {  	s0 =	sld [smem:$0x3F9E];
	_ =	swait.ge [sflag:s4], $0x0  }
0x19: {  	s7 =	sld [smem:$0x3F9F]  }
0x1a: {  	s8 =	sadd.s32 $0xFFFFE003, lr  }
0x1b: {  	s9 =	sadd.s32 $0xFFFFFEF7, lr;
	s5 =	simm.s32 $0xFFFFFFFF;
	p2 =	slt.u32 s8, $0xFFFFF086  }
0x1c: {  	p1 =	slt.u32 s9, $0xF7A;
	s5 =	simm.s32 @!p2 $0x0  }
0x1d: {  	s5 =	simm.s32 @p1 $0x1;
	p0 =	seq.s32 s7, s2  }
0x1e: {  	s7 =	smul.u32 @!p0 $0xF7A, s2;
	p2 =	seq.s32 @!p0 s5, $0x0  }
0x1f: {  	s9 =	smul.u32 $0xF7A, s1;
	s8 =	simm.s32 @!p0 $0x1BF5;
	p2 =	por !p2, p0  }
0x20: {  	[sflag:s8] =	ssyncset.s32 @!p0 $0xFFFFF086;
	s6 =	sadd.s32 @!p0 s3, s7;
	s7 =	simm.s32 @!p0 $0x108  }
0x21: {  	s3 =	sadd.s32 s3, s9;
	s6 =	sadd.s32 @!p0 $0x88, s6;
	s7 =	simm.s32 @p2 $0x1082  }
0x22: {  	[simem:s7], [sflag:s8] =	dma.local @!p0 [hbm:s6], $0xF7A  }
0x23: {  	s9 =	sor.u32 $0xD0000000, s2;
	s6 =	simm.s32 $0x108;
	_ =	swait.ge @!p0 [sflag:s8], $0x0  }
0x24: {  	s3 =	sadd.s32 $0x88, s3;
	s6 =	simm.s32 @!p1 $0x1082;
	[sflag:s4] =	ssyncset.s32 $0xFFFFF086  }
0x25: {  	[simem:s6], [sflag:s4] =	dma.local [hbm:s3], $0xF7A  }
0x26: {  	[smem:$0x3F9F] =	sst s1;
	(tag) =	ssettag s2;
	_ =	strace s9  }
0x27: {  	s1 =	sld [smem:$0x3FAF]  }
0x28: {  	s2 =	sld [smem:$0x3FB0]  }
0x29: {  	s4 =	sld [smem:$0x3FB2]  }
0x2a: {  	p0 =	seq.s32 s5, $0x0;
	s5 =	sld [smem:$0x3FB3]  }
0x2b: {  	s6 =	sld [smem:$0x3FB4]  }
0x2c: {  	s7 =	sld [smem:$0x3FB5]  }
0x2d: {  	s3 =	simm.s32 $0x108;
	s8 =	sld [smem:$0x3FB6]  }
0x2e: {  	s3 =	simm.s32 @!p0 $0x1082;
	s9 =	sld [smem:$0x3FB7]  }
0x2f: {  	lr =	sadd.s32 s0, s3;
	s0 =	sld [smem:$0x3FAE]  }
0x30: {  	s3 =	sld [smem:$0x3FB1]  }
0x31: {  	[smem:$0x3FBA] =	sst s10  }
0x32: {  	s10 =	sld [smem:$0x3FB8];
	_ =	sdelay $0x3  }
0x33: {  	p0 =	seq.s32 s10, $0x1;
	s10 =	sld [smem:$0x3FBA];
	_ =	sdelay $0x3  }
0x34: {  	[smem:$0x3FBA] =	sst s10  }
0x35: {  	s10 =	sld [smem:$0x3FB9];
	_ =	sdelay $0x3  }
0x36: {  	p1 =	seq.s32 s10, $0x1;
	s10 =	sld [smem:$0x3FBA];
	_ =	sdelay $0x3  }
0x37: {  	[smem:$0x3FBA] =	sst s10  }
0x38: {  	s10 =	sld [smem:$0x3FBB]  }
0x39: {  	_ = 	snop;
	(pc) =	sbr.ind lr, $3  }
0x3a: {  	_ = 	snop  }
0x3b: {  	_ = 	snop  }
0x3c: {  	p2 =	seq.s32 s10, $0x1;
	s10 =	sld [smem:$0x3FBA]  }
0x3d: {  	_ =	shalt  }
0x3e: {  	_ =	shalt  }
0x3f: {  	_ =	shalt  }
0x40: {  	_ =	shalt  }
0x41: {  	_ =	shalt  }
0x42: {  	_ =	shalt  }
0x43: {  	_ =	shalt  }
0x44: {  	_ =	shalt  }
0x45: {  	_ =	shalt  }
0x46: {  	_ =	shalt  }
0x47: {  	_ =	shalt  }
0x48: {  	_ =	shalt  }
0x49: {  	_ =	shalt  }
0x4a: {  	_ =	shalt  }
0x4b: {  	_ =	shalt  }
0x4c: {  	_ =	shalt  }
0x4d: {  	_ =	shalt  }
0x4e: {  	_ =	shalt  }
0x4f: {  	_ =	shalt  }
0x50: {  	_ =	shalt  }
0x51: {  	_ =	shalt  }
0x52: {  	_ =	shalt  }
0x53: {  	_ =	shalt  }
0x54: {  	_ =	shalt  }
0x55: {  	_ =	shalt  }
0x56: {  	_ =	shalt  }
0x57: {  	_ =	shalt  }
0x58: {  	_ =	shalt  }
0x59: {  	_ =	shalt  }
0x5a: {  	_ =	shalt  }
0x5b: {  	_ =	shalt  }
0x5c: {  	_ =	shalt  }
0x5d: {  	_ =	shalt  }
0x5e: {  	_ =	shalt  }
0x5f: {  	_ =	shalt  }
0x60: {  	_ =	shalt  }
0x61: {  	_ =	shalt  }
0x62: {  	_ =	shalt  }
0x63: {  	_ =	shalt  }
0x64: {  	_ =	shalt  }
0x65: {  	_ =	shalt  }
0x66: {  	_ =	shalt  }
0x67: {  	_ =	shalt  }
0x68: {  	_ =	shalt  }
0x69: {  	_ =	shalt  }
0x6a: {  	_ =	shalt  }
0x6b: {  	_ =	shalt  }
0x6c: {  	_ =	shalt  }
0x6d: {  	_ =	shalt  }
0x6e: {  	_ =	shalt  }
0x6f: {  	_ =	shalt  }
0x70: {  	_ =	shalt  }
0x71: {  	_ =	shalt  }
0x72: {  	_ =	shalt  }
0x73: {  	_ =	shalt  }
0x74: {  	_ =	shalt  }
0x75: {  	_ =	shalt  }
0x76: {  	_ =	shalt  }
0x77: {  	_ =	shalt  }
0x78: {  	_ =	shalt  }
0x79: {  	_ =	shalt  }
0x7a: {  	_ =	shalt  }
0x7b: {  	_ =	shalt  }
0x7c: {  	_ =	shalt  }
0x7d: {  	_ =	shalt  }
0x7e: {  	_ =	shalt  }
0x7f: {  	_ =	shalt  }
0x80: {  	_ =	shalt  }
0x81: {  	_ =	shalt  }
0x82: {  	_ =	shalt  }
0x83: {  	_ =	shalt  }
0x84: {  	_ =	shalt  }
0x85: {  	_ =	shalt  }
0x86: {  	_ =	shalt  }
0x87: {  	_ =	shalt  }
.Lfunc_end0:
.L_simem_size_0:
called_computation_lowered:
.L_overlay_start_0:
0x88: {  	s2 =	sld [smem:$0x3FD9]  }
0x89: {  	s3 =	sld [smem:$0x3FFE];
	_ =	sdelay $0x1  }
0x8a: {  	s1 =	srdreg.scid  }
0x8b: {  	s0 =	sand.u32 $0x1, s1  }
0x8c: {  	s17 =	sshll.u32 s0, $0xA;
	s2 =	sadd.s32 s3, s2  }
0x8d: {  	s2 =	sadd.s32 s2, s17  }
0x8e: {  	[smem:$0x3FC6] =	sst s2  }
0x8f: {  	_ = 	snop  }
0x90: {  	s2 =	sld [smem:$0x3FC9]  }
0x91: {  	s18 =	sld [smem:$0x3FD0];
	(tm) =	ssettm $0x1  }
0x92: {  	s4 =	sld [smem:$0x3FFB];
	_ =	sdelay $0x3  }
0x93: {  	_ =	strace s4  }
0x94: {  	s4 =	sld [smem:$0x3FFC];
	_ =	sdelay $0x3  }
0x95: {  	_ =	strace s4  }
0x96: {  	s4 =	sld [smem:$0x3FFD];
	_ =	sdelay $0x3  }
0x97: {  	_ =	strace s4  }
0x98: {  	_ =	strace $0x8FFFFFFF  }
0x99: {  	s19 =	sld [smem:$0x3FDB];
	_ =	sdelay $0x1  }
0x9a: {  	s5 =	simm.s32 $_scs_section_size  }
0x9b: {  	s6 =	simm.s32 $_size__tile_overlayer_lowered;
	s7 =	simm.s32 $_tile_overlayer_lowered  }
0x9c: {  	s22 =	simm.s32 $0x1BFF;
	s21 =	sshll.u32 s7, $0x1;
	s4 =	sadd.s32 s5, s19  }
0x9d: {  	s8 =	simm.s32 $0x0;
	s20 =	sshll.u32 s6, $0x1;
	s6 =	sadd.s32 s21, s4  }
0x9e: {  	[timem:s8], [sflag:s22] =	dma.local [hbm:s6], s20  }
0x9f: {  	_ =	swait.ge [sflag:s22], s20  }
0xa0: {  	s5 =	ssub.s32 $0x0, s20;
	[sflag:s22] =	ssyncset.done $0x0  }
0xa1: {  	[sflag:s22] =	ssyncadd.s32 s5;
	_ =	sdelay $0x1  }
0xa2: {  	s23 =	simm.s32 $0x1B8B  }
0xa3: {  	_ =	swait.ge [sflag:s23], $0x1  }
0xa4: {  	[sflag:s23] =	ssyncset.done $0x0  }
0xa5: {  	s25 =	simm.s32 $0x1B8E;
	s24 =	sld [smem:$0x3FFE];
	[sflag:s23] =	ssyncadd.s32 $0xFFFFFFFF  }
0xa6: {  	s26 =	simm.s32 $execute0_lowered;
	[smem:$0x3FD2] =	sst s25  }
0xa7: {  	s6 =	sshll.u32 s26, $0x1;
	_ =	strace $0x80000046;
	[dreg:$0x1] =	wrdreg $0xFFFFFFFF  }
0xa8: {  	s28 =	simm.s32 $_size_execute0_lowered;
	s4 =	sadd.s32 s4, s6;
	[dreg:$0x0] =	wrdreg $0x0  }
0xa9: {  	s6 =	sshll.u32 s28, $0x1;
	[dreg:$0x2] =	wrdreg s4  }
0xaa: {  	[dreg:$0x3] =	wrdreg s6  }
0xab: {  	[dreg:$0x4] =	wrdreg $0xC0  }
0xac: {  	_ =	task [dreg:s8], $0x5FFFF  }
0xad: {  	[dreg:$0x1] =	wrdreg $0xFFFFFFFF  }
0xae: {  	[dreg:$0x0] =	wrdreg $0x60  }
0xaf: {  	[dreg:$0x2] =	wrdreg s2  }
0xb0: {  	[dreg:$0x3] =	wrdreg s24  }
0xb1: {  	[dreg:$0x4] =	wrdreg s18  }
0xb2: {  	[dreg:$0x5] =	wrdreg $0x0  }
0xb3: {  	[dreg:$0x6] =	wrdreg $0x9  }
0xb4: {  	_ =	task.clear_ibuf [dreg:s8], $0x7FFFF;
	_ =	strace $0x90000046  }
0xb5: {  	s29 =	simm.s32 $0x9;
	_ =	strace $0x80000048  }
0xb6: {  	_ =	swait.ge [sflag:s29], $0x1  }
0xb7: {  	[sflag:s29] =	ssyncadd.s32 $0xFFFFFFFF  }
0xb8: {  	_ =	strace $0x90000048  }
0xb9: {  	_ =	sfence  }
0xba: {  	s30 =	sld [smem:$0x0];
	_ =	sdelay $0x2  }
0xbb: {  	s31 =	sshll.u32 s1, $0xD;
	s1 =	sshrl.u32 s1, $0x2  }
0xbc: {  	s3 =	sand.u32 $0x4000, s31;
	s1 =	sadd.s32 s1, s30  }
0xbd: {  	s0 =	sor.u32 s3, s0;
	s1 =	sshll.u32 s1, $0x11  }
0xbe: {  	s0 =	sor.u32 s1, s0  }
0xbf: {  	s0 =	sadd.s32 $0x8F2B, s0  }
0xc0: {  	[sflag:s0] =	ssyncadd.remote.s32 $0x1  }
0xc1: {  	_ =	sfence.sel $0xFFFF  }
0xc2: {  	[dreg:$0x0] =	wrdreg $0xFFFFFFFF;
	(pc) =	sbr.abs _section_cstart, $3  }
0xc3: {  	[dreg:$0x1] =	wrdreg $0xFFFFFFFF  }
0xc4: {  	_ =	task.clear_ibuf [dreg:s8], $0x2FFFF;
	_ =	strace $0x9FFFFFFF  }
0xc5: {  	(tm) =	ssettm $0x7FFFFFFF  }
tec
execute0_lowered:
.L_overlay_start_1:
0x0: {  	(tag) =	ssettag $0x1  }
0x1: {  	s11 =	rddreg [dreg:$0x0]  }
0x2: {  	s0 =	rddreg [dreg:$0x1]  }
0x3: {  	s2 =	rddreg [dreg:$0x2]  }
0x4: {  	s3 =	rddreg [dreg:$0x3];
	s1 =	srdreg.scid  }
0x5: {  	s4 =	stileid.u32;
	s7 =	simm.s32 $0x0;
	s18 =	simm.s32 $0x3200  }
0x6: {  	s20 =	simm.s32 $0x1B8A0;
	s21 =	simm.s32 $0x1C8A0;
	s28 =	simm.s32 $0x5  }
0x7: {  	s29 =	simm.s32 $0x1E8A0;
	s31 =	simm.s32 $0x0;
	s1 =	sand.u32 $0x1, s1  }
0x8: {  	s5 =	sshll.u32 s4, $0x2;
	[smem:$0x7FF] =	sst s7;
	s0 =	sadd.s32 $0x400, s0  }
0x9: {  	s24 =	sshrl.u32 s4, $0x1;
	s25 =	sadd.s32 $0x1000, s3;
	s9 =	sadd.s32 $0x8000, s2  }
0xa: {  	s11 =	sadd.s32 $0x6400, s11;
	p0 =	sne.s32 s4, $0x0;
	s6 =	sshll.u32 s1, $0x1  }
0xb: {  	s1 =	ssub.s32 $0x2, s1;
	_ =	strace $0x80000047;
	[dreg:$0x6] =	wrdreg s25  }
0xc: {  	[dreg:$0x7] =	wrdreg s11;
	s25 =	simm.s32 $0x1D8A0;
	s5 =	sor.u32 s6, s5  }
0xd: {  	s22 =	sshrl.u32 s1, $0x1;
	s6 =	sshll.u32 s24, $0xF;
	s23 =	smul.u32 $0x30D4, s5  }
0xe: {  	s1 =	ssub.s32 s1, s22;
	s10 =	sand.u32 $0x6, s5;
	s5 =	sor.u32 $0x1, s5  }
0xf: {  	s22 =	simm.s32 $0x2;
	s8 =	sshll.u32 s10, $0x4;
	s10 =	sshll.u32 s10, $0x7  }
0x10: {  	s13 =	sand.u32 $0x7, s5;
	s5 =	smul.u32 $0x30D4, s5;
	s30 =	smax.u32 s1, $0x1  }
0x11: {  	s7 =	sadd.s32 s0, s23;
	s10 =	sor.u32 s10, s6;
	s14 =	sshll.u32 s13, $0x7  }
.Ltmp0:
0x12: {  	[dreg:$0x9] =	wrdreg s30;
	s23 =	simm.s32 $0x80;
	(pc) =	sbr.rel .LBB2_1-.Ltmp0, $4  }
0x13: {  	[dreg:$0x5] =	wrdreg s7;
	s7 =	sshll.u32 s24, $0xC;
	s11 =	sor.u32 $0xC80000, s10  }
0x14: {  	s12 =	sor.u32 $0xCC0000, s10;
	s0 =	sadd.s32 s0, s5;
	s26 =	sor.u32 s14, s6  }
0x15: {  	s14 =	sshll.u32 s13, $0x4;
	s24 =	simm.s32 $0x400;
	[dreg:$0x8] =	wrdreg s0  }
0x16: {  	s15 =	sor.u32 $0xC80000, s26;
	s16 =	sor.u32 $0xCC0000, s26;
	s26 =	simm.s32 $0x3  }
.LBB2_45:
0x17: {  	s0 =	simm.s32 $0x4  }
0x18: {  	_ =	swait.ge [sflag:s0], $0x1000  }
0x19: {  	[sflag:s0] =	ssyncset.done $0x0  }
0x1a: {  	[sflag:s0] =	ssyncadd.s32 $0xFFFFF000  }
0x1b: {  	_ =	swait.ge [sflag:s28], $0x1000  }
0x1c: {  	s31 =	sadd.s32 $0x1, s31;
	s30 =	rddreg [dreg:$0x9]  }
0x1d: {  	p1 =	sne.s32 s31, s30  }
.Ltmp1:
0x1e: {  	_ = 	snop;
	(pc) =	sbr.rel @!p1 .LBB2_46-.Ltmp1, $3  }
0x1f: {  	_ =	sdelay $0x1  }
0x20: {  	[sflag:s28] =	ssyncset.done $0x0  }
0x21: {  	[sflag:s28] =	ssyncadd.s32 $0xFFFFF000  }
.LBB2_1:
0x22: {  	s0 =	simm.s32 $0x0;
	s1 =	rddreg [dreg:$0x5];
	s19 =	simm.s32 $0x1  }
0x23: {  	[tilespmem:s18], [sflag:$0x1] =	stream.linear.gather [hbm4b:s1+s0], $0x186A0, $0x38;
	[tilespmem:$0x1F8A0] =	vst v63  }
0x24: {  	_ =	swait.ge [sflag:s19], $0x186A0  }
0x25: {  	[sflag:s19] =	ssyncset.done $0x0  }
0x26: {  	[sflag:s19] =	ssyncadd.s32 $0xFFFE7960  }
0x27: {  	[bflag:$0x0] =	sbarrier.arrive $0xFFFF  }
0x28: {  	s0 =	sshrl.u32 @!p0 s3, $0x3;
	s1 =	simm.s32 @!p0 $0x1C06;
	s4 =	rddreg [dreg:$0x0]  }
0x29: {  	[spmem:s0], [sflag:s1] =	dma.local @!p0 [hbm:s4], $0x6400  }
0x2a: {  	s1 =	simm.s32 @!p0 $0x6  }
0x2b: {  	_ =	swait.ge @!p0 [sflag:s1], $0x6400  }
0x2c: {  	[sflag:s1] =	ssyncset.done @!p0 $0x0  }
0x2d: {  	[sflag:s1] =	ssyncadd.s32 @!p0 $0xFFFF9C00  }
0x2e: {  	[bflag:$0x0] =	sbarrier.arrive $0xFFFF  }
0x2f: {  	[tilespmem:s20], [sflag:$0x2] =	stream.linear.gather [spmem:s3], $0x1000, $0x38;
	[tilespmem:$0x1F8A0] =	vst v63  }
0x30: {  	s1 =	simm.s32 $0x0;
	s30 =	rddreg [dreg:$0x6]  }
0x31: {  	[tilespmem:s21], [sflag:$0x3] =	stream.linear.gather [spmem:s30], $0x1000, $0x38;
	[tilespmem:$0x1F8A0] =	vst v63  }
.LBB2_2:
0x32: {  	_ =	swait.ge [sflag:s22], $0x1000  }
0x33: {  	p1 =	seq.s32 s1, $0x0;
	[sflag:s22] =	ssyncset.done $0x0  }
0x34: {  	s4 =	simm.s32 @!p1 $0x4;
	[sflag:s22] =	ssyncadd.s32 $0xFFFFF000  }
0x35: {  	_ =	swait.ge @!p1 [sflag:s4], $0x1000  }
0x36: {  	[sflag:s4] =	ssyncset.done @!p1 $0x0  }
0x37: {  	s30 =	simm.s32 $0x1B9A0;
	[sflag:s4] =	ssyncadd.s32 @!p1 $0xFFFFF000  }
0x38: {  	v0 =	vld [tilespmem:s30+$0x80]  }
0x39: {  	v1 =	vld [tilespmem:s30+$0xFFFFFF80]  }
0x3a: {  	v2 =	vld [tilespmem:s30+$0x0];
	_ =	sdelay $0x2  }
0x3b: {  	v3 =	vld [tilespmem:s30+$0xFFFFFF00];
	_ =	sdelay $0x2  }
0x3c: {  	v0 =	vld.idx.msk [tilespmem:v0+s18+$0x0], $0xffff  }
0x3d: {  	v1 =	vld.idx.msk [tilespmem:v1+s18+$0x0], $0xffff  }
0x3e: {  	v2 =	vld.idx.msk [tilespmem:v2+s18+$0x0], $0xffff;
	_ =	sdelay $0x1  }
0x3f: {  	s5 =	simm.s32 $0x1D9A0  }
0x40: {  	v3 =	vld.idx.msk [tilespmem:v3+s18+$0x0], $0xffff;
	[tilespmem:s5+$0x80] =	vst v0  }
0x41: {  	[tilespmem:s5+$0xFFFFFF80] =	vst v1;
	v0 =	vld [tilespmem:s30+$0x90]  }
0x42: {  	[tilespmem:s5+$0x0] =	vst v2;
	v1 =	vld [tilespmem:s30+$0xFFFFFF90]  }
0x43: {  	v2 =	vld [tilespmem:s30+$0x10];
	_ =	sdelay $0x1  }
0x44: {  	[tilespmem:s5+$0xFFFFFF00] =	vst v3  }
0x45: {  	v3 =	vld [tilespmem:s30+$0xFFFFFF10];
	_ =	sdelay $0x2  }
0x46: {  	v0 =	vld.idx.msk [tilespmem:v0+s18+$0x0], $0xffff  }
0x47: {  	v1 =	vld.idx.msk [tilespmem:v1+s18+$0x0], $0xffff  }
0x48: {  	v2 =	vld.idx.msk [tilespmem:v2+s18+$0x0], $0xffff;
	_ =	sdelay $0x2  }
0x49: {  	v3 =	vld.idx.msk [tilespmem:v3+s18+$0x0], $0xffff;
	[tilespmem:s5+$0x90] =	vst v0  }
0x4a: {  	[tilespmem:s5+$0xFFFFFF90] =	vst v1;
	v0 =	vld [tilespmem:s30+$0xA0]  }
0x4b: {  	[tilespmem:s5+$0x10] =	vst v2;
	v1 =	vld [tilespmem:s30+$0xFFFFFFA0]  }
0x4c: {  	v2 =	vld [tilespmem:s30+$0x20];
	_ =	sdelay $0x1  }
0x4d: {  	[tilespmem:s5+$0xFFFFFF10] =	vst v3  }
0x4e: {  	v3 =	vld [tilespmem:s30+$0xFFFFFF20]  }
0x4f: {  	s13 =	simm.s32 $0x1BBA0  }
0x50: {  	v4 =	vld [tilespmem:s13+$0x80]  }
0x51: {  	v0 =	vld.idx.msk [tilespmem:v0+s18+$0x0], $0xffff  }
0x52: {  	v1 =	vld.idx.msk [tilespmem:v1+s18+$0x0], $0xffff  }
0x53: {  	v2 =	vld.idx.msk [tilespmem:v2+s18+$0x0], $0xffff;
	_ =	sdelay $0x1  }
0x54: {  	v5 =	vld [tilespmem:s13+$0xFFFFFF80]  }
0x55: {  	v3 =	vld.idx.msk [tilespmem:v3+s18+$0x0], $0xffff;
	[tilespmem:s5+$0xA0] =	vst v0  }
0x56: {  	[tilespmem:s5+$0xFFFFFFA0] =	vst v1;
	v0 =	vld [tilespmem:s30+$0xB0]  }
0x57: {  	[tilespmem:s5+$0x20] =	vst v2;
	v1 =	vld [tilespmem:s30+$0xFFFFFFB0]  }
0x58: {  	v2 =	vld [tilespmem:s30+$0x30];
	_ =	sdelay $0x1  }
0x59: {  	v4 =	vld.idx.msk [tilespmem:v4+s18+$0x0], $0xffff;
	[tilespmem:s5+$0xFFFFFF20] =	vst v3  }
0x5a: {  	v3 =	vld [tilespmem:s30+$0xFFFFFF30]  }
0x5b: {  	v5 =	vld.idx.msk [tilespmem:v5+s18+$0x0], $0xffff  }
0x5c: {  	v6 =	vld [tilespmem:s13+$0x0]  }
0x5d: {  	v0 =	vld.idx.msk [tilespmem:v0+s18+$0x0], $0xffff  }
0x5e: {  	s17 =	simm.s32 $0x1DBA0;
	v1 =	vld.idx.msk [tilespmem:v1+s18+$0x0], $0xffff  }
0x5f: {  	[tilespmem:s17+$0x80] =	vst v4;
	v2 =	vld.idx.msk [tilespmem:v2+s18+$0x0], $0xffff  }
0x60: {  	[tilespmem:s17+$0xFFFFFF80] =	vst v5;
	v4 =	vld [tilespmem:s13+$0x90]  }
0x61: {  	v5 =	vld [tilespmem:s13+$0xFFFFFF90]  }
0x62: {  	v3 =	vld.idx.msk [tilespmem:v3+s18+$0x0], $0xffff;
	[tilespmem:s5+$0xB0] =	vst v0  }
0x63: {  	[tilespmem:s5+$0xFFFFFFB0] =	vst v1;
	v0 =	vld [tilespmem:s30+$0xC0]  }
0x64: {  	[tilespmem:s5+$0x30] =	vst v2;
	v1 =	vld [tilespmem:s30+$0xFFFFFFC0]  }
0x65: {  	v2 =	vld [tilespmem:s30+$0x40]  }
0x66: {  	v7 =	vld [tilespmem:s13+$0xFFFFFF00]  }
0x67: {  	v6 =	vld.idx.msk [tilespmem:v6+s18+$0x0], $0xffff  }
0x68: {  	v4 =	vld.idx.msk [tilespmem:v4+s18+$0x0], $0xffff;
	[tilespmem:s5+$0xFFFFFF30] =	vst v3  }
0x69: {  	v3 =	vld [tilespmem:s30+$0xFFFFFF40]  }
0x6a: {  	v5 =	vld.idx.msk [tilespmem:v5+s18+$0x0], $0xffff  }
0x6b: {  	v0 =	vld.idx.msk [tilespmem:v0+s18+$0x0], $0xffff  }
0x6c: {  	v1 =	vld.idx.msk [tilespmem:v1+s18+$0x0], $0xffff  }
0x6d: {  	[tilespmem:s17+$0x0] =	vst v6;
	v2 =	vld.idx.msk [tilespmem:v2+s18+$0x0], $0xffff  }
0x6e: {  	[tilespmem:s17+$0x90] =	vst v4  }
0x6f: {  	v7 =	vld.idx.msk [tilespmem:v7+s18+$0x0], $0xffff;
	[tilespmem:s17+$0xFFFFFF90] =	vst v5  }
0x70: {  	v5 =	vld [tilespmem:s13+$0xA0];
	[tilespmem:s5+$0xC0] =	vst v0  }
0x71: {  	[tilespmem:s5+$0xFFFFFFC0] =	vst v1;
	v1 =	vld.idx.msk [tilespmem:v3+s18+$0x0], $0xffff  }
0x72: {  	[tilespmem:s5+$0x40] =	vst v2;
	v2 =	vld [tilespmem:s13+$0x10]  }
0x73: {  	v0 =	vld [tilespmem:s30+$0xD0]  }
0x74: {  	v3 =	vld [tilespmem:s30+$0xFFFFFFD0]  }
0x75: {  	[tilespmem:s17+$0xFFFFFF00] =	vst v7;
	v6 =	vld [tilespmem:s30+$0x50]  }
0x76: {  	[tilespmem:s5+$0xFFFFFF40] =	vst v1;
	v1 =	vld [tilespmem:s13+$0xFFFFFF10]  }
0x77: {  	v7 =	vld [tilespmem:s30+$0xFFFFFF50];
	_ =	sdelay $0x1  }
0x78: {  	v5 =	vld.idx.msk [tilespmem:v5+s18+$0x0], $0xffff  }
0x79: {  	v2 =	vld.idx.msk [tilespmem:v2+s18+$0x0], $0xffff  }
0x7a: {  	v0 =	vld.idx.msk [tilespmem:v0+s18+$0x0], $0xffff  }
0x7b: {  	v3 =	vld.idx.msk [tilespmem:v3+s18+$0x0], $0xffff  }
0x7c: {  	v6 =	vld.idx.msk [tilespmem:v6+s18+$0x0], $0xffff  }
0x7d: {  	v1 =	vld.idx.msk [tilespmem:v1+s18+$0x0], $0xffff  }
0x7e: {  	v4 =	vld.idx.msk [tilespmem:v7+s18+$0x0], $0xffff  }
0x7f: {  	[tilespmem:s17+$0x10] =	vst v2;
	v7 =	vld [tilespmem:s13+$0xFFFFFFA0]  }
0x80: {  	[tilespmem:s5+$0xD0] =	vst v0;
	v2 =	vld [tilespmem:s13+$0x20]  }
0x81: {  	[tilespmem:s5+$0xFFFFFFD0] =	vst v3;
	v0 =	vld [tilespmem:s30+$0xE0]  }
0x82: {  	v3 =	vld [tilespmem:s30+$0xFFFFFFE0];
	[tilespmem:s17+$0xFFFFFF10] =	vst v1  }
0x83: {  	v1 =	vld [tilespmem:s13+$0xFFFFFF20];
	[tilespmem:s5+$0xFFFFFF50] =	vst v4  }
0x84: {  	[tilespmem:s17+$0xA0] =	vst v5;
	v4 =	vld [tilespmem:s30+$0xFFFFFF60]  }
0x85: {  	v5 =	vld [tilespmem:s13+$0xB0];
	[tilespmem:s5+$0x50] =	vst v6  }
0x86: {  	v6 =	vld [tilespmem:s30+$0x60]  }
0x87: {  	v7 =	vld.idx.msk [tilespmem:v7+s18+$0x0], $0xffff  }
0x88: {  	v2 =	vld.idx.msk [tilespmem:v2+s18+$0x0], $0xffff  }
0x89: {  	v0 =	vld.idx.msk [tilespmem:v0+s18+$0x0], $0xffff  }
0x8a: {  	v3 =	vld.idx.msk [tilespmem:v3+s18+$0x0], $0xffff  }
0x8b: {  	v1 =	vld.idx.msk [tilespmem:v1+s18+$0x0], $0xffff  }
0x8c: {  	[tilespmem:s17+$0xFFFFFFA0] =	vst v7;
	v4 =	vld.idx.msk [tilespmem:v4+s18+$0x0], $0xffff  }
0x8d: {  	[tilespmem:s17+$0x20] =	vst v2;
	v7 =	vld [tilespmem:s13+$0xFFFFFFB0]  }
0x8e: {  	[tilespmem:s5+$0xE0] =	vst v0;
	v2 =	vld [tilespmem:s13+$0x30]  }
0x8f: {  	v0 =	vld [tilespmem:s30+$0xF0]  }
0x90: {  	v6 =	vld.idx.msk [tilespmem:v6+s18+$0x0], $0xffff;
	[tilespmem:s17+$0xFFFFFF20] =	vst v1  }
0x91: {  	v1 =	vld [tilespmem:s13+$0xFFFFFF30];
	[tilespmem:s5+$0xFFFFFF60] =	vst v4  }
0x92: {  	v4 =	vld [tilespmem:s30+$0xFFFFFF70]  }
0x93: {  	[tilespmem:s5+$0xFFFFFFE0] =	vst v3;
	v3 =	vld.idx.msk [tilespmem:v5+s18+$0x0], $0xffff  }
0x94: {  	v9 =	vld [tilespmem:s30+$0xFFFFFFF0]  }
0x95: {  	v5 =	vld.idx.msk [tilespmem:v7+s18+$0x0], $0xffff  }
0x96: {  	v2 =	vld.idx.msk [tilespmem:v2+s18+$0x0], $0xffff  }
0x97: {  	[tilespmem:s5+$0x60] =	vst v6;
	v8 =	vld.idx.msk [tilespmem:v0+s18+$0x0], $0xffff  }
0x98: {  	v0 =	vld [tilespmem:s30+$0x70]  }
0x99: {  	v6 =	vld.idx.msk [tilespmem:v1+s18+$0x0], $0xffff  }
0x9a: {  	[tilespmem:s17+$0xB0] =	vst v3;
	v1 =	vld.idx.msk [tilespmem:v4+s18+$0x0], $0xffff  }
0x9b: {  	[tilespmem:s17+$0xFFFFFFB0] =	vst v5;
	v4 =	vld [tilespmem:s13+$0xC0]  }
0x9c: {  	[tilespmem:s17+$0x30] =	vst v2;
	v2 =	vld.idx.msk [tilespmem:v9+s18+$0x0], $0xffff  }
0x9d: {  	s19 =	simm.s32 $0x4;
	v3 =	vld [tilespmem:s13+$0xFFFFFFC0]  }
0x9e: {  	s6 =	simm.s32 $0x1BDA0;
	s10 =	simm.s32 $0x1DBA0;
	s4 =	sshll.u32 s1, $0xF;
	v5 =	vld [tilespmem:s13+$0x40];
	[tilespmem:s5+$0xF0] =	vst v8  }
.LBB2_3:
0x9f: {  	v7 =	vld [tilespmem:s6+$0x80];
	s19 =	sadd.s32 $0x4, s19;
	[tilespmem:s17+$0xFFFFFF30] =	vst v6  }
0xa0: {  	v6 =	vld [tilespmem:s6+$0xFFFFFF80];
	p2 =	slt.u32 s19, $0x1C;
	[tilespmem:s5+$0xFFFFFF70] =	vst v1  }
0xa1: {  	v1 =	vld [tilespmem:s6+$0x0]  }
0xa2: {  	v8 =	vld [tilespmem:s6+$0xFFFFFF00]  }
0xa3: {  	v4 =	vld.idx.msk [tilespmem:v4+s18+$0x0], $0xffff  }
0xa4: {  	v9 =	vld [tilespmem:s13+$0xFFFFFF40];
	[tilespmem:s5+$0xFFFFFFF0] =	vst v2  }
0xa5: {  	v2 =	vld.idx.msk [tilespmem:v3+s18+$0x0], $0xffff  }
0xa6: {  	v3 =	vld.idx.msk [tilespmem:v5+s18+$0x0], $0xffff  }
0xa7: {  	v5 =	vld.idx.msk [tilespmem:v7+s18+$0x0], $0xffff  }
0xa8: {  	v6 =	vld.idx.msk [tilespmem:v6+s18+$0x0], $0xffff  }
0xa9: {  	v1 =	vld.idx.msk [tilespmem:v1+s18+$0x0], $0xffff;
	[tilespmem:s17+$0xC0] =	vst v4  }
0xaa: {  	v4 =	vld [tilespmem:s13+$0xD0]  }
0xab: {  	v7 =	vld.idx.msk [tilespmem:v8+s18+$0x0], $0xffff;
	[tilespmem:s17+$0xFFFFFFC0] =	vst v2  }
0xac: {  	s17 =	sadd.s32 $0x200, s17;
	v2 =	vld.idx.msk [tilespmem:v9+s18+$0x0], $0xffff;
	[tilespmem:s10+$0x40] =	vst v3  }
0xad: {  	[tilespmem:s17+$0x80] =	vst v5;
	v3 =	vld [tilespmem:s13+$0xFFFFFFD0]  }
0xae: {  	[tilespmem:s17+$0xFFFFFF80] =	vst v6;
	v5 =	vld [tilespmem:s6+$0x90]  }
0xaf: {  	v6 =	vld [tilespmem:s6+$0xFFFFFF90];
	[tilespmem:s17+$0x0] =	vst v1  }
0xb0: {  	v1 =	vld [tilespmem:s6+$0x10]  }
0xb1: {  	[tilespmem:s17+$0xFFFFFF00] =	vst v7;
	v7 =	vld [tilespmem:s13+$0x50]  }
0xb2: {  	[tilespmem:s10+$0xFFFFFF40] =	vst v2;
	v2 =	vld.idx.msk [tilespmem:v4+s18+$0x0], $0xffff  }
0xb3: {  	v4 =	vld [tilespmem:s6+$0xFFFFFF10]  }
0xb4: {  	v8 =	vld [tilespmem:s13+$0xFFFFFF50]  }
0xb5: {  	v3 =	vld.idx.msk [tilespmem:v3+s18+$0x0], $0xffff  }
0xb6: {  	v5 =	vld.idx.msk [tilespmem:v5+s18+$0x0], $0xffff  }
0xb7: {  	v6 =	vld.idx.msk [tilespmem:v6+s18+$0x0], $0xffff  }
0xb8: {  	v1 =	vld.idx.msk [tilespmem:v1+s18+$0x0], $0xffff;
	[tilespmem:s10+$0xD0] =	vst v2  }
0xb9: {  	v2 =	vld [tilespmem:s13+$0xE0]  }
0xba: {  	v7 =	vld.idx.msk [tilespmem:v7+s18+$0x0], $0xffff  }
0xbb: {  	v4 =	vld.idx.msk [tilespmem:v4+s18+$0x0], $0xffff;
	[tilespmem:s10+$0xFFFFFFD0] =	vst v3  }
0xbc: {  	[tilespmem:s17+$0x90] =	vst v5;
	v3 =	vld.idx.msk [tilespmem:v8+s18+$0x0], $0xffff  }
0xbd: {  	[tilespmem:s17+$0xFFFFFF90] =	vst v6;
	v5 =	vld [tilespmem:s6+$0xA0]  }
0xbe: {  	v6 =	vld [tilespmem:s6+$0xFFFFFFA0];
	[tilespmem:s17+$0x10] =	vst v1  }
0xbf: {  	v1 =	vld [tilespmem:s6+$0x20]  }
0xc0: {  	v8 =	vld [tilespmem:s13+$0xFFFFFFE0];
	[tilespmem:s10+$0x50] =	vst v7  }
0xc1: {  	[tilespmem:s17+$0xFFFFFF10] =	vst v4;
	v2 =	vld.idx.msk [tilespmem:v2+s18+$0x0], $0xffff  }
0xc2: {  	v4 =	vld [tilespmem:s6+$0xFFFFFF20];
	[tilespmem:s10+$0xFFFFFF50] =	vst v3  }
0xc3: {  	v3 =	vld [tilespmem:s13+$0xFFFFFF60]  }
0xc4: {  	v7 =	vld [tilespmem:s13+$0x60]  }
0xc5: {  	v5 =	vld.idx.msk [tilespmem:v5+s18+$0x0], $0xffff  }
0xc6: {  	v6 =	vld.idx.msk [tilespmem:v6+s18+$0x0], $0xffff  }
0xc7: {  	v1 =	vld.idx.msk [tilespmem:v1+s18+$0x0], $0xffff;
	[tilespmem:s10+$0xE0] =	vst v2  }
0xc8: {  	v2 =	vld [tilespmem:s13+$0xF0]  }
0xc9: {  	v8 =	vld.idx.msk [tilespmem:v8+s18+$0x0], $0xffff  }
0xca: {  	v4 =	vld.idx.msk [tilespmem:v4+s18+$0x0], $0xffff  }
0xcb: {  	[tilespmem:s17+$0xA0] =	vst v5;
	v3 =	vld.idx.msk [tilespmem:v3+s18+$0x0], $0xffff  }
0xcc: {  	[tilespmem:s17+$0xFFFFFFA0] =	vst v6;
	v5 =	vld [tilespmem:s6+$0xB0]  }
0xcd: {  	v6 =	vld [tilespmem:s6+$0xFFFFFFB0];
	[tilespmem:s17+$0x20] =	vst v1  }
0xce: {  	v1 =	vld [tilespmem:s6+$0x30]  }
0xcf: {  	[tilespmem:s10+$0xFFFFFFE0] =	vst v8;
	v7 =	vld.idx.msk [tilespmem:v7+s18+$0x0], $0xffff  }
0xd0: {  	[tilespmem:s17+$0xFFFFFF20] =	vst v4;
	v2 =	vld.idx.msk [tilespmem:v2+s18+$0x0], $0xffff  }
0xd1: {  	v4 =	vld [tilespmem:s6+$0xFFFFFF30];
	[tilespmem:s10+$0xFFFFFF60] =	vst v3  }
0xd2: {  	v3 =	vld [tilespmem:s13+$0xFFFFFF70]  }
0xd3: {  	v8 =	vld [tilespmem:s13+$0xFFFFFFF0]  }
0xd4: {  	v5 =	vld.idx.msk [tilespmem:v5+s18+$0x0], $0xffff  }
0xd5: {  	v9 =	vld.idx.msk [tilespmem:v6+s18+$0x0], $0xffff;
	[tilespmem:s10+$0x60] =	vst v7  }
0xd6: {  	v7 =	vld.idx.msk [tilespmem:v1+s18+$0x0], $0xffff;
	[tilespmem:s10+$0xF0] =	vst v2  }
0xd7: {  	v2 =	vld [tilespmem:s13+$0x70];
	s13 =	smov.u32 s6  }
0xd8: {  	v10 =	vld.idx.msk [tilespmem:v0+s18+$0x0], $0xffff  }
0xd9: {  	v6 =	vld.idx.msk [tilespmem:v4+s18+$0x0], $0xffff  }
.Ltmp2:
0xda: {  	[tilespmem:s17+$0xB0] =	vst v5;
	v1 =	vld.idx.msk [tilespmem:v3+s18+$0x0], $0xffff;
	(pc) =	sbr.rel @p2 .LBB2_3-.Ltmp2, $4  }
0xdb: {  	[tilespmem:s17+$0xFFFFFFB0] =	vst v9;
	v4 =	vld [tilespmem:s6+$0xC0]  }
0xdc: {  	v3 =	vld [tilespmem:s6+$0xFFFFFFC0];
	[tilespmem:s17+$0x30] =	vst v7;
	v0 =	vmov v2  }
0xdd: {  	v5 =	vld [tilespmem:s6+$0x40]  }
0xde: {  	s6 =	sadd.s32 $0x200, s6;
	v2 =	vld.idx.msk [tilespmem:v8+s18+$0x0], $0xffff;
	[tilespmem:s5+$0x70] =	vst v10;
	s5 =	smov.u32 s10;
	s10 =	smov.u32 s17  }
0xdf: {  	[tilespmem:s17+$0xFFFFFF30] =	vst v6  }
0xe0: {  	v6 =	vld [tilespmem:s13+$0xFFFFFF40];
	_ =	sdelay $0x4  }
0xe1: {  	v4 =	vld.idx.msk [tilespmem:v4+s18+$0x0], $0xffff  }
0xe2: {  	v3 =	vld.idx.msk [tilespmem:v3+s18+$0x0], $0xffff  }
0xe3: {  	v5 =	vld.idx.msk [tilespmem:v5+s18+$0x0], $0xffff  }
0xe4: {  	v6 =	vld.idx.msk [tilespmem:v6+s18+$0x0], $0xffff;
	_ =	sdelay $0x1  }
0xe5: {  	[tilespmem:s17+$0xC0] =	vst v4  }
0xe6: {  	v4 =	vld [tilespmem:s13+$0xD0];
	[tilespmem:s17+$0xFFFFFFC0] =	vst v3  }
0xe7: {  	[tilespmem:s10+$0x40] =	vst v5;
	v60 =	vld [tilespmem:s13+$0xFFFFFFD0]  }
0xe8: {  	v61 =	vld [tilespmem:s13+$0x50];
	[tilespmem:s10+$0xFFFFFF40] =	vst v6  }
0xe9: {  	v59 =	vld [tilespmem:s13+$0xFFFFFF50];
	_ =	sdelay $0x4  }
0xea: {  	v4 =	vld.idx.msk [tilespmem:v4+s18+$0x0], $0xffff  }
0xeb: {  	v5 =	vld.idx.msk [tilespmem:v60+s18+$0x0], $0xffff  }
0xec: {  	v6 =	vld.idx.msk [tilespmem:v61+s18+$0x0], $0xffff  }
0xed: {  	v3 =	vld.idx.msk [tilespmem:v59+s18+$0x0], $0xffff;
	_ =	sdelay $0x1  }
0xee: {  	[tilespmem:s10+$0xD0] =	vst v4  }
0xef: {  	v4 =	vld [tilespmem:s13+$0xE0];
	[tilespmem:s10+$0xFFFFFFD0] =	vst v5  }
0xf0: {  	v5 =	vld [tilespmem:s13+$0xFFFFFFE0];
	[tilespmem:s10+$0x50] =	vst v6  }
0xf1: {  	v6 =	vld [tilespmem:s13+$0x60];
	[tilespmem:s10+$0xFFFFFF50] =	vst v3  }
0xf2: {  	v3 =	vld [tilespmem:s13+$0xFFFFFF60];
	_ =	sdelay $0x4  }
0xf3: {  	v4 =	vld.idx.msk [tilespmem:v4+s18+$0x0], $0xffff  }
0xf4: {  	v5 =	vld.idx.msk [tilespmem:v5+s18+$0x0], $0xffff  }
0xf5: {  	v6 =	vld.idx.msk [tilespmem:v6+s18+$0x0], $0xffff  }
0xf6: {  	v3 =	vld.idx.msk [tilespmem:v3+s18+$0x0], $0xffff;
	_ =	sdelay $0x1  }
0xf7: {  	[tilespmem:s10+$0xE0] =	vst v4  }
0xf8: {  	v4 =	vld [tilespmem:s13+$0xF0];
	[tilespmem:s10+$0xFFFFFFE0] =	vst v5  }
0xf9: {  	v5 =	vld [tilespmem:s13+$0xFFFFFFF0];
	[tilespmem:s10+$0x60] =	vst v6  }
0xfa: {  	v6 =	vld [tilespmem:s13+$0x70];
	[tilespmem:s10+$0xFFFFFF60] =	vst v3  }
0xfb: {  	v3 =	vld [tilespmem:s13+$0xFFFFFF70];
	_ =	sdelay $0x3  }
0xfc: {  	v0 =	vld.idx.msk [tilespmem:v0+s18+$0x0], $0xffff  }
0xfd: {  	v4 =	vld.idx.msk [tilespmem:v4+s18+$0x0], $0xffff  }
0xfe: {  	v62 =	vld.idx.msk [tilespmem:v5+s18+$0x0], $0xffff  }
0xff: {  	[tilespmem:s5+$0xFFFFFF70] =	vst v1;
	v63 =	vld.idx.msk [tilespmem:v6+s18+$0x0], $0xffff  }
0x100: {  	[tilespmem:s5+$0xFFFFFFF0] =	vst v2;
	v3 =	vld.idx.msk [tilespmem:v3+s18+$0x0], $0xffff  }
0x101: {  	p2 =	sne.s32 s1, $0x18;
	[tilespmem:s5+$0x70] =	vst v0  }
.Ltmp3:
0x102: {  	s30 =	sshll.u32 s1, $0x10;
	[tilespmem:s10+$0xF0] =	vst v4;
	(pc) =	sbr.rel @p2 .LBB2_6-.Ltmp3, $4  }
0x103: {  	s5 =	sor.u32 s30, s8;
	[tilespmem:s10+$0xFFFFFFF0] =	vst v62  }
0x104: {  	s5 =	sor.u32 s7, s5;
	[tilespmem:s10+$0x70] =	vst v63  }
0x105: {  	s6 =	sadd.s32 s2, s5;
	[tilespmem:s10+$0xFFFFFF70] =	vst v3  }
0x106: {  	[hbm4b:s6+s23] =	stream.strided.scatter [tilespmem:s25], [sflag:$0x4], $0x1000, s24, s23, $0x38;
	[tilespmem:$0x1F8A0] =	vst v63  }
.Ltmp4:
0x107: {  	(pc) =	sbr.rel .LBB2_7-.Ltmp4, $4  }
0x108: {  	_ = 	snop  }
0x109: {  	_ =	swait.ge [sflag:s26], $0x1000  }
0x10a: {  	[sflag:s26] =	ssyncset.done $0x0  }
0x10b: {  	[sflag:s26] =	ssyncadd.s32 $0xFFFFF000  }
.LBB2_6:
0x10c: {  	s6 =	sshrl.u32 s4, $0x2  }
0x10d: {  	s6 =	sadd.s32 s6, s3  }
.Ltmp5:
0x10e: {  	s6 =	sadd.s32 $0x2000, s6;
	(pc) =	sbr.rel @p1 .LBB2_8-.Ltmp5, $4  }
0x10f: {  	[tilespmem:s20], [sflag:$0x2] =	stream.linear.gather [spmem:s6], $0x1000, $0x38;
	[tilespmem:$0x1F8A0] =	vst v63  }
0x110: {  	_ =	swait.ge [sflag:s26], $0x1000  }
0x111: {  	[sflag:s26] =	ssyncset.done $0x0  }
0x112: {  	[sflag:s26] =	ssyncadd.s32 $0xFFFFF000  }
.LBB2_7:
0x113: {  	_ =	swait.ge [sflag:s28], $0x1000  }
0x114: {  	[sflag:s28] =	ssyncset.done $0x0  }
0x115: {  	[sflag:s28] =	ssyncadd.s32 $0xFFFFF000  }
.LBB2_8:
0x116: {  	s6 =	simm.s32 $0x1CA90  }
0x117: {  	v0 =	vld [tilespmem:s6+$0xFFFFFF90]  }
0x118: {  	v1 =	vld [tilespmem:s6+$0xFFFFFE90]  }
0x119: {  	v2 =	vld [tilespmem:s6+$0xFFFFFF10];
	_ =	sdelay $0x2  }
0x11a: {  	v3 =	vld [tilespmem:s6+$0xFFFFFE10];
	_ =	sdelay $0x2  }
0x11b: {  	v0 =	vld.idx.msk [tilespmem:v0+s18+$0x0], $0xffff  }
0x11c: {  	v1 =	vld.idx.msk [tilespmem:v1+s18+$0x0], $0xffff  }
0x11d: {  	v2 =	vld.idx.msk [tilespmem:v2+s18+$0x0], $0xffff;
	_ =	sdelay $0x1  }
0x11e: {  	s13 =	simm.s32 $0x1EA90  }
0x11f: {  	v3 =	vld.idx.msk [tilespmem:v3+s18+$0x0], $0xffff;
	[tilespmem:s13+$0xFFFFFF90] =	vst v0  }
0x120: {  	[tilespmem:s13+$0xFFFFFE90] =	vst v1;
	v0 =	vld [tilespmem:s6+$0xFFFFFFA0]  }
0x121: {  	[tilespmem:s13+$0xFFFFFF10] =	vst v2;
	v1 =	vld [tilespmem:s6+$0xFFFFFEA0]  }
0x122: {  	v2 =	vld [tilespmem:s6+$0xFFFFFF20];
	_ =	sdelay $0x1  }
0x123: {  	[tilespmem:s13+$0xFFFFFE10] =	vst v3  }
0x124: {  	v3 =	vld [tilespmem:s6+$0xFFFFFE20];
	_ =	sdelay $0x2  }
0x125: {  	v0 =	vld.idx.msk [tilespmem:v0+s18+$0x0], $0xffff  }
0x126: {  	v1 =	vld.idx.msk [tilespmem:v1+s18+$0x0], $0xffff  }
0x127: {  	v2 =	vld.idx.msk [tilespmem:v2+s18+$0x0], $0xffff;
	_ =	sdelay $0x2  }
0x128: {  	v3 =	vld.idx.msk [tilespmem:v3+s18+$0x0], $0xffff;
	[tilespmem:s13+$0xFFFFFFA0] =	vst v0  }
0x129: {  	[tilespmem:s13+$0xFFFFFEA0] =	vst v1;
	v0 =	vld [tilespmem:s6+$0xFFFFFFB0]  }
0x12a: {  	[tilespmem:s13+$0xFFFFFF20] =	vst v2;
	v1 =	vld [tilespmem:s6+$0xFFFFFEB0]  }
0x12b: {  	v2 =	vld [tilespmem:s6+$0xFFFFFF30];
	_ =	sdelay $0x1  }
0x12c: {  	[tilespmem:s13+$0xFFFFFE20] =	vst v3  }
0x12d: {  	v3 =	vld [tilespmem:s6+$0xFFFFFE30]  }
0x12e: {  	s17 =	simm.s32 $0x1CC90  }
0x12f: {  	v4 =	vld [tilespmem:s17+$0xFFFFFF90]  }
0x130: {  	v0 =	vld.idx.msk [tilespmem:v0+s18+$0x0], $0xffff  }
0x131: {  	v1 =	vld.idx.msk [tilespmem:v1+s18+$0x0], $0xffff  }
0x132: {  	v2 =	vld.idx.msk [tilespmem:v2+s18+$0x0], $0xffff;
	_ =	sdelay $0x1  }
0x133: {  	v5 =	vld [tilespmem:s17+$0xFFFFFE90]  }
0x134: {  	v3 =	vld.idx.msk [tilespmem:v3+s18+$0x0], $0xffff;
	[tilespmem:s13+$0xFFFFFFB0] =	vst v0  }
0x135: {  	[tilespmem:s13+$0xFFFFFEB0] =	vst v1;
	v0 =	vld [tilespmem:s6+$0xFFFFFFC0]  }
0x136: {  	[tilespmem:s13+$0xFFFFFF30] =	vst v2;
	v1 =	vld [tilespmem:s6+$0xFFFFFEC0]  }
0x137: {  	v2 =	vld [tilespmem:s6+$0xFFFFFF40];
	_ =	sdelay $0x1  }
0x138: {  	v4 =	vld.idx.msk [tilespmem:v4+s18+$0x0], $0xffff;
	[tilespmem:s13+$0xFFFFFE30] =	vst v3  }
0x139: {  	v3 =	vld [tilespmem:s6+$0xFFFFFE40]  }
0x13a: {  	v5 =	vld.idx.msk [tilespmem:v5+s18+$0x0], $0xffff  }
0x13b: {  	v6 =	vld [tilespmem:s17+$0xFFFFFF10]  }
0x13c: {  	v0 =	vld.idx.msk [tilespmem:v0+s18+$0x0], $0xffff  }
0x13d: {  	s10 =	simm.s32 $0x1EC90;
	v1 =	vld.idx.msk [tilespmem:v1+s18+$0x0], $0xffff  }
0x13e: {  	[tilespmem:s10+$0xFFFFFF90] =	vst v4;
	v2 =	vld.idx.msk [tilespmem:v2+s18+$0x0], $0xffff  }
0x13f: {  	[tilespmem:s10+$0xFFFFFE90] =	vst v5;
	v4 =	vld [tilespmem:s17+$0xFFFFFFA0]  }
0x140: {  	v5 =	vld [tilespmem:s17+$0xFFFFFEA0]  }
0x141: {  	v3 =	vld.idx.msk [tilespmem:v3+s18+$0x0], $0xffff;
	[tilespmem:s13+$0xFFFFFFC0] =	vst v0  }
0x142: {  	[tilespmem:s13+$0xFFFFFEC0] =	vst v1;
	v0 =	vld [tilespmem:s6+$0xFFFFFFD0]  }
0x143: {  	[tilespmem:s13+$0xFFFFFF40] =	vst v2;
	v1 =	vld [tilespmem:s6+$0xFFFFFED0]  }
0x144: {  	v2 =	vld [tilespmem:s6+$0xFFFFFF50]  }
0x145: {  	v7 =	vld [tilespmem:s17+$0xFFFFFE10]  }
0x146: {  	v6 =	vld.idx.msk [tilespmem:v6+s18+$0x0], $0xffff  }
0x147: {  	v4 =	vld.idx.msk [tilespmem:v4+s18+$0x0], $0xffff;
	[tilespmem:s13+$0xFFFFFE40] =	vst v3  }
0x148: {  	v3 =	vld [tilespmem:s6+$0xFFFFFE50]  }
0x149: {  	v5 =	vld.idx.msk [tilespmem:v5+s18+$0x0], $0xffff  }
0x14a: {  	v0 =	vld.idx.msk [tilespmem:v0+s18+$0x0], $0xffff  }
0x14b: {  	v1 =	vld.idx.msk [tilespmem:v1+s18+$0x0], $0xffff  }
0x14c: {  	[tilespmem:s10+$0xFFFFFF10] =	vst v6;
	v2 =	vld.idx.msk [tilespmem:v2+s18+$0x0], $0xffff  }
0x14d: {  	[tilespmem:s10+$0xFFFFFFA0] =	vst v4  }
0x14e: {  	v7 =	vld.idx.msk [tilespmem:v7+s18+$0x0], $0xffff;
	[tilespmem:s10+$0xFFFFFEA0] =	vst v5  }
0x14f: {  	v5 =	vld [tilespmem:s17+$0xFFFFFFB0];
	[tilespmem:s13+$0xFFFFFFD0] =	vst v0  }
0x150: {  	[tilespmem:s13+$0xFFFFFED0] =	vst v1;
	v1 =	vld.idx.msk [tilespmem:v3+s18+$0x0], $0xffff  }
0x151: {  	[tilespmem:s13+$0xFFFFFF50] =	vst v2;
	v2 =	vld [tilespmem:s17+$0xFFFFFF20]  }
0x152: {  	v0 =	vld [tilespmem:s6+$0xFFFFFFE0]  }
0x153: {  	v3 =	vld [tilespmem:s6+$0xFFFFFEE0]  }
0x154: {  	[tilespmem:s10+$0xFFFFFE10] =	vst v7;
	v6 =	vld [tilespmem:s6+$0xFFFFFF60]  }
0x155: {  	[tilespmem:s13+$0xFFFFFE50] =	vst v1;
	v1 =	vld [tilespmem:s17+$0xFFFFFE20]  }
0x156: {  	v7 =	vld [tilespmem:s6+$0xFFFFFE60];
	_ =	sdelay $0x1  }
0x157: {  	v5 =	vld.idx.msk [tilespmem:v5+s18+$0x0], $0xffff  }
0x158: {  	v2 =	vld.idx.msk [tilespmem:v2+s18+$0x0], $0xffff  }
0x159: {  	v0 =	vld.idx.msk [tilespmem:v0+s18+$0x0], $0xffff  }
0x15a: {  	v3 =	vld.idx.msk [tilespmem:v3+s18+$0x0], $0xffff  }
0x15b: {  	v6 =	vld.idx.msk [tilespmem:v6+s18+$0x0], $0xffff  }
0x15c: {  	v1 =	vld.idx.msk [tilespmem:v1+s18+$0x0], $0xffff  }
0x15d: {  	v4 =	vld.idx.msk [tilespmem:v7+s18+$0x0], $0xffff  }
0x15e: {  	[tilespmem:s10+$0xFFFFFF20] =	vst v2;
	v7 =	vld [tilespmem:s17+$0xFFFFFEB0]  }
0x15f: {  	[tilespmem:s13+$0xFFFFFFE0] =	vst v0;
	v2 =	vld [tilespmem:s17+$0xFFFFFF30]  }
0x160: {  	[tilespmem:s13+$0xFFFFFEE0] =	vst v3;
	v0 =	vld [tilespmem:s6+$0xFFFFFFF0]  }
0x161: {  	v3 =	vld [tilespmem:s6+$0xFFFFFEF0];
	[tilespmem:s10+$0xFFFFFE20] =	vst v1  }
0x162: {  	v1 =	vld [tilespmem:s17+$0xFFFFFE30];
	[tilespmem:s13+$0xFFFFFE60] =	vst v4  }
0x163: {  	[tilespmem:s10+$0xFFFFFFB0] =	vst v5;
	v4 =	vld [tilespmem:s6+$0xFFFFFE70]  }
0x164: {  	v5 =	vld [tilespmem:s17+$0xFFFFFFC0];
	[tilespmem:s13+$0xFFFFFF60] =	vst v6  }
0x165: {  	v6 =	vld [tilespmem:s6+$0xFFFFFF70]  }
0x166: {  	v7 =	vld.idx.msk [tilespmem:v7+s18+$0x0], $0xffff  }
0x167: {  	v2 =	vld.idx.msk [tilespmem:v2+s18+$0x0], $0xffff  }
0x168: {  	v0 =	vld.idx.msk [tilespmem:v0+s18+$0x0], $0xffff  }
0x169: {  	v3 =	vld.idx.msk [tilespmem:v3+s18+$0x0], $0xffff  }
0x16a: {  	v1 =	vld.idx.msk [tilespmem:v1+s18+$0x0], $0xffff  }
0x16b: {  	[tilespmem:s10+$0xFFFFFEB0] =	vst v7;
	v4 =	vld.idx.msk [tilespmem:v4+s18+$0x0], $0xffff  }
0x16c: {  	[tilespmem:s10+$0xFFFFFF30] =	vst v2;
	v7 =	vld [tilespmem:s17+$0xFFFFFEC0]  }
0x16d: {  	[tilespmem:s13+$0xFFFFFFF0] =	vst v0;
	v2 =	vld [tilespmem:s17+$0xFFFFFF40]  }
0x16e: {  	v0 =	vld [tilespmem:s6+$0x0]  }
0x16f: {  	v6 =	vld.idx.msk [tilespmem:v6+s18+$0x0], $0xffff;
	[tilespmem:s10+$0xFFFFFE30] =	vst v1  }
0x170: {  	[tilespmem:s13+$0xFFFFFEF0] =	vst v3;
	v1 =	vld [tilespmem:s17+$0xFFFFFE40]  }
0x171: {  	v3 =	vld.idx.msk [tilespmem:v5+s18+$0x0], $0xffff;
	[tilespmem:s13+$0xFFFFFE70] =	vst v4  }
0x172: {  	v4 =	vld [tilespmem:s6+$0xFFFFFE80]  }
0x173: {  	v9 =	vld [tilespmem:s6+$0xFFFFFF00]  }
0x174: {  	v5 =	vld.idx.msk [tilespmem:v7+s18+$0x0], $0xffff  }
0x175: {  	v2 =	vld.idx.msk [tilespmem:v2+s18+$0x0], $0xffff  }
0x176: {  	[tilespmem:s13+$0xFFFFFF70] =	vst v6;
	v8 =	vld.idx.msk [tilespmem:v0+s18+$0x0], $0xffff  }
0x177: {  	v0 =	vld [tilespmem:s6+$0xFFFFFF80]  }
0x178: {  	[tilespmem:s10+$0xFFFFFFC0] =	vst v3;
	v6 =	vld.idx.msk [tilespmem:v1+s18+$0x0], $0xffff  }
0x179: {  	[tilespmem:s10+$0xFFFFFEC0] =	vst v5;
	v5 =	vld [tilespmem:s17+$0xFFFFFFD0]  }
0x17a: {  	v1 =	vld.idx.msk [tilespmem:v4+s18+$0x0], $0xffff  }
0x17b: {  	[tilespmem:s10+$0xFFFFFF40] =	vst v2;
	v2 =	vld.idx.msk [tilespmem:v9+s18+$0x0], $0xffff  }
0x17c: {  	v3 =	vld [tilespmem:s17+$0xFFFFFED0]  }
0x17d: {  	s30 =	simm.s32 $0x1CE90;
	s19 =	simm.s32 $0x1EC90;
	s6 =	simm.s32 $0x4;
	v4 =	vld [tilespmem:s17+$0xFFFFFF50];
	[tilespmem:s13+$0x0] =	vst v8  }
.LBB2_9:
0x17e: {  	v7 =	vld [tilespmem:s30+$0xFFFFFF90];
	s6 =	sadd.s32 $0x4, s6;
	[tilespmem:s10+$0xFFFFFE40] =	vst v6  }
0x17f: {  	v6 =	vld [tilespmem:s30+$0xFFFFFE90];
	p1 =	slt.u32 s6, $0x1C;
	[tilespmem:s13+$0xFFFFFE80] =	vst v1  }
0x180: {  	v1 =	vld [tilespmem:s30+$0xFFFFFF10]  }
0x181: {  	v8 =	vld [tilespmem:s30+$0xFFFFFE10]  }
0x182: {  	v5 =	vld.idx.msk [tilespmem:v5+s18+$0x0], $0xffff  }
0x183: {  	v9 =	vld [tilespmem:s17+$0xFFFFFE50];
	[tilespmem:s13+$0xFFFFFF00] =	vst v2  }
0x184: {  	v2 =	vld.idx.msk [tilespmem:v3+s18+$0x0], $0xffff  }
0x185: {  	v3 =	vld.idx.msk [tilespmem:v4+s18+$0x0], $0xffff  }
0x186: {  	v4 =	vld.idx.msk [tilespmem:v7+s18+$0x0], $0xffff  }
0x187: {  	v6 =	vld.idx.msk [tilespmem:v6+s18+$0x0], $0xffff  }
0x188: {  	v1 =	vld.idx.msk [tilespmem:v1+s18+$0x0], $0xffff;
	[tilespmem:s10+$0xFFFFFFD0] =	vst v5  }
0x189: {  	v5 =	vld [tilespmem:s17+$0xFFFFFFE0]  }
0x18a: {  	v7 =	vld.idx.msk [tilespmem:v8+s18+$0x0], $0xffff;
	[tilespmem:s10+$0xFFFFFED0] =	vst v2  }
0x18b: {  	s10 =	sadd.s32 $0x200, s10;
	v2 =	vld.idx.msk [tilespmem:v9+s18+$0x0], $0xffff;
	[tilespmem:s19+$0xFFFFFF50] =	vst v3  }
0x18c: {  	[tilespmem:s10+$0xFFFFFF90] =	vst v4;
	v3 =	vld [tilespmem:s17+$0xFFFFFEE0]  }
0x18d: {  	[tilespmem:s10+$0xFFFFFE90] =	vst v6;
	v4 =	vld [tilespmem:s30+$0xFFFFFFA0]  }
0x18e: {  	v6 =	vld [tilespmem:s30+$0xFFFFFEA0];
	[tilespmem:s10+$0xFFFFFF10] =	vst v1  }
0x18f: {  	v1 =	vld [tilespmem:s30+$0xFFFFFF20]  }
0x190: {  	[tilespmem:s10+$0xFFFFFE10] =	vst v7;
	v7 =	vld [tilespmem:s17+$0xFFFFFF60]  }
0x191: {  	[tilespmem:s19+$0xFFFFFE50] =	vst v2;
	v2 =	vld.idx.msk [tilespmem:v5+s18+$0x0], $0xffff  }
0x192: {  	v5 =	vld [tilespmem:s30+$0xFFFFFE20]  }
0x193: {  	v8 =	vld [tilespmem:s17+$0xFFFFFE60]  }
0x194: {  	v3 =	vld.idx.msk [tilespmem:v3+s18+$0x0], $0xffff  }
0x195: {  	v4 =	vld.idx.msk [tilespmem:v4+s18+$0x0], $0xffff  }
0x196: {  	v6 =	vld.idx.msk [tilespmem:v6+s18+$0x0], $0xffff  }
0x197: {  	v1 =	vld.idx.msk [tilespmem:v1+s18+$0x0], $0xffff;
	[tilespmem:s19+$0xFFFFFFE0] =	vst v2  }
0x198: {  	v2 =	vld [tilespmem:s17+$0xFFFFFFF0]  }
0x199: {  	v7 =	vld.idx.msk [tilespmem:v7+s18+$0x0], $0xffff  }
0x19a: {  	v5 =	vld.idx.msk [tilespmem:v5+s18+$0x0], $0xffff;
	[tilespmem:s19+$0xFFFFFEE0] =	vst v3  }
0x19b: {  	[tilespmem:s10+$0xFFFFFFA0] =	vst v4;
	v3 =	vld.idx.msk [tilespmem:v8+s18+$0x0], $0xffff  }
0x19c: {  	[tilespmem:s10+$0xFFFFFEA0] =	vst v6;
	v4 =	vld [tilespmem:s30+$0xFFFFFFB0]  }
0x19d: {  	v6 =	vld [tilespmem:s30+$0xFFFFFEB0];
	[tilespmem:s10+$0xFFFFFF20] =	vst v1  }
0x19e: {  	v1 =	vld [tilespmem:s30+$0xFFFFFF30]  }
0x19f: {  	v8 =	vld [tilespmem:s17+$0xFFFFFEF0];
	[tilespmem:s19+$0xFFFFFF60] =	vst v7  }
0x1a0: {  	[tilespmem:s10+$0xFFFFFE20] =	vst v5;
	v2 =	vld.idx.msk [tilespmem:v2+s18+$0x0], $0xffff  }
0x1a1: {  	v5 =	vld [tilespmem:s30+$0xFFFFFE30];
	[tilespmem:s19+$0xFFFFFE60] =	vst v3  }
0x1a2: {  	v3 =	vld [tilespmem:s17+$0xFFFFFE70]  }
0x1a3: {  	v7 =	vld [tilespmem:s17+$0xFFFFFF70]  }
0x1a4: {  	v4 =	vld.idx.msk [tilespmem:v4+s18+$0x0], $0xffff  }
0x1a5: {  	v6 =	vld.idx.msk [tilespmem:v6+s18+$0x0], $0xffff  }
0x1a6: {  	v1 =	vld.idx.msk [tilespmem:v1+s18+$0x0], $0xffff;
	[tilespmem:s19+$0xFFFFFFF0] =	vst v2  }
0x1a7: {  	v2 =	vld [tilespmem:s17+$0x0]  }
0x1a8: {  	v8 =	vld.idx.msk [tilespmem:v8+s18+$0x0], $0xffff  }
0x1a9: {  	v5 =	vld.idx.msk [tilespmem:v5+s18+$0x0], $0xffff  }
0x1aa: {  	[tilespmem:s10+$0xFFFFFFB0] =	vst v4;
	v3 =	vld.idx.msk [tilespmem:v3+s18+$0x0], $0xffff  }
0x1ab: {  	[tilespmem:s10+$0xFFFFFEB0] =	vst v6;
	v4 =	vld [tilespmem:s30+$0xFFFFFFC0]  }
0x1ac: {  	v6 =	vld [tilespmem:s30+$0xFFFFFEC0];
	[tilespmem:s10+$0xFFFFFF30] =	vst v1  }
0x1ad: {  	v1 =	vld [tilespmem:s30+$0xFFFFFF40]  }
0x1ae: {  	[tilespmem:s19+$0xFFFFFEF0] =	vst v8;
	v7 =	vld.idx.msk [tilespmem:v7+s18+$0x0], $0xffff  }
0x1af: {  	[tilespmem:s10+$0xFFFFFE30] =	vst v5;
	v2 =	vld.idx.msk [tilespmem:v2+s18+$0x0], $0xffff  }
0x1b0: {  	v5 =	vld [tilespmem:s30+$0xFFFFFE40];
	[tilespmem:s19+$0xFFFFFE70] =	vst v3  }
0x1b1: {  	v3 =	vld [tilespmem:s17+$0xFFFFFE80]  }
0x1b2: {  	v8 =	vld [tilespmem:s17+$0xFFFFFF00]  }
0x1b3: {  	v4 =	vld.idx.msk [tilespmem:v4+s18+$0x0], $0xffff  }
0x1b4: {  	v9 =	vld.idx.msk [tilespmem:v6+s18+$0x0], $0xffff;
	[tilespmem:s19+$0xFFFFFF70] =	vst v7  }
0x1b5: {  	v7 =	vld.idx.msk [tilespmem:v1+s18+$0x0], $0xffff;
	[tilespmem:s19+$0x0] =	vst v2  }
0x1b6: {  	v2 =	vld [tilespmem:s17+$0xFFFFFF80];
	s17 =	smov.u32 s30  }
0x1b7: {  	v10 =	vld.idx.msk [tilespmem:v0+s18+$0x0], $0xffff  }
0x1b8: {  	v6 =	vld.idx.msk [tilespmem:v5+s18+$0x0], $0xffff  }
.Ltmp6:
0x1b9: {  	[tilespmem:s10+$0xFFFFFFC0] =	vst v4;
	v1 =	vld.idx.msk [tilespmem:v3+s18+$0x0], $0xffff;
	(pc) =	sbr.rel @p1 .LBB2_9-.Ltmp6, $4  }
0x1ba: {  	[tilespmem:s10+$0xFFFFFEC0] =	vst v9;
	v5 =	vld [tilespmem:s30+$0xFFFFFFD0]  }
0x1bb: {  	v3 =	vld [tilespmem:s30+$0xFFFFFED0];
	[tilespmem:s10+$0xFFFFFF40] =	vst v7;
	v0 =	vmov v2  }
0x1bc: {  	v4 =	vld [tilespmem:s30+$0xFFFFFF50]  }
0x1bd: {  	s30 =	sadd.s32 $0x200, s30;
	v2 =	vld.idx.msk [tilespmem:v8+s18+$0x0], $0xffff;
	[tilespmem:s13+$0xFFFFFF80] =	vst v10;
	s13 =	smov.u32 s19;
	s19 =	smov.u32 s10  }
0x1be: {  	[tilespmem:s10+$0xFFFFFE40] =	vst v6  }
0x1bf: {  	v6 =	vld [tilespmem:s17+$0xFFFFFE50];
	_ =	sdelay $0x4  }
0x1c0: {  	v5 =	vld.idx.msk [tilespmem:v5+s18+$0x0], $0xffff  }
0x1c1: {  	v3 =	vld.idx.msk [tilespmem:v3+s18+$0x0], $0xffff  }
0x1c2: {  	v4 =	vld.idx.msk [tilespmem:v4+s18+$0x0], $0xffff  }
0x1c3: {  	v6 =	vld.idx.msk [tilespmem:v6+s18+$0x0], $0xffff;
	_ =	sdelay $0x1  }
0x1c4: {  	[tilespmem:s10+$0xFFFFFFD0] =	vst v5  }
0x1c5: {  	v5 =	vld [tilespmem:s17+$0xFFFFFFE0];
	[tilespmem:s10+$0xFFFFFED0] =	vst v3  }
0x1c6: {  	[tilespmem:s19+$0xFFFFFF50] =	vst v4;
	v60 =	vld [tilespmem:s17+$0xFFFFFEE0]  }
0x1c7: {  	v61 =	vld [tilespmem:s17+$0xFFFFFF60];
	[tilespmem:s19+$0xFFFFFE50] =	vst v6  }
0x1c8: {  	v59 =	vld [tilespmem:s17+$0xFFFFFE60];
	_ =	sdelay $0x4  }
0x1c9: {  	v5 =	vld.idx.msk [tilespmem:v5+s18+$0x0], $0xffff  }
0x1ca: {  	v4 =	vld.idx.msk [tilespmem:v60+s18+$0x0], $0xffff  }
0x1cb: {  	v6 =	vld.idx.msk [tilespmem:v61+s18+$0x0], $0xffff  }
0x1cc: {  	v3 =	vld.idx.msk [tilespmem:v59+s18+$0x0], $0xffff;
	_ =	sdelay $0x1  }
0x1cd: {  	[tilespmem:s19+$0xFFFFFFE0] =	vst v5  }
0x1ce: {  	v5 =	vld [tilespmem:s17+$0xFFFFFFF0];
	[tilespmem:s19+$0xFFFFFEE0] =	vst v4  }
0x1cf: {  	v4 =	vld [tilespmem:s17+$0xFFFFFEF0];
	[tilespmem:s19+$0xFFFFFF60] =	vst v6  }
0x1d0: {  	v6 =	vld [tilespmem:s17+$0xFFFFFF70];
	[tilespmem:s19+$0xFFFFFE60] =	vst v3  }
0x1d1: {  	v3 =	vld [tilespmem:s17+$0xFFFFFE70];
	_ =	sdelay $0x4  }
0x1d2: {  	v5 =	vld.idx.msk [tilespmem:v5+s18+$0x0], $0xffff  }
0x1d3: {  	v4 =	vld.idx.msk [tilespmem:v4+s18+$0x0], $0xffff  }
0x1d4: {  	v6 =	vld.idx.msk [tilespmem:v6+s18+$0x0], $0xffff  }
0x1d5: {  	v3 =	vld.idx.msk [tilespmem:v3+s18+$0x0], $0xffff;
	_ =	sdelay $0x1  }
0x1d6: {  	[tilespmem:s19+$0xFFFFFFF0] =	vst v5  }
0x1d7: {  	v5 =	vld [tilespmem:s17+$0x0];
	[tilespmem:s19+$0xFFFFFEF0] =	vst v4  }
0x1d8: {  	v4 =	vld [tilespmem:s17+$0xFFFFFF00];
	[tilespmem:s19+$0xFFFFFF70] =	vst v6  }
0x1d9: {  	v6 =	vld [tilespmem:s17+$0xFFFFFF80];
	[tilespmem:s19+$0xFFFFFE70] =	vst v3  }
0x1da: {  	v3 =	vld [tilespmem:s17+$0xFFFFFE80];
	_ =	sdelay $0x3  }
0x1db: {  	v0 =	vld.idx.msk [tilespmem:v0+s18+$0x0], $0xffff  }
0x1dc: {  	v5 =	vld.idx.msk [tilespmem:v5+s18+$0x0], $0xffff  }
0x1dd: {  	v62 =	vld.idx.msk [tilespmem:v4+s18+$0x0], $0xffff  }
0x1de: {  	[tilespmem:s13+$0xFFFFFE80] =	vst v1;
	v63 =	vld.idx.msk [tilespmem:v6+s18+$0x0], $0xffff  }
0x1df: {  	[tilespmem:s13+$0xFFFFFF00] =	vst v2;
	v3 =	vld.idx.msk [tilespmem:v3+s18+$0x0], $0xffff  }
0x1e0: {  	p1 =	seq.s32 s1, $0x18;
	[tilespmem:s13+$0xFFFFFF80] =	vst v0  }
.Ltmp7:
0x1e1: {  	[tilespmem:s19+$0x0] =	vst v5;
	(pc) =	sbr.rel @p1 .LBB2_12-.Ltmp7, $4  }
0x1e2: {  	[tilespmem:s19+$0xFFFFFF00] =	vst v62  }
0x1e3: {  	[tilespmem:s19+$0xFFFFFF80] =	vst v63  }
0x1e4: {  	s5 =	sadd.s32 s5, s9;
	[tilespmem:s19+$0xFFFFFE80] =	vst v3  }
0x1e5: {  	[hbm4b:s5+s23] =	stream.strided.scatter [tilespmem:s29], [sflag:$0x5], $0x1000, s24, s23, $0x38;
	[tilespmem:$0x1F8A0] =	vst v63  }
.Ltmp8:
0x1e6: {  	(pc) =	sbr.rel .LBB2_2-.Ltmp8, $4  }
0x1e7: {  	s4 =	sshrl.u32 s4, $0x2  }
0x1e8: {  	s4 =	sadd.s32 s4, s3  }
0x1e9: {  	s1 =	sadd.s32 $0x1, s1;
	s4 =	sadd.s32 $0x3000, s4  }
0x1ea: {  	[tilespmem:s21], [sflag:$0x3] =	stream.linear.gather [spmem:s4], $0x1000, $0x38;
	[tilespmem:$0x1F8A0] =	vst v63  }
.LBB2_12:
0x1eb: {  	s1 =	simm.s32 $0x4  }
0x1ec: {  	_ =	swait.ge [sflag:s1], $0x1000  }
0x1ed: {  	[sflag:s1] =	ssyncset.done $0x0  }
0x1ee: {  	[sflag:s1] =	ssyncadd.s32 $0xFFFFF000  }
0x1ef: {  	_ =	swait.ge [sflag:s28], $0x1000  }
0x1f0: {  	[sflag:s28] =	ssyncset.done $0x0  }
0x1f1: {  	[sflag:s28] =	ssyncadd.s32 $0xFFFFF000  }
0x1f2: {  	[bflag:$0x0] =	sbarrier.arrive $0xFFFF  }
0x1f3: {  	s1 =	simm.s32 @!p0 $0x1C06;
	s4 =	rddreg [dreg:$0x7]  }
0x1f4: {  	[spmem:s0], [sflag:s1] =	dma.local @!p0 [hbm:s4], $0x6400  }
0x1f5: {  	s1 =	simm.s32 @!p0 $0x6  }
0x1f6: {  	_ =	swait.ge @!p0 [sflag:s1], $0x6400  }
0x1f7: {  	[sflag:s1] =	ssyncset.done @!p0 $0x0  }
0x1f8: {  	[sflag:s1] =	ssyncadd.s32 @!p0 $0xFFFF9C00  }
0x1f9: {  	[bflag:$0x0] =	sbarrier.arrive $0xFFFF  }
0x1fa: {  	[tilespmem:s20], [sflag:$0x2] =	stream.linear.gather [spmem:s3], $0x1000, $0x38;
	[tilespmem:$0x1F8A0] =	vst v63  }
0x1fb: {  	s1 =	simm.s32 $0x0;
	s30 =	rddreg [dreg:$0x6]  }
0x1fc: {  	[tilespmem:s21], [sflag:$0x3] =	stream.linear.gather [spmem:s30], $0x1000, $0x38;
	[tilespmem:$0x1F8A0] =	vst v63  }
.LBB2_13:
0x1fd: {  	_ =	swait.ge [sflag:s22], $0x1000  }
0x1fe: {  	p1 =	seq.s32 s1, $0x0;
	[sflag:s22] =	ssyncset.done $0x0  }
0x1ff: {  	s4 =	simm.s32 @!p1 $0x4;
	[sflag:s22] =	ssyncadd.s32 $0xFFFFF000  }
0x200: {  	_ =	swait.ge @!p1 [sflag:s4], $0x1000  }
0x201: {  	[sflag:s4] =	ssyncset.done @!p1 $0x0  }
0x202: {  	s30 =	simm.s32 $0x1B9A0;
	[sflag:s4] =	ssyncadd.s32 @!p1 $0xFFFFF000  }
0x203: {  	v0 =	vld [tilespmem:s30+$0x80]  }
0x204: {  	v1 =	vld [tilespmem:s30+$0xFFFFFF80]  }
0x205: {  	v2 =	vld [tilespmem:s30+$0x0];
	_ =	sdelay $0x2  }
0x206: {  	v3 =	vld [tilespmem:s30+$0xFFFFFF00];
	_ =	sdelay $0x2  }
0x207: {  	v0 =	vld.idx.msk [tilespmem:v0+s18+$0x0], $0xffff  }
0x208: {  	v1 =	vld.idx.msk [tilespmem:v1+s18+$0x0], $0xffff  }
0x209: {  	v2 =	vld.idx.msk [tilespmem:v2+s18+$0x0], $0xffff;
	_ =	sdelay $0x1  }
0x20a: {  	s5 =	simm.s32 $0x1D9A0  }
0x20b: {  	v3 =	vld.idx.msk [tilespmem:v3+s18+$0x0], $0xffff;
	[tilespmem:s5+$0x80] =	vst v0  }
0x20c: {  	[tilespmem:s5+$0xFFFFFF80] =	vst v1;
	v0 =	vld [tilespmem:s30+$0x90]  }
0x20d: {  	[tilespmem:s5+$0x0] =	vst v2;
	v1 =	vld [tilespmem:s30+$0xFFFFFF90]  }
0x20e: {  	v2 =	vld [tilespmem:s30+$0x10];
	_ =	sdelay $0x1  }
0x20f: {  	[tilespmem:s5+$0xFFFFFF00] =	vst v3  }
0x210: {  	v3 =	vld [tilespmem:s30+$0xFFFFFF10];
	_ =	sdelay $0x2  }
0x211: {  	v0 =	vld.idx.msk [tilespmem:v0+s18+$0x0], $0xffff  }
0x212: {  	v1 =	vld.idx.msk [tilespmem:v1+s18+$0x0], $0xffff  }
0x213: {  	v2 =	vld.idx.msk [tilespmem:v2+s18+$0x0], $0xffff;
	_ =	sdelay $0x2  }
0x214: {  	v3 =	vld.idx.msk [tilespmem:v3+s18+$0x0], $0xffff;
	[tilespmem:s5+$0x90] =	vst v0  }
0x215: {  	[tilespmem:s5+$0xFFFFFF90] =	vst v1;
	v0 =	vld [tilespmem:s30+$0xA0]  }
0x216: {  	[tilespmem:s5+$0x10] =	vst v2;
	v1 =	vld [tilespmem:s30+$0xFFFFFFA0]  }
0x217: {  	v2 =	vld [tilespmem:s30+$0x20];
	_ =	sdelay $0x1  }
0x218: {  	[tilespmem:s5+$0xFFFFFF10] =	vst v3  }
0x219: {  	v3 =	vld [tilespmem:s30+$0xFFFFFF20]  }
0x21a: {  	s13 =	simm.s32 $0x1BBA0  }
0x21b: {  	v4 =	vld [tilespmem:s13+$0x80]  }
0x21c: {  	v0 =	vld.idx.msk [tilespmem:v0+s18+$0x0], $0xffff  }
0x21d: {  	v1 =	vld.idx.msk [tilespmem:v1+s18+$0x0], $0xffff  }
0x21e: {  	v2 =	vld.idx.msk [tilespmem:v2+s18+$0x0], $0xffff;
	_ =	sdelay $0x1  }
0x21f: {  	v5 =	vld [tilespmem:s13+$0xFFFFFF80]  }
0x220: {  	v3 =	vld.idx.msk [tilespmem:v3+s18+$0x0], $0xffff;
	[tilespmem:s5+$0xA0] =	vst v0  }
0x221: {  	[tilespmem:s5+$0xFFFFFFA0] =	vst v1;
	v0 =	vld [tilespmem:s30+$0xB0]  }
0x222: {  	[tilespmem:s5+$0x20] =	vst v2;
	v1 =	vld [tilespmem:s30+$0xFFFFFFB0]  }
0x223: {  	v2 =	vld [tilespmem:s30+$0x30];
	_ =	sdelay $0x1  }
0x224: {  	v4 =	vld.idx.msk [tilespmem:v4+s18+$0x0], $0xffff;
	[tilespmem:s5+$0xFFFFFF20] =	vst v3  }
0x225: {  	v3 =	vld [tilespmem:s30+$0xFFFFFF30]  }
0x226: {  	v5 =	vld.idx.msk [tilespmem:v5+s18+$0x0], $0xffff  }
0x227: {  	v6 =	vld [tilespmem:s13+$0x0]  }
0x228: {  	v0 =	vld.idx.msk [tilespmem:v0+s18+$0x0], $0xffff  }
0x229: {  	s17 =	simm.s32 $0x1DBA0;
	v1 =	vld.idx.msk [tilespmem:v1+s18+$0x0], $0xffff  }
0x22a: {  	[tilespmem:s17+$0x80] =	vst v4;
	v2 =	vld.idx.msk [tilespmem:v2+s18+$0x0], $0xffff  }
0x22b: {  	[tilespmem:s17+$0xFFFFFF80] =	vst v5;
	v4 =	vld [tilespmem:s13+$0x90]  }
0x22c: {  	v5 =	vld [tilespmem:s13+$0xFFFFFF90]  }
0x22d: {  	v3 =	vld.idx.msk [tilespmem:v3+s18+$0x0], $0xffff;
	[tilespmem:s5+$0xB0] =	vst v0  }
0x22e: {  	[tilespmem:s5+$0xFFFFFFB0] =	vst v1;
	v0 =	vld [tilespmem:s30+$0xC0]  }
0x22f: {  	[tilespmem:s5+$0x30] =	vst v2;
	v1 =	vld [tilespmem:s30+$0xFFFFFFC0]  }
0x230: {  	v2 =	vld [tilespmem:s30+$0x40]  }
0x231: {  	v7 =	vld [tilespmem:s13+$0xFFFFFF00]  }
0x232: {  	v6 =	vld.idx.msk [tilespmem:v6+s18+$0x0], $0xffff  }
0x233: {  	v4 =	vld.idx.msk [tilespmem:v4+s18+$0x0], $0xffff;
	[tilespmem:s5+$0xFFFFFF30] =	vst v3  }
0x234: {  	v3 =	vld [tilespmem:s30+$0xFFFFFF40]  }
0x235: {  	v5 =	vld.idx.msk [tilespmem:v5+s18+$0x0], $0xffff  }
0x236: {  	v0 =	vld.idx.msk [tilespmem:v0+s18+$0x0], $0xffff  }
0x237: {  	v1 =	vld.idx.msk [tilespmem:v1+s18+$0x0], $0xffff  }
0x238: {  	[tilespmem:s17+$0x0] =	vst v6;
	v2 =	vld.idx.msk [tilespmem:v2+s18+$0x0], $0xffff  }
0x239: {  	[tilespmem:s17+$0x90] =	vst v4  }
0x23a: {  	v7 =	vld.idx.msk [tilespmem:v7+s18+$0x0], $0xffff;
	[tilespmem:s17+$0xFFFFFF90] =	vst v5  }
0x23b: {  	v5 =	vld [tilespmem:s13+$0xA0];
	[tilespmem:s5+$0xC0] =	vst v0  }
0x23c: {  	[tilespmem:s5+$0xFFFFFFC0] =	vst v1;
	v1 =	vld.idx.msk [tilespmem:v3+s18+$0x0], $0xffff  }
0x23d: {  	[tilespmem:s5+$0x40] =	vst v2;
	v2 =	vld [tilespmem:s13+$0x10]  }
0x23e: {  	v0 =	vld [tilespmem:s30+$0xD0]  }
0x23f: {  	v3 =	vld [tilespmem:s30+$0xFFFFFFD0]  }
0x240: {  	[tilespmem:s17+$0xFFFFFF00] =	vst v7;
	v6 =	vld [tilespmem:s30+$0x50]  }
0x241: {  	[tilespmem:s5+$0xFFFFFF40] =	vst v1;
	v1 =	vld [tilespmem:s13+$0xFFFFFF10]  }
0x242: {  	v7 =	vld [tilespmem:s30+$0xFFFFFF50];
	_ =	sdelay $0x1  }
0x243: {  	v5 =	vld.idx.msk [tilespmem:v5+s18+$0x0], $0xffff  }
0x244: {  	v2 =	vld.idx.msk [tilespmem:v2+s18+$0x0], $0xffff  }
0x245: {  	v0 =	vld.idx.msk [tilespmem:v0+s18+$0x0], $0xffff  }
0x246: {  	v3 =	vld.idx.msk [tilespmem:v3+s18+$0x0], $0xffff  }
0x247: {  	v6 =	vld.idx.msk [tilespmem:v6+s18+$0x0], $0xffff  }
0x248: {  	v1 =	vld.idx.msk [tilespmem:v1+s18+$0x0], $0xffff  }
0x249: {  	v4 =	vld.idx.msk [tilespmem:v7+s18+$0x0], $0xffff  }
0x24a: {  	[tilespmem:s17+$0x10] =	vst v2;
	v7 =	vld [tilespmem:s13+$0xFFFFFFA0]  }
0x24b: {  	[tilespmem:s5+$0xD0] =	vst v0;
	v2 =	vld [tilespmem:s13+$0x20]  }
0x24c: {  	[tilespmem:s5+$0xFFFFFFD0] =	vst v3;
	v0 =	vld [tilespmem:s30+$0xE0]  }
0x24d: {  	v3 =	vld [tilespmem:s30+$0xFFFFFFE0];
	[tilespmem:s17+$0xFFFFFF10] =	vst v1  }
0x24e: {  	v1 =	vld [tilespmem:s13+$0xFFFFFF20];
	[tilespmem:s5+$0xFFFFFF50] =	vst v4  }
0x24f: {  	[tilespmem:s17+$0xA0] =	vst v5;
	v4 =	vld [tilespmem:s30+$0xFFFFFF60]  }
0x250: {  	v5 =	vld [tilespmem:s13+$0xB0];
	[tilespmem:s5+$0x50] =	vst v6  }
0x251: {  	v6 =	vld [tilespmem:s30+$0x60]  }
0x252: {  	v7 =	vld.idx.msk [tilespmem:v7+s18+$0x0], $0xffff  }
0x253: {  	v2 =	vld.idx.msk [tilespmem:v2+s18+$0x0], $0xffff  }
0x254: {  	v0 =	vld.idx.msk [tilespmem:v0+s18+$0x0], $0xffff  }
0x255: {  	v3 =	vld.idx.msk [tilespmem:v3+s18+$0x0], $0xffff  }
0x256: {  	v1 =	vld.idx.msk [tilespmem:v1+s18+$0x0], $0xffff  }
0x257: {  	[tilespmem:s17+$0xFFFFFFA0] =	vst v7;
	v4 =	vld.idx.msk [tilespmem:v4+s18+$0x0], $0xffff  }
0x258: {  	[tilespmem:s17+$0x20] =	vst v2;
	v7 =	vld [tilespmem:s13+$0xFFFFFFB0]  }
0x259: {  	[tilespmem:s5+$0xE0] =	vst v0;
	v2 =	vld [tilespmem:s13+$0x30]  }
0x25a: {  	v0 =	vld [tilespmem:s30+$0xF0]  }
0x25b: {  	v6 =	vld.idx.msk [tilespmem:v6+s18+$0x0], $0xffff;
	[tilespmem:s17+$0xFFFFFF20] =	vst v1  }
0x25c: {  	v1 =	vld [tilespmem:s13+$0xFFFFFF30];
	[tilespmem:s5+$0xFFFFFF60] =	vst v4  }
0x25d: {  	v4 =	vld [tilespmem:s30+$0xFFFFFF70]  }
0x25e: {  	[tilespmem:s5+$0xFFFFFFE0] =	vst v3;
	v3 =	vld.idx.msk [tilespmem:v5+s18+$0x0], $0xffff  }
0x25f: {  	v9 =	vld [tilespmem:s30+$0xFFFFFFF0]  }
0x260: {  	v5 =	vld.idx.msk [tilespmem:v7+s18+$0x0], $0xffff  }
0x261: {  	v2 =	vld.idx.msk [tilespmem:v2+s18+$0x0], $0xffff  }
0x262: {  	[tilespmem:s5+$0x60] =	vst v6;
	v8 =	vld.idx.msk [tilespmem:v0+s18+$0x0], $0xffff  }
0x263: {  	v0 =	vld [tilespmem:s30+$0x70]  }
0x264: {  	v6 =	vld.idx.msk [tilespmem:v1+s18+$0x0], $0xffff  }
0x265: {  	[tilespmem:s17+$0xB0] =	vst v3;
	v1 =	vld.idx.msk [tilespmem:v4+s18+$0x0], $0xffff  }
0x266: {  	[tilespmem:s17+$0xFFFFFFB0] =	vst v5;
	v4 =	vld [tilespmem:s13+$0xC0]  }
0x267: {  	[tilespmem:s17+$0x30] =	vst v2;
	v2 =	vld.idx.msk [tilespmem:v9+s18+$0x0], $0xffff  }
0x268: {  	s6 =	simm.s32 $0x4;
	v3 =	vld [tilespmem:s13+$0xFFFFFFC0]  }
0x269: {  	s19 =	simm.s32 $0x1BDA0;
	s10 =	simm.s32 $0x1DBA0;
	s4 =	sshll.u32 s1, $0xF;
	v5 =	vld [tilespmem:s13+$0x40];
	[tilespmem:s5+$0xF0] =	vst v8  }
.LBB2_14:
0x26a: {  	v7 =	vld [tilespmem:s19+$0x80];
	s6 =	sadd.s32 $0x4, s6;
	[tilespmem:s17+$0xFFFFFF30] =	vst v6  }
0x26b: {  	v6 =	vld [tilespmem:s19+$0xFFFFFF80];
	p2 =	slt.u32 s6, $0x1C;
	[tilespmem:s5+$0xFFFFFF70] =	vst v1  }
0x26c: {  	v1 =	vld [tilespmem:s19+$0x0]  }
0x26d: {  	v8 =	vld [tilespmem:s19+$0xFFFFFF00]  }
0x26e: {  	v4 =	vld.idx.msk [tilespmem:v4+s18+$0x0], $0xffff  }
0x26f: {  	v9 =	vld [tilespmem:s13+$0xFFFFFF40];
	[tilespmem:s5+$0xFFFFFFF0] =	vst v2  }
0x270: {  	v2 =	vld.idx.msk [tilespmem:v3+s18+$0x0], $0xffff  }
0x271: {  	v3 =	vld.idx.msk [tilespmem:v5+s18+$0x0], $0xffff  }
0x272: {  	v5 =	vld.idx.msk [tilespmem:v7+s18+$0x0], $0xffff  }
0x273: {  	v6 =	vld.idx.msk [tilespmem:v6+s18+$0x0], $0xffff  }
0x274: {  	v1 =	vld.idx.msk [tilespmem:v1+s18+$0x0], $0xffff;
	[tilespmem:s17+$0xC0] =	vst v4  }
0x275: {  	v4 =	vld [tilespmem:s13+$0xD0]  }
0x276: {  	v7 =	vld.idx.msk [tilespmem:v8+s18+$0x0], $0xffff;
	[tilespmem:s17+$0xFFFFFFC0] =	vst v2  }
0x277: {  	s17 =	sadd.s32 $0x200, s17;
	v2 =	vld.idx.msk [tilespmem:v9+s18+$0x0], $0xffff;
	[tilespmem:s10+$0x40] =	vst v3  }
0x278: {  	[tilespmem:s17+$0x80] =	vst v5;
	v3 =	vld [tilespmem:s13+$0xFFFFFFD0]  }
0x279: {  	[tilespmem:s17+$0xFFFFFF80] =	vst v6;
	v5 =	vld [tilespmem:s19+$0x90]  }
0x27a: {  	v6 =	vld [tilespmem:s19+$0xFFFFFF90];
	[tilespmem:s17+$0x0] =	vst v1  }
0x27b: {  	v1 =	vld [tilespmem:s19+$0x10]  }
0x27c: {  	[tilespmem:s17+$0xFFFFFF00] =	vst v7;
	v7 =	vld [tilespmem:s13+$0x50]  }
0x27d: {  	[tilespmem:s10+$0xFFFFFF40] =	vst v2;
	v2 =	vld.idx.msk [tilespmem:v4+s18+$0x0], $0xffff  }
0x27e: {  	v4 =	vld [tilespmem:s19+$0xFFFFFF10]  }
0x27f: {  	v8 =	vld [tilespmem:s13+$0xFFFFFF50]  }
0x280: {  	v3 =	vld.idx.msk [tilespmem:v3+s18+$0x0], $0xffff  }
0x281: {  	v5 =	vld.idx.msk [tilespmem:v5+s18+$0x0], $0xffff  }
0x282: {  	v6 =	vld.idx.msk [tilespmem:v6+s18+$0x0], $0xffff  }
0x283: {  	v1 =	vld.idx.msk [tilespmem:v1+s18+$0x0], $0xffff;
	[tilespmem:s10+$0xD0] =	vst v2  }
0x284: {  	v2 =	vld [tilespmem:s13+$0xE0]  }
0x285: {  	v7 =	vld.idx.msk [tilespmem:v7+s18+$0x0], $0xffff  }
0x286: {  	v4 =	vld.idx.msk [tilespmem:v4+s18+$0x0], $0xffff;
	[tilespmem:s10+$0xFFFFFFD0] =	vst v3  }
0x287: {  	[tilespmem:s17+$0x90] =	vst v5;
	v3 =	vld.idx.msk [tilespmem:v8+s18+$0x0], $0xffff  }
0x288: {  	[tilespmem:s17+$0xFFFFFF90] =	vst v6;
	v5 =	vld [tilespmem:s19+$0xA0]  }
0x289: {  	v6 =	vld [tilespmem:s19+$0xFFFFFFA0];
	[tilespmem:s17+$0x10] =	vst v1  }
0x28a: {  	v1 =	vld [tilespmem:s19+$0x20]  }
0x28b: {  	v8 =	vld [tilespmem:s13+$0xFFFFFFE0];
	[tilespmem:s10+$0x50] =	vst v7  }
0x28c: {  	[tilespmem:s17+$0xFFFFFF10] =	vst v4;
	v2 =	vld.idx.msk [tilespmem:v2+s18+$0x0], $0xffff  }
0x28d: {  	v4 =	vld [tilespmem:s19+$0xFFFFFF20];
	[tilespmem:s10+$0xFFFFFF50] =	vst v3  }
0x28e: {  	v3 =	vld [tilespmem:s13+$0xFFFFFF60]  }
0x28f: {  	v7 =	vld [tilespmem:s13+$0x60]  }
0x290: {  	v5 =	vld.idx.msk [tilespmem:v5+s18+$0x0], $0xffff  }
0x291: {  	v6 =	vld.idx.msk [tilespmem:v6+s18+$0x0], $0xffff  }
0x292: {  	v1 =	vld.idx.msk [tilespmem:v1+s18+$0x0], $0xffff;
	[tilespmem:s10+$0xE0] =	vst v2  }
0x293: {  	v2 =	vld [tilespmem:s13+$0xF0]  }
0x294: {  	v8 =	vld.idx.msk [tilespmem:v8+s18+$0x0], $0xffff  }
0x295: {  	v4 =	vld.idx.msk [tilespmem:v4+s18+$0x0], $0xffff  }
0x296: {  	[tilespmem:s17+$0xA0] =	vst v5;
	v3 =	vld.idx.msk [tilespmem:v3+s18+$0x0], $0xffff  }
0x297: {  	[tilespmem:s17+$0xFFFFFFA0] =	vst v6;
	v5 =	vld [tilespmem:s19+$0xB0]  }
0x298: {  	v6 =	vld [tilespmem:s19+$0xFFFFFFB0];
	[tilespmem:s17+$0x20] =	vst v1  }
0x299: {  	v1 =	vld [tilespmem:s19+$0x30]  }
0x29a: {  	[tilespmem:s10+$0xFFFFFFE0] =	vst v8;
	v7 =	vld.idx.msk [tilespmem:v7+s18+$0x0], $0xffff  }
0x29b: {  	[tilespmem:s17+$0xFFFFFF20] =	vst v4;
	v2 =	vld.idx.msk [tilespmem:v2+s18+$0x0], $0xffff  }
0x29c: {  	v4 =	vld [tilespmem:s19+$0xFFFFFF30];
	[tilespmem:s10+$0xFFFFFF60] =	vst v3  }
0x29d: {  	v3 =	vld [tilespmem:s13+$0xFFFFFF70]  }
0x29e: {  	v8 =	vld [tilespmem:s13+$0xFFFFFFF0]  }
0x29f: {  	v5 =	vld.idx.msk [tilespmem:v5+s18+$0x0], $0xffff  }
0x2a0: {  	v9 =	vld.idx.msk [tilespmem:v6+s18+$0x0], $0xffff;
	[tilespmem:s10+$0x60] =	vst v7  }
0x2a1: {  	v7 =	vld.idx.msk [tilespmem:v1+s18+$0x0], $0xffff;
	[tilespmem:s10+$0xF0] =	vst v2  }
0x2a2: {  	v2 =	vld [tilespmem:s13+$0x70];
	s13 =	smov.u32 s19  }
0x2a3: {  	v10 =	vld.idx.msk [tilespmem:v0+s18+$0x0], $0xffff  }
0x2a4: {  	v6 =	vld.idx.msk [tilespmem:v4+s18+$0x0], $0xffff  }
.Ltmp9:
0x2a5: {  	[tilespmem:s17+$0xB0] =	vst v5;
	v1 =	vld.idx.msk [tilespmem:v3+s18+$0x0], $0xffff;
	(pc) =	sbr.rel @p2 .LBB2_14-.Ltmp9, $4  }
0x2a6: {  	[tilespmem:s17+$0xFFFFFFB0] =	vst v9;
	v4 =	vld [tilespmem:s19+$0xC0]  }
0x2a7: {  	v3 =	vld [tilespmem:s19+$0xFFFFFFC0];
	[tilespmem:s17+$0x30] =	vst v7;
	v0 =	vmov v2  }
0x2a8: {  	v5 =	vld [tilespmem:s19+$0x40]  }
0x2a9: {  	s19 =	sadd.s32 $0x200, s19;
	v2 =	vld.idx.msk [tilespmem:v8+s18+$0x0], $0xffff;
	[tilespmem:s5+$0x70] =	vst v10;
	s5 =	smov.u32 s10;
	s10 =	smov.u32 s17  }
0x2aa: {  	[tilespmem:s17+$0xFFFFFF30] =	vst v6  }
0x2ab: {  	v6 =	vld [tilespmem:s13+$0xFFFFFF40];
	_ =	sdelay $0x4  }
0x2ac: {  	v4 =	vld.idx.msk [tilespmem:v4+s18+$0x0], $0xffff  }
0x2ad: {  	v3 =	vld.idx.msk [tilespmem:v3+s18+$0x0], $0xffff  }
0x2ae: {  	v5 =	vld.idx.msk [tilespmem:v5+s18+$0x0], $0xffff  }
0x2af: {  	v6 =	vld.idx.msk [tilespmem:v6+s18+$0x0], $0xffff;
	_ =	sdelay $0x1  }
0x2b0: {  	[tilespmem:s17+$0xC0] =	vst v4  }
0x2b1: {  	v4 =	vld [tilespmem:s13+$0xD0];
	[tilespmem:s17+$0xFFFFFFC0] =	vst v3  }
0x2b2: {  	[tilespmem:s10+$0x40] =	vst v5;
	v60 =	vld [tilespmem:s13+$0xFFFFFFD0]  }
0x2b3: {  	v61 =	vld [tilespmem:s13+$0x50];
	[tilespmem:s10+$0xFFFFFF40] =	vst v6  }
0x2b4: {  	v59 =	vld [tilespmem:s13+$0xFFFFFF50];
	_ =	sdelay $0x4  }
0x2b5: {  	v4 =	vld.idx.msk [tilespmem:v4+s18+$0x0], $0xffff  }
0x2b6: {  	v5 =	vld.idx.msk [tilespmem:v60+s18+$0x0], $0xffff  }
0x2b7: {  	v6 =	vld.idx.msk [tilespmem:v61+s18+$0x0], $0xffff  }
0x2b8: {  	v3 =	vld.idx.msk [tilespmem:v59+s18+$0x0], $0xffff;
	_ =	sdelay $0x1  }
0x2b9: {  	[tilespmem:s10+$0xD0] =	vst v4  }
0x2ba: {  	v4 =	vld [tilespmem:s13+$0xE0];
	[tilespmem:s10+$0xFFFFFFD0] =	vst v5  }
0x2bb: {  	v5 =	vld [tilespmem:s13+$0xFFFFFFE0];
	[tilespmem:s10+$0x50] =	vst v6  }
0x2bc: {  	v6 =	vld [tilespmem:s13+$0x60];
	[tilespmem:s10+$0xFFFFFF50] =	vst v3  }
0x2bd: {  	v3 =	vld [tilespmem:s13+$0xFFFFFF60];
	_ =	sdelay $0x4  }
0x2be: {  	v4 =	vld.idx.msk [tilespmem:v4+s18+$0x0], $0xffff  }
0x2bf: {  	v5 =	vld.idx.msk [tilespmem:v5+s18+$0x0], $0xffff  }
0x2c0: {  	v6 =	vld.idx.msk [tilespmem:v6+s18+$0x0], $0xffff  }
0x2c1: {  	v3 =	vld.idx.msk [tilespmem:v3+s18+$0x0], $0xffff;
	_ =	sdelay $0x1  }
0x2c2: {  	[tilespmem:s10+$0xE0] =	vst v4  }
0x2c3: {  	v4 =	vld [tilespmem:s13+$0xF0];
	[tilespmem:s10+$0xFFFFFFE0] =	vst v5  }
0x2c4: {  	v5 =	vld [tilespmem:s13+$0xFFFFFFF0];
	[tilespmem:s10+$0x60] =	vst v6  }
0x2c5: {  	v6 =	vld [tilespmem:s13+$0x70];
	[tilespmem:s10+$0xFFFFFF60] =	vst v3  }
0x2c6: {  	v3 =	vld [tilespmem:s13+$0xFFFFFF70];
	_ =	sdelay $0x3  }
0x2c7: {  	v0 =	vld.idx.msk [tilespmem:v0+s18+$0x0], $0xffff  }
0x2c8: {  	v4 =	vld.idx.msk [tilespmem:v4+s18+$0x0], $0xffff  }
0x2c9: {  	v62 =	vld.idx.msk [tilespmem:v5+s18+$0x0], $0xffff  }
0x2ca: {  	[tilespmem:s5+$0xFFFFFF70] =	vst v1;
	v63 =	vld.idx.msk [tilespmem:v6+s18+$0x0], $0xffff  }
0x2cb: {  	[tilespmem:s5+$0xFFFFFFF0] =	vst v2;
	v3 =	vld.idx.msk [tilespmem:v3+s18+$0x0], $0xffff  }
0x2cc: {  	p2 =	sne.s32 s1, $0x18;
	[tilespmem:s5+$0x70] =	vst v0  }
.Ltmp10:
0x2cd: {  	s5 =	sshll.u32 s1, $0x13;
	[tilespmem:s10+$0xF0] =	vst v4;
	(pc) =	sbr.rel @p2 .LBB2_17-.Ltmp10, $4  }
0x2ce: {  	s6 =	sadd.s32 s11, s5;
	[tilespmem:s10+$0xFFFFFFF0] =	vst v62  }
0x2cf: {  	s6 =	sshrl.u32 s6, $0x3;
	[tilespmem:s10+$0x70] =	vst v63  }
0x2d0: {  	s6 =	sadd.s32 s2, s6;
	[tilespmem:s10+$0xFFFFFF70] =	vst v3  }
0x2d1: {  	[hbm4b:s6+s23] =	stream.strided.scatter [tilespmem:s25], [sflag:$0x4], $0x1000, s24, s23, $0x38;
	[tilespmem:$0x1F8A0] =	vst v63  }
.Ltmp11:
0x2d2: {  	(pc) =	sbr.rel .LBB2_18-.Ltmp11, $4  }
0x2d3: {  	_ = 	snop  }
0x2d4: {  	_ =	swait.ge [sflag:s26], $0x1000  }
0x2d5: {  	[sflag:s26] =	ssyncset.done $0x0  }
0x2d6: {  	[sflag:s26] =	ssyncadd.s32 $0xFFFFF000  }
.LBB2_17:
0x2d7: {  	s6 =	sshrl.u32 s4, $0x2  }
0x2d8: {  	s6 =	sadd.s32 s6, s3  }
.Ltmp12:
0x2d9: {  	s6 =	sadd.s32 $0x2000, s6;
	(pc) =	sbr.rel @p1 .LBB2_19-.Ltmp12, $4  }
0x2da: {  	[tilespmem:s20], [sflag:$0x2] =	stream.linear.gather [spmem:s6], $0x1000, $0x38;
	[tilespmem:$0x1F8A0] =	vst v63  }
0x2db: {  	_ =	swait.ge [sflag:s26], $0x1000  }
0x2dc: {  	[sflag:s26] =	ssyncset.done $0x0  }
0x2dd: {  	[sflag:s26] =	ssyncadd.s32 $0xFFFFF000  }
.LBB2_18:
0x2de: {  	_ =	swait.ge [sflag:s28], $0x1000  }
0x2df: {  	[sflag:s28] =	ssyncset.done $0x0  }
0x2e0: {  	[sflag:s28] =	ssyncadd.s32 $0xFFFFF000  }
.LBB2_19:
0x2e1: {  	s6 =	simm.s32 $0x1CA90  }
0x2e2: {  	v0 =	vld [tilespmem:s6+$0xFFFFFF90]  }
0x2e3: {  	v1 =	vld [tilespmem:s6+$0xFFFFFE90]  }
0x2e4: {  	v2 =	vld [tilespmem:s6+$0xFFFFFF10];
	_ =	sdelay $0x2  }
0x2e5: {  	v3 =	vld [tilespmem:s6+$0xFFFFFE10];
	_ =	sdelay $0x2  }
0x2e6: {  	v0 =	vld.idx.msk [tilespmem:v0+s18+$0x0], $0xffff  }
0x2e7: {  	v1 =	vld.idx.msk [tilespmem:v1+s18+$0x0], $0xffff  }
0x2e8: {  	v2 =	vld.idx.msk [tilespmem:v2+s18+$0x0], $0xffff;
	_ =	sdelay $0x1  }
0x2e9: {  	s13 =	simm.s32 $0x1EA90  }
0x2ea: {  	v3 =	vld.idx.msk [tilespmem:v3+s18+$0x0], $0xffff;
	[tilespmem:s13+$0xFFFFFF90] =	vst v0  }
0x2eb: {  	[tilespmem:s13+$0xFFFFFE90] =	vst v1;
	v0 =	vld [tilespmem:s6+$0xFFFFFFA0]  }
0x2ec: {  	[tilespmem:s13+$0xFFFFFF10] =	vst v2;
	v1 =	vld [tilespmem:s6+$0xFFFFFEA0]  }
0x2ed: {  	v2 =	vld [tilespmem:s6+$0xFFFFFF20];
	_ =	sdelay $0x1  }
0x2ee: {  	[tilespmem:s13+$0xFFFFFE10] =	vst v3  }
0x2ef: {  	v3 =	vld [tilespmem:s6+$0xFFFFFE20];
	_ =	sdelay $0x2  }
0x2f0: {  	v0 =	vld.idx.msk [tilespmem:v0+s18+$0x0], $0xffff  }
0x2f1: {  	v1 =	vld.idx.msk [tilespmem:v1+s18+$0x0], $0xffff  }
0x2f2: {  	v2 =	vld.idx.msk [tilespmem:v2+s18+$0x0], $0xffff;
	_ =	sdelay $0x2  }
0x2f3: {  	v3 =	vld.idx.msk [tilespmem:v3+s18+$0x0], $0xffff;
	[tilespmem:s13+$0xFFFFFFA0] =	vst v0  }
0x2f4: {  	[tilespmem:s13+$0xFFFFFEA0] =	vst v1;
	v0 =	vld [tilespmem:s6+$0xFFFFFFB0]  }
0x2f5: {  	[tilespmem:s13+$0xFFFFFF20] =	vst v2;
	v1 =	vld [tilespmem:s6+$0xFFFFFEB0]  }
0x2f6: {  	v2 =	vld [tilespmem:s6+$0xFFFFFF30];
	_ =	sdelay $0x1  }
0x2f7: {  	[tilespmem:s13+$0xFFFFFE20] =	vst v3  }
0x2f8: {  	v3 =	vld [tilespmem:s6+$0xFFFFFE30]  }
0x2f9: {  	s17 =	simm.s32 $0x1CC90  }
0x2fa: {  	v4 =	vld [tilespmem:s17+$0xFFFFFF90]  }
0x2fb: {  	v0 =	vld.idx.msk [tilespmem:v0+s18+$0x0], $0xffff  }
0x2fc: {  	v1 =	vld.idx.msk [tilespmem:v1+s18+$0x0], $0xffff  }
0x2fd: {  	v2 =	vld.idx.msk [tilespmem:v2+s18+$0x0], $0xffff;
	_ =	sdelay $0x1  }
0x2fe: {  	v5 =	vld [tilespmem:s17+$0xFFFFFE90]  }
0x2ff: {  	v3 =	vld.idx.msk [tilespmem:v3+s18+$0x0], $0xffff;
	[tilespmem:s13+$0xFFFFFFB0] =	vst v0  }
0x300: {  	[tilespmem:s13+$0xFFFFFEB0] =	vst v1;
	v0 =	vld [tilespmem:s6+$0xFFFFFFC0]  }
0x301: {  	[tilespmem:s13+$0xFFFFFF30] =	vst v2;
	v1 =	vld [tilespmem:s6+$0xFFFFFEC0]  }
0x302: {  	v2 =	vld [tilespmem:s6+$0xFFFFFF40];
	_ =	sdelay $0x1  }
0x303: {  	v4 =	vld.idx.msk [tilespmem:v4+s18+$0x0], $0xffff;
	[tilespmem:s13+$0xFFFFFE30] =	vst v3  }
0x304: {  	v3 =	vld [tilespmem:s6+$0xFFFFFE40]  }
0x305: {  	v5 =	vld.idx.msk [tilespmem:v5+s18+$0x0], $0xffff  }
0x306: {  	v6 =	vld [tilespmem:s17+$0xFFFFFF10]  }
0x307: {  	v0 =	vld.idx.msk [tilespmem:v0+s18+$0x0], $0xffff  }
0x308: {  	s10 =	simm.s32 $0x1EC90;
	v1 =	vld.idx.msk [tilespmem:v1+s18+$0x0], $0xffff  }
0x309: {  	[tilespmem:s10+$0xFFFFFF90] =	vst v4;
	v2 =	vld.idx.msk [tilespmem:v2+s18+$0x0], $0xffff  }
0x30a: {  	[tilespmem:s10+$0xFFFFFE90] =	vst v5;
	v4 =	vld [tilespmem:s17+$0xFFFFFFA0]  }
0x30b: {  	v5 =	vld [tilespmem:s17+$0xFFFFFEA0]  }
0x30c: {  	v3 =	vld.idx.msk [tilespmem:v3+s18+$0x0], $0xffff;
	[tilespmem:s13+$0xFFFFFFC0] =	vst v0  }
0x30d: {  	[tilespmem:s13+$0xFFFFFEC0] =	vst v1;
	v0 =	vld [tilespmem:s6+$0xFFFFFFD0]  }
0x30e: {  	[tilespmem:s13+$0xFFFFFF40] =	vst v2;
	v1 =	vld [tilespmem:s6+$0xFFFFFED0]  }
0x30f: {  	v2 =	vld [tilespmem:s6+$0xFFFFFF50]  }
0x310: {  	v7 =	vld [tilespmem:s17+$0xFFFFFE10]  }
0x311: {  	v6 =	vld.idx.msk [tilespmem:v6+s18+$0x0], $0xffff  }
0x312: {  	v4 =	vld.idx.msk [tilespmem:v4+s18+$0x0], $0xffff;
	[tilespmem:s13+$0xFFFFFE40] =	vst v3  }
0x313: {  	v3 =	vld [tilespmem:s6+$0xFFFFFE50]  }
0x314: {  	v5 =	vld.idx.msk [tilespmem:v5+s18+$0x0], $0xffff  }
0x315: {  	v0 =	vld.idx.msk [tilespmem:v0+s18+$0x0], $0xffff  }
0x316: {  	v1 =	vld.idx.msk [tilespmem:v1+s18+$0x0], $0xffff  }
0x317: {  	[tilespmem:s10+$0xFFFFFF10] =	vst v6;
	v2 =	vld.idx.msk [tilespmem:v2+s18+$0x0], $0xffff  }
0x318: {  	[tilespmem:s10+$0xFFFFFFA0] =	vst v4  }
0x319: {  	v7 =	vld.idx.msk [tilespmem:v7+s18+$0x0], $0xffff;
	[tilespmem:s10+$0xFFFFFEA0] =	vst v5  }
0x31a: {  	v5 =	vld [tilespmem:s17+$0xFFFFFFB0];
	[tilespmem:s13+$0xFFFFFFD0] =	vst v0  }
0x31b: {  	[tilespmem:s13+$0xFFFFFED0] =	vst v1;
	v1 =	vld.idx.msk [tilespmem:v3+s18+$0x0], $0xffff  }
0x31c: {  	[tilespmem:s13+$0xFFFFFF50] =	vst v2;
	v2 =	vld [tilespmem:s17+$0xFFFFFF20]  }
0x31d: {  	v0 =	vld [tilespmem:s6+$0xFFFFFFE0]  }
0x31e: {  	v3 =	vld [tilespmem:s6+$0xFFFFFEE0]  }
0x31f: {  	[tilespmem:s10+$0xFFFFFE10] =	vst v7;
	v6 =	vld [tilespmem:s6+$0xFFFFFF60]  }
0x320: {  	[tilespmem:s13+$0xFFFFFE50] =	vst v1;
	v1 =	vld [tilespmem:s17+$0xFFFFFE20]  }
0x321: {  	v7 =	vld [tilespmem:s6+$0xFFFFFE60];
	_ =	sdelay $0x1  }
0x322: {  	v5 =	vld.idx.msk [tilespmem:v5+s18+$0x0], $0xffff  }
0x323: {  	v2 =	vld.idx.msk [tilespmem:v2+s18+$0x0], $0xffff  }
0x324: {  	v0 =	vld.idx.msk [tilespmem:v0+s18+$0x0], $0xffff  }
0x325: {  	v3 =	vld.idx.msk [tilespmem:v3+s18+$0x0], $0xffff  }
0x326: {  	v6 =	vld.idx.msk [tilespmem:v6+s18+$0x0], $0xffff  }
0x327: {  	v1 =	vld.idx.msk [tilespmem:v1+s18+$0x0], $0xffff  }
0x328: {  	v4 =	vld.idx.msk [tilespmem:v7+s18+$0x0], $0xffff  }
0x329: {  	[tilespmem:s10+$0xFFFFFF20] =	vst v2;
	v7 =	vld [tilespmem:s17+$0xFFFFFEB0]  }
0x32a: {  	[tilespmem:s13+$0xFFFFFFE0] =	vst v0;
	v2 =	vld [tilespmem:s17+$0xFFFFFF30]  }
0x32b: {  	[tilespmem:s13+$0xFFFFFEE0] =	vst v3;
	v0 =	vld [tilespmem:s6+$0xFFFFFFF0]  }
0x32c: {  	v3 =	vld [tilespmem:s6+$0xFFFFFEF0];
	[tilespmem:s10+$0xFFFFFE20] =	vst v1  }
0x32d: {  	v1 =	vld [tilespmem:s17+$0xFFFFFE30];
	[tilespmem:s13+$0xFFFFFE60] =	vst v4  }
0x32e: {  	[tilespmem:s10+$0xFFFFFFB0] =	vst v5;
	v4 =	vld [tilespmem:s6+$0xFFFFFE70]  }
0x32f: {  	v5 =	vld [tilespmem:s17+$0xFFFFFFC0];
	[tilespmem:s13+$0xFFFFFF60] =	vst v6  }
0x330: {  	v6 =	vld [tilespmem:s6+$0xFFFFFF70]  }
0x331: {  	v7 =	vld.idx.msk [tilespmem:v7+s18+$0x0], $0xffff  }
0x332: {  	v2 =	vld.idx.msk [tilespmem:v2+s18+$0x0], $0xffff  }
0x333: {  	v0 =	vld.idx.msk [tilespmem:v0+s18+$0x0], $0xffff  }
0x334: {  	v3 =	vld.idx.msk [tilespmem:v3+s18+$0x0], $0xffff  }
0x335: {  	v1 =	vld.idx.msk [tilespmem:v1+s18+$0x0], $0xffff  }
0x336: {  	[tilespmem:s10+$0xFFFFFEB0] =	vst v7;
	v4 =	vld.idx.msk [tilespmem:v4+s18+$0x0], $0xffff  }
0x337: {  	[tilespmem:s10+$0xFFFFFF30] =	vst v2;
	v7 =	vld [tilespmem:s17+$0xFFFFFEC0]  }
0x338: {  	[tilespmem:s13+$0xFFFFFFF0] =	vst v0;
	v2 =	vld [tilespmem:s17+$0xFFFFFF40]  }
0x339: {  	v0 =	vld [tilespmem:s6+$0x0]  }
0x33a: {  	v6 =	vld.idx.msk [tilespmem:v6+s18+$0x0], $0xffff;
	[tilespmem:s10+$0xFFFFFE30] =	vst v1  }
0x33b: {  	[tilespmem:s13+$0xFFFFFEF0] =	vst v3;
	v1 =	vld [tilespmem:s17+$0xFFFFFE40]  }
0x33c: {  	v3 =	vld.idx.msk [tilespmem:v5+s18+$0x0], $0xffff;
	[tilespmem:s13+$0xFFFFFE70] =	vst v4  }
0x33d: {  	v4 =	vld [tilespmem:s6+$0xFFFFFE80]  }
0x33e: {  	v9 =	vld [tilespmem:s6+$0xFFFFFF00]  }
0x33f: {  	v5 =	vld.idx.msk [tilespmem:v7+s18+$0x0], $0xffff  }
0x340: {  	v2 =	vld.idx.msk [tilespmem:v2+s18+$0x0], $0xffff  }
0x341: {  	[tilespmem:s13+$0xFFFFFF70] =	vst v6;
	v8 =	vld.idx.msk [tilespmem:v0+s18+$0x0], $0xffff  }
0x342: {  	v0 =	vld [tilespmem:s6+$0xFFFFFF80]  }
0x343: {  	[tilespmem:s10+$0xFFFFFFC0] =	vst v3;
	v6 =	vld.idx.msk [tilespmem:v1+s18+$0x0], $0xffff  }
0x344: {  	[tilespmem:s10+$0xFFFFFEC0] =	vst v5;
	v5 =	vld [tilespmem:s17+$0xFFFFFFD0]  }
0x345: {  	v1 =	vld.idx.msk [tilespmem:v4+s18+$0x0], $0xffff  }
0x346: {  	[tilespmem:s10+$0xFFFFFF40] =	vst v2;
	v2 =	vld.idx.msk [tilespmem:v9+s18+$0x0], $0xffff  }
0x347: {  	v3 =	vld [tilespmem:s17+$0xFFFFFED0]  }
0x348: {  	s30 =	simm.s32 $0x1CE90;
	s19 =	simm.s32 $0x1EC90;
	s6 =	simm.s32 $0x4;
	v4 =	vld [tilespmem:s17+$0xFFFFFF50];
	[tilespmem:s13+$0x0] =	vst v8  }
.LBB2_20:
0x349: {  	v7 =	vld [tilespmem:s30+$0xFFFFFF90];
	s6 =	sadd.s32 $0x4, s6;
	[tilespmem:s10+$0xFFFFFE40] =	vst v6  }
0x34a: {  	v6 =	vld [tilespmem:s30+$0xFFFFFE90];
	p1 =	slt.u32 s6, $0x1C;
	[tilespmem:s13+$0xFFFFFE80] =	vst v1  }
0x34b: {  	v1 =	vld [tilespmem:s30+$0xFFFFFF10]  }
0x34c: {  	v8 =	vld [tilespmem:s30+$0xFFFFFE10]  }
0x34d: {  	v5 =	vld.idx.msk [tilespmem:v5+s18+$0x0], $0xffff  }
0x34e: {  	v9 =	vld [tilespmem:s17+$0xFFFFFE50];
	[tilespmem:s13+$0xFFFFFF00] =	vst v2  }
0x34f: {  	v2 =	vld.idx.msk [tilespmem:v3+s18+$0x0], $0xffff  }
0x350: {  	v3 =	vld.idx.msk [tilespmem:v4+s18+$0x0], $0xffff  }
0x351: {  	v4 =	vld.idx.msk [tilespmem:v7+s18+$0x0], $0xffff  }
0x352: {  	v6 =	vld.idx.msk [tilespmem:v6+s18+$0x0], $0xffff  }
0x353: {  	v1 =	vld.idx.msk [tilespmem:v1+s18+$0x0], $0xffff;
	[tilespmem:s10+$0xFFFFFFD0] =	vst v5  }
0x354: {  	v5 =	vld [tilespmem:s17+$0xFFFFFFE0]  }
0x355: {  	v7 =	vld.idx.msk [tilespmem:v8+s18+$0x0], $0xffff;
	[tilespmem:s10+$0xFFFFFED0] =	vst v2  }
0x356: {  	s10 =	sadd.s32 $0x200, s10;
	v2 =	vld.idx.msk [tilespmem:v9+s18+$0x0], $0xffff;
	[tilespmem:s19+$0xFFFFFF50] =	vst v3  }
0x357: {  	[tilespmem:s10+$0xFFFFFF90] =	vst v4;
	v3 =	vld [tilespmem:s17+$0xFFFFFEE0]  }
0x358: {  	[tilespmem:s10+$0xFFFFFE90] =	vst v6;
	v4 =	vld [tilespmem:s30+$0xFFFFFFA0]  }
0x359: {  	v6 =	vld [tilespmem:s30+$0xFFFFFEA0];
	[tilespmem:s10+$0xFFFFFF10] =	vst v1  }
0x35a: {  	v1 =	vld [tilespmem:s30+$0xFFFFFF20]  }
0x35b: {  	[tilespmem:s10+$0xFFFFFE10] =	vst v7;
	v7 =	vld [tilespmem:s17+$0xFFFFFF60]  }
0x35c: {  	[tilespmem:s19+$0xFFFFFE50] =	vst v2;
	v2 =	vld.idx.msk [tilespmem:v5+s18+$0x0], $0xffff  }
0x35d: {  	v5 =	vld [tilespmem:s30+$0xFFFFFE20]  }
0x35e: {  	v8 =	vld [tilespmem:s17+$0xFFFFFE60]  }
0x35f: {  	v3 =	vld.idx.msk [tilespmem:v3+s18+$0x0], $0xffff  }
0x360: {  	v4 =	vld.idx.msk [tilespmem:v4+s18+$0x0], $0xffff  }
0x361: {  	v6 =	vld.idx.msk [tilespmem:v6+s18+$0x0], $0xffff  }
0x362: {  	v1 =	vld.idx.msk [tilespmem:v1+s18+$0x0], $0xffff;
	[tilespmem:s19+$0xFFFFFFE0] =	vst v2  }
0x363: {  	v2 =	vld [tilespmem:s17+$0xFFFFFFF0]  }
0x364: {  	v7 =	vld.idx.msk [tilespmem:v7+s18+$0x0], $0xffff  }
0x365: {  	v5 =	vld.idx.msk [tilespmem:v5+s18+$0x0], $0xffff;
	[tilespmem:s19+$0xFFFFFEE0] =	vst v3  }
0x366: {  	[tilespmem:s10+$0xFFFFFFA0] =	vst v4;
	v3 =	vld.idx.msk [tilespmem:v8+s18+$0x0], $0xffff  }
0x367: {  	[tilespmem:s10+$0xFFFFFEA0] =	vst v6;
	v4 =	vld [tilespmem:s30+$0xFFFFFFB0]  }
0x368: {  	v6 =	vld [tilespmem:s30+$0xFFFFFEB0];
	[tilespmem:s10+$0xFFFFFF20] =	vst v1  }
0x369: {  	v1 =	vld [tilespmem:s30+$0xFFFFFF30]  }
0x36a: {  	v8 =	vld [tilespmem:s17+$0xFFFFFEF0];
	[tilespmem:s19+$0xFFFFFF60] =	vst v7  }
0x36b: {  	[tilespmem:s10+$0xFFFFFE20] =	vst v5;
	v2 =	vld.idx.msk [tilespmem:v2+s18+$0x0], $0xffff  }
0x36c: {  	v5 =	vld [tilespmem:s30+$0xFFFFFE30];
	[tilespmem:s19+$0xFFFFFE60] =	vst v3  }
0x36d: {  	v3 =	vld [tilespmem:s17+$0xFFFFFE70]  }
0x36e: {  	v7 =	vld [tilespmem:s17+$0xFFFFFF70]  }
0x36f: {  	v4 =	vld.idx.msk [tilespmem:v4+s18+$0x0], $0xffff  }
0x370: {  	v6 =	vld.idx.msk [tilespmem:v6+s18+$0x0], $0xffff  }
0x371: {  	v1 =	vld.idx.msk [tilespmem:v1+s18+$0x0], $0xffff;
	[tilespmem:s19+$0xFFFFFFF0] =	vst v2  }
0x372: {  	v2 =	vld [tilespmem:s17+$0x0]  }
0x373: {  	v8 =	vld.idx.msk [tilespmem:v8+s18+$0x0], $0xffff  }
0x374: {  	v5 =	vld.idx.msk [tilespmem:v5+s18+$0x0], $0xffff  }
0x375: {  	[tilespmem:s10+$0xFFFFFFB0] =	vst v4;
	v3 =	vld.idx.msk [tilespmem:v3+s18+$0x0], $0xffff  }
0x376: {  	[tilespmem:s10+$0xFFFFFEB0] =	vst v6;
	v4 =	vld [tilespmem:s30+$0xFFFFFFC0]  }
0x377: {  	v6 =	vld [tilespmem:s30+$0xFFFFFEC0];
	[tilespmem:s10+$0xFFFFFF30] =	vst v1  }
0x378: {  	v1 =	vld [tilespmem:s30+$0xFFFFFF40]  }
0x379: {  	[tilespmem:s19+$0xFFFFFEF0] =	vst v8;
	v7 =	vld.idx.msk [tilespmem:v7+s18+$0x0], $0xffff  }
0x37a: {  	[tilespmem:s10+$0xFFFFFE30] =	vst v5;
	v2 =	vld.idx.msk [tilespmem:v2+s18+$0x0], $0xffff  }
0x37b: {  	v5 =	vld [tilespmem:s30+$0xFFFFFE40];
	[tilespmem:s19+$0xFFFFFE70] =	vst v3  }
0x37c: {  	v3 =	vld [tilespmem:s17+$0xFFFFFE80]  }
0x37d: {  	v8 =	vld [tilespmem:s17+$0xFFFFFF00]  }
0x37e: {  	v4 =	vld.idx.msk [tilespmem:v4+s18+$0x0], $0xffff  }
0x37f: {  	v9 =	vld.idx.msk [tilespmem:v6+s18+$0x0], $0xffff;
	[tilespmem:s19+$0xFFFFFF70] =	vst v7  }
0x380: {  	v7 =	vld.idx.msk [tilespmem:v1+s18+$0x0], $0xffff;
	[tilespmem:s19+$0x0] =	vst v2  }
0x381: {  	v2 =	vld [tilespmem:s17+$0xFFFFFF80];
	s17 =	smov.u32 s30  }
0x382: {  	v10 =	vld.idx.msk [tilespmem:v0+s18+$0x0], $0xffff  }
0x383: {  	v6 =	vld.idx.msk [tilespmem:v5+s18+$0x0], $0xffff  }
.Ltmp13:
0x384: {  	[tilespmem:s10+$0xFFFFFFC0] =	vst v4;
	v1 =	vld.idx.msk [tilespmem:v3+s18+$0x0], $0xffff;
	(pc) =	sbr.rel @p1 .LBB2_20-.Ltmp13, $4  }
0x385: {  	[tilespmem:s10+$0xFFFFFEC0] =	vst v9;
	v5 =	vld [tilespmem:s30+$0xFFFFFFD0]  }
0x386: {  	v3 =	vld [tilespmem:s30+$0xFFFFFED0];
	[tilespmem:s10+$0xFFFFFF40] =	vst v7;
	v0 =	vmov v2  }
0x387: {  	v4 =	vld [tilespmem:s30+$0xFFFFFF50]  }
0x388: {  	s30 =	sadd.s32 $0x200, s30;
	v2 =	vld.idx.msk [tilespmem:v8+s18+$0x0], $0xffff;
	[tilespmem:s13+$0xFFFFFF80] =	vst v10;
	s13 =	smov.u32 s19;
	s19 =	smov.u32 s10  }
0x389: {  	[tilespmem:s10+$0xFFFFFE40] =	vst v6  }
0x38a: {  	v6 =	vld [tilespmem:s17+$0xFFFFFE50];
	_ =	sdelay $0x4  }
0x38b: {  	v5 =	vld.idx.msk [tilespmem:v5+s18+$0x0], $0xffff  }
0x38c: {  	v3 =	vld.idx.msk [tilespmem:v3+s18+$0x0], $0xffff  }
0x38d: {  	v4 =	vld.idx.msk [tilespmem:v4+s18+$0x0], $0xffff  }
0x38e: {  	v6 =	vld.idx.msk [tilespmem:v6+s18+$0x0], $0xffff;
	_ =	sdelay $0x1  }
0x38f: {  	[tilespmem:s10+$0xFFFFFFD0] =	vst v5  }
0x390: {  	v5 =	vld [tilespmem:s17+$0xFFFFFFE0];
	[tilespmem:s10+$0xFFFFFED0] =	vst v3  }
0x391: {  	[tilespmem:s19+$0xFFFFFF50] =	vst v4;
	v60 =	vld [tilespmem:s17+$0xFFFFFEE0]  }
0x392: {  	v61 =	vld [tilespmem:s17+$0xFFFFFF60];
	[tilespmem:s19+$0xFFFFFE50] =	vst v6  }
0x393: {  	v59 =	vld [tilespmem:s17+$0xFFFFFE60];
	_ =	sdelay $0x4  }
0x394: {  	v5 =	vld.idx.msk [tilespmem:v5+s18+$0x0], $0xffff  }
0x395: {  	v4 =	vld.idx.msk [tilespmem:v60+s18+$0x0], $0xffff  }
0x396: {  	v6 =	vld.idx.msk [tilespmem:v61+s18+$0x0], $0xffff  }
0x397: {  	v3 =	vld.idx.msk [tilespmem:v59+s18+$0x0], $0xffff;
	_ =	sdelay $0x1  }
0x398: {  	[tilespmem:s19+$0xFFFFFFE0] =	vst v5  }
0x399: {  	v5 =	vld [tilespmem:s17+$0xFFFFFFF0];
	[tilespmem:s19+$0xFFFFFEE0] =	vst v4  }
0x39a: {  	v4 =	vld [tilespmem:s17+$0xFFFFFEF0];
	[tilespmem:s19+$0xFFFFFF60] =	vst v6  }
0x39b: {  	v6 =	vld [tilespmem:s17+$0xFFFFFF70];
	[tilespmem:s19+$0xFFFFFE60] =	vst v3  }
0x39c: {  	v3 =	vld [tilespmem:s17+$0xFFFFFE70];
	_ =	sdelay $0x4  }
0x39d: {  	v5 =	vld.idx.msk [tilespmem:v5+s18+$0x0], $0xffff  }
0x39e: {  	v4 =	vld.idx.msk [tilespmem:v4+s18+$0x0], $0xffff  }
0x39f: {  	v6 =	vld.idx.msk [tilespmem:v6+s18+$0x0], $0xffff  }
0x3a0: {  	v3 =	vld.idx.msk [tilespmem:v3+s18+$0x0], $0xffff;
	_ =	sdelay $0x1  }
0x3a1: {  	[tilespmem:s19+$0xFFFFFFF0] =	vst v5  }
0x3a2: {  	v5 =	vld [tilespmem:s17+$0x0];
	[tilespmem:s19+$0xFFFFFEF0] =	vst v4  }
0x3a3: {  	v4 =	vld [tilespmem:s17+$0xFFFFFF00];
	[tilespmem:s19+$0xFFFFFF70] =	vst v6  }
0x3a4: {  	v6 =	vld [tilespmem:s17+$0xFFFFFF80];
	[tilespmem:s19+$0xFFFFFE70] =	vst v3  }
0x3a5: {  	v3 =	vld [tilespmem:s17+$0xFFFFFE80];
	_ =	sdelay $0x3  }
0x3a6: {  	v0 =	vld.idx.msk [tilespmem:v0+s18+$0x0], $0xffff  }
0x3a7: {  	v5 =	vld.idx.msk [tilespmem:v5+s18+$0x0], $0xffff  }
0x3a8: {  	v62 =	vld.idx.msk [tilespmem:v4+s18+$0x0], $0xffff  }
0x3a9: {  	[tilespmem:s13+$0xFFFFFE80] =	vst v1;
	v63 =	vld.idx.msk [tilespmem:v6+s18+$0x0], $0xffff  }
0x3aa: {  	[tilespmem:s13+$0xFFFFFF00] =	vst v2;
	v3 =	vld.idx.msk [tilespmem:v3+s18+$0x0], $0xffff  }
0x3ab: {  	p1 =	seq.s32 s1, $0x18;
	[tilespmem:s13+$0xFFFFFF80] =	vst v0  }
.Ltmp14:
0x3ac: {  	[tilespmem:s19+$0x0] =	vst v5;
	(pc) =	sbr.rel @p1 .LBB2_23-.Ltmp14, $4  }
0x3ad: {  	s5 =	sadd.s32 s12, s5;
	[tilespmem:s19+$0xFFFFFF00] =	vst v62  }
0x3ae: {  	s5 =	sshrl.u32 s5, $0x3;
	[tilespmem:s19+$0xFFFFFF80] =	vst v63  }
0x3af: {  	s5 =	sadd.s32 s2, s5;
	[tilespmem:s19+$0xFFFFFE80] =	vst v3  }
0x3b0: {  	[hbm4b:s5+s23] =	stream.strided.scatter [tilespmem:s29], [sflag:$0x5], $0x1000, s24, s23, $0x38;
	[tilespmem:$0x1F8A0] =	vst v63  }
.Ltmp15:
0x3b1: {  	(pc) =	sbr.rel .LBB2_13-.Ltmp15, $4  }
0x3b2: {  	s4 =	sshrl.u32 s4, $0x2  }
0x3b3: {  	s4 =	sadd.s32 s4, s3  }
0x3b4: {  	s1 =	sadd.s32 $0x1, s1;
	s4 =	sadd.s32 $0x3000, s4  }
0x3b5: {  	[tilespmem:s21], [sflag:$0x3] =	stream.linear.gather [spmem:s4], $0x1000, $0x38;
	[tilespmem:$0x1F8A0] =	vst v63  }
.LBB2_23:
0x3b6: {  	s1 =	simm.s32 $0x4  }
0x3b7: {  	_ =	swait.ge [sflag:s1], $0x1000  }
0x3b8: {  	[sflag:s1] =	ssyncset.done $0x0  }
0x3b9: {  	[sflag:s1] =	ssyncadd.s32 $0xFFFFF000  }
0x3ba: {  	_ =	swait.ge [sflag:s28], $0x1000  }
0x3bb: {  	s17 =	simm.s32 $0x0;
	[sflag:s28] =	ssyncset.done $0x0  }
0x3bc: {  	s19 =	simm.s32 $0x1;
	s4 =	rddreg [dreg:$0x8];
	[sflag:s28] =	ssyncadd.s32 $0xFFFFF000  }
0x3bd: {  	[tilespmem:s18], [sflag:$0x1] =	stream.linear.gather [hbm4b:s4+s17], $0x186A0, $0x38;
	[tilespmem:$0x1F8A0] =	vst v63  }
0x3be: {  	_ =	swait.ge [sflag:s19], $0x186A0  }
0x3bf: {  	[sflag:s19] =	ssyncset.done $0x0  }
0x3c0: {  	[sflag:s19] =	ssyncadd.s32 $0xFFFE7960  }
0x3c1: {  	[bflag:$0x0] =	sbarrier.arrive $0xFFFF  }
0x3c2: {  	s1 =	simm.s32 @!p0 $0x1C06;
	s4 =	rddreg [dreg:$0x0]  }
0x3c3: {  	[spmem:s0], [sflag:s1] =	dma.local @!p0 [hbm:s4], $0x6400  }
0x3c4: {  	s1 =	simm.s32 @!p0 $0x6  }
0x3c5: {  	_ =	swait.ge @!p0 [sflag:s1], $0x6400  }
0x3c6: {  	[sflag:s1] =	ssyncset.done @!p0 $0x0  }
0x3c7: {  	[sflag:s1] =	ssyncadd.s32 @!p0 $0xFFFF9C00  }
0x3c8: {  	[bflag:$0x0] =	sbarrier.arrive $0xFFFF  }
0x3c9: {  	[tilespmem:s20], [sflag:$0x2] =	stream.linear.gather [spmem:s3], $0x1000, $0x38;
	[tilespmem:$0x1F8A0] =	vst v63  }
0x3ca: {  	s1 =	simm.s32 $0x0;
	s30 =	rddreg [dreg:$0x6]  }
0x3cb: {  	[tilespmem:s21], [sflag:$0x3] =	stream.linear.gather [spmem:s30], $0x1000, $0x38;
	[tilespmem:$0x1F8A0] =	vst v63  }
.LBB2_24:
0x3cc: {  	_ =	swait.ge [sflag:s22], $0x1000  }
0x3cd: {  	p1 =	seq.s32 s1, $0x0;
	[sflag:s22] =	ssyncset.done $0x0  }
0x3ce: {  	s4 =	simm.s32 @!p1 $0x4;
	[sflag:s22] =	ssyncadd.s32 $0xFFFFF000  }
0x3cf: {  	_ =	swait.ge @!p1 [sflag:s4], $0x1000  }
0x3d0: {  	[sflag:s4] =	ssyncset.done @!p1 $0x0  }
0x3d1: {  	s30 =	simm.s32 $0x1B9A0;
	[sflag:s4] =	ssyncadd.s32 @!p1 $0xFFFFF000  }
0x3d2: {  	v0 =	vld [tilespmem:s30+$0x80]  }
0x3d3: {  	v1 =	vld [tilespmem:s30+$0xFFFFFF80]  }
0x3d4: {  	v2 =	vld [tilespmem:s30+$0x0];
	_ =	sdelay $0x2  }
0x3d5: {  	v3 =	vld [tilespmem:s30+$0xFFFFFF00];
	_ =	sdelay $0x2  }
0x3d6: {  	v0 =	vld.idx.msk [tilespmem:v0+s18+$0x0], $0xffff  }
0x3d7: {  	v1 =	vld.idx.msk [tilespmem:v1+s18+$0x0], $0xffff  }
0x3d8: {  	v2 =	vld.idx.msk [tilespmem:v2+s18+$0x0], $0xffff;
	_ =	sdelay $0x1  }
0x3d9: {  	s5 =	simm.s32 $0x1D9A0  }
0x3da: {  	v3 =	vld.idx.msk [tilespmem:v3+s18+$0x0], $0xffff;
	[tilespmem:s5+$0x80] =	vst v0  }
0x3db: {  	[tilespmem:s5+$0xFFFFFF80] =	vst v1;
	v0 =	vld [tilespmem:s30+$0x90]  }
0x3dc: {  	[tilespmem:s5+$0x0] =	vst v2;
	v1 =	vld [tilespmem:s30+$0xFFFFFF90]  }
0x3dd: {  	v2 =	vld [tilespmem:s30+$0x10];
	_ =	sdelay $0x1  }
0x3de: {  	[tilespmem:s5+$0xFFFFFF00] =	vst v3  }
0x3df: {  	v3 =	vld [tilespmem:s30+$0xFFFFFF10];
	_ =	sdelay $0x2  }
0x3e0: {  	v0 =	vld.idx.msk [tilespmem:v0+s18+$0x0], $0xffff  }
0x3e1: {  	v1 =	vld.idx.msk [tilespmem:v1+s18+$0x0], $0xffff  }
0x3e2: {  	v2 =	vld.idx.msk [tilespmem:v2+s18+$0x0], $0xffff;
	_ =	sdelay $0x2  }
0x3e3: {  	v3 =	vld.idx.msk [tilespmem:v3+s18+$0x0], $0xffff;
	[tilespmem:s5+$0x90] =	vst v0  }
0x3e4: {  	[tilespmem:s5+$0xFFFFFF90] =	vst v1;
	v0 =	vld [tilespmem:s30+$0xA0]  }
0x3e5: {  	[tilespmem:s5+$0x10] =	vst v2;
	v1 =	vld [tilespmem:s30+$0xFFFFFFA0]  }
0x3e6: {  	v2 =	vld [tilespmem:s30+$0x20];
	_ =	sdelay $0x1  }
0x3e7: {  	[tilespmem:s5+$0xFFFFFF10] =	vst v3  }
0x3e8: {  	v3 =	vld [tilespmem:s30+$0xFFFFFF20]  }
0x3e9: {  	s13 =	simm.s32 $0x1BBA0  }
0x3ea: {  	v4 =	vld [tilespmem:s13+$0x80]  }
0x3eb: {  	v0 =	vld.idx.msk [tilespmem:v0+s18+$0x0], $0xffff  }
0x3ec: {  	v1 =	vld.idx.msk [tilespmem:v1+s18+$0x0], $0xffff  }
0x3ed: {  	v2 =	vld.idx.msk [tilespmem:v2+s18+$0x0], $0xffff;
	_ =	sdelay $0x1  }
0x3ee: {  	v5 =	vld [tilespmem:s13+$0xFFFFFF80]  }
0x3ef: {  	v3 =	vld.idx.msk [tilespmem:v3+s18+$0x0], $0xffff;
	[tilespmem:s5+$0xA0] =	vst v0  }
0x3f0: {  	[tilespmem:s5+$0xFFFFFFA0] =	vst v1;
	v0 =	vld [tilespmem:s30+$0xB0]  }
0x3f1: {  	[tilespmem:s5+$0x20] =	vst v2;
	v1 =	vld [tilespmem:s30+$0xFFFFFFB0]  }
0x3f2: {  	v2 =	vld [tilespmem:s30+$0x30];
	_ =	sdelay $0x1  }
0x3f3: {  	v4 =	vld.idx.msk [tilespmem:v4+s18+$0x0], $0xffff;
	[tilespmem:s5+$0xFFFFFF20] =	vst v3  }
0x3f4: {  	v3 =	vld [tilespmem:s30+$0xFFFFFF30]  }
0x3f5: {  	v5 =	vld.idx.msk [tilespmem:v5+s18+$0x0], $0xffff  }
0x3f6: {  	v6 =	vld [tilespmem:s13+$0x0]  }
0x3f7: {  	v0 =	vld.idx.msk [tilespmem:v0+s18+$0x0], $0xffff  }
0x3f8: {  	s17 =	simm.s32 $0x1DBA0;
	v1 =	vld.idx.msk [tilespmem:v1+s18+$0x0], $0xffff  }
0x3f9: {  	[tilespmem:s17+$0x80] =	vst v4;
	v2 =	vld.idx.msk [tilespmem:v2+s18+$0x0], $0xffff  }
0x3fa: {  	[tilespmem:s17+$0xFFFFFF80] =	vst v5;
	v4 =	vld [tilespmem:s13+$0x90]  }
0x3fb: {  	v5 =	vld [tilespmem:s13+$0xFFFFFF90]  }
0x3fc: {  	v3 =	vld.idx.msk [tilespmem:v3+s18+$0x0], $0xffff;
	[tilespmem:s5+$0xB0] =	vst v0  }
0x3fd: {  	[tilespmem:s5+$0xFFFFFFB0] =	vst v1;
	v0 =	vld [tilespmem:s30+$0xC0]  }
0x3fe: {  	[tilespmem:s5+$0x30] =	vst v2;
	v1 =	vld [tilespmem:s30+$0xFFFFFFC0]  }
0x3ff: {  	v2 =	vld [tilespmem:s30+$0x40]  }
0x400: {  	v7 =	vld [tilespmem:s13+$0xFFFFFF00]  }
0x401: {  	v6 =	vld.idx.msk [tilespmem:v6+s18+$0x0], $0xffff  }
0x402: {  	v4 =	vld.idx.msk [tilespmem:v4+s18+$0x0], $0xffff;
	[tilespmem:s5+$0xFFFFFF30] =	vst v3  }
0x403: {  	v3 =	vld [tilespmem:s30+$0xFFFFFF40]  }
0x404: {  	v5 =	vld.idx.msk [tilespmem:v5+s18+$0x0], $0xffff  }
0x405: {  	v0 =	vld.idx.msk [tilespmem:v0+s18+$0x0], $0xffff  }
0x406: {  	v1 =	vld.idx.msk [tilespmem:v1+s18+$0x0], $0xffff  }
0x407: {  	[tilespmem:s17+$0x0] =	vst v6;
	v2 =	vld.idx.msk [tilespmem:v2+s18+$0x0], $0xffff  }
0x408: {  	[tilespmem:s17+$0x90] =	vst v4  }
0x409: {  	v7 =	vld.idx.msk [tilespmem:v7+s18+$0x0], $0xffff;
	[tilespmem:s17+$0xFFFFFF90] =	vst v5  }
0x40a: {  	v5 =	vld [tilespmem:s13+$0xA0];
	[tilespmem:s5+$0xC0] =	vst v0  }
0x40b: {  	[tilespmem:s5+$0xFFFFFFC0] =	vst v1;
	v1 =	vld.idx.msk [tilespmem:v3+s18+$0x0], $0xffff  }
0x40c: {  	[tilespmem:s5+$0x40] =	vst v2;
	v2 =	vld [tilespmem:s13+$0x10]  }
0x40d: {  	v0 =	vld [tilespmem:s30+$0xD0]  }
0x40e: {  	v3 =	vld [tilespmem:s30+$0xFFFFFFD0]  }
0x40f: {  	[tilespmem:s17+$0xFFFFFF00] =	vst v7;
	v6 =	vld [tilespmem:s30+$0x50]  }
0x410: {  	[tilespmem:s5+$0xFFFFFF40] =	vst v1;
	v1 =	vld [tilespmem:s13+$0xFFFFFF10]  }
0x411: {  	v7 =	vld [tilespmem:s30+$0xFFFFFF50];
	_ =	sdelay $0x1  }
0x412: {  	v5 =	vld.idx.msk [tilespmem:v5+s18+$0x0], $0xffff  }
0x413: {  	v2 =	vld.idx.msk [tilespmem:v2+s18+$0x0], $0xffff  }
0x414: {  	v0 =	vld.idx.msk [tilespmem:v0+s18+$0x0], $0xffff  }
0x415: {  	v3 =	vld.idx.msk [tilespmem:v3+s18+$0x0], $0xffff  }
0x416: {  	v6 =	vld.idx.msk [tilespmem:v6+s18+$0x0], $0xffff  }
0x417: {  	v1 =	vld.idx.msk [tilespmem:v1+s18+$0x0], $0xffff  }
0x418: {  	v4 =	vld.idx.msk [tilespmem:v7+s18+$0x0], $0xffff  }
0x419: {  	[tilespmem:s17+$0x10] =	vst v2;
	v7 =	vld [tilespmem:s13+$0xFFFFFFA0]  }
0x41a: {  	[tilespmem:s5+$0xD0] =	vst v0;
	v2 =	vld [tilespmem:s13+$0x20]  }
0x41b: {  	[tilespmem:s5+$0xFFFFFFD0] =	vst v3;
	v0 =	vld [tilespmem:s30+$0xE0]  }
0x41c: {  	v3 =	vld [tilespmem:s30+$0xFFFFFFE0];
	[tilespmem:s17+$0xFFFFFF10] =	vst v1  }
0x41d: {  	v1 =	vld [tilespmem:s13+$0xFFFFFF20];
	[tilespmem:s5+$0xFFFFFF50] =	vst v4  }
0x41e: {  	[tilespmem:s17+$0xA0] =	vst v5;
	v4 =	vld [tilespmem:s30+$0xFFFFFF60]  }
0x41f: {  	v5 =	vld [tilespmem:s13+$0xB0];
	[tilespmem:s5+$0x50] =	vst v6  }
0x420: {  	v6 =	vld [tilespmem:s30+$0x60]  }
0x421: {  	v7 =	vld.idx.msk [tilespmem:v7+s18+$0x0], $0xffff  }
0x422: {  	v2 =	vld.idx.msk [tilespmem:v2+s18+$0x0], $0xffff  }
0x423: {  	v0 =	vld.idx.msk [tilespmem:v0+s18+$0x0], $0xffff  }
0x424: {  	v3 =	vld.idx.msk [tilespmem:v3+s18+$0x0], $0xffff  }
0x425: {  	v1 =	vld.idx.msk [tilespmem:v1+s18+$0x0], $0xffff  }
0x426: {  	[tilespmem:s17+$0xFFFFFFA0] =	vst v7;
	v4 =	vld.idx.msk [tilespmem:v4+s18+$0x0], $0xffff  }
0x427: {  	[tilespmem:s17+$0x20] =	vst v2;
	v7 =	vld [tilespmem:s13+$0xFFFFFFB0]  }
0x428: {  	[tilespmem:s5+$0xE0] =	vst v0;
	v2 =	vld [tilespmem:s13+$0x30]  }
0x429: {  	v0 =	vld [tilespmem:s30+$0xF0]  }
0x42a: {  	v6 =	vld.idx.msk [tilespmem:v6+s18+$0x0], $0xffff;
	[tilespmem:s17+$0xFFFFFF20] =	vst v1  }
0x42b: {  	v1 =	vld [tilespmem:s13+$0xFFFFFF30];
	[tilespmem:s5+$0xFFFFFF60] =	vst v4  }
0x42c: {  	v4 =	vld [tilespmem:s30+$0xFFFFFF70]  }
0x42d: {  	[tilespmem:s5+$0xFFFFFFE0] =	vst v3;
	v3 =	vld.idx.msk [tilespmem:v5+s18+$0x0], $0xffff  }
0x42e: {  	v9 =	vld [tilespmem:s30+$0xFFFFFFF0]  }
0x42f: {  	v5 =	vld.idx.msk [tilespmem:v7+s18+$0x0], $0xffff  }
0x430: {  	v2 =	vld.idx.msk [tilespmem:v2+s18+$0x0], $0xffff  }
0x431: {  	[tilespmem:s5+$0x60] =	vst v6;
	v8 =	vld.idx.msk [tilespmem:v0+s18+$0x0], $0xffff  }
0x432: {  	v0 =	vld [tilespmem:s30+$0x70]  }
0x433: {  	v6 =	vld.idx.msk [tilespmem:v1+s18+$0x0], $0xffff  }
0x434: {  	[tilespmem:s17+$0xB0] =	vst v3;
	v1 =	vld.idx.msk [tilespmem:v4+s18+$0x0], $0xffff  }
0x435: {  	[tilespmem:s17+$0xFFFFFFB0] =	vst v5;
	v4 =	vld [tilespmem:s13+$0xC0]  }
0x436: {  	[tilespmem:s17+$0x30] =	vst v2;
	v2 =	vld.idx.msk [tilespmem:v9+s18+$0x0], $0xffff  }
0x437: {  	s6 =	simm.s32 $0x4;
	v3 =	vld [tilespmem:s13+$0xFFFFFFC0]  }
0x438: {  	s19 =	simm.s32 $0x1BDA0;
	s10 =	simm.s32 $0x1DBA0;
	s4 =	sshll.u32 s1, $0xF;
	v5 =	vld [tilespmem:s13+$0x40];
	[tilespmem:s5+$0xF0] =	vst v8  }
.LBB2_25:
0x439: {  	v7 =	vld [tilespmem:s19+$0x80];
	s6 =	sadd.s32 $0x4, s6;
	[tilespmem:s17+$0xFFFFFF30] =	vst v6  }
0x43a: {  	v6 =	vld [tilespmem:s19+$0xFFFFFF80];
	p2 =	slt.u32 s6, $0x1C;
	[tilespmem:s5+$0xFFFFFF70] =	vst v1  }
0x43b: {  	v1 =	vld [tilespmem:s19+$0x0]  }
0x43c: {  	v8 =	vld [tilespmem:s19+$0xFFFFFF00]  }
0x43d: {  	v4 =	vld.idx.msk [tilespmem:v4+s18+$0x0], $0xffff  }
0x43e: {  	v9 =	vld [tilespmem:s13+$0xFFFFFF40];
	[tilespmem:s5+$0xFFFFFFF0] =	vst v2  }
0x43f: {  	v2 =	vld.idx.msk [tilespmem:v3+s18+$0x0], $0xffff  }
0x440: {  	v3 =	vld.idx.msk [tilespmem:v5+s18+$0x0], $0xffff  }
0x441: {  	v5 =	vld.idx.msk [tilespmem:v7+s18+$0x0], $0xffff  }
0x442: {  	v6 =	vld.idx.msk [tilespmem:v6+s18+$0x0], $0xffff  }
0x443: {  	v1 =	vld.idx.msk [tilespmem:v1+s18+$0x0], $0xffff;
	[tilespmem:s17+$0xC0] =	vst v4  }
0x444: {  	v4 =	vld [tilespmem:s13+$0xD0]  }
0x445: {  	v7 =	vld.idx.msk [tilespmem:v8+s18+$0x0], $0xffff;
	[tilespmem:s17+$0xFFFFFFC0] =	vst v2  }
0x446: {  	s17 =	sadd.s32 $0x200, s17;
	v2 =	vld.idx.msk [tilespmem:v9+s18+$0x0], $0xffff;
	[tilespmem:s10+$0x40] =	vst v3  }
0x447: {  	[tilespmem:s17+$0x80] =	vst v5;
	v3 =	vld [tilespmem:s13+$0xFFFFFFD0]  }
0x448: {  	[tilespmem:s17+$0xFFFFFF80] =	vst v6;
	v5 =	vld [tilespmem:s19+$0x90]  }
0x449: {  	v6 =	vld [tilespmem:s19+$0xFFFFFF90];
	[tilespmem:s17+$0x0] =	vst v1  }
0x44a: {  	v1 =	vld [tilespmem:s19+$0x10]  }
0x44b: {  	[tilespmem:s17+$0xFFFFFF00] =	vst v7;
	v7 =	vld [tilespmem:s13+$0x50]  }
0x44c: {  	[tilespmem:s10+$0xFFFFFF40] =	vst v2;
	v2 =	vld.idx.msk [tilespmem:v4+s18+$0x0], $0xffff  }
0x44d: {  	v4 =	vld [tilespmem:s19+$0xFFFFFF10]  }
0x44e: {  	v8 =	vld [tilespmem:s13+$0xFFFFFF50]  }
0x44f: {  	v3 =	vld.idx.msk [tilespmem:v3+s18+$0x0], $0xffff  }
0x450: {  	v5 =	vld.idx.msk [tilespmem:v5+s18+$0x0], $0xffff  }
0x451: {  	v6 =	vld.idx.msk [tilespmem:v6+s18+$0x0], $0xffff  }
0x452: {  	v1 =	vld.idx.msk [tilespmem:v1+s18+$0x0], $0xffff;
	[tilespmem:s10+$0xD0] =	vst v2  }
0x453: {  	v2 =	vld [tilespmem:s13+$0xE0]  }
0x454: {  	v7 =	vld.idx.msk [tilespmem:v7+s18+$0x0], $0xffff  }
0x455: {  	v4 =	vld.idx.msk [tilespmem:v4+s18+$0x0], $0xffff;
	[tilespmem:s10+$0xFFFFFFD0] =	vst v3  }
0x456: {  	[tilespmem:s17+$0x90] =	vst v5;
	v3 =	vld.idx.msk [tilespmem:v8+s18+$0x0], $0xffff  }
0x457: {  	[tilespmem:s17+$0xFFFFFF90] =	vst v6;
	v5 =	vld [tilespmem:s19+$0xA0]  }
0x458: {  	v6 =	vld [tilespmem:s19+$0xFFFFFFA0];
	[tilespmem:s17+$0x10] =	vst v1  }
0x459: {  	v1 =	vld [tilespmem:s19+$0x20]  }
0x45a: {  	v8 =	vld [tilespmem:s13+$0xFFFFFFE0];
	[tilespmem:s10+$0x50] =	vst v7  }
0x45b: {  	[tilespmem:s17+$0xFFFFFF10] =	vst v4;
	v2 =	vld.idx.msk [tilespmem:v2+s18+$0x0], $0xffff  }
0x45c: {  	v4 =	vld [tilespmem:s19+$0xFFFFFF20];
	[tilespmem:s10+$0xFFFFFF50] =	vst v3  }
0x45d: {  	v3 =	vld [tilespmem:s13+$0xFFFFFF60]  }
0x45e: {  	v7 =	vld [tilespmem:s13+$0x60]  }
0x45f: {  	v5 =	vld.idx.msk [tilespmem:v5+s18+$0x0], $0xffff  }
0x460: {  	v6 =	vld.idx.msk [tilespmem:v6+s18+$0x0], $0xffff  }
0x461: {  	v1 =	vld.idx.msk [tilespmem:v1+s18+$0x0], $0xffff;
	[tilespmem:s10+$0xE0] =	vst v2  }
0x462: {  	v2 =	vld [tilespmem:s13+$0xF0]  }
0x463: {  	v8 =	vld.idx.msk [tilespmem:v8+s18+$0x0], $0xffff  }
0x464: {  	v4 =	vld.idx.msk [tilespmem:v4+s18+$0x0], $0xffff  }
0x465: {  	[tilespmem:s17+$0xA0] =	vst v5;
	v3 =	vld.idx.msk [tilespmem:v3+s18+$0x0], $0xffff  }
0x466: {  	[tilespmem:s17+$0xFFFFFFA0] =	vst v6;
	v5 =	vld [tilespmem:s19+$0xB0]  }
0x467: {  	v6 =	vld [tilespmem:s19+$0xFFFFFFB0];
	[tilespmem:s17+$0x20] =	vst v1  }
0x468: {  	v1 =	vld [tilespmem:s19+$0x30]  }
0x469: {  	[tilespmem:s10+$0xFFFFFFE0] =	vst v8;
	v7 =	vld.idx.msk [tilespmem:v7+s18+$0x0], $0xffff  }
0x46a: {  	[tilespmem:s17+$0xFFFFFF20] =	vst v4;
	v2 =	vld.idx.msk [tilespmem:v2+s18+$0x0], $0xffff  }
0x46b: {  	v4 =	vld [tilespmem:s19+$0xFFFFFF30];
	[tilespmem:s10+$0xFFFFFF60] =	vst v3  }
0x46c: {  	v3 =	vld [tilespmem:s13+$0xFFFFFF70]  }
0x46d: {  	v8 =	vld [tilespmem:s13+$0xFFFFFFF0]  }
0x46e: {  	v5 =	vld.idx.msk [tilespmem:v5+s18+$0x0], $0xffff  }
0x46f: {  	v9 =	vld.idx.msk [tilespmem:v6+s18+$0x0], $0xffff;
	[tilespmem:s10+$0x60] =	vst v7  }
0x470: {  	v7 =	vld.idx.msk [tilespmem:v1+s18+$0x0], $0xffff;
	[tilespmem:s10+$0xF0] =	vst v2  }
0x471: {  	v2 =	vld [tilespmem:s13+$0x70];
	s13 =	smov.u32 s19  }
0x472: {  	v10 =	vld.idx.msk [tilespmem:v0+s18+$0x0], $0xffff  }
0x473: {  	v6 =	vld.idx.msk [tilespmem:v4+s18+$0x0], $0xffff  }
.Ltmp16:
0x474: {  	[tilespmem:s17+$0xB0] =	vst v5;
	v1 =	vld.idx.msk [tilespmem:v3+s18+$0x0], $0xffff;
	(pc) =	sbr.rel @p2 .LBB2_25-.Ltmp16, $4  }
0x475: {  	[tilespmem:s17+$0xFFFFFFB0] =	vst v9;
	v4 =	vld [tilespmem:s19+$0xC0]  }
0x476: {  	v3 =	vld [tilespmem:s19+$0xFFFFFFC0];
	[tilespmem:s17+$0x30] =	vst v7;
	v0 =	vmov v2  }
0x477: {  	v5 =	vld [tilespmem:s19+$0x40]  }
0x478: {  	s19 =	sadd.s32 $0x200, s19;
	v2 =	vld.idx.msk [tilespmem:v8+s18+$0x0], $0xffff;
	[tilespmem:s5+$0x70] =	vst v10;
	s5 =	smov.u32 s10;
	s10 =	smov.u32 s17  }
0x479: {  	[tilespmem:s17+$0xFFFFFF30] =	vst v6  }
0x47a: {  	v6 =	vld [tilespmem:s13+$0xFFFFFF40];
	_ =	sdelay $0x4  }
0x47b: {  	v4 =	vld.idx.msk [tilespmem:v4+s18+$0x0], $0xffff  }
0x47c: {  	v3 =	vld.idx.msk [tilespmem:v3+s18+$0x0], $0xffff  }
0x47d: {  	v5 =	vld.idx.msk [tilespmem:v5+s18+$0x0], $0xffff  }
0x47e: {  	v6 =	vld.idx.msk [tilespmem:v6+s18+$0x0], $0xffff;
	_ =	sdelay $0x1  }
0x47f: {  	[tilespmem:s17+$0xC0] =	vst v4  }
0x480: {  	v4 =	vld [tilespmem:s13+$0xD0];
	[tilespmem:s17+$0xFFFFFFC0] =	vst v3  }
0x481: {  	[tilespmem:s10+$0x40] =	vst v5;
	v60 =	vld [tilespmem:s13+$0xFFFFFFD0]  }
0x482: {  	v61 =	vld [tilespmem:s13+$0x50];
	[tilespmem:s10+$0xFFFFFF40] =	vst v6  }
0x483: {  	v59 =	vld [tilespmem:s13+$0xFFFFFF50];
	_ =	sdelay $0x4  }
0x484: {  	v4 =	vld.idx.msk [tilespmem:v4+s18+$0x0], $0xffff  }
0x485: {  	v5 =	vld.idx.msk [tilespmem:v60+s18+$0x0], $0xffff  }
0x486: {  	v6 =	vld.idx.msk [tilespmem:v61+s18+$0x0], $0xffff  }
0x487: {  	v3 =	vld.idx.msk [tilespmem:v59+s18+$0x0], $0xffff;
	_ =	sdelay $0x1  }
0x488: {  	[tilespmem:s10+$0xD0] =	vst v4  }
0x489: {  	v4 =	vld [tilespmem:s13+$0xE0];
	[tilespmem:s10+$0xFFFFFFD0] =	vst v5  }
0x48a: {  	v5 =	vld [tilespmem:s13+$0xFFFFFFE0];
	[tilespmem:s10+$0x50] =	vst v6  }
0x48b: {  	v6 =	vld [tilespmem:s13+$0x60];
	[tilespmem:s10+$0xFFFFFF50] =	vst v3  }
0x48c: {  	v3 =	vld [tilespmem:s13+$0xFFFFFF60];
	_ =	sdelay $0x4  }
0x48d: {  	v4 =	vld.idx.msk [tilespmem:v4+s18+$0x0], $0xffff  }
0x48e: {  	v5 =	vld.idx.msk [tilespmem:v5+s18+$0x0], $0xffff  }
0x48f: {  	v6 =	vld.idx.msk [tilespmem:v6+s18+$0x0], $0xffff  }
0x490: {  	v3 =	vld.idx.msk [tilespmem:v3+s18+$0x0], $0xffff;
	_ =	sdelay $0x1  }
0x491: {  	[tilespmem:s10+$0xE0] =	vst v4  }
0x492: {  	v4 =	vld [tilespmem:s13+$0xF0];
	[tilespmem:s10+$0xFFFFFFE0] =	vst v5  }
0x493: {  	v5 =	vld [tilespmem:s13+$0xFFFFFFF0];
	[tilespmem:s10+$0x60] =	vst v6  }
0x494: {  	v6 =	vld [tilespmem:s13+$0x70];
	[tilespmem:s10+$0xFFFFFF60] =	vst v3  }
0x495: {  	v3 =	vld [tilespmem:s13+$0xFFFFFF70];
	_ =	sdelay $0x3  }
0x496: {  	v0 =	vld.idx.msk [tilespmem:v0+s18+$0x0], $0xffff  }
0x497: {  	v4 =	vld.idx.msk [tilespmem:v4+s18+$0x0], $0xffff  }
0x498: {  	v62 =	vld.idx.msk [tilespmem:v5+s18+$0x0], $0xffff  }
0x499: {  	[tilespmem:s5+$0xFFFFFF70] =	vst v1;
	v63 =	vld.idx.msk [tilespmem:v6+s18+$0x0], $0xffff  }
0x49a: {  	[tilespmem:s5+$0xFFFFFFF0] =	vst v2;
	v3 =	vld.idx.msk [tilespmem:v3+s18+$0x0], $0xffff  }
0x49b: {  	p2 =	sne.s32 s1, $0x18;
	[tilespmem:s5+$0x70] =	vst v0  }
.Ltmp17:
0x49c: {  	s30 =	sshll.u32 s1, $0x10;
	[tilespmem:s10+$0xF0] =	vst v4;
	(pc) =	sbr.rel @p2 .LBB2_28-.Ltmp17, $4  }
0x49d: {  	s5 =	sor.u32 s30, s14;
	[tilespmem:s10+$0xFFFFFFF0] =	vst v62  }
0x49e: {  	s5 =	sor.u32 s7, s5;
	[tilespmem:s10+$0x70] =	vst v63  }
0x49f: {  	s6 =	sadd.s32 s2, s5;
	[tilespmem:s10+$0xFFFFFF70] =	vst v3  }
0x4a0: {  	[hbm4b:s6+s23] =	stream.strided.scatter [tilespmem:s25], [sflag:$0x4], $0x1000, s24, s23, $0x38;
	[tilespmem:$0x1F8A0] =	vst v63  }
.Ltmp18:
0x4a1: {  	(pc) =	sbr.rel .LBB2_29-.Ltmp18, $4  }
0x4a2: {  	_ = 	snop  }
0x4a3: {  	_ =	swait.ge [sflag:s26], $0x1000  }
0x4a4: {  	[sflag:s26] =	ssyncset.done $0x0  }
0x4a5: {  	[sflag:s26] =	ssyncadd.s32 $0xFFFFF000  }
.LBB2_28:
0x4a6: {  	s6 =	sshrl.u32 s4, $0x2  }
0x4a7: {  	s6 =	sadd.s32 s6, s3  }
.Ltmp19:
0x4a8: {  	s6 =	sadd.s32 $0x2000, s6;
	(pc) =	sbr.rel @p1 .LBB2_30-.Ltmp19, $4  }
0x4a9: {  	[tilespmem:s20], [sflag:$0x2] =	stream.linear.gather [spmem:s6], $0x1000, $0x38;
	[tilespmem:$0x1F8A0] =	vst v63  }
0x4aa: {  	_ =	swait.ge [sflag:s26], $0x1000  }
0x4ab: {  	[sflag:s26] =	ssyncset.done $0x0  }
0x4ac: {  	[sflag:s26] =	ssyncadd.s32 $0xFFFFF000  }
.LBB2_29:
0x4ad: {  	_ =	swait.ge [sflag:s28], $0x1000  }
0x4ae: {  	[sflag:s28] =	ssyncset.done $0x0  }
0x4af: {  	[sflag:s28] =	ssyncadd.s32 $0xFFFFF000  }
.LBB2_30:
0x4b0: {  	s6 =	simm.s32 $0x1CA90  }
0x4b1: {  	v0 =	vld [tilespmem:s6+$0xFFFFFF90]  }
0x4b2: {  	v1 =	vld [tilespmem:s6+$0xFFFFFE90]  }
0x4b3: {  	v2 =	vld [tilespmem:s6+$0xFFFFFF10];
	_ =	sdelay $0x2  }
0x4b4: {  	v3 =	vld [tilespmem:s6+$0xFFFFFE10];
	_ =	sdelay $0x2  }
0x4b5: {  	v0 =	vld.idx.msk [tilespmem:v0+s18+$0x0], $0xffff  }
0x4b6: {  	v1 =	vld.idx.msk [tilespmem:v1+s18+$0x0], $0xffff  }
0x4b7: {  	v2 =	vld.idx.msk [tilespmem:v2+s18+$0x0], $0xffff;
	_ =	sdelay $0x1  }
0x4b8: {  	s13 =	simm.s32 $0x1EA90  }
0x4b9: {  	v3 =	vld.idx.msk [tilespmem:v3+s18+$0x0], $0xffff;
	[tilespmem:s13+$0xFFFFFF90] =	vst v0  }
0x4ba: {  	[tilespmem:s13+$0xFFFFFE90] =	vst v1;
	v0 =	vld [tilespmem:s6+$0xFFFFFFA0]  }
0x4bb: {  	[tilespmem:s13+$0xFFFFFF10] =	vst v2;
	v1 =	vld [tilespmem:s6+$0xFFFFFEA0]  }
0x4bc: {  	v2 =	vld [tilespmem:s6+$0xFFFFFF20];
	_ =	sdelay $0x1  }
0x4bd: {  	[tilespmem:s13+$0xFFFFFE10] =	vst v3  }
0x4be: {  	v3 =	vld [tilespmem:s6+$0xFFFFFE20];
	_ =	sdelay $0x2  }
0x4bf: {  	v0 =	vld.idx.msk [tilespmem:v0+s18+$0x0], $0xffff  }
0x4c0: {  	v1 =	vld.idx.msk [tilespmem:v1+s18+$0x0], $0xffff  }
0x4c1: {  	v2 =	vld.idx.msk [tilespmem:v2+s18+$0x0], $0xffff;
	_ =	sdelay $0x2  }
0x4c2: {  	v3 =	vld.idx.msk [tilespmem:v3+s18+$0x0], $0xffff;
	[tilespmem:s13+$0xFFFFFFA0] =	vst v0  }
0x4c3: {  	[tilespmem:s13+$0xFFFFFEA0] =	vst v1;
	v0 =	vld [tilespmem:s6+$0xFFFFFFB0]  }
0x4c4: {  	[tilespmem:s13+$0xFFFFFF20] =	vst v2;
	v1 =	vld [tilespmem:s6+$0xFFFFFEB0]  }
0x4c5: {  	v2 =	vld [tilespmem:s6+$0xFFFFFF30];
	_ =	sdelay $0x1  }
0x4c6: {  	[tilespmem:s13+$0xFFFFFE20] =	vst v3  }
0x4c7: {  	v3 =	vld [tilespmem:s6+$0xFFFFFE30]  }
0x4c8: {  	s17 =	simm.s32 $0x1CC90  }
0x4c9: {  	v4 =	vld [tilespmem:s17+$0xFFFFFF90]  }
0x4ca: {  	v0 =	vld.idx.msk [tilespmem:v0+s18+$0x0], $0xffff  }
0x4cb: {  	v1 =	vld.idx.msk [tilespmem:v1+s18+$0x0], $0xffff  }
0x4cc: {  	v2 =	vld.idx.msk [tilespmem:v2+s18+$0x0], $0xffff;
	_ =	sdelay $0x1  }
0x4cd: {  	v5 =	vld [tilespmem:s17+$0xFFFFFE90]  }
0x4ce: {  	v3 =	vld.idx.msk [tilespmem:v3+s18+$0x0], $0xffff;
	[tilespmem:s13+$0xFFFFFFB0] =	vst v0  }
0x4cf: {  	[tilespmem:s13+$0xFFFFFEB0] =	vst v1;
	v0 =	vld [tilespmem:s6+$0xFFFFFFC0]  }
0x4d0: {  	[tilespmem:s13+$0xFFFFFF30] =	vst v2;
	v1 =	vld [tilespmem:s6+$0xFFFFFEC0]  }
0x4d1: {  	v2 =	vld [tilespmem:s6+$0xFFFFFF40];
	_ =	sdelay $0x1  }
0x4d2: {  	v4 =	vld.idx.msk [tilespmem:v4+s18+$0x0], $0xffff;
	[tilespmem:s13+$0xFFFFFE30] =	vst v3  }
0x4d3: {  	v3 =	vld [tilespmem:s6+$0xFFFFFE40]  }
0x4d4: {  	v5 =	vld.idx.msk [tilespmem:v5+s18+$0x0], $0xffff  }
0x4d5: {  	v6 =	vld [tilespmem:s17+$0xFFFFFF10]  }
0x4d6: {  	v0 =	vld.idx.msk [tilespmem:v0+s18+$0x0], $0xffff  }
0x4d7: {  	s10 =	simm.s32 $0x1EC90;
	v1 =	vld.idx.msk [tilespmem:v1+s18+$0x0], $0xffff  }
0x4d8: {  	[tilespmem:s10+$0xFFFFFF90] =	vst v4;
	v2 =	vld.idx.msk [tilespmem:v2+s18+$0x0], $0xffff  }
0x4d9: {  	[tilespmem:s10+$0xFFFFFE90] =	vst v5;
	v4 =	vld [tilespmem:s17+$0xFFFFFFA0]  }
0x4da: {  	v5 =	vld [tilespmem:s17+$0xFFFFFEA0]  }
0x4db: {  	v3 =	vld.idx.msk [tilespmem:v3+s18+$0x0], $0xffff;
	[tilespmem:s13+$0xFFFFFFC0] =	vst v0  }
0x4dc: {  	[tilespmem:s13+$0xFFFFFEC0] =	vst v1;
	v0 =	vld [tilespmem:s6+$0xFFFFFFD0]  }
0x4dd: {  	[tilespmem:s13+$0xFFFFFF40] =	vst v2;
	v1 =	vld [tilespmem:s6+$0xFFFFFED0]  }
0x4de: {  	v2 =	vld [tilespmem:s6+$0xFFFFFF50]  }
0x4df: {  	v7 =	vld [tilespmem:s17+$0xFFFFFE10]  }
0x4e0: {  	v6 =	vld.idx.msk [tilespmem:v6+s18+$0x0], $0xffff  }
0x4e1: {  	v4 =	vld.idx.msk [tilespmem:v4+s18+$0x0], $0xffff;
	[tilespmem:s13+$0xFFFFFE40] =	vst v3  }
0x4e2: {  	v3 =	vld [tilespmem:s6+$0xFFFFFE50]  }
0x4e3: {  	v5 =	vld.idx.msk [tilespmem:v5+s18+$0x0], $0xffff  }
0x4e4: {  	v0 =	vld.idx.msk [tilespmem:v0+s18+$0x0], $0xffff  }
0x4e5: {  	v1 =	vld.idx.msk [tilespmem:v1+s18+$0x0], $0xffff  }
0x4e6: {  	[tilespmem:s10+$0xFFFFFF10] =	vst v6;
	v2 =	vld.idx.msk [tilespmem:v2+s18+$0x0], $0xffff  }
0x4e7: {  	[tilespmem:s10+$0xFFFFFFA0] =	vst v4  }
0x4e8: {  	v7 =	vld.idx.msk [tilespmem:v7+s18+$0x0], $0xffff;
	[tilespmem:s10+$0xFFFFFEA0] =	vst v5  }
0x4e9: {  	v5 =	vld [tilespmem:s17+$0xFFFFFFB0];
	[tilespmem:s13+$0xFFFFFFD0] =	vst v0  }
0x4ea: {  	[tilespmem:s13+$0xFFFFFED0] =	vst v1;
	v1 =	vld.idx.msk [tilespmem:v3+s18+$0x0], $0xffff  }
0x4eb: {  	[tilespmem:s13+$0xFFFFFF50] =	vst v2;
	v2 =	vld [tilespmem:s17+$0xFFFFFF20]  }
0x4ec: {  	v0 =	vld [tilespmem:s6+$0xFFFFFFE0]  }
0x4ed: {  	v3 =	vld [tilespmem:s6+$0xFFFFFEE0]  }
0x4ee: {  	[tilespmem:s10+$0xFFFFFE10] =	vst v7;
	v6 =	vld [tilespmem:s6+$0xFFFFFF60]  }
0x4ef: {  	[tilespmem:s13+$0xFFFFFE50] =	vst v1;
	v1 =	vld [tilespmem:s17+$0xFFFFFE20]  }
0x4f0: {  	v7 =	vld [tilespmem:s6+$0xFFFFFE60];
	_ =	sdelay $0x1  }
0x4f1: {  	v5 =	vld.idx.msk [tilespmem:v5+s18+$0x0], $0xffff  }
0x4f2: {  	v2 =	vld.idx.msk [tilespmem:v2+s18+$0x0], $0xffff  }
0x4f3: {  	v0 =	vld.idx.msk [tilespmem:v0+s18+$0x0], $0xffff  }
0x4f4: {  	v3 =	vld.idx.msk [tilespmem:v3+s18+$0x0], $0xffff  }
0x4f5: {  	v6 =	vld.idx.msk [tilespmem:v6+s18+$0x0], $0xffff  }
0x4f6: {  	v1 =	vld.idx.msk [tilespmem:v1+s18+$0x0], $0xffff  }
0x4f7: {  	v4 =	vld.idx.msk [tilespmem:v7+s18+$0x0], $0xffff  }
0x4f8: {  	[tilespmem:s10+$0xFFFFFF20] =	vst v2;
	v7 =	vld [tilespmem:s17+$0xFFFFFEB0]  }
0x4f9: {  	[tilespmem:s13+$0xFFFFFFE0] =	vst v0;
	v2 =	vld [tilespmem:s17+$0xFFFFFF30]  }
0x4fa: {  	[tilespmem:s13+$0xFFFFFEE0] =	vst v3;
	v0 =	vld [tilespmem:s6+$0xFFFFFFF0]  }
0x4fb: {  	v3 =	vld [tilespmem:s6+$0xFFFFFEF0];
	[tilespmem:s10+$0xFFFFFE20] =	vst v1  }
0x4fc: {  	v1 =	vld [tilespmem:s17+$0xFFFFFE30];
	[tilespmem:s13+$0xFFFFFE60] =	vst v4  }
0x4fd: {  	[tilespmem:s10+$0xFFFFFFB0] =	vst v5;
	v4 =	vld [tilespmem:s6+$0xFFFFFE70]  }
0x4fe: {  	v5 =	vld [tilespmem:s17+$0xFFFFFFC0];
	[tilespmem:s13+$0xFFFFFF60] =	vst v6  }
0x4ff: {  	v6 =	vld [tilespmem:s6+$0xFFFFFF70]  }
0x500: {  	v7 =	vld.idx.msk [tilespmem:v7+s18+$0x0], $0xffff  }
0x501: {  	v2 =	vld.idx.msk [tilespmem:v2+s18+$0x0], $0xffff  }
0x502: {  	v0 =	vld.idx.msk [tilespmem:v0+s18+$0x0], $0xffff  }
0x503: {  	v3 =	vld.idx.msk [tilespmem:v3+s18+$0x0], $0xffff  }
0x504: {  	v1 =	vld.idx.msk [tilespmem:v1+s18+$0x0], $0xffff  }
0x505: {  	[tilespmem:s10+$0xFFFFFEB0] =	vst v7;
	v4 =	vld.idx.msk [tilespmem:v4+s18+$0x0], $0xffff  }
0x506: {  	[tilespmem:s10+$0xFFFFFF30] =	vst v2;
	v7 =	vld [tilespmem:s17+$0xFFFFFEC0]  }
0x507: {  	[tilespmem:s13+$0xFFFFFFF0] =	vst v0;
	v2 =	vld [tilespmem:s17+$0xFFFFFF40]  }
0x508: {  	v0 =	vld [tilespmem:s6+$0x0]  }
0x509: {  	v6 =	vld.idx.msk [tilespmem:v6+s18+$0x0], $0xffff;
	[tilespmem:s10+$0xFFFFFE30] =	vst v1  }
0x50a: {  	[tilespmem:s13+$0xFFFFFEF0] =	vst v3;
	v1 =	vld [tilespmem:s17+$0xFFFFFE40]  }
0x50b: {  	v3 =	vld.idx.msk [tilespmem:v5+s18+$0x0], $0xffff;
	[tilespmem:s13+$0xFFFFFE70] =	vst v4  }
0x50c: {  	v4 =	vld [tilespmem:s6+$0xFFFFFE80]  }
0x50d: {  	v9 =	vld [tilespmem:s6+$0xFFFFFF00]  }
0x50e: {  	v5 =	vld.idx.msk [tilespmem:v7+s18+$0x0], $0xffff  }
0x50f: {  	v2 =	vld.idx.msk [tilespmem:v2+s18+$0x0], $0xffff  }
0x510: {  	[tilespmem:s13+$0xFFFFFF70] =	vst v6;
	v8 =	vld.idx.msk [tilespmem:v0+s18+$0x0], $0xffff  }
0x511: {  	v0 =	vld [tilespmem:s6+$0xFFFFFF80]  }
0x512: {  	[tilespmem:s10+$0xFFFFFFC0] =	vst v3;
	v6 =	vld.idx.msk [tilespmem:v1+s18+$0x0], $0xffff  }
0x513: {  	[tilespmem:s10+$0xFFFFFEC0] =	vst v5;
	v5 =	vld [tilespmem:s17+$0xFFFFFFD0]  }
0x514: {  	v1 =	vld.idx.msk [tilespmem:v4+s18+$0x0], $0xffff  }
0x515: {  	[tilespmem:s10+$0xFFFFFF40] =	vst v2;
	v2 =	vld.idx.msk [tilespmem:v9+s18+$0x0], $0xffff  }
0x516: {  	v3 =	vld [tilespmem:s17+$0xFFFFFED0]  }
0x517: {  	s30 =	simm.s32 $0x1CE90;
	s19 =	simm.s32 $0x1EC90;
	s6 =	simm.s32 $0x4;
	v4 =	vld [tilespmem:s17+$0xFFFFFF50];
	[tilespmem:s13+$0x0] =	vst v8  }
.LBB2_31:
0x518: {  	v7 =	vld [tilespmem:s30+$0xFFFFFF90];
	s6 =	sadd.s32 $0x4, s6;
	[tilespmem:s10+$0xFFFFFE40] =	vst v6  }
0x519: {  	v6 =	vld [tilespmem:s30+$0xFFFFFE90];
	p1 =	slt.u32 s6, $0x1C;
	[tilespmem:s13+$0xFFFFFE80] =	vst v1  }
0x51a: {  	v1 =	vld [tilespmem:s30+$0xFFFFFF10]  }
0x51b: {  	v8 =	vld [tilespmem:s30+$0xFFFFFE10]  }
0x51c: {  	v5 =	vld.idx.msk [tilespmem:v5+s18+$0x0], $0xffff  }
0x51d: {  	v9 =	vld [tilespmem:s17+$0xFFFFFE50];
	[tilespmem:s13+$0xFFFFFF00] =	vst v2  }
0x51e: {  	v2 =	vld.idx.msk [tilespmem:v3+s18+$0x0], $0xffff  }
0x51f: {  	v3 =	vld.idx.msk [tilespmem:v4+s18+$0x0], $0xffff  }
0x520: {  	v4 =	vld.idx.msk [tilespmem:v7+s18+$0x0], $0xffff  }
0x521: {  	v6 =	vld.idx.msk [tilespmem:v6+s18+$0x0], $0xffff  }
0x522: {  	v1 =	vld.idx.msk [tilespmem:v1+s18+$0x0], $0xffff;
	[tilespmem:s10+$0xFFFFFFD0] =	vst v5  }
0x523: {  	v5 =	vld [tilespmem:s17+$0xFFFFFFE0]  }
0x524: {  	v7 =	vld.idx.msk [tilespmem:v8+s18+$0x0], $0xffff;
	[tilespmem:s10+$0xFFFFFED0] =	vst v2  }
0x525: {  	s10 =	sadd.s32 $0x200, s10;
	v2 =	vld.idx.msk [tilespmem:v9+s18+$0x0], $0xffff;
	[tilespmem:s19+$0xFFFFFF50] =	vst v3  }
0x526: {  	[tilespmem:s10+$0xFFFFFF90] =	vst v4;
	v3 =	vld [tilespmem:s17+$0xFFFFFEE0]  }
0x527: {  	[tilespmem:s10+$0xFFFFFE90] =	vst v6;
	v4 =	vld [tilespmem:s30+$0xFFFFFFA0]  }
0x528: {  	v6 =	vld [tilespmem:s30+$0xFFFFFEA0];
	[tilespmem:s10+$0xFFFFFF10] =	vst v1  }
0x529: {  	v1 =	vld [tilespmem:s30+$0xFFFFFF20]  }
0x52a: {  	[tilespmem:s10+$0xFFFFFE10] =	vst v7;
	v7 =	vld [tilespmem:s17+$0xFFFFFF60]  }
0x52b: {  	[tilespmem:s19+$0xFFFFFE50] =	vst v2;
	v2 =	vld.idx.msk [tilespmem:v5+s18+$0x0], $0xffff  }
0x52c: {  	v5 =	vld [tilespmem:s30+$0xFFFFFE20]  }
0x52d: {  	v8 =	vld [tilespmem:s17+$0xFFFFFE60]  }
0x52e: {  	v3 =	vld.idx.msk [tilespmem:v3+s18+$0x0], $0xffff  }
0x52f: {  	v4 =	vld.idx.msk [tilespmem:v4+s18+$0x0], $0xffff  }
0x530: {  	v6 =	vld.idx.msk [tilespmem:v6+s18+$0x0], $0xffff  }
0x531: {  	v1 =	vld.idx.msk [tilespmem:v1+s18+$0x0], $0xffff;
	[tilespmem:s19+$0xFFFFFFE0] =	vst v2  }
0x532: {  	v2 =	vld [tilespmem:s17+$0xFFFFFFF0]  }
0x533: {  	v7 =	vld.idx.msk [tilespmem:v7+s18+$0x0], $0xffff  }
0x534: {  	v5 =	vld.idx.msk [tilespmem:v5+s18+$0x0], $0xffff;
	[tilespmem:s19+$0xFFFFFEE0] =	vst v3  }
0x535: {  	[tilespmem:s10+$0xFFFFFFA0] =	vst v4;
	v3 =	vld.idx.msk [tilespmem:v8+s18+$0x0], $0xffff  }
0x536: {  	[tilespmem:s10+$0xFFFFFEA0] =	vst v6;
	v4 =	vld [tilespmem:s30+$0xFFFFFFB0]  }
0x537: {  	v6 =	vld [tilespmem:s30+$0xFFFFFEB0];
	[tilespmem:s10+$0xFFFFFF20] =	vst v1  }
0x538: {  	v1 =	vld [tilespmem:s30+$0xFFFFFF30]  }
0x539: {  	v8 =	vld [tilespmem:s17+$0xFFFFFEF0];
	[tilespmem:s19+$0xFFFFFF60] =	vst v7  }
0x53a: {  	[tilespmem:s10+$0xFFFFFE20] =	vst v5;
	v2 =	vld.idx.msk [tilespmem:v2+s18+$0x0], $0xffff  }
0x53b: {  	v5 =	vld [tilespmem:s30+$0xFFFFFE30];
	[tilespmem:s19+$0xFFFFFE60] =	vst v3  }
0x53c: {  	v3 =	vld [tilespmem:s17+$0xFFFFFE70]  }
0x53d: {  	v7 =	vld [tilespmem:s17+$0xFFFFFF70]  }
0x53e: {  	v4 =	vld.idx.msk [tilespmem:v4+s18+$0x0], $0xffff  }
0x53f: {  	v6 =	vld.idx.msk [tilespmem:v6+s18+$0x0], $0xffff  }
0x540: {  	v1 =	vld.idx.msk [tilespmem:v1+s18+$0x0], $0xffff;
	[tilespmem:s19+$0xFFFFFFF0] =	vst v2  }
0x541: {  	v2 =	vld [tilespmem:s17+$0x0]  }
0x542: {  	v8 =	vld.idx.msk [tilespmem:v8+s18+$0x0], $0xffff  }
0x543: {  	v5 =	vld.idx.msk [tilespmem:v5+s18+$0x0], $0xffff  }
0x544: {  	[tilespmem:s10+$0xFFFFFFB0] =	vst v4;
	v3 =	vld.idx.msk [tilespmem:v3+s18+$0x0], $0xffff  }
0x545: {  	[tilespmem:s10+$0xFFFFFEB0] =	vst v6;
	v4 =	vld [tilespmem:s30+$0xFFFFFFC0]  }
0x546: {  	v6 =	vld [tilespmem:s30+$0xFFFFFEC0];
	[tilespmem:s10+$0xFFFFFF30] =	vst v1  }
0x547: {  	v1 =	vld [tilespmem:s30+$0xFFFFFF40]  }
0x548: {  	[tilespmem:s19+$0xFFFFFEF0] =	vst v8;
	v7 =	vld.idx.msk [tilespmem:v7+s18+$0x0], $0xffff  }
0x549: {  	[tilespmem:s10+$0xFFFFFE30] =	vst v5;
	v2 =	vld.idx.msk [tilespmem:v2+s18+$0x0], $0xffff  }
0x54a: {  	v5 =	vld [tilespmem:s30+$0xFFFFFE40];
	[tilespmem:s19+$0xFFFFFE70] =	vst v3  }
0x54b: {  	v3 =	vld [tilespmem:s17+$0xFFFFFE80]  }
0x54c: {  	v8 =	vld [tilespmem:s17+$0xFFFFFF00]  }
0x54d: {  	v4 =	vld.idx.msk [tilespmem:v4+s18+$0x0], $0xffff  }
0x54e: {  	v9 =	vld.idx.msk [tilespmem:v6+s18+$0x0], $0xffff;
	[tilespmem:s19+$0xFFFFFF70] =	vst v7  }
0x54f: {  	v7 =	vld.idx.msk [tilespmem:v1+s18+$0x0], $0xffff;
	[tilespmem:s19+$0x0] =	vst v2  }
0x550: {  	v2 =	vld [tilespmem:s17+$0xFFFFFF80];
	s17 =	smov.u32 s30  }
0x551: {  	v10 =	vld.idx.msk [tilespmem:v0+s18+$0x0], $0xffff  }
0x552: {  	v6 =	vld.idx.msk [tilespmem:v5+s18+$0x0], $0xffff  }
.Ltmp20:
0x553: {  	[tilespmem:s10+$0xFFFFFFC0] =	vst v4;
	v1 =	vld.idx.msk [tilespmem:v3+s18+$0x0], $0xffff;
	(pc) =	sbr.rel @p1 .LBB2_31-.Ltmp20, $4  }
0x554: {  	[tilespmem:s10+$0xFFFFFEC0] =	vst v9;
	v5 =	vld [tilespmem:s30+$0xFFFFFFD0]  }
0x555: {  	v3 =	vld [tilespmem:s30+$0xFFFFFED0];
	[tilespmem:s10+$0xFFFFFF40] =	vst v7;
	v0 =	vmov v2  }
0x556: {  	v4 =	vld [tilespmem:s30+$0xFFFFFF50]  }
0x557: {  	s30 =	sadd.s32 $0x200, s30;
	v2 =	vld.idx.msk [tilespmem:v8+s18+$0x0], $0xffff;
	[tilespmem:s13+$0xFFFFFF80] =	vst v10;
	s13 =	smov.u32 s19;
	s19 =	smov.u32 s10  }
0x558: {  	[tilespmem:s10+$0xFFFFFE40] =	vst v6  }
0x559: {  	v6 =	vld [tilespmem:s17+$0xFFFFFE50];
	_ =	sdelay $0x4  }
0x55a: {  	v5 =	vld.idx.msk [tilespmem:v5+s18+$0x0], $0xffff  }
0x55b: {  	v3 =	vld.idx.msk [tilespmem:v3+s18+$0x0], $0xffff  }
0x55c: {  	v4 =	vld.idx.msk [tilespmem:v4+s18+$0x0], $0xffff  }
0x55d: {  	v6 =	vld.idx.msk [tilespmem:v6+s18+$0x0], $0xffff;
	_ =	sdelay $0x1  }
0x55e: {  	[tilespmem:s10+$0xFFFFFFD0] =	vst v5  }
0x55f: {  	v5 =	vld [tilespmem:s17+$0xFFFFFFE0];
	[tilespmem:s10+$0xFFFFFED0] =	vst v3  }
0x560: {  	[tilespmem:s19+$0xFFFFFF50] =	vst v4;
	v60 =	vld [tilespmem:s17+$0xFFFFFEE0]  }
0x561: {  	v61 =	vld [tilespmem:s17+$0xFFFFFF60];
	[tilespmem:s19+$0xFFFFFE50] =	vst v6  }
0x562: {  	v59 =	vld [tilespmem:s17+$0xFFFFFE60];
	_ =	sdelay $0x4  }
0x563: {  	v5 =	vld.idx.msk [tilespmem:v5+s18+$0x0], $0xffff  }
0x564: {  	v4 =	vld.idx.msk [tilespmem:v60+s18+$0x0], $0xffff  }
0x565: {  	v6 =	vld.idx.msk [tilespmem:v61+s18+$0x0], $0xffff  }
0x566: {  	v3 =	vld.idx.msk [tilespmem:v59+s18+$0x0], $0xffff;
	_ =	sdelay $0x1  }
0x567: {  	[tilespmem:s19+$0xFFFFFFE0] =	vst v5  }
0x568: {  	v5 =	vld [tilespmem:s17+$0xFFFFFFF0];
	[tilespmem:s19+$0xFFFFFEE0] =	vst v4  }
0x569: {  	v4 =	vld [tilespmem:s17+$0xFFFFFEF0];
	[tilespmem:s19+$0xFFFFFF60] =	vst v6  }
0x56a: {  	v6 =	vld [tilespmem:s17+$0xFFFFFF70];
	[tilespmem:s19+$0xFFFFFE60] =	vst v3  }
0x56b: {  	v3 =	vld [tilespmem:s17+$0xFFFFFE70];
	_ =	sdelay $0x4  }
0x56c: {  	v5 =	vld.idx.msk [tilespmem:v5+s18+$0x0], $0xffff  }
0x56d: {  	v4 =	vld.idx.msk [tilespmem:v4+s18+$0x0], $0xffff  }
0x56e: {  	v6 =	vld.idx.msk [tilespmem:v6+s18+$0x0], $0xffff  }
0x56f: {  	v3 =	vld.idx.msk [tilespmem:v3+s18+$0x0], $0xffff;
	_ =	sdelay $0x1  }
0x570: {  	[tilespmem:s19+$0xFFFFFFF0] =	vst v5  }
0x571: {  	v5 =	vld [tilespmem:s17+$0x0];
	[tilespmem:s19+$0xFFFFFEF0] =	vst v4  }
0x572: {  	v4 =	vld [tilespmem:s17+$0xFFFFFF00];
	[tilespmem:s19+$0xFFFFFF70] =	vst v6  }
0x573: {  	v6 =	vld [tilespmem:s17+$0xFFFFFF80];
	[tilespmem:s19+$0xFFFFFE70] =	vst v3  }
0x574: {  	v3 =	vld [tilespmem:s17+$0xFFFFFE80];
	_ =	sdelay $0x3  }
0x575: {  	v0 =	vld.idx.msk [tilespmem:v0+s18+$0x0], $0xffff  }
0x576: {  	v5 =	vld.idx.msk [tilespmem:v5+s18+$0x0], $0xffff  }
0x577: {  	v62 =	vld.idx.msk [tilespmem:v4+s18+$0x0], $0xffff  }
0x578: {  	[tilespmem:s13+$0xFFFFFE80] =	vst v1;
	v63 =	vld.idx.msk [tilespmem:v6+s18+$0x0], $0xffff  }
0x579: {  	[tilespmem:s13+$0xFFFFFF00] =	vst v2;
	v3 =	vld.idx.msk [tilespmem:v3+s18+$0x0], $0xffff  }
0x57a: {  	p1 =	seq.s32 s1, $0x18;
	[tilespmem:s13+$0xFFFFFF80] =	vst v0  }
.Ltmp21:
0x57b: {  	[tilespmem:s19+$0x0] =	vst v5;
	(pc) =	sbr.rel @p1 .LBB2_34-.Ltmp21, $4  }
0x57c: {  	[tilespmem:s19+$0xFFFFFF00] =	vst v62  }
0x57d: {  	[tilespmem:s19+$0xFFFFFF80] =	vst v63  }
0x57e: {  	s5 =	sadd.s32 s5, s9;
	[tilespmem:s19+$0xFFFFFE80] =	vst v3  }
0x57f: {  	[hbm4b:s5+s23] =	stream.strided.scatter [tilespmem:s29], [sflag:$0x5], $0x1000, s24, s23, $0x38;
	[tilespmem:$0x1F8A0] =	vst v63  }
.Ltmp22:
0x580: {  	(pc) =	sbr.rel .LBB2_24-.Ltmp22, $4  }
0x581: {  	s4 =	sshrl.u32 s4, $0x2  }
0x582: {  	s4 =	sadd.s32 s4, s3  }
0x583: {  	s1 =	sadd.s32 $0x1, s1;
	s4 =	sadd.s32 $0x3000, s4  }
0x584: {  	[tilespmem:s21], [sflag:$0x3] =	stream.linear.gather [spmem:s4], $0x1000, $0x38;
	[tilespmem:$0x1F8A0] =	vst v63  }
.LBB2_34:
0x585: {  	s1 =	simm.s32 $0x4  }
0x586: {  	_ =	swait.ge [sflag:s1], $0x1000  }
0x587: {  	[sflag:s1] =	ssyncset.done $0x0  }
0x588: {  	[sflag:s1] =	ssyncadd.s32 $0xFFFFF000  }
0x589: {  	_ =	swait.ge [sflag:s28], $0x1000  }
0x58a: {  	[sflag:s28] =	ssyncset.done $0x0  }
0x58b: {  	[sflag:s28] =	ssyncadd.s32 $0xFFFFF000  }
0x58c: {  	[bflag:$0x0] =	sbarrier.arrive $0xFFFF  }
0x58d: {  	s1 =	simm.s32 @!p0 $0x1C06;
	s4 =	rddreg [dreg:$0x7]  }
0x58e: {  	[spmem:s0], [sflag:s1] =	dma.local @!p0 [hbm:s4], $0x6400  }
0x58f: {  	s0 =	simm.s32 @!p0 $0x6  }
0x590: {  	_ =	swait.ge @!p0 [sflag:s0], $0x6400  }
0x591: {  	[sflag:s0] =	ssyncset.done @!p0 $0x0  }
0x592: {  	[sflag:s0] =	ssyncadd.s32 @!p0 $0xFFFF9C00  }
0x593: {  	[bflag:$0x0] =	sbarrier.arrive $0xFFFF  }
0x594: {  	[tilespmem:s20], [sflag:$0x2] =	stream.linear.gather [spmem:s3], $0x1000, $0x38;
	[tilespmem:$0x1F8A0] =	vst v63  }
0x595: {  	s0 =	simm.s32 $0x0;
	s30 =	rddreg [dreg:$0x6]  }
0x596: {  	[tilespmem:s21], [sflag:$0x3] =	stream.linear.gather [spmem:s30], $0x1000, $0x38;
	[tilespmem:$0x1F8A0] =	vst v63  }
.LBB2_35:
0x597: {  	_ =	swait.ge [sflag:s22], $0x1000  }
0x598: {  	p1 =	seq.s32 s0, $0x0;
	[sflag:s22] =	ssyncset.done $0x0  }
0x599: {  	s1 =	simm.s32 @!p1 $0x4;
	[sflag:s22] =	ssyncadd.s32 $0xFFFFF000  }
0x59a: {  	_ =	swait.ge @!p1 [sflag:s1], $0x1000  }
0x59b: {  	[sflag:s1] =	ssyncset.done @!p1 $0x0  }
0x59c: {  	s30 =	simm.s32 $0x1B9A0;
	[sflag:s1] =	ssyncadd.s32 @!p1 $0xFFFFF000  }
0x59d: {  	v0 =	vld [tilespmem:s30+$0x80]  }
0x59e: {  	v1 =	vld [tilespmem:s30+$0xFFFFFF80]  }
0x59f: {  	v2 =	vld [tilespmem:s30+$0x0];
	_ =	sdelay $0x2  }
0x5a0: {  	v3 =	vld [tilespmem:s30+$0xFFFFFF00];
	_ =	sdelay $0x2  }
0x5a1: {  	v0 =	vld.idx.msk [tilespmem:v0+s18+$0x0], $0xffff  }
0x5a2: {  	v1 =	vld.idx.msk [tilespmem:v1+s18+$0x0], $0xffff  }
0x5a3: {  	v2 =	vld.idx.msk [tilespmem:v2+s18+$0x0], $0xffff;
	_ =	sdelay $0x1  }
0x5a4: {  	s4 =	simm.s32 $0x1D9A0  }
0x5a5: {  	v3 =	vld.idx.msk [tilespmem:v3+s18+$0x0], $0xffff;
	[tilespmem:s4+$0x80] =	vst v0  }
0x5a6: {  	[tilespmem:s4+$0xFFFFFF80] =	vst v1;
	v0 =	vld [tilespmem:s30+$0x90]  }
0x5a7: {  	[tilespmem:s4+$0x0] =	vst v2;
	v1 =	vld [tilespmem:s30+$0xFFFFFF90]  }
0x5a8: {  	v2 =	vld [tilespmem:s30+$0x10];
	_ =	sdelay $0x1  }
0x5a9: {  	[tilespmem:s4+$0xFFFFFF00] =	vst v3  }
0x5aa: {  	v3 =	vld [tilespmem:s30+$0xFFFFFF10];
	_ =	sdelay $0x2  }
0x5ab: {  	v0 =	vld.idx.msk [tilespmem:v0+s18+$0x0], $0xffff  }
0x5ac: {  	v1 =	vld.idx.msk [tilespmem:v1+s18+$0x0], $0xffff  }
0x5ad: {  	v2 =	vld.idx.msk [tilespmem:v2+s18+$0x0], $0xffff;
	_ =	sdelay $0x2  }
0x5ae: {  	v3 =	vld.idx.msk [tilespmem:v3+s18+$0x0], $0xffff;
	[tilespmem:s4+$0x90] =	vst v0  }
0x5af: {  	[tilespmem:s4+$0xFFFFFF90] =	vst v1;
	v0 =	vld [tilespmem:s30+$0xA0]  }
0x5b0: {  	[tilespmem:s4+$0x10] =	vst v2;
	v1 =	vld [tilespmem:s30+$0xFFFFFFA0]  }
0x5b1: {  	v2 =	vld [tilespmem:s30+$0x20];
	_ =	sdelay $0x1  }
0x5b2: {  	[tilespmem:s4+$0xFFFFFF10] =	vst v3  }
0x5b3: {  	v3 =	vld [tilespmem:s30+$0xFFFFFF20]  }
0x5b4: {  	s5 =	simm.s32 $0x1BBA0  }
0x5b5: {  	v4 =	vld [tilespmem:s5+$0x80]  }
0x5b6: {  	v0 =	vld.idx.msk [tilespmem:v0+s18+$0x0], $0xffff  }
0x5b7: {  	v1 =	vld.idx.msk [tilespmem:v1+s18+$0x0], $0xffff  }
0x5b8: {  	v2 =	vld.idx.msk [tilespmem:v2+s18+$0x0], $0xffff;
	_ =	sdelay $0x1  }
0x5b9: {  	v5 =	vld [tilespmem:s5+$0xFFFFFF80]  }
0x5ba: {  	v3 =	vld.idx.msk [tilespmem:v3+s18+$0x0], $0xffff;
	[tilespmem:s4+$0xA0] =	vst v0  }
0x5bb: {  	[tilespmem:s4+$0xFFFFFFA0] =	vst v1;
	v0 =	vld [tilespmem:s30+$0xB0]  }
0x5bc: {  	[tilespmem:s4+$0x20] =	vst v2;
	v1 =	vld [tilespmem:s30+$0xFFFFFFB0]  }
0x5bd: {  	v2 =	vld [tilespmem:s30+$0x30];
	_ =	sdelay $0x1  }
0x5be: {  	v4 =	vld.idx.msk [tilespmem:v4+s18+$0x0], $0xffff;
	[tilespmem:s4+$0xFFFFFF20] =	vst v3  }
0x5bf: {  	v3 =	vld [tilespmem:s30+$0xFFFFFF30]  }
0x5c0: {  	v5 =	vld.idx.msk [tilespmem:v5+s18+$0x0], $0xffff  }
0x5c1: {  	v6 =	vld [tilespmem:s5+$0x0]  }
0x5c2: {  	v0 =	vld.idx.msk [tilespmem:v0+s18+$0x0], $0xffff  }
0x5c3: {  	s13 =	simm.s32 $0x1DBA0;
	v1 =	vld.idx.msk [tilespmem:v1+s18+$0x0], $0xffff  }
0x5c4: {  	[tilespmem:s13+$0x80] =	vst v4;
	v2 =	vld.idx.msk [tilespmem:v2+s18+$0x0], $0xffff  }
0x5c5: {  	[tilespmem:s13+$0xFFFFFF80] =	vst v5;
	v4 =	vld [tilespmem:s5+$0x90]  }
0x5c6: {  	v5 =	vld [tilespmem:s5+$0xFFFFFF90]  }
0x5c7: {  	v3 =	vld.idx.msk [tilespmem:v3+s18+$0x0], $0xffff;
	[tilespmem:s4+$0xB0] =	vst v0  }
0x5c8: {  	[tilespmem:s4+$0xFFFFFFB0] =	vst v1;
	v0 =	vld [tilespmem:s30+$0xC0]  }
0x5c9: {  	[tilespmem:s4+$0x30] =	vst v2;
	v1 =	vld [tilespmem:s30+$0xFFFFFFC0]  }
0x5ca: {  	v2 =	vld [tilespmem:s30+$0x40]  }
0x5cb: {  	v7 =	vld [tilespmem:s5+$0xFFFFFF00]  }
0x5cc: {  	v6 =	vld.idx.msk [tilespmem:v6+s18+$0x0], $0xffff  }
0x5cd: {  	v4 =	vld.idx.msk [tilespmem:v4+s18+$0x0], $0xffff;
	[tilespmem:s4+$0xFFFFFF30] =	vst v3  }
0x5ce: {  	v3 =	vld [tilespmem:s30+$0xFFFFFF40]  }
0x5cf: {  	v5 =	vld.idx.msk [tilespmem:v5+s18+$0x0], $0xffff  }
0x5d0: {  	v0 =	vld.idx.msk [tilespmem:v0+s18+$0x0], $0xffff  }
0x5d1: {  	v1 =	vld.idx.msk [tilespmem:v1+s18+$0x0], $0xffff  }
0x5d2: {  	[tilespmem:s13+$0x0] =	vst v6;
	v2 =	vld.idx.msk [tilespmem:v2+s18+$0x0], $0xffff  }
0x5d3: {  	[tilespmem:s13+$0x90] =	vst v4  }
0x5d4: {  	v7 =	vld.idx.msk [tilespmem:v7+s18+$0x0], $0xffff;
	[tilespmem:s13+$0xFFFFFF90] =	vst v5  }
0x5d5: {  	v5 =	vld [tilespmem:s5+$0xA0];
	[tilespmem:s4+$0xC0] =	vst v0  }
0x5d6: {  	[tilespmem:s4+$0xFFFFFFC0] =	vst v1;
	v1 =	vld.idx.msk [tilespmem:v3+s18+$0x0], $0xffff  }
0x5d7: {  	[tilespmem:s4+$0x40] =	vst v2;
	v2 =	vld [tilespmem:s5+$0x10]  }
0x5d8: {  	v0 =	vld [tilespmem:s30+$0xD0]  }
0x5d9: {  	v3 =	vld [tilespmem:s30+$0xFFFFFFD0]  }
0x5da: {  	[tilespmem:s13+$0xFFFFFF00] =	vst v7;
	v6 =	vld [tilespmem:s30+$0x50]  }
0x5db: {  	[tilespmem:s4+$0xFFFFFF40] =	vst v1;
	v1 =	vld [tilespmem:s5+$0xFFFFFF10]  }
0x5dc: {  	v7 =	vld [tilespmem:s30+$0xFFFFFF50];
	_ =	sdelay $0x1  }
0x5dd: {  	v5 =	vld.idx.msk [tilespmem:v5+s18+$0x0], $0xffff  }
0x5de: {  	v2 =	vld.idx.msk [tilespmem:v2+s18+$0x0], $0xffff  }
0x5df: {  	v0 =	vld.idx.msk [tilespmem:v0+s18+$0x0], $0xffff  }
0x5e0: {  	v3 =	vld.idx.msk [tilespmem:v3+s18+$0x0], $0xffff  }
0x5e1: {  	v6 =	vld.idx.msk [tilespmem:v6+s18+$0x0], $0xffff  }
0x5e2: {  	v1 =	vld.idx.msk [tilespmem:v1+s18+$0x0], $0xffff  }
0x5e3: {  	v4 =	vld.idx.msk [tilespmem:v7+s18+$0x0], $0xffff  }
0x5e4: {  	[tilespmem:s13+$0x10] =	vst v2;
	v7 =	vld [tilespmem:s5+$0xFFFFFFA0]  }
0x5e5: {  	[tilespmem:s4+$0xD0] =	vst v0;
	v2 =	vld [tilespmem:s5+$0x20]  }
0x5e6: {  	[tilespmem:s4+$0xFFFFFFD0] =	vst v3;
	v0 =	vld [tilespmem:s30+$0xE0]  }
0x5e7: {  	v3 =	vld [tilespmem:s30+$0xFFFFFFE0];
	[tilespmem:s13+$0xFFFFFF10] =	vst v1  }
0x5e8: {  	v1 =	vld [tilespmem:s5+$0xFFFFFF20];
	[tilespmem:s4+$0xFFFFFF50] =	vst v4  }
0x5e9: {  	[tilespmem:s13+$0xA0] =	vst v5;
	v4 =	vld [tilespmem:s30+$0xFFFFFF60]  }
0x5ea: {  	v5 =	vld [tilespmem:s5+$0xB0];
	[tilespmem:s4+$0x50] =	vst v6  }
0x5eb: {  	v6 =	vld [tilespmem:s30+$0x60]  }
0x5ec: {  	v7 =	vld.idx.msk [tilespmem:v7+s18+$0x0], $0xffff  }
0x5ed: {  	v2 =	vld.idx.msk [tilespmem:v2+s18+$0x0], $0xffff  }
0x5ee: {  	v0 =	vld.idx.msk [tilespmem:v0+s18+$0x0], $0xffff  }
0x5ef: {  	v3 =	vld.idx.msk [tilespmem:v3+s18+$0x0], $0xffff  }
0x5f0: {  	v1 =	vld.idx.msk [tilespmem:v1+s18+$0x0], $0xffff  }
0x5f1: {  	[tilespmem:s13+$0xFFFFFFA0] =	vst v7;
	v4 =	vld.idx.msk [tilespmem:v4+s18+$0x0], $0xffff  }
0x5f2: {  	[tilespmem:s13+$0x20] =	vst v2;
	v7 =	vld [tilespmem:s5+$0xFFFFFFB0]  }
0x5f3: {  	[tilespmem:s4+$0xE0] =	vst v0;
	v2 =	vld [tilespmem:s5+$0x30]  }
0x5f4: {  	v0 =	vld [tilespmem:s30+$0xF0]  }
0x5f5: {  	v6 =	vld.idx.msk [tilespmem:v6+s18+$0x0], $0xffff;
	[tilespmem:s13+$0xFFFFFF20] =	vst v1  }
0x5f6: {  	v1 =	vld [tilespmem:s5+$0xFFFFFF30];
	[tilespmem:s4+$0xFFFFFF60] =	vst v4  }
0x5f7: {  	v4 =	vld [tilespmem:s30+$0xFFFFFF70]  }
0x5f8: {  	[tilespmem:s4+$0xFFFFFFE0] =	vst v3;
	v3 =	vld.idx.msk [tilespmem:v5+s18+$0x0], $0xffff  }
0x5f9: {  	v9 =	vld [tilespmem:s30+$0xFFFFFFF0]  }
0x5fa: {  	v5 =	vld.idx.msk [tilespmem:v7+s18+$0x0], $0xffff  }
0x5fb: {  	v2 =	vld.idx.msk [tilespmem:v2+s18+$0x0], $0xffff  }
0x5fc: {  	[tilespmem:s4+$0x60] =	vst v6;
	v8 =	vld.idx.msk [tilespmem:v0+s18+$0x0], $0xffff  }
0x5fd: {  	v0 =	vld [tilespmem:s30+$0x70]  }
0x5fe: {  	v6 =	vld.idx.msk [tilespmem:v1+s18+$0x0], $0xffff  }
0x5ff: {  	[tilespmem:s13+$0xB0] =	vst v3;
	v1 =	vld.idx.msk [tilespmem:v4+s18+$0x0], $0xffff  }
0x600: {  	[tilespmem:s13+$0xFFFFFFB0] =	vst v5;
	v4 =	vld [tilespmem:s5+$0xC0]  }
0x601: {  	[tilespmem:s13+$0x30] =	vst v2;
	v2 =	vld.idx.msk [tilespmem:v9+s18+$0x0], $0xffff  }
0x602: {  	s6 =	simm.s32 $0x4;
	v3 =	vld [tilespmem:s5+$0xFFFFFFC0]  }
0x603: {  	s17 =	simm.s32 $0x1BDA0;
	s10 =	simm.s32 $0x1DBA0;
	s1 =	sshll.u32 s0, $0xF;
	v5 =	vld [tilespmem:s5+$0x40];
	[tilespmem:s4+$0xF0] =	vst v8  }
.LBB2_36:
0x604: {  	v7 =	vld [tilespmem:s17+$0x80];
	s6 =	sadd.s32 $0x4, s6;
	[tilespmem:s13+$0xFFFFFF30] =	vst v6  }
0x605: {  	v6 =	vld [tilespmem:s17+$0xFFFFFF80];
	p2 =	slt.u32 s6, $0x1C;
	[tilespmem:s4+$0xFFFFFF70] =	vst v1  }
0x606: {  	v1 =	vld [tilespmem:s17+$0x0]  }
0x607: {  	v8 =	vld [tilespmem:s17+$0xFFFFFF00]  }
0x608: {  	v4 =	vld.idx.msk [tilespmem:v4+s18+$0x0], $0xffff  }
0x609: {  	v9 =	vld [tilespmem:s5+$0xFFFFFF40];
	[tilespmem:s4+$0xFFFFFFF0] =	vst v2  }
0x60a: {  	v2 =	vld.idx.msk [tilespmem:v3+s18+$0x0], $0xffff  }
0x60b: {  	v3 =	vld.idx.msk [tilespmem:v5+s18+$0x0], $0xffff  }
0x60c: {  	v5 =	vld.idx.msk [tilespmem:v7+s18+$0x0], $0xffff  }
0x60d: {  	v6 =	vld.idx.msk [tilespmem:v6+s18+$0x0], $0xffff  }
0x60e: {  	v1 =	vld.idx.msk [tilespmem:v1+s18+$0x0], $0xffff;
	[tilespmem:s13+$0xC0] =	vst v4  }
0x60f: {  	v4 =	vld [tilespmem:s5+$0xD0]  }
0x610: {  	v7 =	vld.idx.msk [tilespmem:v8+s18+$0x0], $0xffff;
	[tilespmem:s13+$0xFFFFFFC0] =	vst v2  }
0x611: {  	s13 =	sadd.s32 $0x200, s13;
	v2 =	vld.idx.msk [tilespmem:v9+s18+$0x0], $0xffff;
	[tilespmem:s10+$0x40] =	vst v3  }
0x612: {  	[tilespmem:s13+$0x80] =	vst v5;
	v3 =	vld [tilespmem:s5+$0xFFFFFFD0]  }
0x613: {  	[tilespmem:s13+$0xFFFFFF80] =	vst v6;
	v5 =	vld [tilespmem:s17+$0x90]  }
0x614: {  	v6 =	vld [tilespmem:s17+$0xFFFFFF90];
	[tilespmem:s13+$0x0] =	vst v1  }
0x615: {  	v1 =	vld [tilespmem:s17+$0x10]  }
0x616: {  	[tilespmem:s13+$0xFFFFFF00] =	vst v7;
	v7 =	vld [tilespmem:s5+$0x50]  }
0x617: {  	[tilespmem:s10+$0xFFFFFF40] =	vst v2;
	v2 =	vld.idx.msk [tilespmem:v4+s18+$0x0], $0xffff  }
0x618: {  	v4 =	vld [tilespmem:s17+$0xFFFFFF10]  }
0x619: {  	v8 =	vld [tilespmem:s5+$0xFFFFFF50]  }
0x61a: {  	v3 =	vld.idx.msk [tilespmem:v3+s18+$0x0], $0xffff  }
0x61b: {  	v5 =	vld.idx.msk [tilespmem:v5+s18+$0x0], $0xffff  }
0x61c: {  	v6 =	vld.idx.msk [tilespmem:v6+s18+$0x0], $0xffff  }
0x61d: {  	v1 =	vld.idx.msk [tilespmem:v1+s18+$0x0], $0xffff;
	[tilespmem:s10+$0xD0] =	vst v2  }
0x61e: {  	v2 =	vld [tilespmem:s5+$0xE0]  }
0x61f: {  	v7 =	vld.idx.msk [tilespmem:v7+s18+$0x0], $0xffff  }
0x620: {  	v4 =	vld.idx.msk [tilespmem:v4+s18+$0x0], $0xffff;
	[tilespmem:s10+$0xFFFFFFD0] =	vst v3  }
0x621: {  	[tilespmem:s13+$0x90] =	vst v5;
	v3 =	vld.idx.msk [tilespmem:v8+s18+$0x0], $0xffff  }
0x622: {  	[tilespmem:s13+$0xFFFFFF90] =	vst v6;
	v5 =	vld [tilespmem:s17+$0xA0]  }
0x623: {  	v6 =	vld [tilespmem:s17+$0xFFFFFFA0];
	[tilespmem:s13+$0x10] =	vst v1  }
0x624: {  	v1 =	vld [tilespmem:s17+$0x20]  }
0x625: {  	v8 =	vld [tilespmem:s5+$0xFFFFFFE0];
	[tilespmem:s10+$0x50] =	vst v7  }
0x626: {  	[tilespmem:s13+$0xFFFFFF10] =	vst v4;
	v2 =	vld.idx.msk [tilespmem:v2+s18+$0x0], $0xffff  }
0x627: {  	v4 =	vld [tilespmem:s17+$0xFFFFFF20];
	[tilespmem:s10+$0xFFFFFF50] =	vst v3  }
0x628: {  	v3 =	vld [tilespmem:s5+$0xFFFFFF60]  }
0x629: {  	v7 =	vld [tilespmem:s5+$0x60]  }
0x62a: {  	v5 =	vld.idx.msk [tilespmem:v5+s18+$0x0], $0xffff  }
0x62b: {  	v6 =	vld.idx.msk [tilespmem:v6+s18+$0x0], $0xffff  }
0x62c: {  	v1 =	vld.idx.msk [tilespmem:v1+s18+$0x0], $0xffff;
	[tilespmem:s10+$0xE0] =	vst v2  }
0x62d: {  	v2 =	vld [tilespmem:s5+$0xF0]  }
0x62e: {  	v8 =	vld.idx.msk [tilespmem:v8+s18+$0x0], $0xffff  }
0x62f: {  	v4 =	vld.idx.msk [tilespmem:v4+s18+$0x0], $0xffff  }
0x630: {  	[tilespmem:s13+$0xA0] =	vst v5;
	v3 =	vld.idx.msk [tilespmem:v3+s18+$0x0], $0xffff  }
0x631: {  	[tilespmem:s13+$0xFFFFFFA0] =	vst v6;
	v5 =	vld [tilespmem:s17+$0xB0]  }
0x632: {  	v6 =	vld [tilespmem:s17+$0xFFFFFFB0];
	[tilespmem:s13+$0x20] =	vst v1  }
0x633: {  	v1 =	vld [tilespmem:s17+$0x30]  }
0x634: {  	[tilespmem:s10+$0xFFFFFFE0] =	vst v8;
	v7 =	vld.idx.msk [tilespmem:v7+s18+$0x0], $0xffff  }
0x635: {  	[tilespmem:s13+$0xFFFFFF20] =	vst v4;
	v2 =	vld.idx.msk [tilespmem:v2+s18+$0x0], $0xffff  }
0x636: {  	v4 =	vld [tilespmem:s17+$0xFFFFFF30];
	[tilespmem:s10+$0xFFFFFF60] =	vst v3  }
0x637: {  	v3 =	vld [tilespmem:s5+$0xFFFFFF70]  }
0x638: {  	v8 =	vld [tilespmem:s5+$0xFFFFFFF0]  }
0x639: {  	v5 =	vld.idx.msk [tilespmem:v5+s18+$0x0], $0xffff  }
0x63a: {  	v9 =	vld.idx.msk [tilespmem:v6+s18+$0x0], $0xffff;
	[tilespmem:s10+$0x60] =	vst v7  }
0x63b: {  	v7 =	vld.idx.msk [tilespmem:v1+s18+$0x0], $0xffff;
	[tilespmem:s10+$0xF0] =	vst v2  }
0x63c: {  	v2 =	vld [tilespmem:s5+$0x70];
	s5 =	smov.u32 s17  }
0x63d: {  	v10 =	vld.idx.msk [tilespmem:v0+s18+$0x0], $0xffff  }
0x63e: {  	v6 =	vld.idx.msk [tilespmem:v4+s18+$0x0], $0xffff  }
.Ltmp23:
0x63f: {  	[tilespmem:s13+$0xB0] =	vst v5;
	v1 =	vld.idx.msk [tilespmem:v3+s18+$0x0], $0xffff;
	(pc) =	sbr.rel @p2 .LBB2_36-.Ltmp23, $4  }
0x640: {  	[tilespmem:s13+$0xFFFFFFB0] =	vst v9;
	v4 =	vld [tilespmem:s17+$0xC0]  }
0x641: {  	v3 =	vld [tilespmem:s17+$0xFFFFFFC0];
	[tilespmem:s13+$0x30] =	vst v7;
	v0 =	vmov v2  }
0x642: {  	v5 =	vld [tilespmem:s17+$0x40]  }
0x643: {  	s17 =	sadd.s32 $0x200, s17;
	v2 =	vld.idx.msk [tilespmem:v8+s18+$0x0], $0xffff;
	[tilespmem:s4+$0x70] =	vst v10;
	s4 =	smov.u32 s10;
	s10 =	smov.u32 s13  }
0x644: {  	[tilespmem:s13+$0xFFFFFF30] =	vst v6  }
0x645: {  	v6 =	vld [tilespmem:s5+$0xFFFFFF40];
	_ =	sdelay $0x4  }
0x646: {  	v4 =	vld.idx.msk [tilespmem:v4+s18+$0x0], $0xffff  }
0x647: {  	v3 =	vld.idx.msk [tilespmem:v3+s18+$0x0], $0xffff  }
0x648: {  	v5 =	vld.idx.msk [tilespmem:v5+s18+$0x0], $0xffff  }
0x649: {  	v6 =	vld.idx.msk [tilespmem:v6+s18+$0x0], $0xffff;
	_ =	sdelay $0x1  }
0x64a: {  	[tilespmem:s13+$0xC0] =	vst v4  }
0x64b: {  	v4 =	vld [tilespmem:s5+$0xD0];
	[tilespmem:s13+$0xFFFFFFC0] =	vst v3  }
0x64c: {  	[tilespmem:s10+$0x40] =	vst v5;
	v60 =	vld [tilespmem:s5+$0xFFFFFFD0]  }
0x64d: {  	v61 =	vld [tilespmem:s5+$0x50];
	[tilespmem:s10+$0xFFFFFF40] =	vst v6  }
0x64e: {  	v59 =	vld [tilespmem:s5+$0xFFFFFF50];
	_ =	sdelay $0x4  }
0x64f: {  	v4 =	vld.idx.msk [tilespmem:v4+s18+$0x0], $0xffff  }
0x650: {  	v5 =	vld.idx.msk [tilespmem:v60+s18+$0x0], $0xffff  }
0x651: {  	v6 =	vld.idx.msk [tilespmem:v61+s18+$0x0], $0xffff  }
0x652: {  	v3 =	vld.idx.msk [tilespmem:v59+s18+$0x0], $0xffff;
	_ =	sdelay $0x1  }
0x653: {  	[tilespmem:s10+$0xD0] =	vst v4  }
0x654: {  	v4 =	vld [tilespmem:s5+$0xE0];
	[tilespmem:s10+$0xFFFFFFD0] =	vst v5  }
0x655: {  	v5 =	vld [tilespmem:s5+$0xFFFFFFE0];
	[tilespmem:s10+$0x50] =	vst v6  }
0x656: {  	v6 =	vld [tilespmem:s5+$0x60];
	[tilespmem:s10+$0xFFFFFF50] =	vst v3  }
0x657: {  	v3 =	vld [tilespmem:s5+$0xFFFFFF60];
	_ =	sdelay $0x4  }
0x658: {  	v4 =	vld.idx.msk [tilespmem:v4+s18+$0x0], $0xffff  }
0x659: {  	v5 =	vld.idx.msk [tilespmem:v5+s18+$0x0], $0xffff  }
0x65a: {  	v6 =	vld.idx.msk [tilespmem:v6+s18+$0x0], $0xffff  }
0x65b: {  	v3 =	vld.idx.msk [tilespmem:v3+s18+$0x0], $0xffff;
	_ =	sdelay $0x1  }
0x65c: {  	[tilespmem:s10+$0xE0] =	vst v4  }
0x65d: {  	v4 =	vld [tilespmem:s5+$0xF0];
	[tilespmem:s10+$0xFFFFFFE0] =	vst v5  }
0x65e: {  	v5 =	vld [tilespmem:s5+$0xFFFFFFF0];
	[tilespmem:s10+$0x60] =	vst v6  }
0x65f: {  	v6 =	vld [tilespmem:s5+$0x70];
	[tilespmem:s10+$0xFFFFFF60] =	vst v3  }
0x660: {  	v3 =	vld [tilespmem:s5+$0xFFFFFF70];
	_ =	sdelay $0x3  }
0x661: {  	v0 =	vld.idx.msk [tilespmem:v0+s18+$0x0], $0xffff  }
0x662: {  	v4 =	vld.idx.msk [tilespmem:v4+s18+$0x0], $0xffff  }
0x663: {  	v62 =	vld.idx.msk [tilespmem:v5+s18+$0x0], $0xffff  }
0x664: {  	[tilespmem:s4+$0xFFFFFF70] =	vst v1;
	v63 =	vld.idx.msk [tilespmem:v6+s18+$0x0], $0xffff  }
0x665: {  	[tilespmem:s4+$0xFFFFFFF0] =	vst v2;
	v3 =	vld.idx.msk [tilespmem:v3+s18+$0x0], $0xffff  }
0x666: {  	p2 =	sne.s32 s0, $0x18;
	[tilespmem:s4+$0x70] =	vst v0  }
.Ltmp24:
0x667: {  	s4 =	sshll.u32 s0, $0x13;
	[tilespmem:s10+$0xF0] =	vst v4;
	(pc) =	sbr.rel @p2 .LBB2_39-.Ltmp24, $4  }
0x668: {  	s30 =	sadd.s32 s15, s4;
	[tilespmem:s10+$0xFFFFFFF0] =	vst v62  }
0x669: {  	s5 =	sshrl.u32 s30, $0x3;
	[tilespmem:s10+$0x70] =	vst v63  }
0x66a: {  	s5 =	sadd.s32 s2, s5;
	[tilespmem:s10+$0xFFFFFF70] =	vst v3  }
0x66b: {  	[hbm4b:s5+s23] =	stream.strided.scatter [tilespmem:s25], [sflag:$0x4], $0x1000, s24, s23, $0x38;
	[tilespmem:$0x1F8A0] =	vst v63  }
.Ltmp25:
0x66c: {  	(pc) =	sbr.rel .LBB2_40-.Ltmp25, $4  }
0x66d: {  	_ = 	snop  }
0x66e: {  	_ =	swait.ge [sflag:s26], $0x1000  }
0x66f: {  	[sflag:s26] =	ssyncset.done $0x0  }
0x670: {  	[sflag:s26] =	ssyncadd.s32 $0xFFFFF000  }
.LBB2_39:
0x671: {  	s5 =	sshrl.u32 s1, $0x2  }
0x672: {  	s5 =	sadd.s32 s5, s3  }
.Ltmp26:
0x673: {  	s5 =	sadd.s32 $0x2000, s5;
	(pc) =	sbr.rel @p1 .LBB2_41-.Ltmp26, $4  }
0x674: {  	[tilespmem:s20], [sflag:$0x2] =	stream.linear.gather [spmem:s5], $0x1000, $0x38;
	[tilespmem:$0x1F8A0] =	vst v63  }
0x675: {  	_ =	swait.ge [sflag:s26], $0x1000  }
0x676: {  	[sflag:s26] =	ssyncset.done $0x0  }
0x677: {  	[sflag:s26] =	ssyncadd.s32 $0xFFFFF000  }
.LBB2_40:
0x678: {  	_ =	swait.ge [sflag:s28], $0x1000  }
0x679: {  	[sflag:s28] =	ssyncset.done $0x0  }
0x67a: {  	[sflag:s28] =	ssyncadd.s32 $0xFFFFF000  }
.LBB2_41:
0x67b: {  	s6 =	simm.s32 $0x1CA90  }
0x67c: {  	v0 =	vld [tilespmem:s6+$0xFFFFFF90]  }
0x67d: {  	v1 =	vld [tilespmem:s6+$0xFFFFFE90]  }
0x67e: {  	v2 =	vld [tilespmem:s6+$0xFFFFFF10];
	_ =	sdelay $0x2  }
0x67f: {  	v3 =	vld [tilespmem:s6+$0xFFFFFE10];
	_ =	sdelay $0x2  }
0x680: {  	v0 =	vld.idx.msk [tilespmem:v0+s18+$0x0], $0xffff  }
0x681: {  	v1 =	vld.idx.msk [tilespmem:v1+s18+$0x0], $0xffff  }
0x682: {  	v2 =	vld.idx.msk [tilespmem:v2+s18+$0x0], $0xffff;
	_ =	sdelay $0x1  }
0x683: {  	s5 =	simm.s32 $0x1EA90  }
0x684: {  	v3 =	vld.idx.msk [tilespmem:v3+s18+$0x0], $0xffff;
	[tilespmem:s5+$0xFFFFFF90] =	vst v0  }
0x685: {  	[tilespmem:s5+$0xFFFFFE90] =	vst v1;
	v0 =	vld [tilespmem:s6+$0xFFFFFFA0]  }
0x686: {  	[tilespmem:s5+$0xFFFFFF10] =	vst v2;
	v1 =	vld [tilespmem:s6+$0xFFFFFEA0]  }
0x687: {  	v2 =	vld [tilespmem:s6+$0xFFFFFF20];
	_ =	sdelay $0x1  }
0x688: {  	[tilespmem:s5+$0xFFFFFE10] =	vst v3  }
0x689: {  	v3 =	vld [tilespmem:s6+$0xFFFFFE20];
	_ =	sdelay $0x2  }
0x68a: {  	v0 =	vld.idx.msk [tilespmem:v0+s18+$0x0], $0xffff  }
0x68b: {  	v1 =	vld.idx.msk [tilespmem:v1+s18+$0x0], $0xffff  }
0x68c: {  	v2 =	vld.idx.msk [tilespmem:v2+s18+$0x0], $0xffff;
	_ =	sdelay $0x2  }
0x68d: {  	v3 =	vld.idx.msk [tilespmem:v3+s18+$0x0], $0xffff;
	[tilespmem:s5+$0xFFFFFFA0] =	vst v0  }
0x68e: {  	[tilespmem:s5+$0xFFFFFEA0] =	vst v1;
	v0 =	vld [tilespmem:s6+$0xFFFFFFB0]  }
0x68f: {  	[tilespmem:s5+$0xFFFFFF20] =	vst v2;
	v1 =	vld [tilespmem:s6+$0xFFFFFEB0]  }
0x690: {  	v2 =	vld [tilespmem:s6+$0xFFFFFF30];
	_ =	sdelay $0x1  }
0x691: {  	[tilespmem:s5+$0xFFFFFE20] =	vst v3  }
0x692: {  	v3 =	vld [tilespmem:s6+$0xFFFFFE30]  }
0x693: {  	s13 =	simm.s32 $0x1CC90  }
0x694: {  	v4 =	vld [tilespmem:s13+$0xFFFFFF90]  }
0x695: {  	v0 =	vld.idx.msk [tilespmem:v0+s18+$0x0], $0xffff  }
0x696: {  	v1 =	vld.idx.msk [tilespmem:v1+s18+$0x0], $0xffff  }
0x697: {  	v2 =	vld.idx.msk [tilespmem:v2+s18+$0x0], $0xffff;
	_ =	sdelay $0x1  }
0x698: {  	v5 =	vld [tilespmem:s13+$0xFFFFFE90]  }
0x699: {  	v3 =	vld.idx.msk [tilespmem:v3+s18+$0x0], $0xffff;
	[tilespmem:s5+$0xFFFFFFB0] =	vst v0  }
0x69a: {  	[tilespmem:s5+$0xFFFFFEB0] =	vst v1;
	v0 =	vld [tilespmem:s6+$0xFFFFFFC0]  }
0x69b: {  	[tilespmem:s5+$0xFFFFFF30] =	vst v2;
	v1 =	vld [tilespmem:s6+$0xFFFFFEC0]  }
0x69c: {  	v2 =	vld [tilespmem:s6+$0xFFFFFF40];
	_ =	sdelay $0x1  }
0x69d: {  	v4 =	vld.idx.msk [tilespmem:v4+s18+$0x0], $0xffff;
	[tilespmem:s5+$0xFFFFFE30] =	vst v3  }
0x69e: {  	v3 =	vld [tilespmem:s6+$0xFFFFFE40]  }
0x69f: {  	v5 =	vld.idx.msk [tilespmem:v5+s18+$0x0], $0xffff  }
0x6a0: {  	v6 =	vld [tilespmem:s13+$0xFFFFFF10]  }
0x6a1: {  	v0 =	vld.idx.msk [tilespmem:v0+s18+$0x0], $0xffff  }
0x6a2: {  	s10 =	simm.s32 $0x1EC90;
	v1 =	vld.idx.msk [tilespmem:v1+s18+$0x0], $0xffff  }
0x6a3: {  	[tilespmem:s10+$0xFFFFFF90] =	vst v4;
	v2 =	vld.idx.msk [tilespmem:v2+s18+$0x0], $0xffff  }
0x6a4: {  	[tilespmem:s10+$0xFFFFFE90] =	vst v5;
	v4 =	vld [tilespmem:s13+$0xFFFFFFA0]  }
0x6a5: {  	v5 =	vld [tilespmem:s13+$0xFFFFFEA0]  }
0x6a6: {  	v3 =	vld.idx.msk [tilespmem:v3+s18+$0x0], $0xffff;
	[tilespmem:s5+$0xFFFFFFC0] =	vst v0  }
0x6a7: {  	[tilespmem:s5+$0xFFFFFEC0] =	vst v1;
	v0 =	vld [tilespmem:s6+$0xFFFFFFD0]  }
0x6a8: {  	[tilespmem:s5+$0xFFFFFF40] =	vst v2;
	v1 =	vld [tilespmem:s6+$0xFFFFFED0]  }
0x6a9: {  	v2 =	vld [tilespmem:s6+$0xFFFFFF50]  }
0x6aa: {  	v7 =	vld [tilespmem:s13+$0xFFFFFE10]  }
0x6ab: {  	v6 =	vld.idx.msk [tilespmem:v6+s18+$0x0], $0xffff  }
0x6ac: {  	v4 =	vld.idx.msk [tilespmem:v4+s18+$0x0], $0xffff;
	[tilespmem:s5+$0xFFFFFE40] =	vst v3  }
0x6ad: {  	v3 =	vld [tilespmem:s6+$0xFFFFFE50]  }
0x6ae: {  	v5 =	vld.idx.msk [tilespmem:v5+s18+$0x0], $0xffff  }
0x6af: {  	v0 =	vld.idx.msk [tilespmem:v0+s18+$0x0], $0xffff  }
0x6b0: {  	v1 =	vld.idx.msk [tilespmem:v1+s18+$0x0], $0xffff  }
0x6b1: {  	[tilespmem:s10+$0xFFFFFF10] =	vst v6;
	v2 =	vld.idx.msk [tilespmem:v2+s18+$0x0], $0xffff  }
0x6b2: {  	[tilespmem:s10+$0xFFFFFFA0] =	vst v4  }
0x6b3: {  	v7 =	vld.idx.msk [tilespmem:v7+s18+$0x0], $0xffff;
	[tilespmem:s10+$0xFFFFFEA0] =	vst v5  }
0x6b4: {  	v5 =	vld [tilespmem:s13+$0xFFFFFFB0];
	[tilespmem:s5+$0xFFFFFFD0] =	vst v0  }
0x6b5: {  	[tilespmem:s5+$0xFFFFFED0] =	vst v1;
	v1 =	vld.idx.msk [tilespmem:v3+s18+$0x0], $0xffff  }
0x6b6: {  	[tilespmem:s5+$0xFFFFFF50] =	vst v2;
	v2 =	vld [tilespmem:s13+$0xFFFFFF20]  }
0x6b7: {  	v0 =	vld [tilespmem:s6+$0xFFFFFFE0]  }
0x6b8: {  	v3 =	vld [tilespmem:s6+$0xFFFFFEE0]  }
0x6b9: {  	[tilespmem:s10+$0xFFFFFE10] =	vst v7;
	v6 =	vld [tilespmem:s6+$0xFFFFFF60]  }
0x6ba: {  	[tilespmem:s5+$0xFFFFFE50] =	vst v1;
	v1 =	vld [tilespmem:s13+$0xFFFFFE20]  }
0x6bb: {  	v7 =	vld [tilespmem:s6+$0xFFFFFE60];
	_ =	sdelay $0x1  }
0x6bc: {  	v5 =	vld.idx.msk [tilespmem:v5+s18+$0x0], $0xffff  }
0x6bd: {  	v2 =	vld.idx.msk [tilespmem:v2+s18+$0x0], $0xffff  }
0x6be: {  	v0 =	vld.idx.msk [tilespmem:v0+s18+$0x0], $0xffff  }
0x6bf: {  	v3 =	vld.idx.msk [tilespmem:v3+s18+$0x0], $0xffff  }
0x6c0: {  	v6 =	vld.idx.msk [tilespmem:v6+s18+$0x0], $0xffff  }
0x6c1: {  	v1 =	vld.idx.msk [tilespmem:v1+s18+$0x0], $0xffff  }
0x6c2: {  	v4 =	vld.idx.msk [tilespmem:v7+s18+$0x0], $0xffff  }
0x6c3: {  	[tilespmem:s10+$0xFFFFFF20] =	vst v2;
	v7 =	vld [tilespmem:s13+$0xFFFFFEB0]  }
0x6c4: {  	[tilespmem:s5+$0xFFFFFFE0] =	vst v0;
	v2 =	vld [tilespmem:s13+$0xFFFFFF30]  }
0x6c5: {  	[tilespmem:s5+$0xFFFFFEE0] =	vst v3;
	v0 =	vld [tilespmem:s6+$0xFFFFFFF0]  }
0x6c6: {  	v3 =	vld [tilespmem:s6+$0xFFFFFEF0];
	[tilespmem:s10+$0xFFFFFE20] =	vst v1  }
0x6c7: {  	v1 =	vld [tilespmem:s13+$0xFFFFFE30];
	[tilespmem:s5+$0xFFFFFE60] =	vst v4  }
0x6c8: {  	[tilespmem:s10+$0xFFFFFFB0] =	vst v5;
	v4 =	vld [tilespmem:s6+$0xFFFFFE70]  }
0x6c9: {  	v5 =	vld [tilespmem:s13+$0xFFFFFFC0];
	[tilespmem:s5+$0xFFFFFF60] =	vst v6  }
0x6ca: {  	v6 =	vld [tilespmem:s6+$0xFFFFFF70]  }
0x6cb: {  	v7 =	vld.idx.msk [tilespmem:v7+s18+$0x0], $0xffff  }
0x6cc: {  	v2 =	vld.idx.msk [tilespmem:v2+s18+$0x0], $0xffff  }
0x6cd: {  	v0 =	vld.idx.msk [tilespmem:v0+s18+$0x0], $0xffff  }
0x6ce: {  	v3 =	vld.idx.msk [tilespmem:v3+s18+$0x0], $0xffff  }
0x6cf: {  	v1 =	vld.idx.msk [tilespmem:v1+s18+$0x0], $0xffff  }
0x6d0: {  	[tilespmem:s10+$0xFFFFFEB0] =	vst v7;
	v4 =	vld.idx.msk [tilespmem:v4+s18+$0x0], $0xffff  }
0x6d1: {  	[tilespmem:s10+$0xFFFFFF30] =	vst v2;
	v7 =	vld [tilespmem:s13+$0xFFFFFEC0]  }
0x6d2: {  	[tilespmem:s5+$0xFFFFFFF0] =	vst v0;
	v2 =	vld [tilespmem:s13+$0xFFFFFF40]  }
0x6d3: {  	v0 =	vld [tilespmem:s6+$0x0]  }
0x6d4: {  	v6 =	vld.idx.msk [tilespmem:v6+s18+$0x0], $0xffff;
	[tilespmem:s10+$0xFFFFFE30] =	vst v1  }
0x6d5: {  	[tilespmem:s5+$0xFFFFFEF0] =	vst v3;
	v1 =	vld [tilespmem:s13+$0xFFFFFE40]  }
0x6d6: {  	v3 =	vld.idx.msk [tilespmem:v5+s18+$0x0], $0xffff;
	[tilespmem:s5+$0xFFFFFE70] =	vst v4  }
0x6d7: {  	v4 =	vld [tilespmem:s6+$0xFFFFFE80]  }
0x6d8: {  	v9 =	vld [tilespmem:s6+$0xFFFFFF00]  }
0x6d9: {  	v5 =	vld.idx.msk [tilespmem:v7+s18+$0x0], $0xffff  }
0x6da: {  	v2 =	vld.idx.msk [tilespmem:v2+s18+$0x0], $0xffff  }
0x6db: {  	[tilespmem:s5+$0xFFFFFF70] =	vst v6;
	v8 =	vld.idx.msk [tilespmem:v0+s18+$0x0], $0xffff  }
0x6dc: {  	v0 =	vld [tilespmem:s6+$0xFFFFFF80]  }
0x6dd: {  	[tilespmem:s10+$0xFFFFFFC0] =	vst v3;
	v6 =	vld.idx.msk [tilespmem:v1+s18+$0x0], $0xffff  }
0x6de: {  	[tilespmem:s10+$0xFFFFFEC0] =	vst v5;
	v5 =	vld [tilespmem:s13+$0xFFFFFFD0]  }
0x6df: {  	v1 =	vld.idx.msk [tilespmem:v4+s18+$0x0], $0xffff  }
0x6e0: {  	[tilespmem:s10+$0xFFFFFF40] =	vst v2;
	v2 =	vld.idx.msk [tilespmem:v9+s18+$0x0], $0xffff  }
0x6e1: {  	v3 =	vld [tilespmem:s13+$0xFFFFFED0]  }
0x6e2: {  	s19 =	simm.s32 $0x1CE90;
	s17 =	simm.s32 $0x1EC90;
	s6 =	simm.s32 $0x4;
	v4 =	vld [tilespmem:s13+$0xFFFFFF50];
	[tilespmem:s5+$0x0] =	vst v8  }
.LBB2_42:
0x6e3: {  	v7 =	vld [tilespmem:s19+$0xFFFFFF90];
	s6 =	sadd.s32 $0x4, s6;
	[tilespmem:s10+$0xFFFFFE40] =	vst v6  }
0x6e4: {  	v6 =	vld [tilespmem:s19+$0xFFFFFE90];
	p1 =	slt.u32 s6, $0x1C;
	[tilespmem:s5+$0xFFFFFE80] =	vst v1  }
0x6e5: {  	v1 =	vld [tilespmem:s19+$0xFFFFFF10]  }
0x6e6: {  	v8 =	vld [tilespmem:s19+$0xFFFFFE10]  }
0x6e7: {  	v5 =	vld.idx.msk [tilespmem:v5+s18+$0x0], $0xffff  }
0x6e8: {  	v9 =	vld [tilespmem:s13+$0xFFFFFE50];
	[tilespmem:s5+$0xFFFFFF00] =	vst v2  }
0x6e9: {  	v2 =	vld.idx.msk [tilespmem:v3+s18+$0x0], $0xffff  }
0x6ea: {  	v3 =	vld.idx.msk [tilespmem:v4+s18+$0x0], $0xffff  }
0x6eb: {  	v4 =	vld.idx.msk [tilespmem:v7+s18+$0x0], $0xffff  }
0x6ec: {  	v6 =	vld.idx.msk [tilespmem:v6+s18+$0x0], $0xffff  }
0x6ed: {  	v1 =	vld.idx.msk [tilespmem:v1+s18+$0x0], $0xffff;
	[tilespmem:s10+$0xFFFFFFD0] =	vst v5  }
0x6ee: {  	v5 =	vld [tilespmem:s13+$0xFFFFFFE0]  }
0x6ef: {  	v7 =	vld.idx.msk [tilespmem:v8+s18+$0x0], $0xffff;
	[tilespmem:s10+$0xFFFFFED0] =	vst v2  }
0x6f0: {  	s10 =	sadd.s32 $0x200, s10;
	v2 =	vld.idx.msk [tilespmem:v9+s18+$0x0], $0xffff;
	[tilespmem:s17+$0xFFFFFF50] =	vst v3  }
0x6f1: {  	[tilespmem:s10+$0xFFFFFF90] =	vst v4;
	v3 =	vld [tilespmem:s13+$0xFFFFFEE0]  }
0x6f2: {  	[tilespmem:s10+$0xFFFFFE90] =	vst v6;
	v4 =	vld [tilespmem:s19+$0xFFFFFFA0]  }
0x6f3: {  	v6 =	vld [tilespmem:s19+$0xFFFFFEA0];
	[tilespmem:s10+$0xFFFFFF10] =	vst v1  }
0x6f4: {  	v1 =	vld [tilespmem:s19+$0xFFFFFF20]  }
0x6f5: {  	[tilespmem:s10+$0xFFFFFE10] =	vst v7;
	v7 =	vld [tilespmem:s13+$0xFFFFFF60]  }
0x6f6: {  	[tilespmem:s17+$0xFFFFFE50] =	vst v2;
	v2 =	vld.idx.msk [tilespmem:v5+s18+$0x0], $0xffff  }
0x6f7: {  	v5 =	vld [tilespmem:s19+$0xFFFFFE20]  }
0x6f8: {  	v8 =	vld [tilespmem:s13+$0xFFFFFE60]  }
0x6f9: {  	v3 =	vld.idx.msk [tilespmem:v3+s18+$0x0], $0xffff  }
0x6fa: {  	v4 =	vld.idx.msk [tilespmem:v4+s18+$0x0], $0xffff  }
0x6fb: {  	v6 =	vld.idx.msk [tilespmem:v6+s18+$0x0], $0xffff  }
0x6fc: {  	v1 =	vld.idx.msk [tilespmem:v1+s18+$0x0], $0xffff;
	[tilespmem:s17+$0xFFFFFFE0] =	vst v2  }
0x6fd: {  	v2 =	vld [tilespmem:s13+$0xFFFFFFF0]  }
0x6fe: {  	v7 =	vld.idx.msk [tilespmem:v7+s18+$0x0], $0xffff  }
0x6ff: {  	v5 =	vld.idx.msk [tilespmem:v5+s18+$0x0], $0xffff;
	[tilespmem:s17+$0xFFFFFEE0] =	vst v3  }
0x700: {  	[tilespmem:s10+$0xFFFFFFA0] =	vst v4;
	v3 =	vld.idx.msk [tilespmem:v8+s18+$0x0], $0xffff  }
0x701: {  	[tilespmem:s10+$0xFFFFFEA0] =	vst v6;
	v4 =	vld [tilespmem:s19+$0xFFFFFFB0]  }
0x702: {  	v6 =	vld [tilespmem:s19+$0xFFFFFEB0];
	[tilespmem:s10+$0xFFFFFF20] =	vst v1  }
0x703: {  	v1 =	vld [tilespmem:s19+$0xFFFFFF30]  }
0x704: {  	v8 =	vld [tilespmem:s13+$0xFFFFFEF0];
	[tilespmem:s17+$0xFFFFFF60] =	vst v7  }
0x705: {  	[tilespmem:s10+$0xFFFFFE20] =	vst v5;
	v2 =	vld.idx.msk [tilespmem:v2+s18+$0x0], $0xffff  }
0x706: {  	v5 =	vld [tilespmem:s19+$0xFFFFFE30];
	[tilespmem:s17+$0xFFFFFE60] =	vst v3  }
0x707: {  	v3 =	vld [tilespmem:s13+$0xFFFFFE70]  }
0x708: {  	v7 =	vld [tilespmem:s13+$0xFFFFFF70]  }
0x709: {  	v4 =	vld.idx.msk [tilespmem:v4+s18+$0x0], $0xffff  }
0x70a: {  	v6 =	vld.idx.msk [tilespmem:v6+s18+$0x0], $0xffff  }
0x70b: {  	v1 =	vld.idx.msk [tilespmem:v1+s18+$0x0], $0xffff;
	[tilespmem:s17+$0xFFFFFFF0] =	vst v2  }
0x70c: {  	v2 =	vld [tilespmem:s13+$0x0]  }
0x70d: {  	v8 =	vld.idx.msk [tilespmem:v8+s18+$0x0], $0xffff  }
0x70e: {  	v5 =	vld.idx.msk [tilespmem:v5+s18+$0x0], $0xffff  }
0x70f: {  	[tilespmem:s10+$0xFFFFFFB0] =	vst v4;
	v3 =	vld.idx.msk [tilespmem:v3+s18+$0x0], $0xffff  }
0x710: {  	[tilespmem:s10+$0xFFFFFEB0] =	vst v6;
	v4 =	vld [tilespmem:s19+$0xFFFFFFC0]  }
0x711: {  	v6 =	vld [tilespmem:s19+$0xFFFFFEC0];
	[tilespmem:s10+$0xFFFFFF30] =	vst v1  }
0x712: {  	v1 =	vld [tilespmem:s19+$0xFFFFFF40]  }
0x713: {  	[tilespmem:s17+$0xFFFFFEF0] =	vst v8;
	v7 =	vld.idx.msk [tilespmem:v7+s18+$0x0], $0xffff  }
0x714: {  	[tilespmem:s10+$0xFFFFFE30] =	vst v5;
	v2 =	vld.idx.msk [tilespmem:v2+s18+$0x0], $0xffff  }
0x715: {  	v5 =	vld [tilespmem:s19+$0xFFFFFE40];
	[tilespmem:s17+$0xFFFFFE70] =	vst v3  }
0x716: {  	v3 =	vld [tilespmem:s13+$0xFFFFFE80]  }
0x717: {  	v8 =	vld [tilespmem:s13+$0xFFFFFF00]  }
0x718: {  	v4 =	vld.idx.msk [tilespmem:v4+s18+$0x0], $0xffff  }
0x719: {  	v9 =	vld.idx.msk [tilespmem:v6+s18+$0x0], $0xffff;
	[tilespmem:s17+$0xFFFFFF70] =	vst v7  }
0x71a: {  	v7 =	vld.idx.msk [tilespmem:v1+s18+$0x0], $0xffff;
	[tilespmem:s17+$0x0] =	vst v2  }
0x71b: {  	v2 =	vld [tilespmem:s13+$0xFFFFFF80];
	s13 =	smov.u32 s19  }
0x71c: {  	v10 =	vld.idx.msk [tilespmem:v0+s18+$0x0], $0xffff  }
0x71d: {  	v6 =	vld.idx.msk [tilespmem:v5+s18+$0x0], $0xffff  }
.Ltmp27:
0x71e: {  	[tilespmem:s10+$0xFFFFFFC0] =	vst v4;
	v1 =	vld.idx.msk [tilespmem:v3+s18+$0x0], $0xffff;
	(pc) =	sbr.rel @p1 .LBB2_42-.Ltmp27, $4  }
0x71f: {  	[tilespmem:s10+$0xFFFFFEC0] =	vst v9;
	v5 =	vld [tilespmem:s19+$0xFFFFFFD0]  }
0x720: {  	v3 =	vld [tilespmem:s19+$0xFFFFFED0];
	[tilespmem:s10+$0xFFFFFF40] =	vst v7;
	v0 =	vmov v2  }
0x721: {  	v4 =	vld [tilespmem:s19+$0xFFFFFF50]  }
0x722: {  	s19 =	sadd.s32 $0x200, s19;
	v2 =	vld.idx.msk [tilespmem:v8+s18+$0x0], $0xffff;
	[tilespmem:s5+$0xFFFFFF80] =	vst v10;
	s5 =	smov.u32 s17;
	s17 =	smov.u32 s10  }
0x723: {  	[tilespmem:s10+$0xFFFFFE40] =	vst v6  }
0x724: {  	v6 =	vld [tilespmem:s13+$0xFFFFFE50];
	_ =	sdelay $0x4  }
0x725: {  	v5 =	vld.idx.msk [tilespmem:v5+s18+$0x0], $0xffff  }
0x726: {  	v3 =	vld.idx.msk [tilespmem:v3+s18+$0x0], $0xffff  }
0x727: {  	v4 =	vld.idx.msk [tilespmem:v4+s18+$0x0], $0xffff  }
0x728: {  	v6 =	vld.idx.msk [tilespmem:v6+s18+$0x0], $0xffff;
	_ =	sdelay $0x1  }
0x729: {  	[tilespmem:s10+$0xFFFFFFD0] =	vst v5  }
0x72a: {  	v5 =	vld [tilespmem:s13+$0xFFFFFFE0];
	[tilespmem:s10+$0xFFFFFED0] =	vst v3  }
0x72b: {  	[tilespmem:s17+$0xFFFFFF50] =	vst v4;
	v60 =	vld [tilespmem:s13+$0xFFFFFEE0]  }
0x72c: {  	v61 =	vld [tilespmem:s13+$0xFFFFFF60];
	[tilespmem:s17+$0xFFFFFE50] =	vst v6  }
0x72d: {  	v59 =	vld [tilespmem:s13+$0xFFFFFE60];
	_ =	sdelay $0x4  }
0x72e: {  	v5 =	vld.idx.msk [tilespmem:v5+s18+$0x0], $0xffff  }
0x72f: {  	v4 =	vld.idx.msk [tilespmem:v60+s18+$0x0], $0xffff  }
0x730: {  	v6 =	vld.idx.msk [tilespmem:v61+s18+$0x0], $0xffff  }
0x731: {  	v3 =	vld.idx.msk [tilespmem:v59+s18+$0x0], $0xffff;
	_ =	sdelay $0x1  }
0x732: {  	[tilespmem:s17+$0xFFFFFFE0] =	vst v5  }
0x733: {  	v5 =	vld [tilespmem:s13+$0xFFFFFFF0];
	[tilespmem:s17+$0xFFFFFEE0] =	vst v4  }
0x734: {  	v4 =	vld [tilespmem:s13+$0xFFFFFEF0];
	[tilespmem:s17+$0xFFFFFF60] =	vst v6  }
0x735: {  	v6 =	vld [tilespmem:s13+$0xFFFFFF70];
	[tilespmem:s17+$0xFFFFFE60] =	vst v3  }
0x736: {  	v3 =	vld [tilespmem:s13+$0xFFFFFE70];
	_ =	sdelay $0x4  }
0x737: {  	v5 =	vld.idx.msk [tilespmem:v5+s18+$0x0], $0xffff  }
0x738: {  	v4 =	vld.idx.msk [tilespmem:v4+s18+$0x0], $0xffff  }
0x739: {  	v6 =	vld.idx.msk [tilespmem:v6+s18+$0x0], $0xffff  }
0x73a: {  	v3 =	vld.idx.msk [tilespmem:v3+s18+$0x0], $0xffff;
	_ =	sdelay $0x1  }
0x73b: {  	[tilespmem:s17+$0xFFFFFFF0] =	vst v5  }
0x73c: {  	v5 =	vld [tilespmem:s13+$0x0];
	[tilespmem:s17+$0xFFFFFEF0] =	vst v4  }
0x73d: {  	v4 =	vld [tilespmem:s13+$0xFFFFFF00];
	[tilespmem:s17+$0xFFFFFF70] =	vst v6  }
0x73e: {  	v6 =	vld [tilespmem:s13+$0xFFFFFF80];
	[tilespmem:s17+$0xFFFFFE70] =	vst v3  }
0x73f: {  	v3 =	vld [tilespmem:s13+$0xFFFFFE80];
	_ =	sdelay $0x3  }
0x740: {  	v0 =	vld.idx.msk [tilespmem:v0+s18+$0x0], $0xffff  }
0x741: {  	v5 =	vld.idx.msk [tilespmem:v5+s18+$0x0], $0xffff  }
0x742: {  	v62 =	vld.idx.msk [tilespmem:v4+s18+$0x0], $0xffff  }
0x743: {  	[tilespmem:s5+$0xFFFFFE80] =	vst v1;
	v63 =	vld.idx.msk [tilespmem:v6+s18+$0x0], $0xffff  }
0x744: {  	[tilespmem:s5+$0xFFFFFF00] =	vst v2;
	v3 =	vld.idx.msk [tilespmem:v3+s18+$0x0], $0xffff  }
0x745: {  	p1 =	seq.s32 s0, $0x18;
	[tilespmem:s5+$0xFFFFFF80] =	vst v0  }
.Ltmp28:
0x746: {  	[tilespmem:s17+$0x0] =	vst v5;
	(pc) =	sbr.rel @p1 .LBB2_45-.Ltmp28, $4  }
0x747: {  	s4 =	sadd.s32 s16, s4;
	[tilespmem:s17+$0xFFFFFF00] =	vst v62  }
0x748: {  	s4 =	sshrl.u32 s4, $0x3;
	[tilespmem:s17+$0xFFFFFF80] =	vst v63  }
0x749: {  	s4 =	sadd.s32 s2, s4;
	[tilespmem:s17+$0xFFFFFE80] =	vst v3  }
0x74a: {  	[hbm4b:s4+s23] =	stream.strided.scatter [tilespmem:s29], [sflag:$0x5], $0x1000, s24, s23, $0x38;
	[tilespmem:$0x1F8A0] =	vst v63  }
.Ltmp29:
0x74b: {  	(pc) =	sbr.rel .LBB2_35-.Ltmp29, $4  }
0x74c: {  	s1 =	sshrl.u32 s1, $0x2  }
0x74d: {  	s1 =	sadd.s32 s1, s3  }
0x74e: {  	s0 =	sadd.s32 $0x1, s0;
	s1 =	sadd.s32 $0x3000, s1  }
0x74f: {  	[tilespmem:s21], [sflag:$0x3] =	stream.linear.gather [spmem:s1], $0x1000, $0x38;
	[tilespmem:$0x1F8A0] =	vst v63  }
.LBB2_46:
0x750: {  	_ =	sfence.sel $0x180000  }
0x751: {  	[bflag:$0x0] =	sbarrier.arrive $0xFFFF  }
0x752: {  	_ =	strace $0x90000047  }
0x753: {  	[bflag:$0x2] =	sbarrier.arrive $0xFFFF  }
0x754: {  	s0 =	rddreg [dreg:$0x4]  }
0x755: {  	s0 =	sadd.s32 @!p0 $0x100000, s0  }
0x756: {  	[sflag:s0] =	ssyncadd.tile.s32 @!p0 $0x1;
	_ =	shalt  }
.Lfunc_end2:
_tile_overlayer_lowered:
.L_overlay_start_2:
0x757: {  	(tag) =	ssettag $0x2  }
0x758: {  	s0 =	rddreg [dreg:$0x0];
	s2 =	stileid.u32  }
0x759: {  	s1 =	rddreg [dreg:$0x1];
	p0 =	sne.s32 s2, $0x0  }
0x75a: {  	s3 =	rddreg [dreg:$0x2];
	[bflag:$0x3] =	sbarrier.arrive $0xFFFF;
	s2 =	simm.s32 @!p0 $0x1C06  }
0x75b: {  	[timem:s3], [sflag:s2] =	dma.local @!p0 [hbm:s0], s1  }
0x75c: {  	s0 =	simm.s32 @!p0 $0x6  }
0x75d: {  	_ =	swait.ge @!p0 [sflag:s0], s1  }
0x75e: {  	s1 =	ssub.s32 @!p0 $0x0, s1;
	[sflag:s0] =	ssyncset.done @!p0 $0x0  }
0x75f: {  	[sflag:s0] =	ssyncadd.s32 @!p0 s1  }
0x760: {  	[bflag:$0x3] =	sbarrier.arrive $0xFFFF  }
0x761: {  	_ =	shalt  }

</sc_bundles>
